<compile_context>
chip_gen: v7x
topology: tpu7x:2x2x1
jax: 0.10.2.dev20260603
libtpu: 0.0.44.dev20260713+nightly
codegen_flags: <defaults>
</compile_context>

<pallas_src>
import functools

import jax
import jax.numpy as jnp
from jax import lax
from jax.experimental import pallas as pl
from jax.experimental.pallas import tpu as pltpu
from jax.experimental.pallas import tpu_sc as plsc

B, C, H, W = 8, 256, 128, 128
HW = H * W
NPIX = B * HW
NCLS = 21
NBINS = NCLS + 1
NW = 32
CT = C // 4
BANKT = NBINS * CT
SHIFTB = 14 - (CT.bit_length() - 1)
CNTB = 128
L = 16
SR = 2048
NROUND = HW // SR
NBUF = 4
PKH = HW // 2 + 2 * L
MOM = 0.99


def _seg_sums_sc(feats_flat, seg, prob, ig):
  mesh = plsc.VectorSubcoreMesh(core_axis_name="c", subcore_axis_name="s")

  @functools.partial(
      pl.kernel,
      mesh=mesh,
      compiler_params=pltpu.CompilerParams(needs_layout_passes=False),
      out_type=[
          jax.ShapeDtypeStruct((NW, BANKT), jnp.float32),
          jax.ShapeDtypeStruct((NW, CNTB), jnp.float32),
      ],
      scratch_types=[
          pltpu.VMEM((2 * SR,), jnp.int32),
          pltpu.VMEM((2 * SR,), jnp.float32),
          pltpu.VMEM((2 * SR,), jnp.int32),
          pltpu.VMEM((PKH,), jnp.int32),
          pltpu.VMEM((PKH,), jnp.int32),
          pltpu.VMEM((L * BANKT,), jnp.float32),
          pltpu.VMEM((L * CNTB,), jnp.float32),
          pltpu.VMEM((NBUF * HW,), jnp.float32),
          pltpu.SemaphoreType.DMA,
          pltpu.SemaphoreType.DMA,
          pltpu.SemaphoreType.DMA,
          pltpu.SemaphoreType.DMA,
          pltpu.SemaphoreType.DMA,
          pltpu.SemaphoreType.DMA,
      ],
  )
  def k(feats_hbm, seg_hbm, prob_hbm, ig_hbm, out_sums, out_cnt,
        seg_v, prob_v, ig_v, pkA, pkB, acc_v, cnt_v, fb,
        sem0, sem1, sem2, sem3, sem_in0, sem_in1):
    wid = lax.axis_index("s") * 2 + lax.axis_index("c")
    b = wid // 4
    cq = wid % 4
    lane = lax.iota(jnp.int32, L)
    zf = jnp.zeros((L,), jnp.float32)
    sems = [sem0, sem1, sem2, sem3]

    def feat_copy(c, u, sem):
      return pltpu.make_async_copy(
          feats_hbm.at[pl.ds((b * C + cq * CT + c) * HW, HW)],
          fb.at[pl.ds(u * HW, HW)], sem)

    for u in range(NBUF - 1):
      feat_copy(u, u, sems[u]).start()

    def zero_acc(i, carry):
      acc_v[pl.ds(i * L, L)] = zf
      return carry

    lax.fori_loop(0, L * BANKT // L, zero_acc, jnp.int32(0))

    def zero_cnt(i, carry):
      cnt_v[pl.ds(i * L, L)] = zf
      return carry

    lax.fori_loop(0, L * CNTB // L, zero_cnt, jnp.int32(0))

    ones = jnp.ones((L,), jnp.float32)
    sems_in = [sem_in0, sem_in1]

    def stage_start(r):
      st = r % 2
      base = b * HW + r * SR
      sem = sems_in[st]
      pltpu.make_async_copy(
          seg_hbm.at[pl.ds(base, SR)], seg_v.at[pl.ds(st * SR, SR)], sem).start()
      pltpu.make_async_copy(
          prob_hbm.at[pl.ds(base, SR)], prob_v.at[pl.ds(st * SR, SR)], sem).start()
      pltpu.make_async_copy(
          ig_hbm.at[pl.ds(base, SR)], ig_v.at[pl.ds(st * SR, SR)], sem).start()

    def stage_wait(r):
      st = r % 2
      base = b * HW + r * SR
      sem = sems_in[st]
      pltpu.make_async_copy(
          seg_hbm.at[pl.ds(base, SR)], seg_v.at[pl.ds(st * SR, SR)], sem).wait()
      pltpu.make_async_copy(
          prob_hbm.at[pl.ds(base, SR)], prob_v.at[pl.ds(st * SR, SR)], sem).wait()
      pltpu.make_async_copy(
          ig_hbm.at[pl.ds(base, SR)], ig_v.at[pl.ds(st * SR, SR)], sem).wait()

    cntA = jnp.int32(0)
    cntB = jnp.int32(0)
    stage_start(0)
    for r in range(NROUND):
      if r + 1 < NROUND:
        stage_start(r + 1)
      stage_wait(r)
      st = r % 2

      def compact(i, cns, r=r, st=st):
        cnA, cnB = cns
        for h in range(2):
          off = st * SR + i * 2 * L + h * L
          s = seg_v[pl.ds(off, L)]
          pr = prob_v[pl.ds(off, L)]
          im = ig_v[pl.ds(off, L)]
          valid = (pr > 0.95) & (im != 255) & (s >= 0) & (s < NCLS)
          binv = jnp.where(valid, s, NCLS)
          plsc.addupdate_scatter(cnt_v, [lane * CNTB + binv], ones)
          packed = binv * HW + (lane + (r * SR + i * 2 * L + h * L))
          if h == 0:
            plsc.store_compressed(pkA.at[pl.ds(cnA, L)], packed, mask=valid)
            cnA = cnA + jnp.sum(valid.astype(jnp.int32))
          else:
            plsc.store_compressed(pkB.at[pl.ds(cnB, L)], packed, mask=valid)
            cnB = cnB + jnp.sum(valid.astype(jnp.int32))
        return (cnA, cnB)

      cntA, cntB = lax.fori_loop(0, SR // (2 * L), compact, (cntA, cntB))

    dead = jnp.full((L,), NCLS * HW, jnp.int32)
    pkA[pl.ds(cntA, L)] = dead
    pkA[pl.ds(cntA + L, L)] = dead
    pkB[pl.ds(cntB, L)] = dead
    pkB[pl.ds(cntB + L, L)] = dead
    nvecA = (cntA + 2 * L - 1) // (2 * L)
    nvecB = (cntB + 2 * L - 1) // (2 * L)

    lane_bank = lane * BANKT

    def gather_chunk(c, u):
      base_v = lane_bank + c
      buf = fb.at[pl.ds(u * HW, HW)]

      def make_body(pk):
        def g_body(j, carry):
          for h in range(2):
            w = pk[pl.ds(j * 2 * L + h * L, L)]
            pix = w & jnp.int32(HW - 1)
            binoff = lax.shift_right_logical(w & jnp.int32(~(HW - 1)), SHIFTB)
            val = plsc.load_gather(buf, [pix])
            plsc.addupdate_scatter(acc_v, [base_v + binoff], val)
          return carry

        return g_body

      lax.fori_loop(0, nvecA, make_body(pkA), jnp.int32(0))
      lax.fori_loop(0, nvecB, make_body(pkB), jnp.int32(0))

    def ch_body(jn, carry):
      for u in range(NBUF):
        c = NBUF * jn + u
        feat_copy(c, u, sems[u]).wait()
        gather_chunk(c, u)

        @pl.when(c + NBUF < CT)
        def _():
          feat_copy(c + NBUF, u, sems[u]).start()

      return carry

    feat_copy(NBUF - 1, NBUF - 1, sems[NBUF - 1]).start()
    lax.fori_loop(0, CT // NBUF, ch_body, jnp.int32(0))

    def red_sums(j, carry):
      v = acc_v[pl.ds(j * L, L)]
      for l in range(1, L):
        v = v + acc_v[pl.ds(l * BANKT + j * L, L)]
      acc_v[pl.ds(j * L, L)] = v
      return carry

    lax.fori_loop(0, BANKT // L, red_sums, jnp.int32(0))

    def red_cnt(j, carry):
      v = cnt_v[pl.ds(j * L, L)]
      for l in range(1, L):
        v = v + cnt_v[pl.ds(l * CNTB + j * L, L)]
      cnt_v[pl.ds(j * L, L)] = v
      return carry

    lax.fori_loop(0, CNTB // L, red_cnt, jnp.int32(0))

    @pl.when(cq != 0)
    def _():
      def rez(j, carry):
        cnt_v[pl.ds(j * L, L)] = zf
        return carry

      lax.fori_loop(0, CNTB // L, rez, jnp.int32(0))

    pltpu.sync_copy(acc_v.at[pl.ds(0, BANKT)], out_sums.at[wid])
    pltpu.sync_copy(cnt_v.at[pl.ds(0, CNTB)], out_cnt.at[wid])

  return k(feats_flat, seg, prob, ig)


def _combine_body(s_ref, c_ref, b_ref, o_ref):
  s = jnp.sum(s_ref[...], axis=0)
  cn = jnp.sum(c_ref[...], axis=1, keepdims=True)
  s21 = s[:NCLS]
  c21 = cn[:NCLS]
  mean = s21 / jnp.maximum(c21, 1.0)
  present = c21 > 0.0
  row = b_ref[...]
  nz = jnp.sum((row == 0.0).astype(jnp.float32), axis=1, keepdims=True)
  is_zero = nz == float(C)
  do_copy = present & is_zero
  idx = lax.broadcasted_iota(jnp.int32, (NCLS, 1), 0)
  first = jnp.min(jnp.where(do_copy, idx, jnp.int32(2**30)))
  need = idx <= first
  do_mom = present & (~is_zero) & need
  mom_row = MOM * row + (1.0 - MOM) * mean
  o_ref[...] = jnp.where(do_copy, mean, jnp.where(do_mom, mom_row, row))


def _combine_tc(sums3, cnt_t, bank2):
  return pl.pallas_call(
      _combine_body,
      out_shape=jax.ShapeDtypeStruct((NCLS, C), jnp.float32),
  )(sums3, cnt_t, bank2)


def kernel(features, probablity_weak, memory_bank, segmentation, ignore_mask):
  feats_flat = features.reshape(B * C * HW)
  seg = segmentation.reshape(NPIX)
  prob = probablity_weak.reshape(NPIX)
  ig = ignore_mask.reshape(NPIX)
  sums, cnts = _seg_sums_sc(feats_flat, seg, prob, ig)
  sums_b = sums.reshape(B, 4, NBINS, CT).transpose(0, 2, 1, 3).reshape(B, NBINS, C)
  out = _combine_tc(sums_b, cnts.T, memory_bank.reshape(NCLS, C))
  return out.reshape(NCLS, 1, C)

# --- scband reference (transcript-rebuilt; emitter-appended) ---
"""Pipeline reference for scband-protetype-3642132267612 (READ-ONLY COPY).

The authoritative reference and input builder live on the scoring server;
editing this copy changes nothing except your own understanding.
"""

import jax, jax.numpy as jnp
import numpy as np


def setup_inputs(seed: int = 0) -> dict:
    key = jax.random.key(seed)
    k1, k2, k3, k4 = jax.random.split(key, 4)
    features = jax.random.normal(k1, (8, 256, 128, 128), dtype=jnp.float32)
    probablity_weak = jax.random.uniform(k2, (8, 128, 128), dtype=jnp.float32)
    segmentation = jax.random.randint(k3, (8, 128, 128), 0, 21, dtype=jnp.int32)
    ignore_mask = jax.random.randint(k4, (8, 128, 128), 0, 2, dtype=jnp.int32)
    # learned/persistent state from __init__: memory bank [21, 1, 256], initialized to zeros
    memory_bank = jnp.zeros((21, 1, 256), dtype=jnp.float32)
    return {
        "features": features,
        "probablity_weak": probablity_weak,
        "memory_bank": memory_bank,
        "segmentation": segmentation,
        "ignore_mask": ignore_mask,
    }


def reference(features, probablity_weak, memory_bank, segmentation, ignore_mask):
    # Faithful translation of Protetype.update_memory (the module's main entry point).
    # Note: ignore_mask is provided at feature resolution, so the original's
    # F.interpolate(..., size=(h, w), align_corners=True) is an exact identity.
    momentum = 0.99
    B, C, h, w = features.shape
    num_cls = memory_bank.shape[0]
    feats = jnp.transpose(features, (0, 2, 3, 1)).reshape(B * h * w, C)
    seg = segmentation.reshape(-1)
    ig = ignore_mask.reshape(-1)
    prob = probablity_weak.reshape(-1)
    bank = memory_bank
    need_update = jnp.array(True)
    for clsid in range(num_cls):
        # original iterates over segmentation.unique(); iterating all class ids and
        # gating on presence (cnt > 0) is equivalent
        mask = (seg == clsid) & (ig != 255) & (prob > 0.95)
        cnt = jnp.sum(mask)
        present = cnt > 0
        maskf = mask.astype(feats.dtype)
        mean = jnp.sum(feats * maskf[:, None], axis=0) / jnp.maximum(cnt, 1).astype(feats.dtype)
        row = bank[clsid, 0]
        is_zero = jnp.sum((row == 0).astype(jnp.int32)) == C
        do_copy = present & is_zero
        do_mom = present & (~is_zero) & need_update
        new_row = jnp.where(
            do_copy,
            mean,
            jnp.where(do_mom, momentum * row + (1.0 - momentum) * mean, row),
        )
        bank = bank.at[clsid, 0].set(new_row)
        # original sets need_update=False once a zero-initialized slot is filled,
        # and it stays False for subsequent classes (faithful to the code as written)
        need_update = need_update & (~do_copy)
    return bank

if __name__ == "__main__":
    import jax
    _d = setup_inputs()
    print(jax.jit(kernel)(*tuple(_d.values())))

</pallas_src>

<mosaic_0001>
#map = affine_map<(d0, d1) -> (0)>
#map1 = affine_map<(d0, d1) -> (0, 0)>
module attributes {stable_mosaic.version = 14 : i64} {
  func.func @k(%arg0: i32, %arg1: i32, %arg2: memref<33554432xf32, #tpu.memory_space<hbm>>, %arg3: memref<131072xi32, #tpu.memory_space<hbm>>, %arg4: memref<131072xf32, #tpu.memory_space<hbm>>, %arg5: memref<131072xi32, #tpu.memory_space<hbm>>, %arg6: memref<32x1408xf32, #tpu.memory_space<hbm>>, %arg7: memref<32x128xf32, #tpu.memory_space<hbm>>, %arg8: memref<4096xi32, #tpu.memory_space<vmem>>, %arg9: memref<4096xf32, #tpu.memory_space<vmem>>, %arg10: memref<4096xi32, #tpu.memory_space<vmem>>, %arg11: memref<8224xi32, #tpu.memory_space<vmem>>, %arg12: memref<8224xi32, #tpu.memory_space<vmem>>, %arg13: memref<22528xf32, #tpu.memory_space<vmem>>, %arg14: memref<2048xf32, #tpu.memory_space<vmem>>, %arg15: memref<65536xf32, #tpu.memory_space<vmem>>, %arg16: memref<!tpu.dma_semaphore, #tpu.memory_space<semaphore_mem>>, %arg17: memref<!tpu.dma_semaphore, #tpu.memory_space<semaphore_mem>>, %arg18: memref<!tpu.dma_semaphore, #tpu.memory_space<semaphore_mem>>, %arg19: memref<!tpu.dma_semaphore, #tpu.memory_space<semaphore_mem>>, %arg20: memref<!tpu.dma_semaphore, #tpu.memory_space<semaphore_mem>>, %arg21: memref<!tpu.dma_semaphore, #tpu.memory_space<semaphore_mem>>) attributes {dimension_semantics = [#tpu.dimension_semantics<core_parallel>, #tpu.dimension_semantics<subcore_parallel>], iteration_bounds = array<i64: 2, 16>, scalar_prefetch = 0 : i64, scratch_operands = 14 : i64, tpu.core_type = #tpu.core_type<sc_vector_subcore>, window_params = [{transform_indices = #map}, {transform_indices = #map}, {transform_indices = #map}, {transform_indices = #map}, {transform_indices = #map1}, {transform_indices = #map1}]} {
    %mul3A = arith.constant 2 : i32
    %mul3A_0 = arith.muli %arg1, %mul3A : i32
    %add3A = arith.addi %mul3A_0, %arg0 : i32
    %jit3A = arith.constant 4 : i32
    %div3A = arith.divsi %add3A, %jit3A : i32
    %sign3A = arith.constant 0 : i32
    %sign3A_1 = arith.cmpi sgt, %add3A, %sign3A : i32
    %sign3A_2 = arith.extui %sign3A_1 : i1 to i32
    %sign3A_3 = arith.constant 0 : i32
    %sign3A_4 = arith.cmpi slt, %add3A, %sign3A_3 : i32
    %sign3A_5 = arith.extui %sign3A_4 : i1 to i32
    %sign3A_6 = arith.subi %sign3A_2, %sign3A_5 : i32
    %sign3A_7 = arith.constant 0 : i32
    %sign3A_8 = arith.cmpi sgt, %jit3A, %sign3A_7 : i32
    %sign3A_9 = arith.extui %sign3A_8 : i1 to i32
    %sign3A_10 = arith.constant 0 : i32
    %sign3A_11 = arith.cmpi slt, %jit3A, %sign3A_10 : i32
    %sign3A_12 = arith.extui %sign3A_11 : i1 to i32
    %sign3A_13 = arith.subi %sign3A_9, %sign3A_12 : i32
    %ne3A = arith.cmpi ne, %sign3A_6, %sign3A_13 : i32
    %rem3A = arith.remsi %add3A, %jit3A : i32
    %ne3A_14 = arith.constant 0 : i32
    %ne3A_15 = arith.cmpi ne, %rem3A, %ne3A_14 : i32
    %and3A = arith.andi %ne3A, %ne3A_15 : i1
    %sub3A = arith.constant 1 : i32
    %sub3A_16 = arith.subi %div3A, %sub3A : i32
    %select_n3A = arith.select %and3A, %sub3A_16, %div3A : i32
    %jit3A_17 = arith.constant 4 : i32
    %eq3A = arith.constant 0 : i32
    %eq3A_18 = arith.cmpi eq, %jit3A_17, %eq3A : i32
    %jit3A_19 = arith.constant 1 : i32
    %select_n3A_20 = arith.select %eq3A_18, %jit3A_19, %jit3A_17 : i32
    %rem3A_21 = arith.remsi %add3A, %select_n3A_20 : i32
    %ne3A_22 = arith.constant 0 : i32
    %ne3A_23 = arith.cmpi ne, %rem3A_21, %ne3A_22 : i32
    %lt3A = arith.constant 0 : i32
    %lt3A_24 = arith.cmpi slt, %rem3A_21, %lt3A : i32
    %lt3A_25 = arith.constant 0 : i32
    %lt3A_26 = arith.cmpi slt, %select_n3A_20, %lt3A_25 : i32
    %ne3A_27 = arith.xori %lt3A_24, %lt3A_26 : i1
    %and3A_28 = arith.andi %ne3A_27, %ne3A_23 : i1
    %add3A_29 = arith.addi %rem3A_21, %select_n3A_20 : i32
    %select_n3A_30 = arith.select %and3A_28, %add3A_29, %rem3A_21 : i32
    %iota3A = tpu.iota {dimensions = array<i32: 0>} : vector<16xi32>
    %broadcast_in_dim3A = arith.constant 0.000000e+00 : f32
    %broadcast_in_dim3A_31 = vector.broadcast %broadcast_in_dim3A : f32 to vector<16xf32>
    %mul3A_32 = arith.constant 256 : i32
    %mul3A_33 = arith.muli %select_n3A, %mul3A_32 : i32
    %mul3A_34 = arith.constant 64 : i32
    %mul3A_35 = arith.muli %select_n3A_30, %mul3A_34 : i32
    %add3A_36 = arith.addi %mul3A_33, %mul3A_35 : i32
    %add3A_37 = arith.constant 0 : i32
    %add3A_38 = arith.addi %add3A_36, %add3A_37 : i32
    %mul3A_39 = arith.constant 16384 : i32
    %mul3A_40 = arith.muli %add3A_38, %mul3A_39 : i32
    %dma_start3A = arith.constant 0 : i32
    %dma_start3A_41 = tpu.memref_slice %arg15[%dma_start3A] : memref<65536xf32, #tpu.memory_space<vmem>> -> memref<16384xf32, #tpu.memory_space<vmem>>
    %dma_start3A_42 = tpu.memref_slice %arg2[%mul3A_40] : memref<33554432xf32, #tpu.memory_space<hbm>> -> memref<16384xf32, #tpu.memory_space<hbm>>
    %dma_start3A_43 = arith.constant 0 : i32
    %dma_start3A_44 = tpu.memref_slice %arg15[%dma_start3A_43] : memref<65536xf32, #tpu.memory_space<vmem>> -> memref<16384xf32, #tpu.memory_space<vmem>>
    %dma_start3A_45 = tpu.memref_slice %arg2[%mul3A_40] : memref<33554432xf32, #tpu.memory_space<hbm>> -> memref<16384xf32, #tpu.memory_space<hbm>>
    tpu.enqueue_dma source(%dma_start3A_45 : memref<16384xf32, #tpu.memory_space<hbm>>) target(%dma_start3A_44 : memref<16384xf32, #tpu.memory_space<vmem>>) target_semaphore(%arg16 : memref<!tpu.dma_semaphore, #tpu.memory_space<semaphore_mem>>)
    %mul3A_46 = arith.constant 256 : i32
    %mul3A_47 = arith.muli %select_n3A, %mul3A_46 : i32
    %mul3A_48 = arith.constant 64 : i32
    %mul3A_49 = arith.muli %select_n3A_30, %mul3A_48 : i32
    %add3A_50 = arith.addi %mul3A_47, %mul3A_49 : i32
    %add3A_51 = arith.constant 1 : i32
    %add3A_52 = arith.addi %add3A_50, %add3A_51 : i32
    %mul3A_53 = arith.constant 16384 : i32
    %mul3A_54 = arith.muli %add3A_52, %mul3A_53 : i32
    %dma_start3A_55 = arith.constant 16384 : i32
    %dma_start3A_56 = tpu.memref_slice %arg15[%dma_start3A_55] : memref<65536xf32, #tpu.memory_space<vmem>> -> memref<16384xf32, #tpu.memory_space<vmem>>
    %dma_start3A_57 = tpu.memref_slice %arg2[%mul3A_54] : memref<33554432xf32, #tpu.memory_space<hbm>> -> memref<16384xf32, #tpu.memory_space<hbm>>
    %dma_start3A_58 = arith.constant 16384 : i32
    %dma_start3A_59 = tpu.memref_slice %arg15[%dma_start3A_58] : memref<65536xf32, #tpu.memory_space<vmem>> -> memref<16384xf32, #tpu.memory_space<vmem>>
    %dma_start3A_60 = tpu.memref_slice %arg2[%mul3A_54] : memref<33554432xf32, #tpu.memory_space<hbm>> -> memref<16384xf32, #tpu.memory_space<hbm>>
    tpu.enqueue_dma source(%dma_start3A_60 : memref<16384xf32, #tpu.memory_space<hbm>>) target(%dma_start3A_59 : memref<16384xf32, #tpu.memory_space<vmem>>) target_semaphore(%arg17 : memref<!tpu.dma_semaphore, #tpu.memory_space<semaphore_mem>>)
    %mul3A_61 = arith.constant 256 : i32
    %mul3A_62 = arith.muli %select_n3A, %mul3A_61 : i32
    %mul3A_63 = arith.constant 64 : i32
    %mul3A_64 = arith.muli %select_n3A_30, %mul3A_63 : i32
    %add3A_65 = arith.addi %mul3A_62, %mul3A_64 : i32
    %add3A_66 = arith.constant 2 : i32
    %add3A_67 = arith.addi %add3A_65, %add3A_66 : i32
    %mul3A_68 = arith.constant 16384 : i32
    %mul3A_69 = arith.muli %add3A_67, %mul3A_68 : i32
    %dma_start3A_70 = arith.constant 32768 : i32
    %dma_start3A_71 = tpu.memref_slice %arg15[%dma_start3A_70] : memref<65536xf32, #tpu.memory_space<vmem>> -> memref<16384xf32, #tpu.memory_space<vmem>>
    %dma_start3A_72 = tpu.memref_slice %arg2[%mul3A_69] : memref<33554432xf32, #tpu.memory_space<hbm>> -> memref<16384xf32, #tpu.memory_space<hbm>>
    %dma_start3A_73 = arith.constant 32768 : i32
    %dma_start3A_74 = tpu.memref_slice %arg15[%dma_start3A_73] : memref<65536xf32, #tpu.memory_space<vmem>> -> memref<16384xf32, #tpu.memory_space<vmem>>
    %dma_start3A_75 = tpu.memref_slice %arg2[%mul3A_69] : memref<33554432xf32, #tpu.memory_space<hbm>> -> memref<16384xf32, #tpu.memory_space<hbm>>
    tpu.enqueue_dma source(%dma_start3A_75 : memref<16384xf32, #tpu.memory_space<hbm>>) target(%dma_start3A_74 : memref<16384xf32, #tpu.memory_space<vmem>>) target_semaphore(%arg18 : memref<!tpu.dma_semaphore, #tpu.memory_space<semaphore_mem>>)
    %scan3A = arith.constant 0 : i32
    %scan3A_76 = arith.constant 0 : i32
    %scan3A_77 = arith.constant 1408 : i32
    %scan3A_78 = arith.addi %scan3A_76, %scan3A_77 : i32
    %scan3A_79 = arith.constant 1 : i32
    scf.for %scan3A_598 = %scan3A_76 to %scan3A_78 step %scan3A_79  : i32 {
      %mul3A_599 = arith.constant 16 : i32
      %mul3A_600 = arith.muli %scan3A_598, %mul3A_599 : i32
      %swap3A_601 = arith.index_cast %mul3A_600 : i32 to index
      %swap3A_602 = tpu.vector_load %arg13[%swap3A_601] {strides = array<i32>} : memref<22528xf32, #tpu.memory_space<vmem>>, vector<16xf32>,
      tpu.vector_store %arg13[%swap3A_601], %broadcast_in_dim3A_31 {strides = array<i32>} : memref<22528xf32, #tpu.memory_space<vmem>>, vector<16xf32>,
    }
    %scan3A_80 = arith.constant 1408 : i32
    %scan3A_81 = arith.constant 0 : i32
    %scan3A_82 = arith.constant 0 : i32
    %scan3A_83 = arith.constant 128 : i32
    %scan3A_84 = arith.addi %scan3A_82, %scan3A_83 : i32
    %scan3A_85 = arith.constant 1 : i32
    scf.for %scan3A_598 = %scan3A_82 to %scan3A_84 step %scan3A_85  : i32 {
      %mul3A_599 = arith.constant 16 : i32
      %mul3A_600 = arith.muli %scan3A_598, %mul3A_599 : i32
      %swap3A_601 = arith.index_cast %mul3A_600 : i32 to index
      %swap3A_602 = tpu.vector_load %arg14[%swap3A_601] {strides = array<i32>} : memref<2048xf32, #tpu.memory_space<vmem>>, vector<16xf32>,
      tpu.vector_store %arg14[%swap3A_601], %broadcast_in_dim3A_31 {strides = array<i32>} : memref<2048xf32, #tpu.memory_space<vmem>>, vector<16xf32>,
    }
    %scan3A_86 = arith.constant 128 : i32
    %broadcast_in_dim3A_87 = arith.constant 1.000000e+00 : f32
    %broadcast_in_dim3A_88 = vector.broadcast %broadcast_in_dim3A_87 : f32 to vector<16xf32>
    %mul3A_89 = arith.constant 16384 : i32
    %mul3A_90 = arith.muli %select_n3A, %mul3A_89 : i32
    %add3A_91 = arith.constant 0 : i32
    %add3A_92 = arith.addi %mul3A_90, %add3A_91 : i32
    %dma_start3A_93 = arith.constant 0 : i32
    %dma_start3A_94 = tpu.memref_slice %arg8[%dma_start3A_93] : memref<4096xi32, #tpu.memory_space<vmem>> -> memref<2048xi32, #tpu.memory_space<vmem>>
    %dma_start3A_95 = tpu.memref_slice %arg3[%add3A_92] : memref<131072xi32, #tpu.memory_space<hbm>> -> memref<2048xi32, #tpu.memory_space<hbm>>
    %dma_start3A_96 = arith.constant 0 : i32
    %dma_start3A_97 = tpu.memref_slice %arg8[%dma_start3A_96] : memref<4096xi32, #tpu.memory_space<vmem>> -> memref<2048xi32, #tpu.memory_space<vmem>>
    %dma_start3A_98 = tpu.memref_slice %arg3[%add3A_92] : memref<131072xi32, #tpu.memory_space<hbm>> -> memref<2048xi32, #tpu.memory_space<hbm>>
    tpu.enqueue_dma source(%dma_start3A_98 : memref<2048xi32, #tpu.memory_space<hbm>>) target(%dma_start3A_97 : memref<2048xi32, #tpu.memory_space<vmem>>) target_semaphore(%arg20 : memref<!tpu.dma_semaphore, #tpu.memory_space<semaphore_mem>>)
    %dma_start3A_99 = arith.constant 0 : i32
    %dma_start3A_100 = tpu.memref_slice %arg9[%dma_start3A_99] : memref<4096xf32, #tpu.memory_space<vmem>> -> memref<2048xf32, #tpu.memory_space<vmem>>
    %dma_start3A_101 = tpu.memref_slice %arg4[%add3A_92] : memref<131072xf32, #tpu.memory_space<hbm>> -> memref<2048xf32, #tpu.memory_space<hbm>>
    %dma_start3A_102 = arith.constant 0 : i32
    %dma_start3A_103 = tpu.memref_slice %arg9[%dma_start3A_102] : memref<4096xf32, #tpu.memory_space<vmem>> -> memref<2048xf32, #tpu.memory_space<vmem>>
    %dma_start3A_104 = tpu.memref_slice %arg4[%add3A_92] : memref<131072xf32, #tpu.memory_space<hbm>> -> memref<2048xf32, #tpu.memory_space<hbm>>
    tpu.enqueue_dma source(%dma_start3A_104 : memref<2048xf32, #tpu.memory_space<hbm>>) target(%dma_start3A_103 : memref<2048xf32, #tpu.memory_space<vmem>>) target_semaphore(%arg20 : memref<!tpu.dma_semaphore, #tpu.memory_space<semaphore_mem>>)
    %dma_start3A_105 = arith.constant 0 : i32
    %dma_start3A_106 = tpu.memref_slice %arg10[%dma_start3A_105] : memref<4096xi32, #tpu.memory_space<vmem>> -> memref<2048xi32, #tpu.memory_space<vmem>>
    %dma_start3A_107 = tpu.memref_slice %arg5[%add3A_92] : memref<131072xi32, #tpu.memory_space<hbm>> -> memref<2048xi32, #tpu.memory_space<hbm>>
    %dma_start3A_108 = arith.constant 0 : i32
    %dma_start3A_109 = tpu.memref_slice %arg10[%dma_start3A_108] : memref<4096xi32, #tpu.memory_space<vmem>> -> memref<2048xi32, #tpu.memory_space<vmem>>
    %dma_start3A_110 = tpu.memref_slice %arg5[%add3A_92] : memref<131072xi32, #tpu.memory_space<hbm>> -> memref<2048xi32, #tpu.memory_space<hbm>>
    tpu.enqueue_dma source(%dma_start3A_110 : memref<2048xi32, #tpu.memory_space<hbm>>) target(%dma_start3A_109 : memref<2048xi32, #tpu.memory_space<vmem>>) target_semaphore(%arg20 : memref<!tpu.dma_semaphore, #tpu.memory_space<semaphore_mem>>)
    %mul3A_111 = arith.constant 16384 : i32
    %mul3A_112 = arith.muli %select_n3A, %mul3A_111 : i32
    %add3A_113 = arith.constant 2048 : i32
    %add3A_114 = arith.addi %mul3A_112, %add3A_113 : i32
    %dma_start3A_115 = arith.constant 2048 : i32
    %dma_start3A_116 = tpu.memref_slice %arg8[%dma_start3A_115] : memref<4096xi32, #tpu.memory_space<vmem>> -> memref<2048xi32, #tpu.memory_space<vmem>>
    %dma_start3A_117 = tpu.memref_slice %arg3[%add3A_114] : memref<131072xi32, #tpu.memory_space<hbm>> -> memref<2048xi32, #tpu.memory_space<hbm>>
    %dma_start3A_118 = arith.constant 2048 : i32
    %dma_start3A_119 = tpu.memref_slice %arg8[%dma_start3A_118] : memref<4096xi32, #tpu.memory_space<vmem>> -> memref<2048xi32, #tpu.memory_space<vmem>>
    %dma_start3A_120 = tpu.memref_slice %arg3[%add3A_114] : memref<131072xi32, #tpu.memory_space<hbm>> -> memref<2048xi32, #tpu.memory_space<hbm>>
    tpu.enqueue_dma source(%dma_start3A_120 : memref<2048xi32, #tpu.memory_space<hbm>>) target(%dma_start3A_119 : memref<2048xi32, #tpu.memory_space<vmem>>) target_semaphore(%arg21 : memref<!tpu.dma_semaphore, #tpu.memory_space<semaphore_mem>>)
    %dma_start3A_121 = arith.constant 2048 : i32
    %dma_start3A_122 = tpu.memref_slice %arg9[%dma_start3A_121] : memref<4096xf32, #tpu.memory_space<vmem>> -> memref<2048xf32, #tpu.memory_space<vmem>>
    %dma_start3A_123 = tpu.memref_slice %arg4[%add3A_114] : memref<131072xf32, #tpu.memory_space<hbm>> -> memref<2048xf32, #tpu.memory_space<hbm>>
    %dma_start3A_124 = arith.constant 2048 : i32
    %dma_start3A_125 = tpu.memref_slice %arg9[%dma_start3A_124] : memref<4096xf32, #tpu.memory_space<vmem>> -> memref<2048xf32, #tpu.memory_space<vmem>>
    %dma_start3A_126 = tpu.memref_slice %arg4[%add3A_114] : memref<131072xf32, #tpu.memory_space<hbm>> -> memref<2048xf32, #tpu.memory_space<hbm>>
    tpu.enqueue_dma source(%dma_start3A_126 : memref<2048xf32, #tpu.memory_space<hbm>>) target(%dma_start3A_125 : memref<2048xf32, #tpu.memory_space<vmem>>) target_semaphore(%arg21 : memref<!tpu.dma_semaphore, #tpu.memory_space<semaphore_mem>>)
    %dma_start3A_127 = arith.constant 2048 : i32
    %dma_start3A_128 = tpu.memref_slice %arg10[%dma_start3A_127] : memref<4096xi32, #tpu.memory_space<vmem>> -> memref<2048xi32, #tpu.memory_space<vmem>>
    %dma_start3A_129 = tpu.memref_slice %arg5[%add3A_114] : memref<131072xi32, #tpu.memory_space<hbm>> -> memref<2048xi32, #tpu.memory_space<hbm>>
    %dma_start3A_130 = arith.constant 2048 : i32
    %dma_start3A_131 = tpu.memref_slice %arg10[%dma_start3A_130] : memref<4096xi32, #tpu.memory_space<vmem>> -> memref<2048xi32, #tpu.memory_space<vmem>>
    %dma_start3A_132 = tpu.memref_slice %arg5[%add3A_114] : memref<131072xi32, #tpu.memory_space<hbm>> -> memref<2048xi32, #tpu.memory_space<hbm>>
    tpu.enqueue_dma source(%dma_start3A_132 : memref<2048xi32, #tpu.memory_space<hbm>>) target(%dma_start3A_131 : memref<2048xi32, #tpu.memory_space<vmem>>) target_semaphore(%arg21 : memref<!tpu.dma_semaphore, #tpu.memory_space<semaphore_mem>>)
    %mul3A_133 = arith.constant 16384 : i32
    %mul3A_134 = arith.muli %select_n3A, %mul3A_133 : i32
    %add3A_135 = arith.constant 0 : i32
    %add3A_136 = arith.addi %mul3A_134, %add3A_135 : i32
    %dma_wait3A = arith.constant 0 : i32
    %dma_wait3A_137 = tpu.memref_slice %arg8[%dma_wait3A] : memref<4096xi32, #tpu.memory_space<vmem>> -> memref<2048xi32, #tpu.memory_space<vmem>>
    %dma_wait3A_138 = tpu.memref_slice %arg3[%add3A_136] : memref<131072xi32, #tpu.memory_space<hbm>> -> memref<2048xi32, #tpu.memory_space<hbm>>
    %dma_wait3A_139 = arith.constant 0 : i32
    %dma_wait3A_140 = tpu.memref_slice %arg8[%dma_wait3A_139] : memref<4096xi32, #tpu.memory_space<vmem>> -> memref<2048xi32, #tpu.memory_space<vmem>>
    %dma_wait3A_141 = tpu.memref_slice %arg3[%add3A_136] : memref<131072xi32, #tpu.memory_space<hbm>> -> memref<2048xi32, #tpu.memory_space<hbm>>
    tpu.wait_dma2 semaphore(%arg20 : memref<!tpu.dma_semaphore, #tpu.memory_space<semaphore_mem>>) src(%dma_wait3A_141 : memref<2048xi32, #tpu.memory_space<hbm>>) dst(%dma_wait3A_140 : memref<2048xi32, #tpu.memory_space<vmem>>)
    %dma_wait3A_142 = arith.constant 0 : i32
    %dma_wait3A_143 = tpu.memref_slice %arg9[%dma_wait3A_142] : memref<4096xf32, #tpu.memory_space<vmem>> -> memref<2048xf32, #tpu.memory_space<vmem>>
    %dma_wait3A_144 = tpu.memref_slice %arg4[%add3A_136] : memref<131072xf32, #tpu.memory_space<hbm>> -> memref<2048xf32, #tpu.memory_space<hbm>>
    %dma_wait3A_145 = arith.constant 0 : i32
    %dma_wait3A_146 = tpu.memref_slice %arg9[%dma_wait3A_145] : memref<4096xf32, #tpu.memory_space<vmem>> -> memref<2048xf32, #tpu.memory_space<vmem>>
    %dma_wait3A_147 = tpu.memref_slice %arg4[%add3A_136] : memref<131072xf32, #tpu.memory_space<hbm>> -> memref<2048xf32, #tpu.memory_space<hbm>>
    tpu.wait_dma2 semaphore(%arg20 : memref<!tpu.dma_semaphore, #tpu.memory_space<semaphore_mem>>) src(%dma_wait3A_147 : memref<2048xf32, #tpu.memory_space<hbm>>) dst(%dma_wait3A_146 : memref<2048xf32, #tpu.memory_space<vmem>>)
    %dma_wait3A_148 = arith.constant 0 : i32
    %dma_wait3A_149 = tpu.memref_slice %arg10[%dma_wait3A_148] : memref<4096xi32, #tpu.memory_space<vmem>> -> memref<2048xi32, #tpu.memory_space<vmem>>
    %dma_wait3A_150 = tpu.memref_slice %arg5[%add3A_136] : memref<131072xi32, #tpu.memory_space<hbm>> -> memref<2048xi32, #tpu.memory_space<hbm>>
    %dma_wait3A_151 = arith.constant 0 : i32
    %dma_wait3A_152 = tpu.memref_slice %arg10[%dma_wait3A_151] : memref<4096xi32, #tpu.memory_space<vmem>> -> memref<2048xi32, #tpu.memory_space<vmem>>
    %dma_wait3A_153 = tpu.memref_slice %arg5[%add3A_136] : memref<131072xi32, #tpu.memory_space<hbm>> -> memref<2048xi32, #tpu.memory_space<hbm>>
    tpu.wait_dma2 semaphore(%arg20 : memref<!tpu.dma_semaphore, #tpu.memory_space<semaphore_mem>>) src(%dma_wait3A_153 : memref<2048xi32, #tpu.memory_space<hbm>>) dst(%dma_wait3A_152 : memref<2048xi32, #tpu.memory_space<vmem>>)
    %scan3A_154 = arith.constant 0 : i32
    %scan3A_155 = arith.constant 0 : i32
    %scan3A_156 = arith.constant 0 : i32
    %scan3A_157 = arith.constant 64 : i32
    %scan3A_158 = arith.addi %scan3A_156, %scan3A_157 : i32
    %scan3A_159 = arith.constant 1 : i32
    %scan3A_160:2 = scf.for %scan3A_598 = %scan3A_156 to %scan3A_158 step %scan3A_159 iter_args(%scan3A_599 = %scan3A_154, %scan3A_600 = %scan3A_155) -> (i32, i32)  : i32 {
      %mul3A_601 = arith.constant 2 : i32
      %mul3A_602 = arith.muli %scan3A_598, %mul3A_601 : i32
      %mul3A_603 = arith.constant 16 : i32
      %mul3A_604 = arith.muli %mul3A_602, %mul3A_603 : i32
      %add3A_605 = arith.constant 0 : i32
      %add3A_606 = arith.addi %add3A_605, %mul3A_604 : i32
      %add3A_607 = arith.constant 0 : i32
      %add3A_608 = arith.addi %add3A_606, %add3A_607 : i32
      %get3A = arith.index_cast %add3A_608 : i32 to index
      %get3A_609 = tpu.vector_load %arg8[%get3A] {strides = array<i32>} : memref<4096xi32, #tpu.memory_space<vmem>>, vector<16xi32>,
      %get3A_610 = arith.index_cast %add3A_608 : i32 to index
      %get3A_611 = tpu.vector_load %arg9[%get3A_610] {strides = array<i32>} : memref<4096xf32, #tpu.memory_space<vmem>>, vector<16xf32>,
      %get3A_612 = arith.index_cast %add3A_608 : i32 to index
      %get3A_613 = tpu.vector_load %arg10[%get3A_612] {strides = array<i32>} : memref<4096xi32, #tpu.memory_space<vmem>>, vector<16xi32>,
      %gt3A = arith.constant 0.949999988 : f32
      %gt3A_614 = vector.broadcast %gt3A : f32 to vector<16xf32>
      %gt3A_615 = arith.cmpf ogt, %get3A_611, %gt3A_614 : vector<16xf32>
      %ne3A_616 = arith.constant 255 : i32
      %ne3A_617 = vector.broadcast %ne3A_616 : i32 to vector<16xi32>
      %ne3A_618 = arith.cmpi ne, %get3A_613, %ne3A_617 : vector<16xi32>
      %and3A_619 = arith.andi %gt3A_615, %ne3A_618 : vector<16xi1>
      %ge3A = arith.constant 0 : i32
      %ge3A_620 = vector.broadcast %ge3A : i32 to vector<16xi32>
      %ge3A_621 = arith.cmpi sge, %get3A_609, %ge3A_620 : vector<16xi32>
      %and3A_622 = arith.andi %and3A_619, %ge3A_621 : vector<16xi1>
      %lt3A_623 = arith.constant 21 : i32
      %lt3A_624 = vector.broadcast %lt3A_623 : i32 to vector<16xi32>
      %lt3A_625 = arith.cmpi slt, %get3A_609, %lt3A_624 : vector<16xi32>
      %and3A_626 = arith.andi %and3A_622, %lt3A_625 : vector<16xi1>
      %jit3A_627 = arith.constant 21 : i32
      %broadcast_in_dim3A_628 = vector.broadcast %jit3A_627 : i32 to vector<16xi32>
      %select_n3A_629 = arith.select %and3A_626, %get3A_609, %broadcast_in_dim3A_628 : vector<16xi1>, vector<16xi32>
      %mul3A_630 = arith.constant 128 : i32
      %mul3A_631 = vector.broadcast %mul3A_630 : i32 to vector<16xi32>
      %mul3A_632 = arith.muli %iota3A, %mul3A_631 : vector<16xi32>
      %add3A_633 = arith.addi %mul3A_632, %select_n3A_629 : vector<16xi32>
      tpu.vector_store_idx %arg14[%add3A_633], %broadcast_in_dim3A_88 {add = true} : memref<2048xf32, #tpu.memory_space<vmem>>[vector<16xi32>], vector<16xf32>,
      %mul3A_634 = arith.constant 16384 : i32
      %mul3A_635 = vector.broadcast %mul3A_634 : i32 to vector<16xi32>
      %mul3A_636 = arith.muli %select_n3A_629, %mul3A_635 : vector<16xi32>
      %mul3A_637 = arith.constant 2 : i32
      %mul3A_638 = arith.muli %scan3A_598, %mul3A_637 : i32
      %mul3A_639 = arith.constant 16 : i32
      %mul3A_640 = arith.muli %mul3A_638, %mul3A_639 : i32
      %add3A_641 = arith.constant 0 : i32
      %add3A_642 = arith.addi %add3A_641, %mul3A_640 : i32
      %add3A_643 = arith.constant 0 : i32
      %add3A_644 = arith.addi %add3A_642, %add3A_643 : i32
      %add3A_645 = vector.broadcast %add3A_644 : i32 to vector<16xi32>
      %add3A_646 = arith.addi %iota3A, %add3A_645 : vector<16xi32>
      %add3A_647 = arith.addi %mul3A_636, %add3A_646 : vector<16xi32>
      %swap3A_648 = arith.index_cast %scan3A_599 : i32 to index
      %swap3A_649 = tpu.vector_load %arg11[%swap3A_648] masked %and3A_626 {strides = array<i32>} : memref<8224xi32, #tpu.memory_space<vmem>>, vector<16xi32>, vector<16xi1>
      tpu.vector_store %arg11[%swap3A_648], %add3A_647 masked %and3A_626 {strides = array<i32>} : memref<8224xi32, #tpu.memory_space<vmem>>, vector<16xi32>, vector<16xi1>
      %convert_element_type3A_650 = arith.extui %and3A_626 : vector<16xi1> to vector<16xi32>
      %reduce_sum3A = arith.constant true
      %reduce_sum3A_651 = vector.broadcast %reduce_sum3A : i1 to vector<16xi1>
      %reduce_sum3A_652 = tpu.scan <sum>, %convert_element_type3A_650 masked %reduce_sum3A_651 : vector<16xi32>, vector<16xi1> -> vector<16xi32>
      %reduce_sum3A_653 = vector.extract %reduce_sum3A_652[15] : i32 from vector<16xi32>
      %add3A_654 = arith.addi %scan3A_599, %reduce_sum3A_653 : i32
      %mul3A_655 = arith.constant 2 : i32
      %mul3A_656 = arith.muli %scan3A_598, %mul3A_655 : i32
      %mul3A_657 = arith.constant 16 : i32
      %mul3A_658 = arith.muli %mul3A_656, %mul3A_657 : i32
      %add3A_659 = arith.constant 0 : i32
      %add3A_660 = arith.addi %add3A_659, %mul3A_658 : i32
      %add3A_661 = arith.constant 16 : i32
      %add3A_662 = arith.addi %add3A_660, %add3A_661 : i32
      %get3A_663 = arith.index_cast %add3A_662 : i32 to index
      %get3A_664 = tpu.vector_load %arg8[%get3A_663] {strides = array<i32>} : memref<4096xi32, #tpu.memory_space<vmem>>, vector<16xi32>,
      %get3A_665 = arith.index_cast %add3A_662 : i32 to index
      %get3A_666 = tpu.vector_load %arg9[%get3A_665] {strides = array<i32>} : memref<4096xf32, #tpu.memory_space<vmem>>, vector<16xf32>,
      %get3A_667 = arith.index_cast %add3A_662 : i32 to index
      %get3A_668 = tpu.vector_load %arg10[%get3A_667] {strides = array<i32>} : memref<4096xi32, #tpu.memory_space<vmem>>, vector<16xi32>,
      %gt3A_669 = arith.constant 0.949999988 : f32
      %gt3A_670 = vector.broadcast %gt3A_669 : f32 to vector<16xf32>
      %gt3A_671 = arith.cmpf ogt, %get3A_666, %gt3A_670 : vector<16xf32>
      %ne3A_672 = arith.constant 255 : i32
      %ne3A_673 = vector.broadcast %ne3A_672 : i32 to vector<16xi32>
      %ne3A_674 = arith.cmpi ne, %get3A_668, %ne3A_673 : vector<16xi32>
      %and3A_675 = arith.andi %gt3A_671, %ne3A_674 : vector<16xi1>
      %ge3A_676 = arith.constant 0 : i32
      %ge3A_677 = vector.broadcast %ge3A_676 : i32 to vector<16xi32>
      %ge3A_678 = arith.cmpi sge, %get3A_664, %ge3A_677 : vector<16xi32>
      %and3A_679 = arith.andi %and3A_675, %ge3A_678 : vector<16xi1>
      %lt3A_680 = arith.constant 21 : i32
      %lt3A_681 = vector.broadcast %lt3A_680 : i32 to vector<16xi32>
      %lt3A_682 = arith.cmpi slt, %get3A_664, %lt3A_681 : vector<16xi32>
      %and3A_683 = arith.andi %and3A_679, %lt3A_682 : vector<16xi1>
      %jit3A_684 = arith.constant 21 : i32
      %broadcast_in_dim3A_685 = vector.broadcast %jit3A_684 : i32 to vector<16xi32>
      %select_n3A_686 = arith.select %and3A_683, %get3A_664, %broadcast_in_dim3A_685 : vector<16xi1>, vector<16xi32>
      %mul3A_687 = arith.constant 128 : i32
      %mul3A_688 = vector.broadcast %mul3A_687 : i32 to vector<16xi32>
      %mul3A_689 = arith.muli %iota3A, %mul3A_688 : vector<16xi32>
      %add3A_690 = arith.addi %mul3A_689, %select_n3A_686 : vector<16xi32>
      tpu.vector_store_idx %arg14[%add3A_690], %broadcast_in_dim3A_88 {add = true} : memref<2048xf32, #tpu.memory_space<vmem>>[vector<16xi32>], vector<16xf32>,
      %mul3A_691 = arith.constant 16384 : i32
      %mul3A_692 = vector.broadcast %mul3A_691 : i32 to vector<16xi32>
      %mul3A_693 = arith.muli %select_n3A_686, %mul3A_692 : vector<16xi32>
      %mul3A_694 = arith.constant 2 : i32
      %mul3A_695 = arith.muli %scan3A_598, %mul3A_694 : i32
      %mul3A_696 = arith.constant 16 : i32
      %mul3A_697 = arith.muli %mul3A_695, %mul3A_696 : i32
      %add3A_698 = arith.constant 0 : i32
      %add3A_699 = arith.addi %add3A_698, %mul3A_697 : i32
      %add3A_700 = arith.constant 16 : i32
      %add3A_701 = arith.addi %add3A_699, %add3A_700 : i32
      %add3A_702 = vector.broadcast %add3A_701 : i32 to vector<16xi32>
      %add3A_703 = arith.addi %iota3A, %add3A_702 : vector<16xi32>
      %add3A_704 = arith.addi %mul3A_693, %add3A_703 : vector<16xi32>
      %swap3A_705 = arith.index_cast %scan3A_600 : i32 to index
      %swap3A_706 = tpu.vector_load %arg12[%swap3A_705] masked %and3A_683 {strides = array<i32>} : memref<8224xi32, #tpu.memory_space<vmem>>, vector<16xi32>, vector<16xi1>
      tpu.vector_store %arg12[%swap3A_705], %add3A_704 masked %and3A_683 {strides = array<i32>} : memref<8224xi32, #tpu.memory_space<vmem>>, vector<16xi32>, vector<16xi1>
      %convert_element_type3A_707 = arith.extui %and3A_683 : vector<16xi1> to vector<16xi32>
      %reduce_sum3A_708 = arith.constant true
      %reduce_sum3A_709 = vector.broadcast %reduce_sum3A_708 : i1 to vector<16xi1>
      %reduce_sum3A_710 = tpu.scan <sum>, %convert_element_type3A_707 masked %reduce_sum3A_709 : vector<16xi32>, vector<16xi1> -> vector<16xi32>
      %reduce_sum3A_711 = vector.extract %reduce_sum3A_710[15] : i32 from vector<16xi32>
      %add3A_712 = arith.addi %scan3A_600, %reduce_sum3A_711 : i32
      scf.yield %add3A_654, %add3A_712 : i32, i32
    }
    %scan3A_161 = arith.constant 64 : i32
    %mul3A_162 = arith.constant 16384 : i32
    %mul3A_163 = arith.muli %select_n3A, %mul3A_162 : i32
    %add3A_164 = arith.constant 4096 : i32
    %add3A_165 = arith.addi %mul3A_163, %add3A_164 : i32
    %dma_start3A_166 = arith.constant 0 : i32
    %dma_start3A_167 = tpu.memref_slice %arg8[%dma_start3A_166] : memref<4096xi32, #tpu.memory_space<vmem>> -> memref<2048xi32, #tpu.memory_space<vmem>>
    %dma_start3A_168 = tpu.memref_slice %arg3[%add3A_165] : memref<131072xi32, #tpu.memory_space<hbm>> -> memref<2048xi32, #tpu.memory_space<hbm>>
    %dma_start3A_169 = arith.constant 0 : i32
    %dma_start3A_170 = tpu.memref_slice %arg8[%dma_start3A_169] : memref<4096xi32, #tpu.memory_space<vmem>> -> memref<2048xi32, #tpu.memory_space<vmem>>
    %dma_start3A_171 = tpu.memref_slice %arg3[%add3A_165] : memref<131072xi32, #tpu.memory_space<hbm>> -> memref<2048xi32, #tpu.memory_space<hbm>>
    tpu.enqueue_dma source(%dma_start3A_171 : memref<2048xi32, #tpu.memory_space<hbm>>) target(%dma_start3A_170 : memref<2048xi32, #tpu.memory_space<vmem>>) target_semaphore(%arg20 : memref<!tpu.dma_semaphore, #tpu.memory_space<semaphore_mem>>)
    %dma_start3A_172 = arith.constant 0 : i32
    %dma_start3A_173 = tpu.memref_slice %arg9[%dma_start3A_172] : memref<4096xf32, #tpu.memory_space<vmem>> -> memref<2048xf32, #tpu.memory_space<vmem>>
    %dma_start3A_174 = tpu.memref_slice %arg4[%add3A_165] : memref<131072xf32, #tpu.memory_space<hbm>> -> memref<2048xf32, #tpu.memory_space<hbm>>
    %dma_start3A_175 = arith.constant 0 : i32
    %dma_start3A_176 = tpu.memref_slice %arg9[%dma_start3A_175] : memref<4096xf32, #tpu.memory_space<vmem>> -> memref<2048xf32, #tpu.memory_space<vmem>>
    %dma_start3A_177 = tpu.memref_slice %arg4[%add3A_165] : memref<131072xf32, #tpu.memory_space<hbm>> -> memref<2048xf32, #tpu.memory_space<hbm>>
    tpu.enqueue_dma source(%dma_start3A_177 : memref<2048xf32, #tpu.memory_space<hbm>>) target(%dma_start3A_176 : memref<2048xf32, #tpu.memory_space<vmem>>) target_semaphore(%arg20 : memref<!tpu.dma_semaphore, #tpu.memory_space<semaphore_mem>>)
    %dma_start3A_178 = arith.constant 0 : i32
    %dma_start3A_179 = tpu.memref_slice %arg10[%dma_start3A_178] : memref<4096xi32, #tpu.memory_space<vmem>> -> memref<2048xi32, #tpu.memory_space<vmem>>
    %dma_start3A_180 = tpu.memref_slice %arg5[%add3A_165] : memref<131072xi32, #tpu.memory_space<hbm>> -> memref<2048xi32, #tpu.memory_space<hbm>>
    %dma_start3A_181 = arith.constant 0 : i32
    %dma_start3A_182 = tpu.memref_slice %arg10[%dma_start3A_181] : memref<4096xi32, #tpu.memory_space<vmem>> -> memref<2048xi32, #tpu.memory_space<vmem>>
    %dma_start3A_183 = tpu.memref_slice %arg5[%add3A_165] : memref<131072xi32, #tpu.memory_space<hbm>> -> memref<2048xi32, #tpu.memory_space<hbm>>
    tpu.enqueue_dma source(%dma_start3A_183 : memref<2048xi32, #tpu.memory_space<hbm>>) target(%dma_start3A_182 : memref<2048xi32, #tpu.memory_space<vmem>>) target_semaphore(%arg20 : memref<!tpu.dma_semaphore, #tpu.memory_space<semaphore_mem>>)
    %mul3A_184 = arith.constant 16384 : i32
    %mul3A_185 = arith.muli %select_n3A, %mul3A_184 : i32
    %add3A_186 = arith.constant 2048 : i32
    %add3A_187 = arith.addi %mul3A_185, %add3A_186 : i32
    %dma_wait3A_188 = arith.constant 2048 : i32
    %dma_wait3A_189 = tpu.memref_slice %arg8[%dma_wait3A_188] : memref<4096xi32, #tpu.memory_space<vmem>> -> memref<2048xi32, #tpu.memory_space<vmem>>
    %dma_wait3A_190 = tpu.memref_slice %arg3[%add3A_187] : memref<131072xi32, #tpu.memory_space<hbm>> -> memref<2048xi32, #tpu.memory_space<hbm>>
    %dma_wait3A_191 = arith.constant 2048 : i32
    %dma_wait3A_192 = tpu.memref_slice %arg8[%dma_wait3A_191] : memref<4096xi32, #tpu.memory_space<vmem>> -> memref<2048xi32, #tpu.memory_space<vmem>>
    %dma_wait3A_193 = tpu.memref_slice %arg3[%add3A_187] : memref<131072xi32, #tpu.memory_space<hbm>> -> memref<2048xi32, #tpu.memory_space<hbm>>
    tpu.wait_dma2 semaphore(%arg21 : memref<!tpu.dma_semaphore, #tpu.memory_space<semaphore_mem>>) src(%dma_wait3A_193 : memref<2048xi32, #tpu.memory_space<hbm>>) dst(%dma_wait3A_192 : memref<2048xi32, #tpu.memory_space<vmem>>)
    %dma_wait3A_194 = arith.constant 2048 : i32
    %dma_wait3A_195 = tpu.memref_slice %arg9[%dma_wait3A_194] : memref<4096xf32, #tpu.memory_space<vmem>> -> memref<2048xf32, #tpu.memory_space<vmem>>
    %dma_wait3A_196 = tpu.memref_slice %arg4[%add3A_187] : memref<131072xf32, #tpu.memory_space<hbm>> -> memref<2048xf32, #tpu.memory_space<hbm>>
    %dma_wait3A_197 = arith.constant 2048 : i32
    %dma_wait3A_198 = tpu.memref_slice %arg9[%dma_wait3A_197] : memref<4096xf32, #tpu.memory_space<vmem>> -> memref<2048xf32, #tpu.memory_space<vmem>>
    %dma_wait3A_199 = tpu.memref_slice %arg4[%add3A_187] : memref<131072xf32, #tpu.memory_space<hbm>> -> memref<2048xf32, #tpu.memory_space<hbm>>
    tpu.wait_dma2 semaphore(%arg21 : memref<!tpu.dma_semaphore, #tpu.memory_space<semaphore_mem>>) src(%dma_wait3A_199 : memref<2048xf32, #tpu.memory_space<hbm>>) dst(%dma_wait3A_198 : memref<2048xf32, #tpu.memory_space<vmem>>)
    %dma_wait3A_200 = arith.constant 2048 : i32
    %dma_wait3A_201 = tpu.memref_slice %arg10[%dma_wait3A_200] : memref<4096xi32, #tpu.memory_space<vmem>> -> memref<2048xi32, #tpu.memory_space<vmem>>
    %dma_wait3A_202 = tpu.memref_slice %arg5[%add3A_187] : memref<131072xi32, #tpu.memory_space<hbm>> -> memref<2048xi32, #tpu.memory_space<hbm>>
    %dma_wait3A_203 = arith.constant 2048 : i32
    %dma_wait3A_204 = tpu.memref_slice %arg10[%dma_wait3A_203] : memref<4096xi32, #tpu.memory_space<vmem>> -> memref<2048xi32, #tpu.memory_space<vmem>>
    %dma_wait3A_205 = tpu.memref_slice %arg5[%add3A_187] : memref<131072xi32, #tpu.memory_space<hbm>> -> memref<2048xi32, #tpu.memory_space<hbm>>
    tpu.wait_dma2 semaphore(%arg21 : memref<!tpu.dma_semaphore, #tpu.memory_space<semaphore_mem>>) src(%dma_wait3A_205 : memref<2048xi32, #tpu.memory_space<hbm>>) dst(%dma_wait3A_204 : memref<2048xi32, #tpu.memory_space<vmem>>)
    %scan3A_206 = arith.constant 0 : i32
    %scan3A_207 = arith.constant 64 : i32
    %scan3A_208 = arith.addi %scan3A_206, %scan3A_207 : i32
    %scan3A_209 = arith.constant 1 : i32
    %scan3A_210:2 = scf.for %scan3A_598 = %scan3A_206 to %scan3A_208 step %scan3A_209 iter_args(%scan3A_599 = %scan3A_160#0, %scan3A_600 = %scan3A_160#1) -> (i32, i32)  : i32 {
      %mul3A_601 = arith.constant 2 : i32
      %mul3A_602 = arith.muli %scan3A_598, %mul3A_601 : i32
      %mul3A_603 = arith.constant 16 : i32
      %mul3A_604 = arith.muli %mul3A_602, %mul3A_603 : i32
      %add3A_605 = arith.constant 2048 : i32
      %add3A_606 = arith.addi %add3A_605, %mul3A_604 : i32
      %add3A_607 = arith.constant 0 : i32
      %add3A_608 = arith.addi %add3A_606, %add3A_607 : i32
      %get3A = arith.index_cast %add3A_608 : i32 to index
      %get3A_609 = tpu.vector_load %arg8[%get3A] {strides = array<i32>} : memref<4096xi32, #tpu.memory_space<vmem>>, vector<16xi32>,
      %get3A_610 = arith.index_cast %add3A_608 : i32 to index
      %get3A_611 = tpu.vector_load %arg9[%get3A_610] {strides = array<i32>} : memref<4096xf32, #tpu.memory_space<vmem>>, vector<16xf32>,
      %get3A_612 = arith.index_cast %add3A_608 : i32 to index
      %get3A_613 = tpu.vector_load %arg10[%get3A_612] {strides = array<i32>} : memref<4096xi32, #tpu.memory_space<vmem>>, vector<16xi32>,
      %gt3A = arith.constant 0.949999988 : f32
      %gt3A_614 = vector.broadcast %gt3A : f32 to vector<16xf32>
      %gt3A_615 = arith.cmpf ogt, %get3A_611, %gt3A_614 : vector<16xf32>
      %ne3A_616 = arith.constant 255 : i32
      %ne3A_617 = vector.broadcast %ne3A_616 : i32 to vector<16xi32>
      %ne3A_618 = arith.cmpi ne, %get3A_613, %ne3A_617 : vector<16xi32>
      %and3A_619 = arith.andi %gt3A_615, %ne3A_618 : vector<16xi1>
      %ge3A = arith.constant 0 : i32
      %ge3A_620 = vector.broadcast %ge3A : i32 to vector<16xi32>
      %ge3A_621 = arith.cmpi sge, %get3A_609, %ge3A_620 : vector<16xi32>
      %and3A_622 = arith.andi %and3A_619, %ge3A_621 : vector<16xi1>
      %lt3A_623 = arith.constant 21 : i32
      %lt3A_624 = vector.broadcast %lt3A_623 : i32 to vector<16xi32>
      %lt3A_625 = arith.cmpi slt, %get3A_609, %lt3A_624 : vector<16xi32>
      %and3A_626 = arith.andi %and3A_622, %lt3A_625 : vector<16xi1>
      %jit3A_627 = arith.constant 21 : i32
      %broadcast_in_dim3A_628 = vector.broadcast %jit3A_627 : i32 to vector<16xi32>
      %select_n3A_629 = arith.select %and3A_626, %get3A_609, %broadcast_in_dim3A_628 : vector<16xi1>, vector<16xi32>
      %mul3A_630 = arith.constant 128 : i32
      %mul3A_631 = vector.broadcast %mul3A_630 : i32 to vector<16xi32>
      %mul3A_632 = arith.muli %iota3A, %mul3A_631 : vector<16xi32>
      %add3A_633 = arith.addi %mul3A_632, %select_n3A_629 : vector<16xi32>
      tpu.vector_store_idx %arg14[%add3A_633], %broadcast_in_dim3A_88 {add = true} : memref<2048xf32, #tpu.memory_space<vmem>>[vector<16xi32>], vector<16xf32>,
      %mul3A_634 = arith.constant 16384 : i32
      %mul3A_635 = vector.broadcast %mul3A_634 : i32 to vector<16xi32>
      %mul3A_636 = arith.muli %select_n3A_629, %mul3A_635 : vector<16xi32>
      %mul3A_637 = arith.constant 2 : i32
      %mul3A_638 = arith.muli %scan3A_598, %mul3A_637 : i32
      %mul3A_639 = arith.constant 16 : i32
      %mul3A_640 = arith.muli %mul3A_638, %mul3A_639 : i32
      %add3A_641 = arith.constant 2048 : i32
      %add3A_642 = arith.addi %add3A_641, %mul3A_640 : i32
      %add3A_643 = arith.constant 0 : i32
      %add3A_644 = arith.addi %add3A_642, %add3A_643 : i32
      %add3A_645 = vector.broadcast %add3A_644 : i32 to vector<16xi32>
      %add3A_646 = arith.addi %iota3A, %add3A_645 : vector<16xi32>
      %add3A_647 = arith.addi %mul3A_636, %add3A_646 : vector<16xi32>
      %swap3A_648 = arith.index_cast %scan3A_599 : i32 to index
      %swap3A_649 = tpu.vector_load %arg11[%swap3A_648] masked %and3A_626 {strides = array<i32>} : memref<8224xi32, #tpu.memory_space<vmem>>, vector<16xi32>, vector<16xi1>
      tpu.vector_store %arg11[%swap3A_648], %add3A_647 masked %and3A_626 {strides = array<i32>} : memref<8224xi32, #tpu.memory_space<vmem>>, vector<16xi32>, vector<16xi1>
      %convert_element_type3A_650 = arith.extui %and3A_626 : vector<16xi1> to vector<16xi32>
      %reduce_sum3A = arith.constant true
      %reduce_sum3A_651 = vector.broadcast %reduce_sum3A : i1 to vector<16xi1>
      %reduce_sum3A_652 = tpu.scan <sum>, %convert_element_type3A_650 masked %reduce_sum3A_651 : vector<16xi32>, vector<16xi1> -> vector<16xi32>
      %reduce_sum3A_653 = vector.extract %reduce_sum3A_652[15] : i32 from vector<16xi32>
      %add3A_654 = arith.addi %scan3A_599, %reduce_sum3A_653 : i32
      %mul3A_655 = arith.constant 2 : i32
      %mul3A_656 = arith.muli %scan3A_598, %mul3A_655 : i32
      %mul3A_657 = arith.constant 16 : i32
      %mul3A_658 = arith.muli %mul3A_656, %mul3A_657 : i32
      %add3A_659 = arith.constant 2048 : i32
      %add3A_660 = arith.addi %add3A_659, %mul3A_658 : i32
      %add3A_661 = arith.constant 16 : i32
      %add3A_662 = arith.addi %add3A_660, %add3A_661 : i32
      %get3A_663 = arith.index_cast %add3A_662 : i32 to index
      %get3A_664 = tpu.vector_load %arg8[%get3A_663] {strides = array<i32>} : memref<4096xi32, #tpu.memory_space<vmem>>, vector<16xi32>,
      %get3A_665 = arith.index_cast %add3A_662 : i32 to index
      %get3A_666 = tpu.vector_load %arg9[%get3A_665] {strides = array<i32>} : memref<4096xf32, #tpu.memory_space<vmem>>, vector<16xf32>,
      %get3A_667 = arith.index_cast %add3A_662 : i32 to index
      %get3A_668 = tpu.vector_load %arg10[%get3A_667] {strides = array<i32>} : memref<4096xi32, #tpu.memory_space<vmem>>, vector<16xi32>,
      %gt3A_669 = arith.constant 0.949999988 : f32
      %gt3A_670 = vector.broadcast %gt3A_669 : f32 to vector<16xf32>
      %gt3A_671 = arith.cmpf ogt, %get3A_666, %gt3A_670 : vector<16xf32>
      %ne3A_672 = arith.constant 255 : i32
      %ne3A_673 = vector.broadcast %ne3A_672 : i32 to vector<16xi32>
      %ne3A_674 = arith.cmpi ne, %get3A_668, %ne3A_673 : vector<16xi32>
      %and3A_675 = arith.andi %gt3A_671, %ne3A_674 : vector<16xi1>
      %ge3A_676 = arith.constant 0 : i32
      %ge3A_677 = vector.broadcast %ge3A_676 : i32 to vector<16xi32>
      %ge3A_678 = arith.cmpi sge, %get3A_664, %ge3A_677 : vector<16xi32>
      %and3A_679 = arith.andi %and3A_675, %ge3A_678 : vector<16xi1>
      %lt3A_680 = arith.constant 21 : i32
      %lt3A_681 = vector.broadcast %lt3A_680 : i32 to vector<16xi32>
      %lt3A_682 = arith.cmpi slt, %get3A_664, %lt3A_681 : vector<16xi32>
      %and3A_683 = arith.andi %and3A_679, %lt3A_682 : vector<16xi1>
      %jit3A_684 = arith.constant 21 : i32
      %broadcast_in_dim3A_685 = vector.broadcast %jit3A_684 : i32 to vector<16xi32>
      %select_n3A_686 = arith.select %and3A_683, %get3A_664, %broadcast_in_dim3A_685 : vector<16xi1>, vector<16xi32>
      %mul3A_687 = arith.constant 128 : i32
      %mul3A_688 = vector.broadcast %mul3A_687 : i32 to vector<16xi32>
      %mul3A_689 = arith.muli %iota3A, %mul3A_688 : vector<16xi32>
      %add3A_690 = arith.addi %mul3A_689, %select_n3A_686 : vector<16xi32>
      tpu.vector_store_idx %arg14[%add3A_690], %broadcast_in_dim3A_88 {add = true} : memref<2048xf32, #tpu.memory_space<vmem>>[vector<16xi32>], vector<16xf32>,
      %mul3A_691 = arith.constant 16384 : i32
      %mul3A_692 = vector.broadcast %mul3A_691 : i32 to vector<16xi32>
      %mul3A_693 = arith.muli %select_n3A_686, %mul3A_692 : vector<16xi32>
      %mul3A_694 = arith.constant 2 : i32
      %mul3A_695 = arith.muli %scan3A_598, %mul3A_694 : i32
      %mul3A_696 = arith.constant 16 : i32
      %mul3A_697 = arith.muli %mul3A_695, %mul3A_696 : i32
      %add3A_698 = arith.constant 2048 : i32
      %add3A_699 = arith.addi %add3A_698, %mul3A_697 : i32
      %add3A_700 = arith.constant 16 : i32
      %add3A_701 = arith.addi %add3A_699, %add3A_700 : i32
      %add3A_702 = vector.broadcast %add3A_701 : i32 to vector<16xi32>
      %add3A_703 = arith.addi %iota3A, %add3A_702 : vector<16xi32>
      %add3A_704 = arith.addi %mul3A_693, %add3A_703 : vector<16xi32>
      %swap3A_705 = arith.index_cast %scan3A_600 : i32 to index
      %swap3A_706 = tpu.vector_load %arg12[%swap3A_705] masked %and3A_683 {strides = array<i32>} : memref<8224xi32, #tpu.memory_space<vmem>>, vector<16xi32>, vector<16xi1>
      tpu.vector_store %arg12[%swap3A_705], %add3A_704 masked %and3A_683 {strides = array<i32>} : memref<8224xi32, #tpu.memory_space<vmem>>, vector<16xi32>, vector<16xi1>
      %convert_element_type3A_707 = arith.extui %and3A_683 : vector<16xi1> to vector<16xi32>
      %reduce_sum3A_708 = arith.constant true
      %reduce_sum3A_709 = vector.broadcast %reduce_sum3A_708 : i1 to vector<16xi1>
      %reduce_sum3A_710 = tpu.scan <sum>, %convert_element_type3A_707 masked %reduce_sum3A_709 : vector<16xi32>, vector<16xi1> -> vector<16xi32>
      %reduce_sum3A_711 = vector.extract %reduce_sum3A_710[15] : i32 from vector<16xi32>
      %add3A_712 = arith.addi %scan3A_600, %reduce_sum3A_711 : i32
      scf.yield %add3A_654, %add3A_712 : i32, i32
    }
    %scan3A_211 = arith.constant 64 : i32
    %mul3A_212 = arith.constant 16384 : i32
    %mul3A_213 = arith.muli %select_n3A, %mul3A_212 : i32
    %add3A_214 = arith.constant 6144 : i32
    %add3A_215 = arith.addi %mul3A_213, %add3A_214 : i32
    %dma_start3A_216 = arith.constant 2048 : i32
    %dma_start3A_217 = tpu.memref_slice %arg8[%dma_start3A_216] : memref<4096xi32, #tpu.memory_space<vmem>> -> memref<2048xi32, #tpu.memory_space<vmem>>
    %dma_start3A_218 = tpu.memref_slice %arg3[%add3A_215] : memref<131072xi32, #tpu.memory_space<hbm>> -> memref<2048xi32, #tpu.memory_space<hbm>>
    %dma_start3A_219 = arith.constant 2048 : i32
    %dma_start3A_220 = tpu.memref_slice %arg8[%dma_start3A_219] : memref<4096xi32, #tpu.memory_space<vmem>> -> memref<2048xi32, #tpu.memory_space<vmem>>
    %dma_start3A_221 = tpu.memref_slice %arg3[%add3A_215] : memref<131072xi32, #tpu.memory_space<hbm>> -> memref<2048xi32, #tpu.memory_space<hbm>>
    tpu.enqueue_dma source(%dma_start3A_221 : memref<2048xi32, #tpu.memory_space<hbm>>) target(%dma_start3A_220 : memref<2048xi32, #tpu.memory_space<vmem>>) target_semaphore(%arg21 : memref<!tpu.dma_semaphore, #tpu.memory_space<semaphore_mem>>)
    %dma_start3A_222 = arith.constant 2048 : i32
    %dma_start3A_223 = tpu.memref_slice %arg9[%dma_start3A_222] : memref<4096xf32, #tpu.memory_space<vmem>> -> memref<2048xf32, #tpu.memory_space<vmem>>
    %dma_start3A_224 = tpu.memref_slice %arg4[%add3A_215] : memref<131072xf32, #tpu.memory_space<hbm>> -> memref<2048xf32, #tpu.memory_space<hbm>>
    %dma_start3A_225 = arith.constant 2048 : i32
    %dma_start3A_226 = tpu.memref_slice %arg9[%dma_start3A_225] : memref<4096xf32, #tpu.memory_space<vmem>> -> memref<2048xf32, #tpu.memory_space<vmem>>
    %dma_start3A_227 = tpu.memref_slice %arg4[%add3A_215] : memref<131072xf32, #tpu.memory_space<hbm>> -> memref<2048xf32, #tpu.memory_space<hbm>>
    tpu.enqueue_dma source(%dma_start3A_227 : memref<2048xf32, #tpu.memory_space<hbm>>) target(%dma_start3A_226 : memref<2048xf32, #tpu.memory_space<vmem>>) target_semaphore(%arg21 : memref<!tpu.dma_semaphore, #tpu.memory_space<semaphore_mem>>)
    %dma_start3A_228 = arith.constant 2048 : i32
    %dma_start3A_229 = tpu.memref_slice %arg10[%dma_start3A_228] : memref<4096xi32, #tpu.memory_space<vmem>> -> memref<2048xi32, #tpu.memory_space<vmem>>
    %dma_start3A_230 = tpu.memref_slice %arg5[%add3A_215] : memref<131072xi32, #tpu.memory_space<hbm>> -> memref<2048xi32, #tpu.memory_space<hbm>>
    %dma_start3A_231 = arith.constant 2048 : i32
    %dma_start3A_232 = tpu.memref_slice %arg10[%dma_start3A_231] : memref<4096xi32, #tpu.memory_space<vmem>> -> memref<2048xi32, #tpu.memory_space<vmem>>
    %dma_start3A_233 = tpu.memref_slice %arg5[%add3A_215] : memref<131072xi32, #tpu.memory_space<hbm>> -> memref<2048xi32, #tpu.memory_space<hbm>>
    tpu.enqueue_dma source(%dma_start3A_233 : memref<2048xi32, #tpu.memory_space<hbm>>) target(%dma_start3A_232 : memref<2048xi32, #tpu.memory_space<vmem>>) target_semaphore(%arg21 : memref<!tpu.dma_semaphore, #tpu.memory_space<semaphore_mem>>)
    %mul3A_234 = arith.constant 16384 : i32
    %mul3A_235 = arith.muli %select_n3A, %mul3A_234 : i32
    %add3A_236 = arith.constant 4096 : i32
    %add3A_237 = arith.addi %mul3A_235, %add3A_236 : i32
    %dma_wait3A_238 = arith.constant 0 : i32
    %dma_wait3A_239 = tpu.memref_slice %arg8[%dma_wait3A_238] : memref<4096xi32, #tpu.memory_space<vmem>> -> memref<2048xi32, #tpu.memory_space<vmem>>
    %dma_wait3A_240 = tpu.memref_slice %arg3[%add3A_237] : memref<131072xi32, #tpu.memory_space<hbm>> -> memref<2048xi32, #tpu.memory_space<hbm>>
    %dma_wait3A_241 = arith.constant 0 : i32
    %dma_wait3A_242 = tpu.memref_slice %arg8[%dma_wait3A_241] : memref<4096xi32, #tpu.memory_space<vmem>> -> memref<2048xi32, #tpu.memory_space<vmem>>
    %dma_wait3A_243 = tpu.memref_slice %arg3[%add3A_237] : memref<131072xi32, #tpu.memory_space<hbm>> -> memref<2048xi32, #tpu.memory_space<hbm>>
    tpu.wait_dma2 semaphore(%arg20 : memref<!tpu.dma_semaphore, #tpu.memory_space<semaphore_mem>>) src(%dma_wait3A_243 : memref<2048xi32, #tpu.memory_space<hbm>>) dst(%dma_wait3A_242 : memref<2048xi32, #tpu.memory_space<vmem>>)
    %dma_wait3A_244 = arith.constant 0 : i32
    %dma_wait3A_245 = tpu.memref_slice %arg9[%dma_wait3A_244] : memref<4096xf32, #tpu.memory_space<vmem>> -> memref<2048xf32, #tpu.memory_space<vmem>>
    %dma_wait3A_246 = tpu.memref_slice %arg4[%add3A_237] : memref<131072xf32, #tpu.memory_space<hbm>> -> memref<2048xf32, #tpu.memory_space<hbm>>
    %dma_wait3A_247 = arith.constant 0 : i32
    %dma_wait3A_248 = tpu.memref_slice %arg9[%dma_wait3A_247] : memref<4096xf32, #tpu.memory_space<vmem>> -> memref<2048xf32, #tpu.memory_space<vmem>>
    %dma_wait3A_249 = tpu.memref_slice %arg4[%add3A_237] : memref<131072xf32, #tpu.memory_space<hbm>> -> memref<2048xf32, #tpu.memory_space<hbm>>
    tpu.wait_dma2 semaphore(%arg20 : memref<!tpu.dma_semaphore, #tpu.memory_space<semaphore_mem>>) src(%dma_wait3A_249 : memref<2048xf32, #tpu.memory_space<hbm>>) dst(%dma_wait3A_248 : memref<2048xf32, #tpu.memory_space<vmem>>)
    %dma_wait3A_250 = arith.constant 0 : i32
    %dma_wait3A_251 = tpu.memref_slice %arg10[%dma_wait3A_250] : memref<4096xi32, #tpu.memory_space<vmem>> -> memref<2048xi32, #tpu.memory_space<vmem>>
    %dma_wait3A_252 = tpu.memref_slice %arg5[%add3A_237] : memref<131072xi32, #tpu.memory_space<hbm>> -> memref<2048xi32, #tpu.memory_space<hbm>>
    %dma_wait3A_253 = arith.constant 0 : i32
    %dma_wait3A_254 = tpu.memref_slice %arg10[%dma_wait3A_253] : memref<4096xi32, #tpu.memory_space<vmem>> -> memref<2048xi32, #tpu.memory_space<vmem>>
    %dma_wait3A_255 = tpu.memref_slice %arg5[%add3A_237] : memref<131072xi32, #tpu.memory_space<hbm>> -> memref<2048xi32, #tpu.memory_space<hbm>>
    tpu.wait_dma2 semaphore(%arg20 : memref<!tpu.dma_semaphore, #tpu.memory_space<semaphore_mem>>) src(%dma_wait3A_255 : memref<2048xi32, #tpu.memory_space<hbm>>) dst(%dma_wait3A_254 : memref<2048xi32, #tpu.memory_space<vmem>>)
    %scan3A_256 = arith.constant 0 : i32
    %scan3A_257 = arith.constant 64 : i32
    %scan3A_258 = arith.addi %scan3A_256, %scan3A_257 : i32
    %scan3A_259 = arith.constant 1 : i32
    %scan3A_260:2 = scf.for %scan3A_598 = %scan3A_256 to %scan3A_258 step %scan3A_259 iter_args(%scan3A_599 = %scan3A_210#0, %scan3A_600 = %scan3A_210#1) -> (i32, i32)  : i32 {
      %mul3A_601 = arith.constant 2 : i32
      %mul3A_602 = arith.muli %scan3A_598, %mul3A_601 : i32
      %mul3A_603 = arith.constant 16 : i32
      %mul3A_604 = arith.muli %mul3A_602, %mul3A_603 : i32
      %add3A_605 = arith.constant 0 : i32
      %add3A_606 = arith.addi %add3A_605, %mul3A_604 : i32
      %add3A_607 = arith.constant 0 : i32
      %add3A_608 = arith.addi %add3A_606, %add3A_607 : i32
      %get3A = arith.index_cast %add3A_608 : i32 to index
      %get3A_609 = tpu.vector_load %arg8[%get3A] {strides = array<i32>} : memref<4096xi32, #tpu.memory_space<vmem>>, vector<16xi32>,
      %get3A_610 = arith.index_cast %add3A_608 : i32 to index
      %get3A_611 = tpu.vector_load %arg9[%get3A_610] {strides = array<i32>} : memref<4096xf32, #tpu.memory_space<vmem>>, vector<16xf32>,
      %get3A_612 = arith.index_cast %add3A_608 : i32 to index
      %get3A_613 = tpu.vector_load %arg10[%get3A_612] {strides = array<i32>} : memref<4096xi32, #tpu.memory_space<vmem>>, vector<16xi32>,
      %gt3A = arith.constant 0.949999988 : f32
      %gt3A_614 = vector.broadcast %gt3A : f32 to vector<16xf32>
      %gt3A_615 = arith.cmpf ogt, %get3A_611, %gt3A_614 : vector<16xf32>
      %ne3A_616 = arith.constant 255 : i32
      %ne3A_617 = vector.broadcast %ne3A_616 : i32 to vector<16xi32>
      %ne3A_618 = arith.cmpi ne, %get3A_613, %ne3A_617 : vector<16xi32>
      %and3A_619 = arith.andi %gt3A_615, %ne3A_618 : vector<16xi1>
      %ge3A = arith.constant 0 : i32
      %ge3A_620 = vector.broadcast %ge3A : i32 to vector<16xi32>
      %ge3A_621 = arith.cmpi sge, %get3A_609, %ge3A_620 : vector<16xi32>
      %and3A_622 = arith.andi %and3A_619, %ge3A_621 : vector<16xi1>
      %lt3A_623 = arith.constant 21 : i32
      %lt3A_624 = vector.broadcast %lt3A_623 : i32 to vector<16xi32>
      %lt3A_625 = arith.cmpi slt, %get3A_609, %lt3A_624 : vector<16xi32>
      %and3A_626 = arith.andi %and3A_622, %lt3A_625 : vector<16xi1>
      %jit3A_627 = arith.constant 21 : i32
      %broadcast_in_dim3A_628 = vector.broadcast %jit3A_627 : i32 to vector<16xi32>
      %select_n3A_629 = arith.select %and3A_626, %get3A_609, %broadcast_in_dim3A_628 : vector<16xi1>, vector<16xi32>
      %mul3A_630 = arith.constant 128 : i32
      %mul3A_631 = vector.broadcast %mul3A_630 : i32 to vector<16xi32>
      %mul3A_632 = arith.muli %iota3A, %mul3A_631 : vector<16xi32>
      %add3A_633 = arith.addi %mul3A_632, %select_n3A_629 : vector<16xi32>
      tpu.vector_store_idx %arg14[%add3A_633], %broadcast_in_dim3A_88 {add = true} : memref<2048xf32, #tpu.memory_space<vmem>>[vector<16xi32>], vector<16xf32>,
      %mul3A_634 = arith.constant 16384 : i32
      %mul3A_635 = vector.broadcast %mul3A_634 : i32 to vector<16xi32>
      %mul3A_636 = arith.muli %select_n3A_629, %mul3A_635 : vector<16xi32>
      %mul3A_637 = arith.constant 2 : i32
      %mul3A_638 = arith.muli %scan3A_598, %mul3A_637 : i32
      %mul3A_639 = arith.constant 16 : i32
      %mul3A_640 = arith.muli %mul3A_638, %mul3A_639 : i32
      %add3A_641 = arith.constant 4096 : i32
      %add3A_642 = arith.addi %add3A_641, %mul3A_640 : i32
      %add3A_643 = arith.constant 0 : i32
      %add3A_644 = arith.addi %add3A_642, %add3A_643 : i32
      %add3A_645 = vector.broadcast %add3A_644 : i32 to vector<16xi32>
      %add3A_646 = arith.addi %iota3A, %add3A_645 : vector<16xi32>
      %add3A_647 = arith.addi %mul3A_636, %add3A_646 : vector<16xi32>
      %swap3A_648 = arith.index_cast %scan3A_599 : i32 to index
      %swap3A_649 = tpu.vector_load %arg11[%swap3A_648] masked %and3A_626 {strides = array<i32>} : memref<8224xi32, #tpu.memory_space<vmem>>, vector<16xi32>, vector<16xi1>
      tpu.vector_store %arg11[%swap3A_648], %add3A_647 masked %and3A_626 {strides = array<i32>} : memref<8224xi32, #tpu.memory_space<vmem>>, vector<16xi32>, vector<16xi1>
      %convert_element_type3A_650 = arith.extui %and3A_626 : vector<16xi1> to vector<16xi32>
      %reduce_sum3A = arith.constant true
      %reduce_sum3A_651 = vector.broadcast %reduce_sum3A : i1 to vector<16xi1>
      %reduce_sum3A_652 = tpu.scan <sum>, %convert_element_type3A_650 masked %reduce_sum3A_651 : vector<16xi32>, vector<16xi1> -> vector<16xi32>
      %reduce_sum3A_653 = vector.extract %reduce_sum3A_652[15] : i32 from vector<16xi32>
      %add3A_654 = arith.addi %scan3A_599, %reduce_sum3A_653 : i32
      %mul3A_655 = arith.constant 2 : i32
      %mul3A_656 = arith.muli %scan3A_598, %mul3A_655 : i32
      %mul3A_657 = arith.constant 16 : i32
      %mul3A_658 = arith.muli %mul3A_656, %mul3A_657 : i32
      %add3A_659 = arith.constant 0 : i32
      %add3A_660 = arith.addi %add3A_659, %mul3A_658 : i32
      %add3A_661 = arith.constant 16 : i32
      %add3A_662 = arith.addi %add3A_660, %add3A_661 : i32
      %get3A_663 = arith.index_cast %add3A_662 : i32 to index
      %get3A_664 = tpu.vector_load %arg8[%get3A_663] {strides = array<i32>} : memref<4096xi32, #tpu.memory_space<vmem>>, vector<16xi32>,
      %get3A_665 = arith.index_cast %add3A_662 : i32 to index
      %get3A_666 = tpu.vector_load %arg9[%get3A_665] {strides = array<i32>} : memref<4096xf32, #tpu.memory_space<vmem>>, vector<16xf32>,
      %get3A_667 = arith.index_cast %add3A_662 : i32 to index
      %get3A_668 = tpu.vector_load %arg10[%get3A_667] {strides = array<i32>} : memref<4096xi32, #tpu.memory_space<vmem>>, vector<16xi32>,
      %gt3A_669 = arith.constant 0.949999988 : f32
      %gt3A_670 = vector.broadcast %gt3A_669 : f32 to vector<16xf32>
      %gt3A_671 = arith.cmpf ogt, %get3A_666, %gt3A_670 : vector<16xf32>
      %ne3A_672 = arith.constant 255 : i32
      %ne3A_673 = vector.broadcast %ne3A_672 : i32 to vector<16xi32>
      %ne3A_674 = arith.cmpi ne, %get3A_668, %ne3A_673 : vector<16xi32>
      %and3A_675 = arith.andi %gt3A_671, %ne3A_674 : vector<16xi1>
      %ge3A_676 = arith.constant 0 : i32
      %ge3A_677 = vector.broadcast %ge3A_676 : i32 to vector<16xi32>
      %ge3A_678 = arith.cmpi sge, %get3A_664, %ge3A_677 : vector<16xi32>
      %and3A_679 = arith.andi %and3A_675, %ge3A_678 : vector<16xi1>
      %lt3A_680 = arith.constant 21 : i32
      %lt3A_681 = vector.broadcast %lt3A_680 : i32 to vector<16xi32>
      %lt3A_682 = arith.cmpi slt, %get3A_664, %lt3A_681 : vector<16xi32>
      %and3A_683 = arith.andi %and3A_679, %lt3A_682 : vector<16xi1>
      %jit3A_684 = arith.constant 21 : i32
      %broadcast_in_dim3A_685 = vector.broadcast %jit3A_684 : i32 to vector<16xi32>
      %select_n3A_686 = arith.select %and3A_683, %get3A_664, %broadcast_in_dim3A_685 : vector<16xi1>, vector<16xi32>
      %mul3A_687 = arith.constant 128 : i32
      %mul3A_688 = vector.broadcast %mul3A_687 : i32 to vector<16xi32>
      %mul3A_689 = arith.muli %iota3A, %mul3A_688 : vector<16xi32>
      %add3A_690 = arith.addi %mul3A_689, %select_n3A_686 : vector<16xi32>
      tpu.vector_store_idx %arg14[%add3A_690], %broadcast_in_dim3A_88 {add = true} : memref<2048xf32, #tpu.memory_space<vmem>>[vector<16xi32>], vector<16xf32>,
      %mul3A_691 = arith.constant 16384 : i32
      %mul3A_692 = vector.broadcast %mul3A_691 : i32 to vector<16xi32>
      %mul3A_693 = arith.muli %select_n3A_686, %mul3A_692 : vector<16xi32>
      %mul3A_694 = arith.constant 2 : i32
      %mul3A_695 = arith.muli %scan3A_598, %mul3A_694 : i32
      %mul3A_696 = arith.constant 16 : i32
      %mul3A_697 = arith.muli %mul3A_695, %mul3A_696 : i32
      %add3A_698 = arith.constant 4096 : i32
      %add3A_699 = arith.addi %add3A_698, %mul3A_697 : i32
      %add3A_700 = arith.constant 16 : i32
      %add3A_701 = arith.addi %add3A_699, %add3A_700 : i32
      %add3A_702 = vector.broadcast %add3A_701 : i32 to vector<16xi32>
      %add3A_703 = arith.addi %iota3A, %add3A_702 : vector<16xi32>
      %add3A_704 = arith.addi %mul3A_693, %add3A_703 : vector<16xi32>
      %swap3A_705 = arith.index_cast %scan3A_600 : i32 to index
      %swap3A_706 = tpu.vector_load %arg12[%swap3A_705] masked %and3A_683 {strides = array<i32>} : memref<8224xi32, #tpu.memory_space<vmem>>, vector<16xi32>, vector<16xi1>
      tpu.vector_store %arg12[%swap3A_705], %add3A_704 masked %and3A_683 {strides = array<i32>} : memref<8224xi32, #tpu.memory_space<vmem>>, vector<16xi32>, vector<16xi1>
      %convert_element_type3A_707 = arith.extui %and3A_683 : vector<16xi1> to vector<16xi32>
      %reduce_sum3A_708 = arith.constant true
      %reduce_sum3A_709 = vector.broadcast %reduce_sum3A_708 : i1 to vector<16xi1>
      %reduce_sum3A_710 = tpu.scan <sum>, %convert_element_type3A_707 masked %reduce_sum3A_709 : vector<16xi32>, vector<16xi1> -> vector<16xi32>
      %reduce_sum3A_711 = vector.extract %reduce_sum3A_710[15] : i32 from vector<16xi32>
      %add3A_712 = arith.addi %scan3A_600, %reduce_sum3A_711 : i32
      scf.yield %add3A_654, %add3A_712 : i32, i32
    }
    %scan3A_261 = arith.constant 64 : i32
    %mul3A_262 = arith.constant 16384 : i32
    %mul3A_263 = arith.muli %select_n3A, %mul3A_262 : i32
    %add3A_264 = arith.constant 8192 : i32
    %add3A_265 = arith.addi %mul3A_263, %add3A_264 : i32
    %dma_start3A_266 = arith.constant 0 : i32
    %dma_start3A_267 = tpu.memref_slice %arg8[%dma_start3A_266] : memref<4096xi32, #tpu.memory_space<vmem>> -> memref<2048xi32, #tpu.memory_space<vmem>>
    %dma_start3A_268 = tpu.memref_slice %arg3[%add3A_265] : memref<131072xi32, #tpu.memory_space<hbm>> -> memref<2048xi32, #tpu.memory_space<hbm>>
    %dma_start3A_269 = arith.constant 0 : i32
    %dma_start3A_270 = tpu.memref_slice %arg8[%dma_start3A_269] : memref<4096xi32, #tpu.memory_space<vmem>> -> memref<2048xi32, #tpu.memory_space<vmem>>
    %dma_start3A_271 = tpu.memref_slice %arg3[%add3A_265] : memref<131072xi32, #tpu.memory_space<hbm>> -> memref<2048xi32, #tpu.memory_space<hbm>>
    tpu.enqueue_dma source(%dma_start3A_271 : memref<2048xi32, #tpu.memory_space<hbm>>) target(%dma_start3A_270 : memref<2048xi32, #tpu.memory_space<vmem>>) target_semaphore(%arg20 : memref<!tpu.dma_semaphore, #tpu.memory_space<semaphore_mem>>)
    %dma_start3A_272 = arith.constant 0 : i32
    %dma_start3A_273 = tpu.memref_slice %arg9[%dma_start3A_272] : memref<4096xf32, #tpu.memory_space<vmem>> -> memref<2048xf32, #tpu.memory_space<vmem>>
    %dma_start3A_274 = tpu.memref_slice %arg4[%add3A_265] : memref<131072xf32, #tpu.memory_space<hbm>> -> memref<2048xf32, #tpu.memory_space<hbm>>
    %dma_start3A_275 = arith.constant 0 : i32
    %dma_start3A_276 = tpu.memref_slice %arg9[%dma_start3A_275] : memref<4096xf32, #tpu.memory_space<vmem>> -> memref<2048xf32, #tpu.memory_space<vmem>>
    %dma_start3A_277 = tpu.memref_slice %arg4[%add3A_265] : memref<131072xf32, #tpu.memory_space<hbm>> -> memref<2048xf32, #tpu.memory_space<hbm>>
    tpu.enqueue_dma source(%dma_start3A_277 : memref<2048xf32, #tpu.memory_space<hbm>>) target(%dma_start3A_276 : memref<2048xf32, #tpu.memory_space<vmem>>) target_semaphore(%arg20 : memref<!tpu.dma_semaphore, #tpu.memory_space<semaphore_mem>>)
    %dma_start3A_278 = arith.constant 0 : i32
    %dma_start3A_279 = tpu.memref_slice %arg10[%dma_start3A_278] : memref<4096xi32, #tpu.memory_space<vmem>> -> memref<2048xi32, #tpu.memory_space<vmem>>
    %dma_start3A_280 = tpu.memref_slice %arg5[%add3A_265] : memref<131072xi32, #tpu.memory_space<hbm>> -> memref<2048xi32, #tpu.memory_space<hbm>>
    %dma_start3A_281 = arith.constant 0 : i32
    %dma_start3A_282 = tpu.memref_slice %arg10[%dma_start3A_281] : memref<4096xi32, #tpu.memory_space<vmem>> -> memref<2048xi32, #tpu.memory_space<vmem>>
    %dma_start3A_283 = tpu.memref_slice %arg5[%add3A_265] : memref<131072xi32, #tpu.memory_space<hbm>> -> memref<2048xi32, #tpu.memory_space<hbm>>
    tpu.enqueue_dma source(%dma_start3A_283 : memref<2048xi32, #tpu.memory_space<hbm>>) target(%dma_start3A_282 : memref<2048xi32, #tpu.memory_space<vmem>>) target_semaphore(%arg20 : memref<!tpu.dma_semaphore, #tpu.memory_space<semaphore_mem>>)
    %mul3A_284 = arith.constant 16384 : i32
    %mul3A_285 = arith.muli %select_n3A, %mul3A_284 : i32
    %add3A_286 = arith.constant 6144 : i32
    %add3A_287 = arith.addi %mul3A_285, %add3A_286 : i32
    %dma_wait3A_288 = arith.constant 2048 : i32
    %dma_wait3A_289 = tpu.memref_slice %arg8[%dma_wait3A_288] : memref<4096xi32, #tpu.memory_space<vmem>> -> memref<2048xi32, #tpu.memory_space<vmem>>
    %dma_wait3A_290 = tpu.memref_slice %arg3[%add3A_287] : memref<131072xi32, #tpu.memory_space<hbm>> -> memref<2048xi32, #tpu.memory_space<hbm>>
    %dma_wait3A_291 = arith.constant 2048 : i32
    %dma_wait3A_292 = tpu.memref_slice %arg8[%dma_wait3A_291] : memref<4096xi32, #tpu.memory_space<vmem>> -> memref<2048xi32, #tpu.memory_space<vmem>>
    %dma_wait3A_293 = tpu.memref_slice %arg3[%add3A_287] : memref<131072xi32, #tpu.memory_space<hbm>> -> memref<2048xi32, #tpu.memory_space<hbm>>
    tpu.wait_dma2 semaphore(%arg21 : memref<!tpu.dma_semaphore, #tpu.memory_space<semaphore_mem>>) src(%dma_wait3A_293 : memref<2048xi32, #tpu.memory_space<hbm>>) dst(%dma_wait3A_292 : memref<2048xi32, #tpu.memory_space<vmem>>)
    %dma_wait3A_294 = arith.constant 2048 : i32
    %dma_wait3A_295 = tpu.memref_slice %arg9[%dma_wait3A_294] : memref<4096xf32, #tpu.memory_space<vmem>> -> memref<2048xf32, #tpu.memory_space<vmem>>
    %dma_wait3A_296 = tpu.memref_slice %arg4[%add3A_287] : memref<131072xf32, #tpu.memory_space<hbm>> -> memref<2048xf32, #tpu.memory_space<hbm>>
    %dma_wait3A_297 = arith.constant 2048 : i32
    %dma_wait3A_298 = tpu.memref_slice %arg9[%dma_wait3A_297] : memref<4096xf32, #tpu.memory_space<vmem>> -> memref<2048xf32, #tpu.memory_space<vmem>>
    %dma_wait3A_299 = tpu.memref_slice %arg4[%add3A_287] : memref<131072xf32, #tpu.memory_space<hbm>> -> memref<2048xf32, #tpu.memory_space<hbm>>
    tpu.wait_dma2 semaphore(%arg21 : memref<!tpu.dma_semaphore, #tpu.memory_space<semaphore_mem>>) src(%dma_wait3A_299 : memref<2048xf32, #tpu.memory_space<hbm>>) dst(%dma_wait3A_298 : memref<2048xf32, #tpu.memory_space<vmem>>)
    %dma_wait3A_300 = arith.constant 2048 : i32
    %dma_wait3A_301 = tpu.memref_slice %arg10[%dma_wait3A_300] : memref<4096xi32, #tpu.memory_space<vmem>> -> memref<2048xi32, #tpu.memory_space<vmem>>
    %dma_wait3A_302 = tpu.memref_slice %arg5[%add3A_287] : memref<131072xi32, #tpu.memory_space<hbm>> -> memref<2048xi32, #tpu.memory_space<hbm>>
    %dma_wait3A_303 = arith.constant 2048 : i32
    %dma_wait3A_304 = tpu.memref_slice %arg10[%dma_wait3A_303] : memref<4096xi32, #tpu.memory_space<vmem>> -> memref<2048xi32, #tpu.memory_space<vmem>>
    %dma_wait3A_305 = tpu.memref_slice %arg5[%add3A_287] : memref<131072xi32, #tpu.memory_space<hbm>> -> memref<2048xi32, #tpu.memory_space<hbm>>
    tpu.wait_dma2 semaphore(%arg21 : memref<!tpu.dma_semaphore, #tpu.memory_space<semaphore_mem>>) src(%dma_wait3A_305 : memref<2048xi32, #tpu.memory_space<hbm>>) dst(%dma_wait3A_304 : memref<2048xi32, #tpu.memory_space<vmem>>)
    %scan3A_306 = arith.constant 0 : i32
    %scan3A_307 = arith.constant 64 : i32
    %scan3A_308 = arith.addi %scan3A_306, %scan3A_307 : i32
    %scan3A_309 = arith.constant 1 : i32
    %scan3A_310:2 = scf.for %scan3A_598 = %scan3A_306 to %scan3A_308 step %scan3A_309 iter_args(%scan3A_599 = %scan3A_260#0, %scan3A_600 = %scan3A_260#1) -> (i32, i32)  : i32 {
      %mul3A_601 = arith.constant 2 : i32
      %mul3A_602 = arith.muli %scan3A_598, %mul3A_601 : i32
      %mul3A_603 = arith.constant 16 : i32
      %mul3A_604 = arith.muli %mul3A_602, %mul3A_603 : i32
      %add3A_605 = arith.constant 2048 : i32
      %add3A_606 = arith.addi %add3A_605, %mul3A_604 : i32
      %add3A_607 = arith.constant 0 : i32
      %add3A_608 = arith.addi %add3A_606, %add3A_607 : i32
      %get3A = arith.index_cast %add3A_608 : i32 to index
      %get3A_609 = tpu.vector_load %arg8[%get3A] {strides = array<i32>} : memref<4096xi32, #tpu.memory_space<vmem>>, vector<16xi32>,
      %get3A_610 = arith.index_cast %add3A_608 : i32 to index
      %get3A_611 = tpu.vector_load %arg9[%get3A_610] {strides = array<i32>} : memref<4096xf32, #tpu.memory_space<vmem>>, vector<16xf32>,
      %get3A_612 = arith.index_cast %add3A_608 : i32 to index
      %get3A_613 = tpu.vector_load %arg10[%get3A_612] {strides = array<i32>} : memref<4096xi32, #tpu.memory_space<vmem>>, vector<16xi32>,
      %gt3A = arith.constant 0.949999988 : f32
      %gt3A_614 = vector.broadcast %gt3A : f32 to vector<16xf32>
      %gt3A_615 = arith.cmpf ogt, %get3A_611, %gt3A_614 : vector<16xf32>
      %ne3A_616 = arith.constant 255 : i32
      %ne3A_617 = vector.broadcast %ne3A_616 : i32 to vector<16xi32>
      %ne3A_618 = arith.cmpi ne, %get3A_613, %ne3A_617 : vector<16xi32>
      %and3A_619 = arith.andi %gt3A_615, %ne3A_618 : vector<16xi1>
      %ge3A = arith.constant 0 : i32
      %ge3A_620 = vector.broadcast %ge3A : i32 to vector<16xi32>
      %ge3A_621 = arith.cmpi sge, %get3A_609, %ge3A_620 : vector<16xi32>
      %and3A_622 = arith.andi %and3A_619, %ge3A_621 : vector<16xi1>
      %lt3A_623 = arith.constant 21 : i32
      %lt3A_624 = vector.broadcast %lt3A_623 : i32 to vector<16xi32>
      %lt3A_625 = arith.cmpi slt, %get3A_609, %lt3A_624 : vector<16xi32>
      %and3A_626 = arith.andi %and3A_622, %lt3A_625 : vector<16xi1>
      %jit3A_627 = arith.constant 21 : i32
      %broadcast_in_dim3A_628 = vector.broadcast %jit3A_627 : i32 to vector<16xi32>
      %select_n3A_629 = arith.select %and3A_626, %get3A_609, %broadcast_in_dim3A_628 : vector<16xi1>, vector<16xi32>
      %mul3A_630 = arith.constant 128 : i32
      %mul3A_631 = vector.broadcast %mul3A_630 : i32 to vector<16xi32>
      %mul3A_632 = arith.muli %iota3A, %mul3A_631 : vector<16xi32>
      %add3A_633 = arith.addi %mul3A_632, %select_n3A_629 : vector<16xi32>
      tpu.vector_store_idx %arg14[%add3A_633], %broadcast_in_dim3A_88 {add = true} : memref<2048xf32, #tpu.memory_space<vmem>>[vector<16xi32>], vector<16xf32>,
      %mul3A_634 = arith.constant 16384 : i32
      %mul3A_635 = vector.broadcast %mul3A_634 : i32 to vector<16xi32>
      %mul3A_636 = arith.muli %select_n3A_629, %mul3A_635 : vector<16xi32>
      %mul3A_637 = arith.constant 2 : i32
      %mul3A_638 = arith.muli %scan3A_598, %mul3A_637 : i32
      %mul3A_639 = arith.constant 16 : i32
      %mul3A_640 = arith.muli %mul3A_638, %mul3A_639 : i32
      %add3A_641 = arith.constant 6144 : i32
      %add3A_642 = arith.addi %add3A_641, %mul3A_640 : i32
      %add3A_643 = arith.constant 0 : i32
      %add3A_644 = arith.addi %add3A_642, %add3A_643 : i32
      %add3A_645 = vector.broadcast %add3A_644 : i32 to vector<16xi32>
      %add3A_646 = arith.addi %iota3A, %add3A_645 : vector<16xi32>
      %add3A_647 = arith.addi %mul3A_636, %add3A_646 : vector<16xi32>
      %swap3A_648 = arith.index_cast %scan3A_599 : i32 to index
      %swap3A_649 = tpu.vector_load %arg11[%swap3A_648] masked %and3A_626 {strides = array<i32>} : memref<8224xi32, #tpu.memory_space<vmem>>, vector<16xi32>, vector<16xi1>
      tpu.vector_store %arg11[%swap3A_648], %add3A_647 masked %and3A_626 {strides = array<i32>} : memref<8224xi32, #tpu.memory_space<vmem>>, vector<16xi32>, vector<16xi1>
      %convert_element_type3A_650 = arith.extui %and3A_626 : vector<16xi1> to vector<16xi32>
      %reduce_sum3A = arith.constant true
      %reduce_sum3A_651 = vector.broadcast %reduce_sum3A : i1 to vector<16xi1>
      %reduce_sum3A_652 = tpu.scan <sum>, %convert_element_type3A_650 masked %reduce_sum3A_651 : vector<16xi32>, vector<16xi1> -> vector<16xi32>
      %reduce_sum3A_653 = vector.extract %reduce_sum3A_652[15] : i32 from vector<16xi32>
      %add3A_654 = arith.addi %scan3A_599, %reduce_sum3A_653 : i32
      %mul3A_655 = arith.constant 2 : i32
      %mul3A_656 = arith.muli %scan3A_598, %mul3A_655 : i32
      %mul3A_657 = arith.constant 16 : i32
      %mul3A_658 = arith.muli %mul3A_656, %mul3A_657 : i32
      %add3A_659 = arith.constant 2048 : i32
      %add3A_660 = arith.addi %add3A_659, %mul3A_658 : i32
      %add3A_661 = arith.constant 16 : i32
      %add3A_662 = arith.addi %add3A_660, %add3A_661 : i32
      %get3A_663 = arith.index_cast %add3A_662 : i32 to index
      %get3A_664 = tpu.vector_load %arg8[%get3A_663] {strides = array<i32>} : memref<4096xi32, #tpu.memory_space<vmem>>, vector<16xi32>,
      %get3A_665 = arith.index_cast %add3A_662 : i32 to index
      %get3A_666 = tpu.vector_load %arg9[%get3A_665] {strides = array<i32>} : memref<4096xf32, #tpu.memory_space<vmem>>, vector<16xf32>,
      %get3A_667 = arith.index_cast %add3A_662 : i32 to index
      %get3A_668 = tpu.vector_load %arg10[%get3A_667] {strides = array<i32>} : memref<4096xi32, #tpu.memory_space<vmem>>, vector<16xi32>,
      %gt3A_669 = arith.constant 0.949999988 : f32
      %gt3A_670 = vector.broadcast %gt3A_669 : f32 to vector<16xf32>
      %gt3A_671 = arith.cmpf ogt, %get3A_666, %gt3A_670 : vector<16xf32>
      %ne3A_672 = arith.constant 255 : i32
      %ne3A_673 = vector.broadcast %ne3A_672 : i32 to vector<16xi32>
      %ne3A_674 = arith.cmpi ne, %get3A_668, %ne3A_673 : vector<16xi32>
      %and3A_675 = arith.andi %gt3A_671, %ne3A_674 : vector<16xi1>
      %ge3A_676 = arith.constant 0 : i32
      %ge3A_677 = vector.broadcast %ge3A_676 : i32 to vector<16xi32>
      %ge3A_678 = arith.cmpi sge, %get3A_664, %ge3A_677 : vector<16xi32>
      %and3A_679 = arith.andi %and3A_675, %ge3A_678 : vector<16xi1>
      %lt3A_680 = arith.constant 21 : i32
      %lt3A_681 = vector.broadcast %lt3A_680 : i32 to vector<16xi32>
      %lt3A_682 = arith.cmpi slt, %get3A_664, %lt3A_681 : vector<16xi32>
      %and3A_683 = arith.andi %and3A_679, %lt3A_682 : vector<16xi1>
      %jit3A_684 = arith.constant 21 : i32
      %broadcast_in_dim3A_685 = vector.broadcast %jit3A_684 : i32 to vector<16xi32>
      %select_n3A_686 = arith.select %and3A_683, %get3A_664, %broadcast_in_dim3A_685 : vector<16xi1>, vector<16xi32>
      %mul3A_687 = arith.constant 128 : i32
      %mul3A_688 = vector.broadcast %mul3A_687 : i32 to vector<16xi32>
      %mul3A_689 = arith.muli %iota3A, %mul3A_688 : vector<16xi32>
      %add3A_690 = arith.addi %mul3A_689, %select_n3A_686 : vector<16xi32>
      tpu.vector_store_idx %arg14[%add3A_690], %broadcast_in_dim3A_88 {add = true} : memref<2048xf32, #tpu.memory_space<vmem>>[vector<16xi32>], vector<16xf32>,
      %mul3A_691 = arith.constant 16384 : i32
      %mul3A_692 = vector.broadcast %mul3A_691 : i32 to vector<16xi32>
      %mul3A_693 = arith.muli %select_n3A_686, %mul3A_692 : vector<16xi32>
      %mul3A_694 = arith.constant 2 : i32
      %mul3A_695 = arith.muli %scan3A_598, %mul3A_694 : i32
      %mul3A_696 = arith.constant 16 : i32
      %mul3A_697 = arith.muli %mul3A_695, %mul3A_696 : i32
      %add3A_698 = arith.constant 6144 : i32
      %add3A_699 = arith.addi %add3A_698, %mul3A_697 : i32
      %add3A_700 = arith.constant 16 : i32
      %add3A_701 = arith.addi %add3A_699, %add3A_700 : i32
      %add3A_702 = vector.broadcast %add3A_701 : i32 to vector<16xi32>
      %add3A_703 = arith.addi %iota3A, %add3A_702 : vector<16xi32>
      %add3A_704 = arith.addi %mul3A_693, %add3A_703 : vector<16xi32>
      %swap3A_705 = arith.index_cast %scan3A_600 : i32 to index
      %swap3A_706 = tpu.vector_load %arg12[%swap3A_705] masked %and3A_683 {strides = array<i32>} : memref<8224xi32, #tpu.memory_space<vmem>>, vector<16xi32>, vector<16xi1>
      tpu.vector_store %arg12[%swap3A_705], %add3A_704 masked %and3A_683 {strides = array<i32>} : memref<8224xi32, #tpu.memory_space<vmem>>, vector<16xi32>, vector<16xi1>
      %convert_element_type3A_707 = arith.extui %and3A_683 : vector<16xi1> to vector<16xi32>
      %reduce_sum3A_708 = arith.constant true
      %reduce_sum3A_709 = vector.broadcast %reduce_sum3A_708 : i1 to vector<16xi1>
      %reduce_sum3A_710 = tpu.scan <sum>, %convert_element_type3A_707 masked %reduce_sum3A_709 : vector<16xi32>, vector<16xi1> -> vector<16xi32>
      %reduce_sum3A_711 = vector.extract %reduce_sum3A_710[15] : i32 from vector<16xi32>
      %add3A_712 = arith.addi %scan3A_600, %reduce_sum3A_711 : i32
      scf.yield %add3A_654, %add3A_712 : i32, i32
    }
    %scan3A_311 = arith.constant 64 : i32
    %mul3A_312 = arith.constant 16384 : i32
    %mul3A_313 = arith.muli %select_n3A, %mul3A_312 : i32
    %add3A_314 = arith.constant 10240 : i32
    %add3A_315 = arith.addi %mul3A_313, %add3A_314 : i32
    %dma_start3A_316 = arith.constant 2048 : i32
    %dma_start3A_317 = tpu.memref_slice %arg8[%dma_start3A_316] : memref<4096xi32, #tpu.memory_space<vmem>> -> memref<2048xi32, #tpu.memory_space<vmem>>
    %dma_start3A_318 = tpu.memref_slice %arg3[%add3A_315] : memref<131072xi32, #tpu.memory_space<hbm>> -> memref<2048xi32, #tpu.memory_space<hbm>>
    %dma_start3A_319 = arith.constant 2048 : i32
    %dma_start3A_320 = tpu.memref_slice %arg8[%dma_start3A_319] : memref<4096xi32, #tpu.memory_space<vmem>> -> memref<2048xi32, #tpu.memory_space<vmem>>
    %dma_start3A_321 = tpu.memref_slice %arg3[%add3A_315] : memref<131072xi32, #tpu.memory_space<hbm>> -> memref<2048xi32, #tpu.memory_space<hbm>>
    tpu.enqueue_dma source(%dma_start3A_321 : memref<2048xi32, #tpu.memory_space<hbm>>) target(%dma_start3A_320 : memref<2048xi32, #tpu.memory_space<vmem>>) target_semaphore(%arg21 : memref<!tpu.dma_semaphore, #tpu.memory_space<semaphore_mem>>)
    %dma_start3A_322 = arith.constant 2048 : i32
    %dma_start3A_323 = tpu.memref_slice %arg9[%dma_start3A_322] : memref<4096xf32, #tpu.memory_space<vmem>> -> memref<2048xf32, #tpu.memory_space<vmem>>
    %dma_start3A_324 = tpu.memref_slice %arg4[%add3A_315] : memref<131072xf32, #tpu.memory_space<hbm>> -> memref<2048xf32, #tpu.memory_space<hbm>>
    %dma_start3A_325 = arith.constant 2048 : i32
    %dma_start3A_326 = tpu.memref_slice %arg9[%dma_start3A_325] : memref<4096xf32, #tpu.memory_space<vmem>> -> memref<2048xf32, #tpu.memory_space<vmem>>
    %dma_start3A_327 = tpu.memref_slice %arg4[%add3A_315] : memref<131072xf32, #tpu.memory_space<hbm>> -> memref<2048xf32, #tpu.memory_space<hbm>>
    tpu.enqueue_dma source(%dma_start3A_327 : memref<2048xf32, #tpu.memory_space<hbm>>) target(%dma_start3A_326 : memref<2048xf32, #tpu.memory_space<vmem>>) target_semaphore(%arg21 : memref<!tpu.dma_semaphore, #tpu.memory_space<semaphore_mem>>)
    %dma_start3A_328 = arith.constant 2048 : i32
    %dma_start3A_329 = tpu.memref_slice %arg10[%dma_start3A_328] : memref<4096xi32, #tpu.memory_space<vmem>> -> memref<2048xi32, #tpu.memory_space<vmem>>
    %dma_start3A_330 = tpu.memref_slice %arg5[%add3A_315] : memref<131072xi32, #tpu.memory_space<hbm>> -> memref<2048xi32, #tpu.memory_space<hbm>>
    %dma_start3A_331 = arith.constant 2048 : i32
    %dma_start3A_332 = tpu.memref_slice %arg10[%dma_start3A_331] : memref<4096xi32, #tpu.memory_space<vmem>> -> memref<2048xi32, #tpu.memory_space<vmem>>
    %dma_start3A_333 = tpu.memref_slice %arg5[%add3A_315] : memref<131072xi32, #tpu.memory_space<hbm>> -> memref<2048xi32, #tpu.memory_space<hbm>>
    tpu.enqueue_dma source(%dma_start3A_333 : memref<2048xi32, #tpu.memory_space<hbm>>) target(%dma_start3A_332 : memref<2048xi32, #tpu.memory_space<vmem>>) target_semaphore(%arg21 : memref<!tpu.dma_semaphore, #tpu.memory_space<semaphore_mem>>)
    %mul3A_334 = arith.constant 16384 : i32
    %mul3A_335 = arith.muli %select_n3A, %mul3A_334 : i32
    %add3A_336 = arith.constant 8192 : i32
    %add3A_337 = arith.addi %mul3A_335, %add3A_336 : i32
    %dma_wait3A_338 = arith.constant 0 : i32
    %dma_wait3A_339 = tpu.memref_slice %arg8[%dma_wait3A_338] : memref<4096xi32, #tpu.memory_space<vmem>> -> memref<2048xi32, #tpu.memory_space<vmem>>
    %dma_wait3A_340 = tpu.memref_slice %arg3[%add3A_337] : memref<131072xi32, #tpu.memory_space<hbm>> -> memref<2048xi32, #tpu.memory_space<hbm>>
    %dma_wait3A_341 = arith.constant 0 : i32
    %dma_wait3A_342 = tpu.memref_slice %arg8[%dma_wait3A_341] : memref<4096xi32, #tpu.memory_space<vmem>> -> memref<2048xi32, #tpu.memory_space<vmem>>
    %dma_wait3A_343 = tpu.memref_slice %arg3[%add3A_337] : memref<131072xi32, #tpu.memory_space<hbm>> -> memref<2048xi32, #tpu.memory_space<hbm>>
    tpu.wait_dma2 semaphore(%arg20 : memref<!tpu.dma_semaphore, #tpu.memory_space<semaphore_mem>>) src(%dma_wait3A_343 : memref<2048xi32, #tpu.memory_space<hbm>>) dst(%dma_wait3A_342 : memref<2048xi32, #tpu.memory_space<vmem>>)
    %dma_wait3A_344 = arith.constant 0 : i32
    %dma_wait3A_345 = tpu.memref_slice %arg9[%dma_wait3A_344] : memref<4096xf32, #tpu.memory_space<vmem>> -> memref<2048xf32, #tpu.memory_space<vmem>>
    %dma_wait3A_346 = tpu.memref_slice %arg4[%add3A_337] : memref<131072xf32, #tpu.memory_space<hbm>> -> memref<2048xf32, #tpu.memory_space<hbm>>
    %dma_wait3A_347 = arith.constant 0 : i32
    %dma_wait3A_348 = tpu.memref_slice %arg9[%dma_wait3A_347] : memref<4096xf32, #tpu.memory_space<vmem>> -> memref<2048xf32, #tpu.memory_space<vmem>>
    %dma_wait3A_349 = tpu.memref_slice %arg4[%add3A_337] : memref<131072xf32, #tpu.memory_space<hbm>> -> memref<2048xf32, #tpu.memory_space<hbm>>
    tpu.wait_dma2 semaphore(%arg20 : memref<!tpu.dma_semaphore, #tpu.memory_space<semaphore_mem>>) src(%dma_wait3A_349 : memref<2048xf32, #tpu.memory_space<hbm>>) dst(%dma_wait3A_348 : memref<2048xf32, #tpu.memory_space<vmem>>)
    %dma_wait3A_350 = arith.constant 0 : i32
    %dma_wait3A_351 = tpu.memref_slice %arg10[%dma_wait3A_350] : memref<4096xi32, #tpu.memory_space<vmem>> -> memref<2048xi32, #tpu.memory_space<vmem>>
    %dma_wait3A_352 = tpu.memref_slice %arg5[%add3A_337] : memref<131072xi32, #tpu.memory_space<hbm>> -> memref<2048xi32, #tpu.memory_space<hbm>>
    %dma_wait3A_353 = arith.constant 0 : i32
    %dma_wait3A_354 = tpu.memref_slice %arg10[%dma_wait3A_353] : memref<4096xi32, #tpu.memory_space<vmem>> -> memref<2048xi32, #tpu.memory_space<vmem>>
    %dma_wait3A_355 = tpu.memref_slice %arg5[%add3A_337] : memref<131072xi32, #tpu.memory_space<hbm>> -> memref<2048xi32, #tpu.memory_space<hbm>>
    tpu.wait_dma2 semaphore(%arg20 : memref<!tpu.dma_semaphore, #tpu.memory_space<semaphore_mem>>) src(%dma_wait3A_355 : memref<2048xi32, #tpu.memory_space<hbm>>) dst(%dma_wait3A_354 : memref<2048xi32, #tpu.memory_space<vmem>>)
    %scan3A_356 = arith.constant 0 : i32
    %scan3A_357 = arith.constant 64 : i32
    %scan3A_358 = arith.addi %scan3A_356, %scan3A_357 : i32
    %scan3A_359 = arith.constant 1 : i32
    %scan3A_360:2 = scf.for %scan3A_598 = %scan3A_356 to %scan3A_358 step %scan3A_359 iter_args(%scan3A_599 = %scan3A_310#0, %scan3A_600 = %scan3A_310#1) -> (i32, i32)  : i32 {
      %mul3A_601 = arith.constant 2 : i32
      %mul3A_602 = arith.muli %scan3A_598, %mul3A_601 : i32
      %mul3A_603 = arith.constant 16 : i32
      %mul3A_604 = arith.muli %mul3A_602, %mul3A_603 : i32
      %add3A_605 = arith.constant 0 : i32
      %add3A_606 = arith.addi %add3A_605, %mul3A_604 : i32
      %add3A_607 = arith.constant 0 : i32
      %add3A_608 = arith.addi %add3A_606, %add3A_607 : i32
      %get3A = arith.index_cast %add3A_608 : i32 to index
      %get3A_609 = tpu.vector_load %arg8[%get3A] {strides = array<i32>} : memref<4096xi32, #tpu.memory_space<vmem>>, vector<16xi32>,
      %get3A_610 = arith.index_cast %add3A_608 : i32 to index
      %get3A_611 = tpu.vector_load %arg9[%get3A_610] {strides = array<i32>} : memref<4096xf32, #tpu.memory_space<vmem>>, vector<16xf32>,
      %get3A_612 = arith.index_cast %add3A_608 : i32 to index
      %get3A_613 = tpu.vector_load %arg10[%get3A_612] {strides = array<i32>} : memref<4096xi32, #tpu.memory_space<vmem>>, vector<16xi32>,
      %gt3A = arith.constant 0.949999988 : f32
      %gt3A_614 = vector.broadcast %gt3A : f32 to vector<16xf32>
      %gt3A_615 = arith.cmpf ogt, %get3A_611, %gt3A_614 : vector<16xf32>
      %ne3A_616 = arith.constant 255 : i32
      %ne3A_617 = vector.broadcast %ne3A_616 : i32 to vector<16xi32>
      %ne3A_618 = arith.cmpi ne, %get3A_613, %ne3A_617 : vector<16xi32>
      %and3A_619 = arith.andi %gt3A_615, %ne3A_618 : vector<16xi1>
      %ge3A = arith.constant 0 : i32
      %ge3A_620 = vector.broadcast %ge3A : i32 to vector<16xi32>
      %ge3A_621 = arith.cmpi sge, %get3A_609, %ge3A_620 : vector<16xi32>
      %and3A_622 = arith.andi %and3A_619, %ge3A_621 : vector<16xi1>
      %lt3A_623 = arith.constant 21 : i32
      %lt3A_624 = vector.broadcast %lt3A_623 : i32 to vector<16xi32>
      %lt3A_625 = arith.cmpi slt, %get3A_609, %lt3A_624 : vector<16xi32>
      %and3A_626 = arith.andi %and3A_622, %lt3A_625 : vector<16xi1>
      %jit3A_627 = arith.constant 21 : i32
      %broadcast_in_dim3A_628 = vector.broadcast %jit3A_627 : i32 to vector<16xi32>
      %select_n3A_629 = arith.select %and3A_626, %get3A_609, %broadcast_in_dim3A_628 : vector<16xi1>, vector<16xi32>
      %mul3A_630 = arith.constant 128 : i32
      %mul3A_631 = vector.broadcast %mul3A_630 : i32 to vector<16xi32>
      %mul3A_632 = arith.muli %iota3A, %mul3A_631 : vector<16xi32>
      %add3A_633 = arith.addi %mul3A_632, %select_n3A_629 : vector<16xi32>
      tpu.vector_store_idx %arg14[%add3A_633], %broadcast_in_dim3A_88 {add = true} : memref<2048xf32, #tpu.memory_space<vmem>>[vector<16xi32>], vector<16xf32>,
      %mul3A_634 = arith.constant 16384 : i32
      %mul3A_635 = vector.broadcast %mul3A_634 : i32 to vector<16xi32>
      %mul3A_636 = arith.muli %select_n3A_629, %mul3A_635 : vector<16xi32>
      %mul3A_637 = arith.constant 2 : i32
      %mul3A_638 = arith.muli %scan3A_598, %mul3A_637 : i32
      %mul3A_639 = arith.constant 16 : i32
      %mul3A_640 = arith.muli %mul3A_638, %mul3A_639 : i32
      %add3A_641 = arith.constant 8192 : i32
      %add3A_642 = arith.addi %add3A_641, %mul3A_640 : i32
      %add3A_643 = arith.constant 0 : i32
      %add3A_644 = arith.addi %add3A_642, %add3A_643 : i32
      %add3A_645 = vector.broadcast %add3A_644 : i32 to vector<16xi32>
      %add3A_646 = arith.addi %iota3A, %add3A_645 : vector<16xi32>
      %add3A_647 = arith.addi %mul3A_636, %add3A_646 : vector<16xi32>
      %swap3A_648 = arith.index_cast %scan3A_599 : i32 to index
      %swap3A_649 = tpu.vector_load %arg11[%swap3A_648] masked %and3A_626 {strides = array<i32>} : memref<8224xi32, #tpu.memory_space<vmem>>, vector<16xi32>, vector<16xi1>
      tpu.vector_store %arg11[%swap3A_648], %add3A_647 masked %and3A_626 {strides = array<i32>} : memref<8224xi32, #tpu.memory_space<vmem>>, vector<16xi32>, vector<16xi1>
      %convert_element_type3A_650 = arith.extui %and3A_626 : vector<16xi1> to vector<16xi32>
      %reduce_sum3A = arith.constant true
      %reduce_sum3A_651 = vector.broadcast %reduce_sum3A : i1 to vector<16xi1>
      %reduce_sum3A_652 = tpu.scan <sum>, %convert_element_type3A_650 masked %reduce_sum3A_651 : vector<16xi32>, vector<16xi1> -> vector<16xi32>
      %reduce_sum3A_653 = vector.extract %reduce_sum3A_652[15] : i32 from vector<16xi32>
      %add3A_654 = arith.addi %scan3A_599, %reduce_sum3A_653 : i32
      %mul3A_655 = arith.constant 2 : i32
      %mul3A_656 = arith.muli %scan3A_598, %mul3A_655 : i32
      %mul3A_657 = arith.constant 16 : i32
      %mul3A_658 = arith.muli %mul3A_656, %mul3A_657 : i32
      %add3A_659 = arith.constant 0 : i32
      %add3A_660 = arith.addi %add3A_659, %mul3A_658 : i32
      %add3A_661 = arith.constant 16 : i32
      %add3A_662 = arith.addi %add3A_660, %add3A_661 : i32
      %get3A_663 = arith.index_cast %add3A_662 : i32 to index
      %get3A_664 = tpu.vector_load %arg8[%get3A_663] {strides = array<i32>} : memref<4096xi32, #tpu.memory_space<vmem>>, vector<16xi32>,
      %get3A_665 = arith.index_cast %add3A_662 : i32 to index
      %get3A_666 = tpu.vector_load %arg9[%get3A_665] {strides = array<i32>} : memref<4096xf32, #tpu.memory_space<vmem>>, vector<16xf32>,
      %get3A_667 = arith.index_cast %add3A_662 : i32 to index
      %get3A_668 = tpu.vector_load %arg10[%get3A_667] {strides = array<i32>} : memref<4096xi32, #tpu.memory_space<vmem>>, vector<16xi32>,
      %gt3A_669 = arith.constant 0.949999988 : f32
      %gt3A_670 = vector.broadcast %gt3A_669 : f32 to vector<16xf32>
      %gt3A_671 = arith.cmpf ogt, %get3A_666, %gt3A_670 : vector<16xf32>
      %ne3A_672 = arith.constant 255 : i32
      %ne3A_673 = vector.broadcast %ne3A_672 : i32 to vector<16xi32>
      %ne3A_674 = arith.cmpi ne, %get3A_668, %ne3A_673 : vector<16xi32>
      %and3A_675 = arith.andi %gt3A_671, %ne3A_674 : vector<16xi1>
      %ge3A_676 = arith.constant 0 : i32
      %ge3A_677 = vector.broadcast %ge3A_676 : i32 to vector<16xi32>
      %ge3A_678 = arith.cmpi sge, %get3A_664, %ge3A_677 : vector<16xi32>
      %and3A_679 = arith.andi %and3A_675, %ge3A_678 : vector<16xi1>
      %lt3A_680 = arith.constant 21 : i32
      %lt3A_681 = vector.broadcast %lt3A_680 : i32 to vector<16xi32>
      %lt3A_682 = arith.cmpi slt, %get3A_664, %lt3A_681 : vector<16xi32>
      %and3A_683 = arith.andi %and3A_679, %lt3A_682 : vector<16xi1>
      %jit3A_684 = arith.constant 21 : i32
      %broadcast_in_dim3A_685 = vector.broadcast %jit3A_684 : i32 to vector<16xi32>
      %select_n3A_686 = arith.select %and3A_683, %get3A_664, %broadcast_in_dim3A_685 : vector<16xi1>, vector<16xi32>
      %mul3A_687 = arith.constant 128 : i32
      %mul3A_688 = vector.broadcast %mul3A_687 : i32 to vector<16xi32>
      %mul3A_689 = arith.muli %iota3A, %mul3A_688 : vector<16xi32>
      %add3A_690 = arith.addi %mul3A_689, %select_n3A_686 : vector<16xi32>
      tpu.vector_store_idx %arg14[%add3A_690], %broadcast_in_dim3A_88 {add = true} : memref<2048xf32, #tpu.memory_space<vmem>>[vector<16xi32>], vector<16xf32>,
      %mul3A_691 = arith.constant 16384 : i32
      %mul3A_692 = vector.broadcast %mul3A_691 : i32 to vector<16xi32>
      %mul3A_693 = arith.muli %select_n3A_686, %mul3A_692 : vector<16xi32>
      %mul3A_694 = arith.constant 2 : i32
      %mul3A_695 = arith.muli %scan3A_598, %mul3A_694 : i32
      %mul3A_696 = arith.constant 16 : i32
      %mul3A_697 = arith.muli %mul3A_695, %mul3A_696 : i32
      %add3A_698 = arith.constant 8192 : i32
      %add3A_699 = arith.addi %add3A_698, %mul3A_697 : i32
      %add3A_700 = arith.constant 16 : i32
      %add3A_701 = arith.addi %add3A_699, %add3A_700 : i32
      %add3A_702 = vector.broadcast %add3A_701 : i32 to vector<16xi32>
      %add3A_703 = arith.addi %iota3A, %add3A_702 : vector<16xi32>
      %add3A_704 = arith.addi %mul3A_693, %add3A_703 : vector<16xi32>
      %swap3A_705 = arith.index_cast %scan3A_600 : i32 to index
      %swap3A_706 = tpu.vector_load %arg12[%swap3A_705] masked %and3A_683 {strides = array<i32>} : memref<8224xi32, #tpu.memory_space<vmem>>, vector<16xi32>, vector<16xi1>
      tpu.vector_store %arg12[%swap3A_705], %add3A_704 masked %and3A_683 {strides = array<i32>} : memref<8224xi32, #tpu.memory_space<vmem>>, vector<16xi32>, vector<16xi1>
      %convert_element_type3A_707 = arith.extui %and3A_683 : vector<16xi1> to vector<16xi32>
      %reduce_sum3A_708 = arith.constant true
      %reduce_sum3A_709 = vector.broadcast %reduce_sum3A_708 : i1 to vector<16xi1>
      %reduce_sum3A_710 = tpu.scan <sum>, %convert_element_type3A_707 masked %reduce_sum3A_709 : vector<16xi32>, vector<16xi1> -> vector<16xi32>
      %reduce_sum3A_711 = vector.extract %reduce_sum3A_710[15] : i32 from vector<16xi32>
      %add3A_712 = arith.addi %scan3A_600, %reduce_sum3A_711 : i32
      scf.yield %add3A_654, %add3A_712 : i32, i32
    }
    %scan3A_361 = arith.constant 64 : i32
    %mul3A_362 = arith.constant 16384 : i32
    %mul3A_363 = arith.muli %select_n3A, %mul3A_362 : i32
    %add3A_364 = arith.constant 12288 : i32
    %add3A_365 = arith.addi %mul3A_363, %add3A_364 : i32
    %dma_start3A_366 = arith.constant 0 : i32
    %dma_start3A_367 = tpu.memref_slice %arg8[%dma_start3A_366] : memref<4096xi32, #tpu.memory_space<vmem>> -> memref<2048xi32, #tpu.memory_space<vmem>>
    %dma_start3A_368 = tpu.memref_slice %arg3[%add3A_365] : memref<131072xi32, #tpu.memory_space<hbm>> -> memref<2048xi32, #tpu.memory_space<hbm>>
    %dma_start3A_369 = arith.constant 0 : i32
    %dma_start3A_370 = tpu.memref_slice %arg8[%dma_start3A_369] : memref<4096xi32, #tpu.memory_space<vmem>> -> memref<2048xi32, #tpu.memory_space<vmem>>
    %dma_start3A_371 = tpu.memref_slice %arg3[%add3A_365] : memref<131072xi32, #tpu.memory_space<hbm>> -> memref<2048xi32, #tpu.memory_space<hbm>>
    tpu.enqueue_dma source(%dma_start3A_371 : memref<2048xi32, #tpu.memory_space<hbm>>) target(%dma_start3A_370 : memref<2048xi32, #tpu.memory_space<vmem>>) target_semaphore(%arg20 : memref<!tpu.dma_semaphore, #tpu.memory_space<semaphore_mem>>)
    %dma_start3A_372 = arith.constant 0 : i32
    %dma_start3A_373 = tpu.memref_slice %arg9[%dma_start3A_372] : memref<4096xf32, #tpu.memory_space<vmem>> -> memref<2048xf32, #tpu.memory_space<vmem>>
    %dma_start3A_374 = tpu.memref_slice %arg4[%add3A_365] : memref<131072xf32, #tpu.memory_space<hbm>> -> memref<2048xf32, #tpu.memory_space<hbm>>
    %dma_start3A_375 = arith.constant 0 : i32
    %dma_start3A_376 = tpu.memref_slice %arg9[%dma_start3A_375] : memref<4096xf32, #tpu.memory_space<vmem>> -> memref<2048xf32, #tpu.memory_space<vmem>>
    %dma_start3A_377 = tpu.memref_slice %arg4[%add3A_365] : memref<131072xf32, #tpu.memory_space<hbm>> -> memref<2048xf32, #tpu.memory_space<hbm>>
    tpu.enqueue_dma source(%dma_start3A_377 : memref<2048xf32, #tpu.memory_space<hbm>>) target(%dma_start3A_376 : memref<2048xf32, #tpu.memory_space<vmem>>) target_semaphore(%arg20 : memref<!tpu.dma_semaphore, #tpu.memory_space<semaphore_mem>>)
    %dma_start3A_378 = arith.constant 0 : i32
    %dma_start3A_379 = tpu.memref_slice %arg10[%dma_start3A_378] : memref<4096xi32, #tpu.memory_space<vmem>> -> memref<2048xi32, #tpu.memory_space<vmem>>
    %dma_start3A_380 = tpu.memref_slice %arg5[%add3A_365] : memref<131072xi32, #tpu.memory_space<hbm>> -> memref<2048xi32, #tpu.memory_space<hbm>>
    %dma_start3A_381 = arith.constant 0 : i32
    %dma_start3A_382 = tpu.memref_slice %arg10[%dma_start3A_381] : memref<4096xi32, #tpu.memory_space<vmem>> -> memref<2048xi32, #tpu.memory_space<vmem>>
    %dma_start3A_383 = tpu.memref_slice %arg5[%add3A_365] : memref<131072xi32, #tpu.memory_space<hbm>> -> memref<2048xi32, #tpu.memory_space<hbm>>
    tpu.enqueue_dma source(%dma_start3A_383 : memref<2048xi32, #tpu.memory_space<hbm>>) target(%dma_start3A_382 : memref<2048xi32, #tpu.memory_space<vmem>>) target_semaphore(%arg20 : memref<!tpu.dma_semaphore, #tpu.memory_space<semaphore_mem>>)
    %mul3A_384 = arith.constant 16384 : i32
    %mul3A_385 = arith.muli %select_n3A, %mul3A_384 : i32
    %add3A_386 = arith.constant 10240 : i32
    %add3A_387 = arith.addi %mul3A_385, %add3A_386 : i32
    %dma_wait3A_388 = arith.constant 2048 : i32
    %dma_wait3A_389 = tpu.memref_slice %arg8[%dma_wait3A_388] : memref<4096xi32, #tpu.memory_space<vmem>> -> memref<2048xi32, #tpu.memory_space<vmem>>
    %dma_wait3A_390 = tpu.memref_slice %arg3[%add3A_387] : memref<131072xi32, #tpu.memory_space<hbm>> -> memref<2048xi32, #tpu.memory_space<hbm>>
    %dma_wait3A_391 = arith.constant 2048 : i32
    %dma_wait3A_392 = tpu.memref_slice %arg8[%dma_wait3A_391] : memref<4096xi32, #tpu.memory_space<vmem>> -> memref<2048xi32, #tpu.memory_space<vmem>>
    %dma_wait3A_393 = tpu.memref_slice %arg3[%add3A_387] : memref<131072xi32, #tpu.memory_space<hbm>> -> memref<2048xi32, #tpu.memory_space<hbm>>
    tpu.wait_dma2 semaphore(%arg21 : memref<!tpu.dma_semaphore, #tpu.memory_space<semaphore_mem>>) src(%dma_wait3A_393 : memref<2048xi32, #tpu.memory_space<hbm>>) dst(%dma_wait3A_392 : memref<2048xi32, #tpu.memory_space<vmem>>)
    %dma_wait3A_394 = arith.constant 2048 : i32
    %dma_wait3A_395 = tpu.memref_slice %arg9[%dma_wait3A_394] : memref<4096xf32, #tpu.memory_space<vmem>> -> memref<2048xf32, #tpu.memory_space<vmem>>
    %dma_wait3A_396 = tpu.memref_slice %arg4[%add3A_387] : memref<131072xf32, #tpu.memory_space<hbm>> -> memref<2048xf32, #tpu.memory_space<hbm>>
    %dma_wait3A_397 = arith.constant 2048 : i32
    %dma_wait3A_398 = tpu.memref_slice %arg9[%dma_wait3A_397] : memref<4096xf32, #tpu.memory_space<vmem>> -> memref<2048xf32, #tpu.memory_space<vmem>>
    %dma_wait3A_399 = tpu.memref_slice %arg4[%add3A_387] : memref<131072xf32, #tpu.memory_space<hbm>> -> memref<2048xf32, #tpu.memory_space<hbm>>
    tpu.wait_dma2 semaphore(%arg21 : memref<!tpu.dma_semaphore, #tpu.memory_space<semaphore_mem>>) src(%dma_wait3A_399 : memref<2048xf32, #tpu.memory_space<hbm>>) dst(%dma_wait3A_398 : memref<2048xf32, #tpu.memory_space<vmem>>)
    %dma_wait3A_400 = arith.constant 2048 : i32
    %dma_wait3A_401 = tpu.memref_slice %arg10[%dma_wait3A_400] : memref<4096xi32, #tpu.memory_space<vmem>> -> memref<2048xi32, #tpu.memory_space<vmem>>
    %dma_wait3A_402 = tpu.memref_slice %arg5[%add3A_387] : memref<131072xi32, #tpu.memory_space<hbm>> -> memref<2048xi32, #tpu.memory_space<hbm>>
    %dma_wait3A_403 = arith.constant 2048 : i32
    %dma_wait3A_404 = tpu.memref_slice %arg10[%dma_wait3A_403] : memref<4096xi32, #tpu.memory_space<vmem>> -> memref<2048xi32, #tpu.memory_space<vmem>>
    %dma_wait3A_405 = tpu.memref_slice %arg5[%add3A_387] : memref<131072xi32, #tpu.memory_space<hbm>> -> memref<2048xi32, #tpu.memory_space<hbm>>
    tpu.wait_dma2 semaphore(%arg21 : memref<!tpu.dma_semaphore, #tpu.memory_space<semaphore_mem>>) src(%dma_wait3A_405 : memref<2048xi32, #tpu.memory_space<hbm>>) dst(%dma_wait3A_404 : memref<2048xi32, #tpu.memory_space<vmem>>)
    %scan3A_406 = arith.constant 0 : i32
    %scan3A_407 = arith.constant 64 : i32
    %scan3A_408 = arith.addi %scan3A_406, %scan3A_407 : i32
    %scan3A_409 = arith.constant 1 : i32
    %scan3A_410:2 = scf.for %scan3A_598 = %scan3A_406 to %scan3A_408 step %scan3A_409 iter_args(%scan3A_599 = %scan3A_360#0, %scan3A_600 = %scan3A_360#1) -> (i32, i32)  : i32 {
      %mul3A_601 = arith.constant 2 : i32
      %mul3A_602 = arith.muli %scan3A_598, %mul3A_601 : i32
      %mul3A_603 = arith.constant 16 : i32
      %mul3A_604 = arith.muli %mul3A_602, %mul3A_603 : i32
      %add3A_605 = arith.constant 2048 : i32
      %add3A_606 = arith.addi %add3A_605, %mul3A_604 : i32
      %add3A_607 = arith.constant 0 : i32
      %add3A_608 = arith.addi %add3A_606, %add3A_607 : i32
      %get3A = arith.index_cast %add3A_608 : i32 to index
      %get3A_609 = tpu.vector_load %arg8[%get3A] {strides = array<i32>} : memref<4096xi32, #tpu.memory_space<vmem>>, vector<16xi32>,
      %get3A_610 = arith.index_cast %add3A_608 : i32 to index
      %get3A_611 = tpu.vector_load %arg9[%get3A_610] {strides = array<i32>} : memref<4096xf32, #tpu.memory_space<vmem>>, vector<16xf32>,
      %get3A_612 = arith.index_cast %add3A_608 : i32 to index
      %get3A_613 = tpu.vector_load %arg10[%get3A_612] {strides = array<i32>} : memref<4096xi32, #tpu.memory_space<vmem>>, vector<16xi32>,
      %gt3A = arith.constant 0.949999988 : f32
      %gt3A_614 = vector.broadcast %gt3A : f32 to vector<16xf32>
      %gt3A_615 = arith.cmpf ogt, %get3A_611, %gt3A_614 : vector<16xf32>
      %ne3A_616 = arith.constant 255 : i32
      %ne3A_617 = vector.broadcast %ne3A_616 : i32 to vector<16xi32>
      %ne3A_618 = arith.cmpi ne, %get3A_613, %ne3A_617 : vector<16xi32>
      %and3A_619 = arith.andi %gt3A_615, %ne3A_618 : vector<16xi1>
      %ge3A = arith.constant 0 : i32
      %ge3A_620 = vector.broadcast %ge3A : i32 to vector<16xi32>
      %ge3A_621 = arith.cmpi sge, %get3A_609, %ge3A_620 : vector<16xi32>
      %and3A_622 = arith.andi %and3A_619, %ge3A_621 : vector<16xi1>
      %lt3A_623 = arith.constant 21 : i32
      %lt3A_624 = vector.broadcast %lt3A_623 : i32 to vector<16xi32>
      %lt3A_625 = arith.cmpi slt, %get3A_609, %lt3A_624 : vector<16xi32>
      %and3A_626 = arith.andi %and3A_622, %lt3A_625 : vector<16xi1>
      %jit3A_627 = arith.constant 21 : i32
      %broadcast_in_dim3A_628 = vector.broadcast %jit3A_627 : i32 to vector<16xi32>
      %select_n3A_629 = arith.select %and3A_626, %get3A_609, %broadcast_in_dim3A_628 : vector<16xi1>, vector<16xi32>
      %mul3A_630 = arith.constant 128 : i32
      %mul3A_631 = vector.broadcast %mul3A_630 : i32 to vector<16xi32>
      %mul3A_632 = arith.muli %iota3A, %mul3A_631 : vector<16xi32>
      %add3A_633 = arith.addi %mul3A_632, %select_n3A_629 : vector<16xi32>
      tpu.vector_store_idx %arg14[%add3A_633], %broadcast_in_dim3A_88 {add = true} : memref<2048xf32, #tpu.memory_space<vmem>>[vector<16xi32>], vector<16xf32>,
      %mul3A_634 = arith.constant 16384 : i32
      %mul3A_635 = vector.broadcast %mul3A_634 : i32 to vector<16xi32>
      %mul3A_636 = arith.muli %select_n3A_629, %mul3A_635 : vector<16xi32>
      %mul3A_637 = arith.constant 2 : i32
      %mul3A_638 = arith.muli %scan3A_598, %mul3A_637 : i32
      %mul3A_639 = arith.constant 16 : i32
      %mul3A_640 = arith.muli %mul3A_638, %mul3A_639 : i32
      %add3A_641 = arith.constant 10240 : i32
      %add3A_642 = arith.addi %add3A_641, %mul3A_640 : i32
      %add3A_643 = arith.constant 0 : i32
      %add3A_644 = arith.addi %add3A_642, %add3A_643 : i32
      %add3A_645 = vector.broadcast %add3A_644 : i32 to vector<16xi32>
      %add3A_646 = arith.addi %iota3A, %add3A_645 : vector<16xi32>
      %add3A_647 = arith.addi %mul3A_636, %add3A_646 : vector<16xi32>
      %swap3A_648 = arith.index_cast %scan3A_599 : i32 to index
      %swap3A_649 = tpu.vector_load %arg11[%swap3A_648] masked %and3A_626 {strides = array<i32>} : memref<8224xi32, #tpu.memory_space<vmem>>, vector<16xi32>, vector<16xi1>
      tpu.vector_store %arg11[%swap3A_648], %add3A_647 masked %and3A_626 {strides = array<i32>} : memref<8224xi32, #tpu.memory_space<vmem>>, vector<16xi32>, vector<16xi1>
      %convert_element_type3A_650 = arith.extui %and3A_626 : vector<16xi1> to vector<16xi32>
      %reduce_sum3A = arith.constant true
      %reduce_sum3A_651 = vector.broadcast %reduce_sum3A : i1 to vector<16xi1>
      %reduce_sum3A_652 = tpu.scan <sum>, %convert_element_type3A_650 masked %reduce_sum3A_651 : vector<16xi32>, vector<16xi1> -> vector<16xi32>
      %reduce_sum3A_653 = vector.extract %reduce_sum3A_652[15] : i32 from vector<16xi32>
      %add3A_654 = arith.addi %scan3A_599, %reduce_sum3A_653 : i32
      %mul3A_655 = arith.constant 2 : i32
      %mul3A_656 = arith.muli %scan3A_598, %mul3A_655 : i32
      %mul3A_657 = arith.constant 16 : i32
      %mul3A_658 = arith.muli %mul3A_656, %mul3A_657 : i32
      %add3A_659 = arith.constant 2048 : i32
      %add3A_660 = arith.addi %add3A_659, %mul3A_658 : i32
      %add3A_661 = arith.constant 16 : i32
      %add3A_662 = arith.addi %add3A_660, %add3A_661 : i32
      %get3A_663 = arith.index_cast %add3A_662 : i32 to index
      %get3A_664 = tpu.vector_load %arg8[%get3A_663] {strides = array<i32>} : memref<4096xi32, #tpu.memory_space<vmem>>, vector<16xi32>,
      %get3A_665 = arith.index_cast %add3A_662 : i32 to index
      %get3A_666 = tpu.vector_load %arg9[%get3A_665] {strides = array<i32>} : memref<4096xf32, #tpu.memory_space<vmem>>, vector<16xf32>,
      %get3A_667 = arith.index_cast %add3A_662 : i32 to index
      %get3A_668 = tpu.vector_load %arg10[%get3A_667] {strides = array<i32>} : memref<4096xi32, #tpu.memory_space<vmem>>, vector<16xi32>,
      %gt3A_669 = arith.constant 0.949999988 : f32
      %gt3A_670 = vector.broadcast %gt3A_669 : f32 to vector<16xf32>
      %gt3A_671 = arith.cmpf ogt, %get3A_666, %gt3A_670 : vector<16xf32>
      %ne3A_672 = arith.constant 255 : i32
      %ne3A_673 = vector.broadcast %ne3A_672 : i32 to vector<16xi32>
      %ne3A_674 = arith.cmpi ne, %get3A_668, %ne3A_673 : vector<16xi32>
      %and3A_675 = arith.andi %gt3A_671, %ne3A_674 : vector<16xi1>
      %ge3A_676 = arith.constant 0 : i32
      %ge3A_677 = vector.broadcast %ge3A_676 : i32 to vector<16xi32>
      %ge3A_678 = arith.cmpi sge, %get3A_664, %ge3A_677 : vector<16xi32>
      %and3A_679 = arith.andi %and3A_675, %ge3A_678 : vector<16xi1>
      %lt3A_680 = arith.constant 21 : i32
      %lt3A_681 = vector.broadcast %lt3A_680 : i32 to vector<16xi32>
      %lt3A_682 = arith.cmpi slt, %get3A_664, %lt3A_681 : vector<16xi32>
      %and3A_683 = arith.andi %and3A_679, %lt3A_682 : vector<16xi1>
      %jit3A_684 = arith.constant 21 : i32
      %broadcast_in_dim3A_685 = vector.broadcast %jit3A_684 : i32 to vector<16xi32>
      %select_n3A_686 = arith.select %and3A_683, %get3A_664, %broadcast_in_dim3A_685 : vector<16xi1>, vector<16xi32>
      %mul3A_687 = arith.constant 128 : i32
      %mul3A_688 = vector.broadcast %mul3A_687 : i32 to vector<16xi32>
      %mul3A_689 = arith.muli %iota3A, %mul3A_688 : vector<16xi32>
      %add3A_690 = arith.addi %mul3A_689, %select_n3A_686 : vector<16xi32>
      tpu.vector_store_idx %arg14[%add3A_690], %broadcast_in_dim3A_88 {add = true} : memref<2048xf32, #tpu.memory_space<vmem>>[vector<16xi32>], vector<16xf32>,
      %mul3A_691 = arith.constant 16384 : i32
      %mul3A_692 = vector.broadcast %mul3A_691 : i32 to vector<16xi32>
      %mul3A_693 = arith.muli %select_n3A_686, %mul3A_692 : vector<16xi32>
      %mul3A_694 = arith.constant 2 : i32
      %mul3A_695 = arith.muli %scan3A_598, %mul3A_694 : i32
      %mul3A_696 = arith.constant 16 : i32
      %mul3A_697 = arith.muli %mul3A_695, %mul3A_696 : i32
      %add3A_698 = arith.constant 10240 : i32
      %add3A_699 = arith.addi %add3A_698, %mul3A_697 : i32
      %add3A_700 = arith.constant 16 : i32
      %add3A_701 = arith.addi %add3A_699, %add3A_700 : i32
      %add3A_702 = vector.broadcast %add3A_701 : i32 to vector<16xi32>
      %add3A_703 = arith.addi %iota3A, %add3A_702 : vector<16xi32>
      %add3A_704 = arith.addi %mul3A_693, %add3A_703 : vector<16xi32>
      %swap3A_705 = arith.index_cast %scan3A_600 : i32 to index
      %swap3A_706 = tpu.vector_load %arg12[%swap3A_705] masked %and3A_683 {strides = array<i32>} : memref<8224xi32, #tpu.memory_space<vmem>>, vector<16xi32>, vector<16xi1>
      tpu.vector_store %arg12[%swap3A_705], %add3A_704 masked %and3A_683 {strides = array<i32>} : memref<8224xi32, #tpu.memory_space<vmem>>, vector<16xi32>, vector<16xi1>
      %convert_element_type3A_707 = arith.extui %and3A_683 : vector<16xi1> to vector<16xi32>
      %reduce_sum3A_708 = arith.constant true
      %reduce_sum3A_709 = vector.broadcast %reduce_sum3A_708 : i1 to vector<16xi1>
      %reduce_sum3A_710 = tpu.scan <sum>, %convert_element_type3A_707 masked %reduce_sum3A_709 : vector<16xi32>, vector<16xi1> -> vector<16xi32>
      %reduce_sum3A_711 = vector.extract %reduce_sum3A_710[15] : i32 from vector<16xi32>
      %add3A_712 = arith.addi %scan3A_600, %reduce_sum3A_711 : i32
      scf.yield %add3A_654, %add3A_712 : i32, i32
    }
    %scan3A_411 = arith.constant 64 : i32
    %mul3A_412 = arith.constant 16384 : i32
    %mul3A_413 = arith.muli %select_n3A, %mul3A_412 : i32
    %add3A_414 = arith.constant 14336 : i32
    %add3A_415 = arith.addi %mul3A_413, %add3A_414 : i32
    %dma_start3A_416 = arith.constant 2048 : i32
    %dma_start3A_417 = tpu.memref_slice %arg8[%dma_start3A_416] : memref<4096xi32, #tpu.memory_space<vmem>> -> memref<2048xi32, #tpu.memory_space<vmem>>
    %dma_start3A_418 = tpu.memref_slice %arg3[%add3A_415] : memref<131072xi32, #tpu.memory_space<hbm>> -> memref<2048xi32, #tpu.memory_space<hbm>>
    %dma_start3A_419 = arith.constant 2048 : i32
    %dma_start3A_420 = tpu.memref_slice %arg8[%dma_start3A_419] : memref<4096xi32, #tpu.memory_space<vmem>> -> memref<2048xi32, #tpu.memory_space<vmem>>
    %dma_start3A_421 = tpu.memref_slice %arg3[%add3A_415] : memref<131072xi32, #tpu.memory_space<hbm>> -> memref<2048xi32, #tpu.memory_space<hbm>>
    tpu.enqueue_dma source(%dma_start3A_421 : memref<2048xi32, #tpu.memory_space<hbm>>) target(%dma_start3A_420 : memref<2048xi32, #tpu.memory_space<vmem>>) target_semaphore(%arg21 : memref<!tpu.dma_semaphore, #tpu.memory_space<semaphore_mem>>)
    %dma_start3A_422 = arith.constant 2048 : i32
    %dma_start3A_423 = tpu.memref_slice %arg9[%dma_start3A_422] : memref<4096xf32, #tpu.memory_space<vmem>> -> memref<2048xf32, #tpu.memory_space<vmem>>
    %dma_start3A_424 = tpu.memref_slice %arg4[%add3A_415] : memref<131072xf32, #tpu.memory_space<hbm>> -> memref<2048xf32, #tpu.memory_space<hbm>>
    %dma_start3A_425 = arith.constant 2048 : i32
    %dma_start3A_426 = tpu.memref_slice %arg9[%dma_start3A_425] : memref<4096xf32, #tpu.memory_space<vmem>> -> memref<2048xf32, #tpu.memory_space<vmem>>
    %dma_start3A_427 = tpu.memref_slice %arg4[%add3A_415] : memref<131072xf32, #tpu.memory_space<hbm>> -> memref<2048xf32, #tpu.memory_space<hbm>>
    tpu.enqueue_dma source(%dma_start3A_427 : memref<2048xf32, #tpu.memory_space<hbm>>) target(%dma_start3A_426 : memref<2048xf32, #tpu.memory_space<vmem>>) target_semaphore(%arg21 : memref<!tpu.dma_semaphore, #tpu.memory_space<semaphore_mem>>)
    %dma_start3A_428 = arith.constant 2048 : i32
    %dma_start3A_429 = tpu.memref_slice %arg10[%dma_start3A_428] : memref<4096xi32, #tpu.memory_space<vmem>> -> memref<2048xi32, #tpu.memory_space<vmem>>
    %dma_start3A_430 = tpu.memref_slice %arg5[%add3A_415] : memref<131072xi32, #tpu.memory_space<hbm>> -> memref<2048xi32, #tpu.memory_space<hbm>>
    %dma_start3A_431 = arith.constant 2048 : i32
    %dma_start3A_432 = tpu.memref_slice %arg10[%dma_start3A_431] : memref<4096xi32, #tpu.memory_space<vmem>> -> memref<2048xi32, #tpu.memory_space<vmem>>
    %dma_start3A_433 = tpu.memref_slice %arg5[%add3A_415] : memref<131072xi32, #tpu.memory_space<hbm>> -> memref<2048xi32, #tpu.memory_space<hbm>>
    tpu.enqueue_dma source(%dma_start3A_433 : memref<2048xi32, #tpu.memory_space<hbm>>) target(%dma_start3A_432 : memref<2048xi32, #tpu.memory_space<vmem>>) target_semaphore(%arg21 : memref<!tpu.dma_semaphore, #tpu.memory_space<semaphore_mem>>)
    %mul3A_434 = arith.constant 16384 : i32
    %mul3A_435 = arith.muli %select_n3A, %mul3A_434 : i32
    %add3A_436 = arith.constant 12288 : i32
    %add3A_437 = arith.addi %mul3A_435, %add3A_436 : i32
    %dma_wait3A_438 = arith.constant 0 : i32
    %dma_wait3A_439 = tpu.memref_slice %arg8[%dma_wait3A_438] : memref<4096xi32, #tpu.memory_space<vmem>> -> memref<2048xi32, #tpu.memory_space<vmem>>
    %dma_wait3A_440 = tpu.memref_slice %arg3[%add3A_437] : memref<131072xi32, #tpu.memory_space<hbm>> -> memref<2048xi32, #tpu.memory_space<hbm>>
    %dma_wait3A_441 = arith.constant 0 : i32
    %dma_wait3A_442 = tpu.memref_slice %arg8[%dma_wait3A_441] : memref<4096xi32, #tpu.memory_space<vmem>> -> memref<2048xi32, #tpu.memory_space<vmem>>
    %dma_wait3A_443 = tpu.memref_slice %arg3[%add3A_437] : memref<131072xi32, #tpu.memory_space<hbm>> -> memref<2048xi32, #tpu.memory_space<hbm>>
    tpu.wait_dma2 semaphore(%arg20 : memref<!tpu.dma_semaphore, #tpu.memory_space<semaphore_mem>>) src(%dma_wait3A_443 : memref<2048xi32, #tpu.memory_space<hbm>>) dst(%dma_wait3A_442 : memref<2048xi32, #tpu.memory_space<vmem>>)
    %dma_wait3A_444 = arith.constant 0 : i32
    %dma_wait3A_445 = tpu.memref_slice %arg9[%dma_wait3A_444] : memref<4096xf32, #tpu.memory_space<vmem>> -> memref<2048xf32, #tpu.memory_space<vmem>>
    %dma_wait3A_446 = tpu.memref_slice %arg4[%add3A_437] : memref<131072xf32, #tpu.memory_space<hbm>> -> memref<2048xf32, #tpu.memory_space<hbm>>
    %dma_wait3A_447 = arith.constant 0 : i32
    %dma_wait3A_448 = tpu.memref_slice %arg9[%dma_wait3A_447] : memref<4096xf32, #tpu.memory_space<vmem>> -> memref<2048xf32, #tpu.memory_space<vmem>>
    %dma_wait3A_449 = tpu.memref_slice %arg4[%add3A_437] : memref<131072xf32, #tpu.memory_space<hbm>> -> memref<2048xf32, #tpu.memory_space<hbm>>
    tpu.wait_dma2 semaphore(%arg20 : memref<!tpu.dma_semaphore, #tpu.memory_space<semaphore_mem>>) src(%dma_wait3A_449 : memref<2048xf32, #tpu.memory_space<hbm>>) dst(%dma_wait3A_448 : memref<2048xf32, #tpu.memory_space<vmem>>)
    %dma_wait3A_450 = arith.constant 0 : i32
    %dma_wait3A_451 = tpu.memref_slice %arg10[%dma_wait3A_450] : memref<4096xi32, #tpu.memory_space<vmem>> -> memref<2048xi32, #tpu.memory_space<vmem>>
    %dma_wait3A_452 = tpu.memref_slice %arg5[%add3A_437] : memref<131072xi32, #tpu.memory_space<hbm>> -> memref<2048xi32, #tpu.memory_space<hbm>>
    %dma_wait3A_453 = arith.constant 0 : i32
    %dma_wait3A_454 = tpu.memref_slice %arg10[%dma_wait3A_453] : memref<4096xi32, #tpu.memory_space<vmem>> -> memref<2048xi32, #tpu.memory_space<vmem>>
    %dma_wait3A_455 = tpu.memref_slice %arg5[%add3A_437] : memref<131072xi32, #tpu.memory_space<hbm>> -> memref<2048xi32, #tpu.memory_space<hbm>>
    tpu.wait_dma2 semaphore(%arg20 : memref<!tpu.dma_semaphore, #tpu.memory_space<semaphore_mem>>) src(%dma_wait3A_455 : memref<2048xi32, #tpu.memory_space<hbm>>) dst(%dma_wait3A_454 : memref<2048xi32, #tpu.memory_space<vmem>>)
    %scan3A_456 = arith.constant 0 : i32
    %scan3A_457 = arith.constant 64 : i32
    %scan3A_458 = arith.addi %scan3A_456, %scan3A_457 : i32
    %scan3A_459 = arith.constant 1 : i32
    %scan3A_460:2 = scf.for %scan3A_598 = %scan3A_456 to %scan3A_458 step %scan3A_459 iter_args(%scan3A_599 = %scan3A_410#0, %scan3A_600 = %scan3A_410#1) -> (i32, i32)  : i32 {
      %mul3A_601 = arith.constant 2 : i32
      %mul3A_602 = arith.muli %scan3A_598, %mul3A_601 : i32
      %mul3A_603 = arith.constant 16 : i32
      %mul3A_604 = arith.muli %mul3A_602, %mul3A_603 : i32
      %add3A_605 = arith.constant 0 : i32
      %add3A_606 = arith.addi %add3A_605, %mul3A_604 : i32
      %add3A_607 = arith.constant 0 : i32
      %add3A_608 = arith.addi %add3A_606, %add3A_607 : i32
      %get3A = arith.index_cast %add3A_608 : i32 to index
      %get3A_609 = tpu.vector_load %arg8[%get3A] {strides = array<i32>} : memref<4096xi32, #tpu.memory_space<vmem>>, vector<16xi32>,
      %get3A_610 = arith.index_cast %add3A_608 : i32 to index
      %get3A_611 = tpu.vector_load %arg9[%get3A_610] {strides = array<i32>} : memref<4096xf32, #tpu.memory_space<vmem>>, vector<16xf32>,
      %get3A_612 = arith.index_cast %add3A_608 : i32 to index
      %get3A_613 = tpu.vector_load %arg10[%get3A_612] {strides = array<i32>} : memref<4096xi32, #tpu.memory_space<vmem>>, vector<16xi32>,
      %gt3A = arith.constant 0.949999988 : f32
      %gt3A_614 = vector.broadcast %gt3A : f32 to vector<16xf32>
      %gt3A_615 = arith.cmpf ogt, %get3A_611, %gt3A_614 : vector<16xf32>
      %ne3A_616 = arith.constant 255 : i32
      %ne3A_617 = vector.broadcast %ne3A_616 : i32 to vector<16xi32>
      %ne3A_618 = arith.cmpi ne, %get3A_613, %ne3A_617 : vector<16xi32>
      %and3A_619 = arith.andi %gt3A_615, %ne3A_618 : vector<16xi1>
      %ge3A = arith.constant 0 : i32
      %ge3A_620 = vector.broadcast %ge3A : i32 to vector<16xi32>
      %ge3A_621 = arith.cmpi sge, %get3A_609, %ge3A_620 : vector<16xi32>
      %and3A_622 = arith.andi %and3A_619, %ge3A_621 : vector<16xi1>
      %lt3A_623 = arith.constant 21 : i32
      %lt3A_624 = vector.broadcast %lt3A_623 : i32 to vector<16xi32>
      %lt3A_625 = arith.cmpi slt, %get3A_609, %lt3A_624 : vector<16xi32>
      %and3A_626 = arith.andi %and3A_622, %lt3A_625 : vector<16xi1>
      %jit3A_627 = arith.constant 21 : i32
      %broadcast_in_dim3A_628 = vector.broadcast %jit3A_627 : i32 to vector<16xi32>
      %select_n3A_629 = arith.select %and3A_626, %get3A_609, %broadcast_in_dim3A_628 : vector<16xi1>, vector<16xi32>
      %mul3A_630 = arith.constant 128 : i32
      %mul3A_631 = vector.broadcast %mul3A_630 : i32 to vector<16xi32>
      %mul3A_632 = arith.muli %iota3A, %mul3A_631 : vector<16xi32>
      %add3A_633 = arith.addi %mul3A_632, %select_n3A_629 : vector<16xi32>
      tpu.vector_store_idx %arg14[%add3A_633], %broadcast_in_dim3A_88 {add = true} : memref<2048xf32, #tpu.memory_space<vmem>>[vector<16xi32>], vector<16xf32>,
      %mul3A_634 = arith.constant 16384 : i32
      %mul3A_635 = vector.broadcast %mul3A_634 : i32 to vector<16xi32>
      %mul3A_636 = arith.muli %select_n3A_629, %mul3A_635 : vector<16xi32>
      %mul3A_637 = arith.constant 2 : i32
      %mul3A_638 = arith.muli %scan3A_598, %mul3A_637 : i32
      %mul3A_639 = arith.constant 16 : i32
      %mul3A_640 = arith.muli %mul3A_638, %mul3A_639 : i32
      %add3A_641 = arith.constant 12288 : i32
      %add3A_642 = arith.addi %add3A_641, %mul3A_640 : i32
      %add3A_643 = arith.constant 0 : i32
      %add3A_644 = arith.addi %add3A_642, %add3A_643 : i32
      %add3A_645 = vector.broadcast %add3A_644 : i32 to vector<16xi32>
      %add3A_646 = arith.addi %iota3A, %add3A_645 : vector<16xi32>
      %add3A_647 = arith.addi %mul3A_636, %add3A_646 : vector<16xi32>
      %swap3A_648 = arith.index_cast %scan3A_599 : i32 to index
      %swap3A_649 = tpu.vector_load %arg11[%swap3A_648] masked %and3A_626 {strides = array<i32>} : memref<8224xi32, #tpu.memory_space<vmem>>, vector<16xi32>, vector<16xi1>
      tpu.vector_store %arg11[%swap3A_648], %add3A_647 masked %and3A_626 {strides = array<i32>} : memref<8224xi32, #tpu.memory_space<vmem>>, vector<16xi32>, vector<16xi1>
      %convert_element_type3A_650 = arith.extui %and3A_626 : vector<16xi1> to vector<16xi32>
      %reduce_sum3A = arith.constant true
      %reduce_sum3A_651 = vector.broadcast %reduce_sum3A : i1 to vector<16xi1>
      %reduce_sum3A_652 = tpu.scan <sum>, %convert_element_type3A_650 masked %reduce_sum3A_651 : vector<16xi32>, vector<16xi1> -> vector<16xi32>
      %reduce_sum3A_653 = vector.extract %reduce_sum3A_652[15] : i32 from vector<16xi32>
      %add3A_654 = arith.addi %scan3A_599, %reduce_sum3A_653 : i32
      %mul3A_655 = arith.constant 2 : i32
      %mul3A_656 = arith.muli %scan3A_598, %mul3A_655 : i32
      %mul3A_657 = arith.constant 16 : i32
      %mul3A_658 = arith.muli %mul3A_656, %mul3A_657 : i32
      %add3A_659 = arith.constant 0 : i32
      %add3A_660 = arith.addi %add3A_659, %mul3A_658 : i32
      %add3A_661 = arith.constant 16 : i32
      %add3A_662 = arith.addi %add3A_660, %add3A_661 : i32
      %get3A_663 = arith.index_cast %add3A_662 : i32 to index
      %get3A_664 = tpu.vector_load %arg8[%get3A_663] {strides = array<i32>} : memref<4096xi32, #tpu.memory_space<vmem>>, vector<16xi32>,
      %get3A_665 = arith.index_cast %add3A_662 : i32 to index
      %get3A_666 = tpu.vector_load %arg9[%get3A_665] {strides = array<i32>} : memref<4096xf32, #tpu.memory_space<vmem>>, vector<16xf32>,
      %get3A_667 = arith.index_cast %add3A_662 : i32 to index
      %get3A_668 = tpu.vector_load %arg10[%get3A_667] {strides = array<i32>} : memref<4096xi32, #tpu.memory_space<vmem>>, vector<16xi32>,
      %gt3A_669 = arith.constant 0.949999988 : f32
      %gt3A_670 = vector.broadcast %gt3A_669 : f32 to vector<16xf32>
      %gt3A_671 = arith.cmpf ogt, %get3A_666, %gt3A_670 : vector<16xf32>
      %ne3A_672 = arith.constant 255 : i32
      %ne3A_673 = vector.broadcast %ne3A_672 : i32 to vector<16xi32>
      %ne3A_674 = arith.cmpi ne, %get3A_668, %ne3A_673 : vector<16xi32>
      %and3A_675 = arith.andi %gt3A_671, %ne3A_674 : vector<16xi1>
      %ge3A_676 = arith.constant 0 : i32
      %ge3A_677 = vector.broadcast %ge3A_676 : i32 to vector<16xi32>
      %ge3A_678 = arith.cmpi sge, %get3A_664, %ge3A_677 : vector<16xi32>
      %and3A_679 = arith.andi %and3A_675, %ge3A_678 : vector<16xi1>
      %lt3A_680 = arith.constant 21 : i32
      %lt3A_681 = vector.broadcast %lt3A_680 : i32 to vector<16xi32>
      %lt3A_682 = arith.cmpi slt, %get3A_664, %lt3A_681 : vector<16xi32>
      %and3A_683 = arith.andi %and3A_679, %lt3A_682 : vector<16xi1>
      %jit3A_684 = arith.constant 21 : i32
      %broadcast_in_dim3A_685 = vector.broadcast %jit3A_684 : i32 to vector<16xi32>
      %select_n3A_686 = arith.select %and3A_683, %get3A_664, %broadcast_in_dim3A_685 : vector<16xi1>, vector<16xi32>
      %mul3A_687 = arith.constant 128 : i32
      %mul3A_688 = vector.broadcast %mul3A_687 : i32 to vector<16xi32>
      %mul3A_689 = arith.muli %iota3A, %mul3A_688 : vector<16xi32>
      %add3A_690 = arith.addi %mul3A_689, %select_n3A_686 : vector<16xi32>
      tpu.vector_store_idx %arg14[%add3A_690], %broadcast_in_dim3A_88 {add = true} : memref<2048xf32, #tpu.memory_space<vmem>>[vector<16xi32>], vector<16xf32>,
      %mul3A_691 = arith.constant 16384 : i32
      %mul3A_692 = vector.broadcast %mul3A_691 : i32 to vector<16xi32>
      %mul3A_693 = arith.muli %select_n3A_686, %mul3A_692 : vector<16xi32>
      %mul3A_694 = arith.constant 2 : i32
      %mul3A_695 = arith.muli %scan3A_598, %mul3A_694 : i32
      %mul3A_696 = arith.constant 16 : i32
      %mul3A_697 = arith.muli %mul3A_695, %mul3A_696 : i32
      %add3A_698 = arith.constant 12288 : i32
      %add3A_699 = arith.addi %add3A_698, %mul3A_697 : i32
      %add3A_700 = arith.constant 16 : i32
      %add3A_701 = arith.addi %add3A_699, %add3A_700 : i32
      %add3A_702 = vector.broadcast %add3A_701 : i32 to vector<16xi32>
      %add3A_703 = arith.addi %iota3A, %add3A_702 : vector<16xi32>
      %add3A_704 = arith.addi %mul3A_693, %add3A_703 : vector<16xi32>
      %swap3A_705 = arith.index_cast %scan3A_600 : i32 to index
      %swap3A_706 = tpu.vector_load %arg12[%swap3A_705] masked %and3A_683 {strides = array<i32>} : memref<8224xi32, #tpu.memory_space<vmem>>, vector<16xi32>, vector<16xi1>
      tpu.vector_store %arg12[%swap3A_705], %add3A_704 masked %and3A_683 {strides = array<i32>} : memref<8224xi32, #tpu.memory_space<vmem>>, vector<16xi32>, vector<16xi1>
      %convert_element_type3A_707 = arith.extui %and3A_683 : vector<16xi1> to vector<16xi32>
      %reduce_sum3A_708 = arith.constant true
      %reduce_sum3A_709 = vector.broadcast %reduce_sum3A_708 : i1 to vector<16xi1>
      %reduce_sum3A_710 = tpu.scan <sum>, %convert_element_type3A_707 masked %reduce_sum3A_709 : vector<16xi32>, vector<16xi1> -> vector<16xi32>
      %reduce_sum3A_711 = vector.extract %reduce_sum3A_710[15] : i32 from vector<16xi32>
      %add3A_712 = arith.addi %scan3A_600, %reduce_sum3A_711 : i32
      scf.yield %add3A_654, %add3A_712 : i32, i32
    }
    %scan3A_461 = arith.constant 64 : i32
    %mul3A_462 = arith.constant 16384 : i32
    %mul3A_463 = arith.muli %select_n3A, %mul3A_462 : i32
    %add3A_464 = arith.constant 14336 : i32
    %add3A_465 = arith.addi %mul3A_463, %add3A_464 : i32
    %dma_wait3A_466 = arith.constant 2048 : i32
    %dma_wait3A_467 = tpu.memref_slice %arg8[%dma_wait3A_466] : memref<4096xi32, #tpu.memory_space<vmem>> -> memref<2048xi32, #tpu.memory_space<vmem>>
    %dma_wait3A_468 = tpu.memref_slice %arg3[%add3A_465] : memref<131072xi32, #tpu.memory_space<hbm>> -> memref<2048xi32, #tpu.memory_space<hbm>>
    %dma_wait3A_469 = arith.constant 2048 : i32
    %dma_wait3A_470 = tpu.memref_slice %arg8[%dma_wait3A_469] : memref<4096xi32, #tpu.memory_space<vmem>> -> memref<2048xi32, #tpu.memory_space<vmem>>
    %dma_wait3A_471 = tpu.memref_slice %arg3[%add3A_465] : memref<131072xi32, #tpu.memory_space<hbm>> -> memref<2048xi32, #tpu.memory_space<hbm>>
    tpu.wait_dma2 semaphore(%arg21 : memref<!tpu.dma_semaphore, #tpu.memory_space<semaphore_mem>>) src(%dma_wait3A_471 : memref<2048xi32, #tpu.memory_space<hbm>>) dst(%dma_wait3A_470 : memref<2048xi32, #tpu.memory_space<vmem>>)
    %dma_wait3A_472 = arith.constant 2048 : i32
    %dma_wait3A_473 = tpu.memref_slice %arg9[%dma_wait3A_472] : memref<4096xf32, #tpu.memory_space<vmem>> -> memref<2048xf32, #tpu.memory_space<vmem>>
    %dma_wait3A_474 = tpu.memref_slice %arg4[%add3A_465] : memref<131072xf32, #tpu.memory_space<hbm>> -> memref<2048xf32, #tpu.memory_space<hbm>>
    %dma_wait3A_475 = arith.constant 2048 : i32
    %dma_wait3A_476 = tpu.memref_slice %arg9[%dma_wait3A_475] : memref<4096xf32, #tpu.memory_space<vmem>> -> memref<2048xf32, #tpu.memory_space<vmem>>
    %dma_wait3A_477 = tpu.memref_slice %arg4[%add3A_465] : memref<131072xf32, #tpu.memory_space<hbm>> -> memref<2048xf32, #tpu.memory_space<hbm>>
    tpu.wait_dma2 semaphore(%arg21 : memref<!tpu.dma_semaphore, #tpu.memory_space<semaphore_mem>>) src(%dma_wait3A_477 : memref<2048xf32, #tpu.memory_space<hbm>>) dst(%dma_wait3A_476 : memref<2048xf32, #tpu.memory_space<vmem>>)
    %dma_wait3A_478 = arith.constant 2048 : i32
    %dma_wait3A_479 = tpu.memref_slice %arg10[%dma_wait3A_478] : memref<4096xi32, #tpu.memory_space<vmem>> -> memref<2048xi32, #tpu.memory_space<vmem>>
    %dma_wait3A_480 = tpu.memref_slice %arg5[%add3A_465] : memref<131072xi32, #tpu.memory_space<hbm>> -> memref<2048xi32, #tpu.memory_space<hbm>>
    %dma_wait3A_481 = arith.constant 2048 : i32
    %dma_wait3A_482 = tpu.memref_slice %arg10[%dma_wait3A_481] : memref<4096xi32, #tpu.memory_space<vmem>> -> memref<2048xi32, #tpu.memory_space<vmem>>
    %dma_wait3A_483 = tpu.memref_slice %arg5[%add3A_465] : memref<131072xi32, #tpu.memory_space<hbm>> -> memref<2048xi32, #tpu.memory_space<hbm>>
    tpu.wait_dma2 semaphore(%arg21 : memref<!tpu.dma_semaphore, #tpu.memory_space<semaphore_mem>>) src(%dma_wait3A_483 : memref<2048xi32, #tpu.memory_space<hbm>>) dst(%dma_wait3A_482 : memref<2048xi32, #tpu.memory_space<vmem>>)
    %scan3A_484 = arith.constant 0 : i32
    %scan3A_485 = arith.constant 64 : i32
    %scan3A_486 = arith.addi %scan3A_484, %scan3A_485 : i32
    %scan3A_487 = arith.constant 1 : i32
    %scan3A_488:2 = scf.for %scan3A_598 = %scan3A_484 to %scan3A_486 step %scan3A_487 iter_args(%scan3A_599 = %scan3A_460#0, %scan3A_600 = %scan3A_460#1) -> (i32, i32)  : i32 {
      %mul3A_601 = arith.constant 2 : i32
      %mul3A_602 = arith.muli %scan3A_598, %mul3A_601 : i32
      %mul3A_603 = arith.constant 16 : i32
      %mul3A_604 = arith.muli %mul3A_602, %mul3A_603 : i32
      %add3A_605 = arith.constant 2048 : i32
      %add3A_606 = arith.addi %add3A_605, %mul3A_604 : i32
      %add3A_607 = arith.constant 0 : i32
      %add3A_608 = arith.addi %add3A_606, %add3A_607 : i32
      %get3A = arith.index_cast %add3A_608 : i32 to index
      %get3A_609 = tpu.vector_load %arg8[%get3A] {strides = array<i32>} : memref<4096xi32, #tpu.memory_space<vmem>>, vector<16xi32>,
      %get3A_610 = arith.index_cast %add3A_608 : i32 to index
      %get3A_611 = tpu.vector_load %arg9[%get3A_610] {strides = array<i32>} : memref<4096xf32, #tpu.memory_space<vmem>>, vector<16xf32>,
      %get3A_612 = arith.index_cast %add3A_608 : i32 to index
      %get3A_613 = tpu.vector_load %arg10[%get3A_612] {strides = array<i32>} : memref<4096xi32, #tpu.memory_space<vmem>>, vector<16xi32>,
      %gt3A = arith.constant 0.949999988 : f32
      %gt3A_614 = vector.broadcast %gt3A : f32 to vector<16xf32>
      %gt3A_615 = arith.cmpf ogt, %get3A_611, %gt3A_614 : vector<16xf32>
      %ne3A_616 = arith.constant 255 : i32
      %ne3A_617 = vector.broadcast %ne3A_616 : i32 to vector<16xi32>
      %ne3A_618 = arith.cmpi ne, %get3A_613, %ne3A_617 : vector<16xi32>
      %and3A_619 = arith.andi %gt3A_615, %ne3A_618 : vector<16xi1>
      %ge3A = arith.constant 0 : i32
      %ge3A_620 = vector.broadcast %ge3A : i32 to vector<16xi32>
      %ge3A_621 = arith.cmpi sge, %get3A_609, %ge3A_620 : vector<16xi32>
      %and3A_622 = arith.andi %and3A_619, %ge3A_621 : vector<16xi1>
      %lt3A_623 = arith.constant 21 : i32
      %lt3A_624 = vector.broadcast %lt3A_623 : i32 to vector<16xi32>
      %lt3A_625 = arith.cmpi slt, %get3A_609, %lt3A_624 : vector<16xi32>
      %and3A_626 = arith.andi %and3A_622, %lt3A_625 : vector<16xi1>
      %jit3A_627 = arith.constant 21 : i32
      %broadcast_in_dim3A_628 = vector.broadcast %jit3A_627 : i32 to vector<16xi32>
      %select_n3A_629 = arith.select %and3A_626, %get3A_609, %broadcast_in_dim3A_628 : vector<16xi1>, vector<16xi32>
      %mul3A_630 = arith.constant 128 : i32
      %mul3A_631 = vector.broadcast %mul3A_630 : i32 to vector<16xi32>
      %mul3A_632 = arith.muli %iota3A, %mul3A_631 : vector<16xi32>
      %add3A_633 = arith.addi %mul3A_632, %select_n3A_629 : vector<16xi32>
      tpu.vector_store_idx %arg14[%add3A_633], %broadcast_in_dim3A_88 {add = true} : memref<2048xf32, #tpu.memory_space<vmem>>[vector<16xi32>], vector<16xf32>,
      %mul3A_634 = arith.constant 16384 : i32
      %mul3A_635 = vector.broadcast %mul3A_634 : i32 to vector<16xi32>
      %mul3A_636 = arith.muli %select_n3A_629, %mul3A_635 : vector<16xi32>
      %mul3A_637 = arith.constant 2 : i32
      %mul3A_638 = arith.muli %scan3A_598, %mul3A_637 : i32
      %mul3A_639 = arith.constant 16 : i32
      %mul3A_640 = arith.muli %mul3A_638, %mul3A_639 : i32
      %add3A_641 = arith.constant 14336 : i32
      %add3A_642 = arith.addi %add3A_641, %mul3A_640 : i32
      %add3A_643 = arith.constant 0 : i32
      %add3A_644 = arith.addi %add3A_642, %add3A_643 : i32
      %add3A_645 = vector.broadcast %add3A_644 : i32 to vector<16xi32>
      %add3A_646 = arith.addi %iota3A, %add3A_645 : vector<16xi32>
      %add3A_647 = arith.addi %mul3A_636, %add3A_646 : vector<16xi32>
      %swap3A_648 = arith.index_cast %scan3A_599 : i32 to index
      %swap3A_649 = tpu.vector_load %arg11[%swap3A_648] masked %and3A_626 {strides = array<i32>} : memref<8224xi32, #tpu.memory_space<vmem>>, vector<16xi32>, vector<16xi1>
      tpu.vector_store %arg11[%swap3A_648], %add3A_647 masked %and3A_626 {strides = array<i32>} : memref<8224xi32, #tpu.memory_space<vmem>>, vector<16xi32>, vector<16xi1>
      %convert_element_type3A_650 = arith.extui %and3A_626 : vector<16xi1> to vector<16xi32>
      %reduce_sum3A = arith.constant true
      %reduce_sum3A_651 = vector.broadcast %reduce_sum3A : i1 to vector<16xi1>
      %reduce_sum3A_652 = tpu.scan <sum>, %convert_element_type3A_650 masked %reduce_sum3A_651 : vector<16xi32>, vector<16xi1> -> vector<16xi32>
      %reduce_sum3A_653 = vector.extract %reduce_sum3A_652[15] : i32 from vector<16xi32>
      %add3A_654 = arith.addi %scan3A_599, %reduce_sum3A_653 : i32
      %mul3A_655 = arith.constant 2 : i32
      %mul3A_656 = arith.muli %scan3A_598, %mul3A_655 : i32
      %mul3A_657 = arith.constant 16 : i32
      %mul3A_658 = arith.muli %mul3A_656, %mul3A_657 : i32
      %add3A_659 = arith.constant 2048 : i32
      %add3A_660 = arith.addi %add3A_659, %mul3A_658 : i32
      %add3A_661 = arith.constant 16 : i32
      %add3A_662 = arith.addi %add3A_660, %add3A_661 : i32
      %get3A_663 = arith.index_cast %add3A_662 : i32 to index
      %get3A_664 = tpu.vector_load %arg8[%get3A_663] {strides = array<i32>} : memref<4096xi32, #tpu.memory_space<vmem>>, vector<16xi32>,
      %get3A_665 = arith.index_cast %add3A_662 : i32 to index
      %get3A_666 = tpu.vector_load %arg9[%get3A_665] {strides = array<i32>} : memref<4096xf32, #tpu.memory_space<vmem>>, vector<16xf32>,
      %get3A_667 = arith.index_cast %add3A_662 : i32 to index
      %get3A_668 = tpu.vector_load %arg10[%get3A_667] {strides = array<i32>} : memref<4096xi32, #tpu.memory_space<vmem>>, vector<16xi32>,
      %gt3A_669 = arith.constant 0.949999988 : f32
      %gt3A_670 = vector.broadcast %gt3A_669 : f32 to vector<16xf32>
      %gt3A_671 = arith.cmpf ogt, %get3A_666, %gt3A_670 : vector<16xf32>
      %ne3A_672 = arith.constant 255 : i32
      %ne3A_673 = vector.broadcast %ne3A_672 : i32 to vector<16xi32>
      %ne3A_674 = arith.cmpi ne, %get3A_668, %ne3A_673 : vector<16xi32>
      %and3A_675 = arith.andi %gt3A_671, %ne3A_674 : vector<16xi1>
      %ge3A_676 = arith.constant 0 : i32
      %ge3A_677 = vector.broadcast %ge3A_676 : i32 to vector<16xi32>
      %ge3A_678 = arith.cmpi sge, %get3A_664, %ge3A_677 : vector<16xi32>
      %and3A_679 = arith.andi %and3A_675, %ge3A_678 : vector<16xi1>
      %lt3A_680 = arith.constant 21 : i32
      %lt3A_681 = vector.broadcast %lt3A_680 : i32 to vector<16xi32>
      %lt3A_682 = arith.cmpi slt, %get3A_664, %lt3A_681 : vector<16xi32>
      %and3A_683 = arith.andi %and3A_679, %lt3A_682 : vector<16xi1>
      %jit3A_684 = arith.constant 21 : i32
      %broadcast_in_dim3A_685 = vector.broadcast %jit3A_684 : i32 to vector<16xi32>
      %select_n3A_686 = arith.select %and3A_683, %get3A_664, %broadcast_in_dim3A_685 : vector<16xi1>, vector<16xi32>
      %mul3A_687 = arith.constant 128 : i32
      %mul3A_688 = vector.broadcast %mul3A_687 : i32 to vector<16xi32>
      %mul3A_689 = arith.muli %iota3A, %mul3A_688 : vector<16xi32>
      %add3A_690 = arith.addi %mul3A_689, %select_n3A_686 : vector<16xi32>
      tpu.vector_store_idx %arg14[%add3A_690], %broadcast_in_dim3A_88 {add = true} : memref<2048xf32, #tpu.memory_space<vmem>>[vector<16xi32>], vector<16xf32>,
      %mul3A_691 = arith.constant 16384 : i32
      %mul3A_692 = vector.broadcast %mul3A_691 : i32 to vector<16xi32>
      %mul3A_693 = arith.muli %select_n3A_686, %mul3A_692 : vector<16xi32>
      %mul3A_694 = arith.constant 2 : i32
      %mul3A_695 = arith.muli %scan3A_598, %mul3A_694 : i32
      %mul3A_696 = arith.constant 16 : i32
      %mul3A_697 = arith.muli %mul3A_695, %mul3A_696 : i32
      %add3A_698 = arith.constant 14336 : i32
      %add3A_699 = arith.addi %add3A_698, %mul3A_697 : i32
      %add3A_700 = arith.constant 16 : i32
      %add3A_701 = arith.addi %add3A_699, %add3A_700 : i32
      %add3A_702 = vector.broadcast %add3A_701 : i32 to vector<16xi32>
      %add3A_703 = arith.addi %iota3A, %add3A_702 : vector<16xi32>
      %add3A_704 = arith.addi %mul3A_693, %add3A_703 : vector<16xi32>
      %swap3A_705 = arith.index_cast %scan3A_600 : i32 to index
      %swap3A_706 = tpu.vector_load %arg12[%swap3A_705] masked %and3A_683 {strides = array<i32>} : memref<8224xi32, #tpu.memory_space<vmem>>, vector<16xi32>, vector<16xi1>
      tpu.vector_store %arg12[%swap3A_705], %add3A_704 masked %and3A_683 {strides = array<i32>} : memref<8224xi32, #tpu.memory_space<vmem>>, vector<16xi32>, vector<16xi1>
      %convert_element_type3A_707 = arith.extui %and3A_683 : vector<16xi1> to vector<16xi32>
      %reduce_sum3A_708 = arith.constant true
      %reduce_sum3A_709 = vector.broadcast %reduce_sum3A_708 : i1 to vector<16xi1>
      %reduce_sum3A_710 = tpu.scan <sum>, %convert_element_type3A_707 masked %reduce_sum3A_709 : vector<16xi32>, vector<16xi1> -> vector<16xi32>
      %reduce_sum3A_711 = vector.extract %reduce_sum3A_710[15] : i32 from vector<16xi32>
      %add3A_712 = arith.addi %scan3A_600, %reduce_sum3A_711 : i32
      scf.yield %add3A_654, %add3A_712 : i32, i32
    }
    %scan3A_489 = arith.constant 64 : i32
    %broadcast_in_dim3A_490 = arith.constant 344064 : i32
    %broadcast_in_dim3A_491 = vector.broadcast %broadcast_in_dim3A_490 : i32 to vector<16xi32>
    %swap3A = arith.index_cast %scan3A_488#0 : i32 to index
    %swap3A_492 = tpu.vector_load %arg11[%swap3A] {strides = array<i32>} : memref<8224xi32, #tpu.memory_space<vmem>>, vector<16xi32>,
    tpu.vector_store %arg11[%swap3A], %broadcast_in_dim3A_491 {strides = array<i32>} : memref<8224xi32, #tpu.memory_space<vmem>>, vector<16xi32>,
    %add3A_493 = arith.constant 16 : i32
    %add3A_494 = arith.addi %scan3A_488#0, %add3A_493 : i32
    %swap3A_495 = arith.index_cast %add3A_494 : i32 to index
    %swap3A_496 = tpu.vector_load %arg11[%swap3A_495] {strides = array<i32>} : memref<8224xi32, #tpu.memory_space<vmem>>, vector<16xi32>,
    tpu.vector_store %arg11[%swap3A_495], %broadcast_in_dim3A_491 {strides = array<i32>} : memref<8224xi32, #tpu.memory_space<vmem>>, vector<16xi32>,
    %swap3A_497 = arith.index_cast %scan3A_488#1 : i32 to index
    %swap3A_498 = tpu.vector_load %arg12[%swap3A_497] {strides = array<i32>} : memref<8224xi32, #tpu.memory_space<vmem>>, vector<16xi32>,
    tpu.vector_store %arg12[%swap3A_497], %broadcast_in_dim3A_491 {strides = array<i32>} : memref<8224xi32, #tpu.memory_space<vmem>>, vector<16xi32>,
    %add3A_499 = arith.constant 16 : i32
    %add3A_500 = arith.addi %scan3A_488#1, %add3A_499 : i32
    %swap3A_501 = arith.index_cast %add3A_500 : i32 to index
    %swap3A_502 = tpu.vector_load %arg12[%swap3A_501] {strides = array<i32>} : memref<8224xi32, #tpu.memory_space<vmem>>, vector<16xi32>,
    tpu.vector_store %arg12[%swap3A_501], %broadcast_in_dim3A_491 {strides = array<i32>} : memref<8224xi32, #tpu.memory_space<vmem>>, vector<16xi32>,
    %add3A_503 = arith.constant 32 : i32
    %add3A_504 = arith.addi %scan3A_488#0, %add3A_503 : i32
    %sub3A_505 = arith.constant 1 : i32
    %sub3A_506 = arith.subi %add3A_504, %sub3A_505 : i32
    %jit3A_507 = arith.constant 32 : i32
    %div3A_508 = arith.divsi %sub3A_506, %jit3A_507 : i32
    %sign3A_509 = arith.constant 0 : i32
    %sign3A_510 = arith.cmpi sgt, %sub3A_506, %sign3A_509 : i32
    %sign3A_511 = arith.extui %sign3A_510 : i1 to i32
    %sign3A_512 = arith.constant 0 : i32
    %sign3A_513 = arith.cmpi slt, %sub3A_506, %sign3A_512 : i32
    %sign3A_514 = arith.extui %sign3A_513 : i1 to i32
    %sign3A_515 = arith.subi %sign3A_511, %sign3A_514 : i32
    %sign3A_516 = arith.constant 0 : i32
    %sign3A_517 = arith.cmpi sgt, %jit3A_507, %sign3A_516 : i32
    %sign3A_518 = arith.extui %sign3A_517 : i1 to i32
    %sign3A_519 = arith.constant 0 : i32
    %sign3A_520 = arith.cmpi slt, %jit3A_507, %sign3A_519 : i32
    %sign3A_521 = arith.extui %sign3A_520 : i1 to i32
    %sign3A_522 = arith.subi %sign3A_518, %sign3A_521 : i32
    %ne3A_523 = arith.cmpi ne, %sign3A_515, %sign3A_522 : i32
    %rem3A_524 = arith.remsi %sub3A_506, %jit3A_507 : i32
    %ne3A_525 = arith.constant 0 : i32
    %ne3A_526 = arith.cmpi ne, %rem3A_524, %ne3A_525 : i32
    %and3A_527 = arith.andi %ne3A_523, %ne3A_526 : i1
    %sub3A_528 = arith.constant 1 : i32
    %sub3A_529 = arith.subi %div3A_508, %sub3A_528 : i32
    %select_n3A_530 = arith.select %and3A_527, %sub3A_529, %div3A_508 : i32
    %add3A_531 = arith.constant 32 : i32
    %add3A_532 = arith.addi %scan3A_488#1, %add3A_531 : i32
    %sub3A_533 = arith.constant 1 : i32
    %sub3A_534 = arith.subi %add3A_532, %sub3A_533 : i32
    %jit3A_535 = arith.constant 32 : i32
    %div3A_536 = arith.divsi %sub3A_534, %jit3A_535 : i32
    %sign3A_537 = arith.constant 0 : i32
    %sign3A_538 = arith.cmpi sgt, %sub3A_534, %sign3A_537 : i32
    %sign3A_539 = arith.extui %sign3A_538 : i1 to i32
    %sign3A_540 = arith.constant 0 : i32
    %sign3A_541 = arith.cmpi slt, %sub3A_534, %sign3A_540 : i32
    %sign3A_542 = arith.extui %sign3A_541 : i1 to i32
    %sign3A_543 = arith.subi %sign3A_539, %sign3A_542 : i32
    %sign3A_544 = arith.constant 0 : i32
    %sign3A_545 = arith.cmpi sgt, %jit3A_535, %sign3A_544 : i32
    %sign3A_546 = arith.extui %sign3A_545 : i1 to i32
    %sign3A_547 = arith.constant 0 : i32
    %sign3A_548 = arith.cmpi slt, %jit3A_535, %sign3A_547 : i32
    %sign3A_549 = arith.extui %sign3A_548 : i1 to i32
    %sign3A_550 = arith.subi %sign3A_546, %sign3A_549 : i32
    %ne3A_551 = arith.cmpi ne, %sign3A_543, %sign3A_550 : i32
    %rem3A_552 = arith.remsi %sub3A_534, %jit3A_535 : i32
    %ne3A_553 = arith.constant 0 : i32
    %ne3A_554 = arith.cmpi ne, %rem3A_552, %ne3A_553 : i32
    %and3A_555 = arith.andi %ne3A_551, %ne3A_554 : i1
    %sub3A_556 = arith.constant 1 : i32
    %sub3A_557 = arith.subi %div3A_536, %sub3A_556 : i32
    %select_n3A_558 = arith.select %and3A_555, %sub3A_557, %div3A_536 : i32
    %mul3A_559 = arith.constant 1408 : i32
    %mul3A_560 = vector.broadcast %mul3A_559 : i32 to vector<16xi32>
    %mul3A_561 = arith.muli %iota3A, %mul3A_560 : vector<16xi32>
    %mul3A_562 = arith.constant 256 : i32
    %mul3A_563 = arith.muli %select_n3A, %mul3A_562 : i32
    %mul3A_564 = arith.constant 64 : i32
    %mul3A_565 = arith.muli %select_n3A_30, %mul3A_564 : i32
    %add3A_566 = arith.addi %mul3A_563, %mul3A_565 : i32
    %add3A_567 = arith.constant 3 : i32
    %add3A_568 = arith.addi %add3A_566, %add3A_567 : i32
    %mul3A_569 = arith.constant 16384 : i32
    %mul3A_570 = arith.muli %add3A_568, %mul3A_569 : i32
    %dma_start3A_571 = arith.constant 49152 : i32
    %dma_start3A_572 = tpu.memref_slice %arg15[%dma_start3A_571] : memref<65536xf32, #tpu.memory_space<vmem>> -> memref<16384xf32, #tpu.memory_space<vmem>>
    %dma_start3A_573 = tpu.memref_slice %arg2[%mul3A_570] : memref<33554432xf32, #tpu.memory_space<hbm>> -> memref<16384xf32, #tpu.memory_space<hbm>>
    %dma_start3A_574 = arith.constant 49152 : i32
    %dma_start3A_575 = tpu.memref_slice %arg15[%dma_start3A_574] : memref<65536xf32, #tpu.memory_space<vmem>> -> memref<16384xf32, #tpu.memory_space<vmem>>
    %dma_start3A_576 = tpu.memref_slice %arg2[%mul3A_570] : memref<33554432xf32, #tpu.memory_space<hbm>> -> memref<16384xf32, #tpu.memory_space<hbm>>
    tpu.enqueue_dma source(%dma_start3A_576 : memref<16384xf32, #tpu.memory_space<hbm>>) target(%dma_start3A_575 : memref<16384xf32, #tpu.memory_space<vmem>>) target_semaphore(%arg19 : memref<!tpu.dma_semaphore, #tpu.memory_space<semaphore_mem>>)
    %scan3A_577 = arith.constant 0 : i32
    %scan3A_578 = arith.constant 0 : i32
    %scan3A_579 = arith.constant 16 : i32
    %scan3A_580 = arith.addi %scan3A_578, %scan3A_579 : i32
    %scan3A_581 = arith.constant 1 : i32
    scf.for %scan3A_598 = %scan3A_578 to %scan3A_580 step %scan3A_581  : i32 {
      %mul3A_599 = arith.constant 4 : i32
      %mul3A_600 = arith.muli %mul3A_599, %scan3A_598 : i32
      %add3A_601 = arith.constant 0 : i32
      %add3A_602 = arith.addi %mul3A_600, %add3A_601 : i32
      %mul3A_603 = arith.constant 256 : i32
      %mul3A_604 = arith.muli %select_n3A, %mul3A_603 : i32
      %mul3A_605 = arith.constant 64 : i32
      %mul3A_606 = arith.muli %select_n3A_30, %mul3A_605 : i32
      %add3A_607 = arith.addi %mul3A_604, %mul3A_606 : i32
      %add3A_608 = arith.addi %add3A_607, %add3A_602 : i32
      %mul3A_609 = arith.constant 16384 : i32
      %mul3A_610 = arith.muli %add3A_608, %mul3A_609 : i32
      %dma_wait3A_611 = arith.constant 0 : i32
      %dma_wait3A_612 = tpu.memref_slice %arg15[%dma_wait3A_611] : memref<65536xf32, #tpu.memory_space<vmem>> -> memref<16384xf32, #tpu.memory_space<vmem>>
      %dma_wait3A_613 = tpu.memref_slice %arg2[%mul3A_610] : memref<33554432xf32, #tpu.memory_space<hbm>> -> memref<16384xf32, #tpu.memory_space<hbm>>
      %dma_wait3A_614 = arith.constant 0 : i32
      %dma_wait3A_615 = tpu.memref_slice %arg15[%dma_wait3A_614] : memref<65536xf32, #tpu.memory_space<vmem>> -> memref<16384xf32, #tpu.memory_space<vmem>>
      %dma_wait3A_616 = tpu.memref_slice %arg2[%mul3A_610] : memref<33554432xf32, #tpu.memory_space<hbm>> -> memref<16384xf32, #tpu.memory_space<hbm>>
      tpu.wait_dma2 semaphore(%arg16 : memref<!tpu.dma_semaphore, #tpu.memory_space<semaphore_mem>>) src(%dma_wait3A_616 : memref<16384xf32, #tpu.memory_space<hbm>>) dst(%dma_wait3A_615 : memref<16384xf32, #tpu.memory_space<vmem>>)
      %add3A_617 = vector.broadcast %add3A_602 : i32 to vector<16xi32>
      %add3A_618 = arith.addi %mul3A_561, %add3A_617 : vector<16xi32>
      %while3A = arith.constant 0 : i32
      %while3A_619 = arith.constant 0 : i32
      %while3A_620 = arith.subi %select_n3A_530, %while3A_619 : i32
      %while3A_621 = arith.addi %while3A_619, %while3A_620 : i32
      %while3A_622 = arith.constant 1 : i32
      %while3A_623 = arith.divsi %while3A_620, %while3A_622 : i32
      %while3A_624 = arith.muli %while3A_623, %while3A_622 : i32
      %while3A_625 = arith.addi %while3A_619, %while3A_624 : i32
      %while3A_626 = arith.constant 1 : i32
      scf.for %while3A_786 = %while3A_619 to %while3A_625 step %while3A_626  : i32 {
        %mul3A_787 = arith.constant 2 : i32
        %mul3A_788 = arith.muli %while3A_786, %mul3A_787 : i32
        %mul3A_789 = arith.constant 16 : i32
        %mul3A_790 = arith.muli %mul3A_788, %mul3A_789 : i32
        %add3A_791 = arith.constant 0 : i32
        %add3A_792 = arith.addi %mul3A_790, %add3A_791 : i32
        %get3A = arith.index_cast %add3A_792 : i32 to index
        %get3A_793 = tpu.vector_load %arg11[%get3A] {strides = array<i32>} : memref<8224xi32, #tpu.memory_space<vmem>>, vector<16xi32>,
        %and3A_794 = arith.constant 16383 : i32
        %and3A_795 = vector.broadcast %and3A_794 : i32 to vector<16xi32>
        %and3A_796 = arith.andi %get3A_793, %and3A_795 : vector<16xi32>
        %and3A_797 = arith.constant -16384 : i32
        %and3A_798 = vector.broadcast %and3A_797 : i32 to vector<16xi32>
        %and3A_799 = arith.andi %get3A_793, %and3A_798 : vector<16xi32>
        %shift_right_logical3A = arith.constant 8 : i32
        %shift_right_logical3A_800 = vector.broadcast %shift_right_logical3A : i32 to vector<16xi32>
        %shift_right_logical3A_801 = arith.shrui %and3A_799, %shift_right_logical3A_800 : vector<16xi32>
        %gather3A = arith.constant 0 : i32
        %gather3A_802 = tpu.memref_slice %arg15[%gather3A] : memref<65536xf32, #tpu.memory_space<vmem>> -> memref<16384xf32, #tpu.memory_space<vmem>>
        %gather3A_803 = tpu.vector_load_idx %gather3A_802[%and3A_796] : memref<16384xf32, #tpu.memory_space<vmem>>[vector<16xi32>], vector<16xf32>,
        %add3A_804 = arith.addi %add3A_618, %shift_right_logical3A_801 : vector<16xi32>
        tpu.vector_store_idx %arg13[%add3A_804], %gather3A_803 {add = true} : memref<22528xf32, #tpu.memory_space<vmem>>[vector<16xi32>], vector<16xf32>,
        %mul3A_805 = arith.constant 2 : i32
        %mul3A_806 = arith.muli %while3A_786, %mul3A_805 : i32
        %mul3A_807 = arith.constant 16 : i32
        %mul3A_808 = arith.muli %mul3A_806, %mul3A_807 : i32
        %add3A_809 = arith.constant 16 : i32
        %add3A_810 = arith.addi %mul3A_808, %add3A_809 : i32
        %get3A_811 = arith.index_cast %add3A_810 : i32 to index
        %get3A_812 = tpu.vector_load %arg11[%get3A_811] {strides = array<i32>} : memref<8224xi32, #tpu.memory_space<vmem>>, vector<16xi32>,
        %and3A_813 = arith.constant 16383 : i32
        %and3A_814 = vector.broadcast %and3A_813 : i32 to vector<16xi32>
        %and3A_815 = arith.andi %get3A_812, %and3A_814 : vector<16xi32>
        %and3A_816 = arith.constant -16384 : i32
        %and3A_817 = vector.broadcast %and3A_816 : i32 to vector<16xi32>
        %and3A_818 = arith.andi %get3A_812, %and3A_817 : vector<16xi32>
        %shift_right_logical3A_819 = arith.constant 8 : i32
        %shift_right_logical3A_820 = vector.broadcast %shift_right_logical3A_819 : i32 to vector<16xi32>
        %shift_right_logical3A_821 = arith.shrui %and3A_818, %shift_right_logical3A_820 : vector<16xi32>
        %gather3A_822 = arith.constant 0 : i32
        %gather3A_823 = tpu.memref_slice %arg15[%gather3A_822] : memref<65536xf32, #tpu.memory_space<vmem>> -> memref<16384xf32, #tpu.memory_space<vmem>>
        %gather3A_824 = tpu.vector_load_idx %gather3A_823[%and3A_815] : memref<16384xf32, #tpu.memory_space<vmem>>[vector<16xi32>], vector<16xf32>,
        %add3A_825 = arith.addi %add3A_618, %shift_right_logical3A_821 : vector<16xi32>
        tpu.vector_store_idx %arg13[%add3A_825], %gather3A_824 {add = true} : memref<22528xf32, #tpu.memory_space<vmem>>[vector<16xi32>], vector<16xf32>,
      }
      %while3A_627 = arith.constant 1 : i32
      scf.for %while3A_786 = %while3A_625 to %while3A_621 step %while3A_627  : i32 {
        %mul3A_787 = arith.constant 2 : i32
        %mul3A_788 = arith.muli %while3A_786, %mul3A_787 : i32
        %mul3A_789 = arith.constant 16 : i32
        %mul3A_790 = arith.muli %mul3A_788, %mul3A_789 : i32
        %add3A_791 = arith.constant 0 : i32
        %add3A_792 = arith.addi %mul3A_790, %add3A_791 : i32
        %get3A = arith.index_cast %add3A_792 : i32 to index
        %get3A_793 = tpu.vector_load %arg11[%get3A] {strides = array<i32>} : memref<8224xi32, #tpu.memory_space<vmem>>, vector<16xi32>,
        %and3A_794 = arith.constant 16383 : i32
        %and3A_795 = vector.broadcast %and3A_794 : i32 to vector<16xi32>
        %and3A_796 = arith.andi %get3A_793, %and3A_795 : vector<16xi32>
        %and3A_797 = arith.constant -16384 : i32
        %and3A_798 = vector.broadcast %and3A_797 : i32 to vector<16xi32>
        %and3A_799 = arith.andi %get3A_793, %and3A_798 : vector<16xi32>
        %shift_right_logical3A = arith.constant 8 : i32
        %shift_right_logical3A_800 = vector.broadcast %shift_right_logical3A : i32 to vector<16xi32>
        %shift_right_logical3A_801 = arith.shrui %and3A_799, %shift_right_logical3A_800 : vector<16xi32>
        %gather3A = arith.constant 0 : i32
        %gather3A_802 = tpu.memref_slice %arg15[%gather3A] : memref<65536xf32, #tpu.memory_space<vmem>> -> memref<16384xf32, #tpu.memory_space<vmem>>
        %gather3A_803 = tpu.vector_load_idx %gather3A_802[%and3A_796] : memref<16384xf32, #tpu.memory_space<vmem>>[vector<16xi32>], vector<16xf32>,
        %add3A_804 = arith.addi %add3A_618, %shift_right_logical3A_801 : vector<16xi32>
        tpu.vector_store_idx %arg13[%add3A_804], %gather3A_803 {add = true} : memref<22528xf32, #tpu.memory_space<vmem>>[vector<16xi32>], vector<16xf32>,
        %mul3A_805 = arith.constant 2 : i32
        %mul3A_806 = arith.muli %while3A_786, %mul3A_805 : i32
        %mul3A_807 = arith.constant 16 : i32
        %mul3A_808 = arith.muli %mul3A_806, %mul3A_807 : i32
        %add3A_809 = arith.constant 16 : i32
        %add3A_810 = arith.addi %mul3A_808, %add3A_809 : i32
        %get3A_811 = arith.index_cast %add3A_810 : i32 to index
        %get3A_812 = tpu.vector_load %arg11[%get3A_811] {strides = array<i32>} : memref<8224xi32, #tpu.memory_space<vmem>>, vector<16xi32>,
        %and3A_813 = arith.constant 16383 : i32
        %and3A_814 = vector.broadcast %and3A_813 : i32 to vector<16xi32>
        %and3A_815 = arith.andi %get3A_812, %and3A_814 : vector<16xi32>
        %and3A_816 = arith.constant -16384 : i32
        %and3A_817 = vector.broadcast %and3A_816 : i32 to vector<16xi32>
        %and3A_818 = arith.andi %get3A_812, %and3A_817 : vector<16xi32>
        %shift_right_logical3A_819 = arith.constant 8 : i32
        %shift_right_logical3A_820 = vector.broadcast %shift_right_logical3A_819 : i32 to vector<16xi32>
        %shift_right_logical3A_821 = arith.shrui %and3A_818, %shift_right_logical3A_820 : vector<16xi32>
        %gather3A_822 = arith.constant 0 : i32
        %gather3A_823 = tpu.memref_slice %arg15[%gather3A_822] : memref<65536xf32, #tpu.memory_space<vmem>> -> memref<16384xf32, #tpu.memory_space<vmem>>
        %gather3A_824 = tpu.vector_load_idx %gather3A_823[%and3A_815] : memref<16384xf32, #tpu.memory_space<vmem>>[vector<16xi32>], vector<16xf32>,
        %add3A_825 = arith.addi %add3A_618, %shift_right_logical3A_821 : vector<16xi32>
        tpu.vector_store_idx %arg13[%add3A_825], %gather3A_824 {add = true} : memref<22528xf32, #tpu.memory_space<vmem>>[vector<16xi32>], vector<16xf32>,
      }
      %while3A_628 = arith.constant 0 : i32
      %while3A_629 = arith.constant 0 : i32
      %while3A_630 = arith.subi %select_n3A_558, %while3A_629 : i32
      %while3A_631 = arith.addi %while3A_629, %while3A_630 : i32
      %while3A_632 = arith.constant 1 : i32
      %while3A_633 = arith.divsi %while3A_630, %while3A_632 : i32
      %while3A_634 = arith.muli %while3A_633, %while3A_632 : i32
      %while3A_635 = arith.addi %while3A_629, %while3A_634 : i32
      %while3A_636 = arith.constant 1 : i32
      scf.for %while3A_786 = %while3A_629 to %while3A_635 step %while3A_636  : i32 {
        %mul3A_787 = arith.constant 2 : i32
        %mul3A_788 = arith.muli %while3A_786, %mul3A_787 : i32
        %mul3A_789 = arith.constant 16 : i32
        %mul3A_790 = arith.muli %mul3A_788, %mul3A_789 : i32
        %add3A_791 = arith.constant 0 : i32
        %add3A_792 = arith.addi %mul3A_790, %add3A_791 : i32
        %get3A = arith.index_cast %add3A_792 : i32 to index
        %get3A_793 = tpu.vector_load %arg12[%get3A] {strides = array<i32>} : memref<8224xi32, #tpu.memory_space<vmem>>, vector<16xi32>,
        %and3A_794 = arith.constant 16383 : i32
        %and3A_795 = vector.broadcast %and3A_794 : i32 to vector<16xi32>
        %and3A_796 = arith.andi %get3A_793, %and3A_795 : vector<16xi32>
        %and3A_797 = arith.constant -16384 : i32
        %and3A_798 = vector.broadcast %and3A_797 : i32 to vector<16xi32>
        %and3A_799 = arith.andi %get3A_793, %and3A_798 : vector<16xi32>
        %shift_right_logical3A = arith.constant 8 : i32
        %shift_right_logical3A_800 = vector.broadcast %shift_right_logical3A : i32 to vector<16xi32>
        %shift_right_logical3A_801 = arith.shrui %and3A_799, %shift_right_logical3A_800 : vector<16xi32>
        %gather3A = arith.constant 0 : i32
        %gather3A_802 = tpu.memref_slice %arg15[%gather3A] : memref<65536xf32, #tpu.memory_space<vmem>> -> memref<16384xf32, #tpu.memory_space<vmem>>
        %gather3A_803 = tpu.vector_load_idx %gather3A_802[%and3A_796] : memref<16384xf32, #tpu.memory_space<vmem>>[vector<16xi32>], vector<16xf32>,
        %add3A_804 = arith.addi %add3A_618, %shift_right_logical3A_801 : vector<16xi32>
        tpu.vector_store_idx %arg13[%add3A_804], %gather3A_803 {add = true} : memref<22528xf32, #tpu.memory_space<vmem>>[vector<16xi32>], vector<16xf32>,
        %mul3A_805 = arith.constant 2 : i32
        %mul3A_806 = arith.muli %while3A_786, %mul3A_805 : i32
        %mul3A_807 = arith.constant 16 : i32
        %mul3A_808 = arith.muli %mul3A_806, %mul3A_807 : i32
        %add3A_809 = arith.constant 16 : i32
        %add3A_810 = arith.addi %mul3A_808, %add3A_809 : i32
        %get3A_811 = arith.index_cast %add3A_810 : i32 to index
        %get3A_812 = tpu.vector_load %arg12[%get3A_811] {strides = array<i32>} : memref<8224xi32, #tpu.memory_space<vmem>>, vector<16xi32>,
        %and3A_813 = arith.constant 16383 : i32
        %and3A_814 = vector.broadcast %and3A_813 : i32 to vector<16xi32>
        %and3A_815 = arith.andi %get3A_812, %and3A_814 : vector<16xi32>
        %and3A_816 = arith.constant -16384 : i32
        %and3A_817 = vector.broadcast %and3A_816 : i32 to vector<16xi32>
        %and3A_818 = arith.andi %get3A_812, %and3A_817 : vector<16xi32>
        %shift_right_logical3A_819 = arith.constant 8 : i32
        %shift_right_logical3A_820 = vector.broadcast %shift_right_logical3A_819 : i32 to vector<16xi32>
        %shift_right_logical3A_821 = arith.shrui %and3A_818, %shift_right_logical3A_820 : vector<16xi32>
        %gather3A_822 = arith.constant 0 : i32
        %gather3A_823 = tpu.memref_slice %arg15[%gather3A_822] : memref<65536xf32, #tpu.memory_space<vmem>> -> memref<16384xf32, #tpu.memory_space<vmem>>
        %gather3A_824 = tpu.vector_load_idx %gather3A_823[%and3A_815] : memref<16384xf32, #tpu.memory_space<vmem>>[vector<16xi32>], vector<16xf32>,
        %add3A_825 = arith.addi %add3A_618, %shift_right_logical3A_821 : vector<16xi32>
        tpu.vector_store_idx %arg13[%add3A_825], %gather3A_824 {add = true} : memref<22528xf32, #tpu.memory_space<vmem>>[vector<16xi32>], vector<16xf32>,
      }
      %while3A_637 = arith.constant 1 : i32
      scf.for %while3A_786 = %while3A_635 to %while3A_631 step %while3A_637  : i32 {
        %mul3A_787 = arith.constant 2 : i32
        %mul3A_788 = arith.muli %while3A_786, %mul3A_787 : i32
        %mul3A_789 = arith.constant 16 : i32
        %mul3A_790 = arith.muli %mul3A_788, %mul3A_789 : i32
        %add3A_791 = arith.constant 0 : i32
        %add3A_792 = arith.addi %mul3A_790, %add3A_791 : i32
        %get3A = arith.index_cast %add3A_792 : i32 to index
        %get3A_793 = tpu.vector_load %arg12[%get3A] {strides = array<i32>} : memref<8224xi32, #tpu.memory_space<vmem>>, vector<16xi32>,
        %and3A_794 = arith.constant 16383 : i32
        %and3A_795 = vector.broadcast %and3A_794 : i32 to vector<16xi32>
        %and3A_796 = arith.andi %get3A_793, %and3A_795 : vector<16xi32>
        %and3A_797 = arith.constant -16384 : i32
        %and3A_798 = vector.broadcast %and3A_797 : i32 to vector<16xi32>
        %and3A_799 = arith.andi %get3A_793, %and3A_798 : vector<16xi32>
        %shift_right_logical3A = arith.constant 8 : i32
        %shift_right_logical3A_800 = vector.broadcast %shift_right_logical3A : i32 to vector<16xi32>
        %shift_right_logical3A_801 = arith.shrui %and3A_799, %shift_right_logical3A_800 : vector<16xi32>
        %gather3A = arith.constant 0 : i32
        %gather3A_802 = tpu.memref_slice %arg15[%gather3A] : memref<65536xf32, #tpu.memory_space<vmem>> -> memref<16384xf32, #tpu.memory_space<vmem>>
        %gather3A_803 = tpu.vector_load_idx %gather3A_802[%and3A_796] : memref<16384xf32, #tpu.memory_space<vmem>>[vector<16xi32>], vector<16xf32>,
        %add3A_804 = arith.addi %add3A_618, %shift_right_logical3A_801 : vector<16xi32>
        tpu.vector_store_idx %arg13[%add3A_804], %gather3A_803 {add = true} : memref<22528xf32, #tpu.memory_space<vmem>>[vector<16xi32>], vector<16xf32>,
        %mul3A_805 = arith.constant 2 : i32
        %mul3A_806 = arith.muli %while3A_786, %mul3A_805 : i32
        %mul3A_807 = arith.constant 16 : i32
        %mul3A_808 = arith.muli %mul3A_806, %mul3A_807 : i32
        %add3A_809 = arith.constant 16 : i32
        %add3A_810 = arith.addi %mul3A_808, %add3A_809 : i32
        %get3A_811 = arith.index_cast %add3A_810 : i32 to index
        %get3A_812 = tpu.vector_load %arg12[%get3A_811] {strides = array<i32>} : memref<8224xi32, #tpu.memory_space<vmem>>, vector<16xi32>,
        %and3A_813 = arith.constant 16383 : i32
        %and3A_814 = vector.broadcast %and3A_813 : i32 to vector<16xi32>
        %and3A_815 = arith.andi %get3A_812, %and3A_814 : vector<16xi32>
        %and3A_816 = arith.constant -16384 : i32
        %and3A_817 = vector.broadcast %and3A_816 : i32 to vector<16xi32>
        %and3A_818 = arith.andi %get3A_812, %and3A_817 : vector<16xi32>
        %shift_right_logical3A_819 = arith.constant 8 : i32
        %shift_right_logical3A_820 = vector.broadcast %shift_right_logical3A_819 : i32 to vector<16xi32>
        %shift_right_logical3A_821 = arith.shrui %and3A_818, %shift_right_logical3A_820 : vector<16xi32>
        %gather3A_822 = arith.constant 0 : i32
        %gather3A_823 = tpu.memref_slice %arg15[%gather3A_822] : memref<65536xf32, #tpu.memory_space<vmem>> -> memref<16384xf32, #tpu.memory_space<vmem>>
        %gather3A_824 = tpu.vector_load_idx %gather3A_823[%and3A_815] : memref<16384xf32, #tpu.memory_space<vmem>>[vector<16xi32>], vector<16xf32>,
        %add3A_825 = arith.addi %add3A_618, %shift_right_logical3A_821 : vector<16xi32>
        tpu.vector_store_idx %arg13[%add3A_825], %gather3A_824 {add = true} : memref<22528xf32, #tpu.memory_space<vmem>>[vector<16xi32>], vector<16xf32>,
      }
      %add3A_638 = arith.constant 4 : i32
      %add3A_639 = arith.addi %add3A_602, %add3A_638 : i32
      %lt3A_640 = arith.constant 64 : i32
      %lt3A_641 = arith.cmpi slt, %add3A_639, %lt3A_640 : i32
      %convert_element_type3A_642 = arith.extui %lt3A_641 : i1 to i32
      %cond3A_643 = arith.constant 0 : i32
      %cond3A_644 = arith.cmpi ne, %convert_element_type3A_642, %cond3A_643 : i32
      scf.if %cond3A_644 {
        %add3A_786 = arith.constant 4 : i32
        %add3A_787 = arith.addi %add3A_602, %add3A_786 : i32
        %mul3A_788 = arith.constant 256 : i32
        %mul3A_789 = arith.muli %select_n3A, %mul3A_788 : i32
        %mul3A_790 = arith.constant 64 : i32
        %mul3A_791 = arith.muli %select_n3A_30, %mul3A_790 : i32
        %add3A_792 = arith.addi %mul3A_789, %mul3A_791 : i32
        %add3A_793 = arith.addi %add3A_792, %add3A_787 : i32
        %mul3A_794 = arith.constant 16384 : i32
        %mul3A_795 = arith.muli %add3A_793, %mul3A_794 : i32
        %dma_start3A_796 = arith.constant 0 : i32
        %dma_start3A_797 = tpu.memref_slice %arg15[%dma_start3A_796] : memref<65536xf32, #tpu.memory_space<vmem>> -> memref<16384xf32, #tpu.memory_space<vmem>>
        %dma_start3A_798 = tpu.memref_slice %arg2[%mul3A_795] : memref<33554432xf32, #tpu.memory_space<hbm>> -> memref<16384xf32, #tpu.memory_space<hbm>>
        %dma_start3A_799 = arith.constant 0 : i32
        %dma_start3A_800 = tpu.memref_slice %arg15[%dma_start3A_799] : memref<65536xf32, #tpu.memory_space<vmem>> -> memref<16384xf32, #tpu.memory_space<vmem>>
        %dma_start3A_801 = tpu.memref_slice %arg2[%mul3A_795] : memref<33554432xf32, #tpu.memory_space<hbm>> -> memref<16384xf32, #tpu.memory_space<hbm>>
        tpu.enqueue_dma source(%dma_start3A_801 : memref<16384xf32, #tpu.memory_space<hbm>>) target(%dma_start3A_800 : memref<16384xf32, #tpu.memory_space<vmem>>) target_semaphore(%arg16 : memref<!tpu.dma_semaphore, #tpu.memory_space<semaphore_mem>>)
      } else {
      }
      %mul3A_645 = arith.constant 4 : i32
      %mul3A_646 = arith.muli %mul3A_645, %scan3A_598 : i32
      %add3A_647 = arith.constant 1 : i32
      %add3A_648 = arith.addi %mul3A_646, %add3A_647 : i32
      %mul3A_649 = arith.constant 256 : i32
      %mul3A_650 = arith.muli %select_n3A, %mul3A_649 : i32
      %mul3A_651 = arith.constant 64 : i32
      %mul3A_652 = arith.muli %select_n3A_30, %mul3A_651 : i32
      %add3A_653 = arith.addi %mul3A_650, %mul3A_652 : i32
      %add3A_654 = arith.addi %add3A_653, %add3A_648 : i32
      %mul3A_655 = arith.constant 16384 : i32
      %mul3A_656 = arith.muli %add3A_654, %mul3A_655 : i32
      %dma_wait3A_657 = arith.constant 16384 : i32
      %dma_wait3A_658 = tpu.memref_slice %arg15[%dma_wait3A_657] : memref<65536xf32, #tpu.memory_space<vmem>> -> memref<16384xf32, #tpu.memory_space<vmem>>
      %dma_wait3A_659 = tpu.memref_slice %arg2[%mul3A_656] : memref<33554432xf32, #tpu.memory_space<hbm>> -> memref<16384xf32, #tpu.memory_space<hbm>>
      %dma_wait3A_660 = arith.constant 16384 : i32
      %dma_wait3A_661 = tpu.memref_slice %arg15[%dma_wait3A_660] : memref<65536xf32, #tpu.memory_space<vmem>> -> memref<16384xf32, #tpu.memory_space<vmem>>
      %dma_wait3A_662 = tpu.memref_slice %arg2[%mul3A_656] : memref<33554432xf32, #tpu.memory_space<hbm>> -> memref<16384xf32, #tpu.memory_space<hbm>>
      tpu.wait_dma2 semaphore(%arg17 : memref<!tpu.dma_semaphore, #tpu.memory_space<semaphore_mem>>) src(%dma_wait3A_662 : memref<16384xf32, #tpu.memory_space<hbm>>) dst(%dma_wait3A_661 : memref<16384xf32, #tpu.memory_space<vmem>>)
      %add3A_663 = vector.broadcast %add3A_648 : i32 to vector<16xi32>
      %add3A_664 = arith.addi %mul3A_561, %add3A_663 : vector<16xi32>
      %while3A_665 = arith.constant 0 : i32
      %while3A_666 = arith.constant 0 : i32
      %while3A_667 = arith.subi %select_n3A_530, %while3A_666 : i32
      %while3A_668 = arith.addi %while3A_666, %while3A_667 : i32
      %while3A_669 = arith.constant 1 : i32
      %while3A_670 = arith.divsi %while3A_667, %while3A_669 : i32
      %while3A_671 = arith.muli %while3A_670, %while3A_669 : i32
      %while3A_672 = arith.addi %while3A_666, %while3A_671 : i32
      %while3A_673 = arith.constant 1 : i32
      scf.for %while3A_786 = %while3A_666 to %while3A_672 step %while3A_673  : i32 {
        %mul3A_787 = arith.constant 2 : i32
        %mul3A_788 = arith.muli %while3A_786, %mul3A_787 : i32
        %mul3A_789 = arith.constant 16 : i32
        %mul3A_790 = arith.muli %mul3A_788, %mul3A_789 : i32
        %add3A_791 = arith.constant 0 : i32
        %add3A_792 = arith.addi %mul3A_790, %add3A_791 : i32
        %get3A = arith.index_cast %add3A_792 : i32 to index
        %get3A_793 = tpu.vector_load %arg11[%get3A] {strides = array<i32>} : memref<8224xi32, #tpu.memory_space<vmem>>, vector<16xi32>,
        %and3A_794 = arith.constant 16383 : i32
        %and3A_795 = vector.broadcast %and3A_794 : i32 to vector<16xi32>
        %and3A_796 = arith.andi %get3A_793, %and3A_795 : vector<16xi32>
        %and3A_797 = arith.constant -16384 : i32
        %and3A_798 = vector.broadcast %and3A_797 : i32 to vector<16xi32>
        %and3A_799 = arith.andi %get3A_793, %and3A_798 : vector<16xi32>
        %shift_right_logical3A = arith.constant 8 : i32
        %shift_right_logical3A_800 = vector.broadcast %shift_right_logical3A : i32 to vector<16xi32>
        %shift_right_logical3A_801 = arith.shrui %and3A_799, %shift_right_logical3A_800 : vector<16xi32>
        %gather3A = arith.constant 16384 : i32
        %gather3A_802 = tpu.memref_slice %arg15[%gather3A] : memref<65536xf32, #tpu.memory_space<vmem>> -> memref<16384xf32, #tpu.memory_space<vmem>>
        %gather3A_803 = tpu.vector_load_idx %gather3A_802[%and3A_796] : memref<16384xf32, #tpu.memory_space<vmem>>[vector<16xi32>], vector<16xf32>,
        %add3A_804 = arith.addi %add3A_664, %shift_right_logical3A_801 : vector<16xi32>
        tpu.vector_store_idx %arg13[%add3A_804], %gather3A_803 {add = true} : memref<22528xf32, #tpu.memory_space<vmem>>[vector<16xi32>], vector<16xf32>,
        %mul3A_805 = arith.constant 2 : i32
        %mul3A_806 = arith.muli %while3A_786, %mul3A_805 : i32
        %mul3A_807 = arith.constant 16 : i32
        %mul3A_808 = arith.muli %mul3A_806, %mul3A_807 : i32
        %add3A_809 = arith.constant 16 : i32
        %add3A_810 = arith.addi %mul3A_808, %add3A_809 : i32
        %get3A_811 = arith.index_cast %add3A_810 : i32 to index
        %get3A_812 = tpu.vector_load %arg11[%get3A_811] {strides = array<i32>} : memref<8224xi32, #tpu.memory_space<vmem>>, vector<16xi32>,
        %and3A_813 = arith.constant 16383 : i32
        %and3A_814 = vector.broadcast %and3A_813 : i32 to vector<16xi32>
        %and3A_815 = arith.andi %get3A_812, %and3A_814 : vector<16xi32>
        %and3A_816 = arith.constant -16384 : i32
        %and3A_817 = vector.broadcast %and3A_816 : i32 to vector<16xi32>
        %and3A_818 = arith.andi %get3A_812, %and3A_817 : vector<16xi32>
        %shift_right_logical3A_819 = arith.constant 8 : i32
        %shift_right_logical3A_820 = vector.broadcast %shift_right_logical3A_819 : i32 to vector<16xi32>
        %shift_right_logical3A_821 = arith.shrui %and3A_818, %shift_right_logical3A_820 : vector<16xi32>
        %gather3A_822 = arith.constant 16384 : i32
        %gather3A_823 = tpu.memref_slice %arg15[%gather3A_822] : memref<65536xf32, #tpu.memory_space<vmem>> -> memref<16384xf32, #tpu.memory_space<vmem>>
        %gather3A_824 = tpu.vector_load_idx %gather3A_823[%and3A_815] : memref<16384xf32, #tpu.memory_space<vmem>>[vector<16xi32>], vector<16xf32>,
        %add3A_825 = arith.addi %add3A_664, %shift_right_logical3A_821 : vector<16xi32>
        tpu.vector_store_idx %arg13[%add3A_825], %gather3A_824 {add = true} : memref<22528xf32, #tpu.memory_space<vmem>>[vector<16xi32>], vector<16xf32>,
      }
      %while3A_674 = arith.constant 1 : i32
      scf.for %while3A_786 = %while3A_672 to %while3A_668 step %while3A_674  : i32 {
        %mul3A_787 = arith.constant 2 : i32
        %mul3A_788 = arith.muli %while3A_786, %mul3A_787 : i32
        %mul3A_789 = arith.constant 16 : i32
        %mul3A_790 = arith.muli %mul3A_788, %mul3A_789 : i32
        %add3A_791 = arith.constant 0 : i32
        %add3A_792 = arith.addi %mul3A_790, %add3A_791 : i32
        %get3A = arith.index_cast %add3A_792 : i32 to index
        %get3A_793 = tpu.vector_load %arg11[%get3A] {strides = array<i32>} : memref<8224xi32, #tpu.memory_space<vmem>>, vector<16xi32>,
        %and3A_794 = arith.constant 16383 : i32
        %and3A_795 = vector.broadcast %and3A_794 : i32 to vector<16xi32>
        %and3A_796 = arith.andi %get3A_793, %and3A_795 : vector<16xi32>
        %and3A_797 = arith.constant -16384 : i32
        %and3A_798 = vector.broadcast %and3A_797 : i32 to vector<16xi32>
        %and3A_799 = arith.andi %get3A_793, %and3A_798 : vector<16xi32>
        %shift_right_logical3A = arith.constant 8 : i32
        %shift_right_logical3A_800 = vector.broadcast %shift_right_logical3A : i32 to vector<16xi32>
        %shift_right_logical3A_801 = arith.shrui %and3A_799, %shift_right_logical3A_800 : vector<16xi32>
        %gather3A = arith.constant 16384 : i32
        %gather3A_802 = tpu.memref_slice %arg15[%gather3A] : memref<65536xf32, #tpu.memory_space<vmem>> -> memref<16384xf32, #tpu.memory_space<vmem>>
        %gather3A_803 = tpu.vector_load_idx %gather3A_802[%and3A_796] : memref<16384xf32, #tpu.memory_space<vmem>>[vector<16xi32>], vector<16xf32>,
        %add3A_804 = arith.addi %add3A_664, %shift_right_logical3A_801 : vector<16xi32>
        tpu.vector_store_idx %arg13[%add3A_804], %gather3A_803 {add = true} : memref<22528xf32, #tpu.memory_space<vmem>>[vector<16xi32>], vector<16xf32>,
        %mul3A_805 = arith.constant 2 : i32
        %mul3A_806 = arith.muli %while3A_786, %mul3A_805 : i32
        %mul3A_807 = arith.constant 16 : i32
        %mul3A_808 = arith.muli %mul3A_806, %mul3A_807 : i32
        %add3A_809 = arith.constant 16 : i32
        %add3A_810 = arith.addi %mul3A_808, %add3A_809 : i32
        %get3A_811 = arith.index_cast %add3A_810 : i32 to index
        %get3A_812 = tpu.vector_load %arg11[%get3A_811] {strides = array<i32>} : memref<8224xi32, #tpu.memory_space<vmem>>, vector<16xi32>,
        %and3A_813 = arith.constant 16383 : i32
        %and3A_814 = vector.broadcast %and3A_813 : i32 to vector<16xi32>
        %and3A_815 = arith.andi %get3A_812, %and3A_814 : vector<16xi32>
        %and3A_816 = arith.constant -16384 : i32
        %and3A_817 = vector.broadcast %and3A_816 : i32 to vector<16xi32>
        %and3A_818 = arith.andi %get3A_812, %and3A_817 : vector<16xi32>
        %shift_right_logical3A_819 = arith.constant 8 : i32
        %shift_right_logical3A_820 = vector.broadcast %shift_right_logical3A_819 : i32 to vector<16xi32>
        %shift_right_logical3A_821 = arith.shrui %and3A_818, %shift_right_logical3A_820 : vector<16xi32>
        %gather3A_822 = arith.constant 16384 : i32
        %gather3A_823 = tpu.memref_slice %arg15[%gather3A_822] : memref<65536xf32, #tpu.memory_space<vmem>> -> memref<16384xf32, #tpu.memory_space<vmem>>
        %gather3A_824 = tpu.vector_load_idx %gather3A_823[%and3A_815] : memref<16384xf32, #tpu.memory_space<vmem>>[vector<16xi32>], vector<16xf32>,
        %add3A_825 = arith.addi %add3A_664, %shift_right_logical3A_821 : vector<16xi32>
        tpu.vector_store_idx %arg13[%add3A_825], %gather3A_824 {add = true} : memref<22528xf32, #tpu.memory_space<vmem>>[vector<16xi32>], vector<16xf32>,
      }
      %while3A_675 = arith.constant 0 : i32
      %while3A_676 = arith.constant 0 : i32
      %while3A_677 = arith.subi %select_n3A_558, %while3A_676 : i32
      %while3A_678 = arith.addi %while3A_676, %while3A_677 : i32
      %while3A_679 = arith.constant 1 : i32
      %while3A_680 = arith.divsi %while3A_677, %while3A_679 : i32
      %while3A_681 = arith.muli %while3A_680, %while3A_679 : i32
      %while3A_682 = arith.addi %while3A_676, %while3A_681 : i32
      %while3A_683 = arith.constant 1 : i32
      scf.for %while3A_786 = %while3A_676 to %while3A_682 step %while3A_683  : i32 {
        %mul3A_787 = arith.constant 2 : i32
        %mul3A_788 = arith.muli %while3A_786, %mul3A_787 : i32
        %mul3A_789 = arith.constant 16 : i32
        %mul3A_790 = arith.muli %mul3A_788, %mul3A_789 : i32
        %add3A_791 = arith.constant 0 : i32
        %add3A_792 = arith.addi %mul3A_790, %add3A_791 : i32
        %get3A = arith.index_cast %add3A_792 : i32 to index
        %get3A_793 = tpu.vector_load %arg12[%get3A] {strides = array<i32>} : memref<8224xi32, #tpu.memory_space<vmem>>, vector<16xi32>,
        %and3A_794 = arith.constant 16383 : i32
        %and3A_795 = vector.broadcast %and3A_794 : i32 to vector<16xi32>
        %and3A_796 = arith.andi %get3A_793, %and3A_795 : vector<16xi32>
        %and3A_797 = arith.constant -16384 : i32
        %and3A_798 = vector.broadcast %and3A_797 : i32 to vector<16xi32>
        %and3A_799 = arith.andi %get3A_793, %and3A_798 : vector<16xi32>
        %shift_right_logical3A = arith.constant 8 : i32
        %shift_right_logical3A_800 = vector.broadcast %shift_right_logical3A : i32 to vector<16xi32>
        %shift_right_logical3A_801 = arith.shrui %and3A_799, %shift_right_logical3A_800 : vector<16xi32>
        %gather3A = arith.constant 16384 : i32
        %gather3A_802 = tpu.memref_slice %arg15[%gather3A] : memref<65536xf32, #tpu.memory_space<vmem>> -> memref<16384xf32, #tpu.memory_space<vmem>>
        %gather3A_803 = tpu.vector_load_idx %gather3A_802[%and3A_796] : memref<16384xf32, #tpu.memory_space<vmem>>[vector<16xi32>], vector<16xf32>,
        %add3A_804 = arith.addi %add3A_664, %shift_right_logical3A_801 : vector<16xi32>
        tpu.vector_store_idx %arg13[%add3A_804], %gather3A_803 {add = true} : memref<22528xf32, #tpu.memory_space<vmem>>[vector<16xi32>], vector<16xf32>,
        %mul3A_805 = arith.constant 2 : i32
        %mul3A_806 = arith.muli %while3A_786, %mul3A_805 : i32
        %mul3A_807 = arith.constant 16 : i32
        %mul3A_808 = arith.muli %mul3A_806, %mul3A_807 : i32
        %add3A_809 = arith.constant 16 : i32
        %add3A_810 = arith.addi %mul3A_808, %add3A_809 : i32
        %get3A_811 = arith.index_cast %add3A_810 : i32 to index
        %get3A_812 = tpu.vector_load %arg12[%get3A_811] {strides = array<i32>} : memref<8224xi32, #tpu.memory_space<vmem>>, vector<16xi32>,
        %and3A_813 = arith.constant 16383 : i32
        %and3A_814 = vector.broadcast %and3A_813 : i32 to vector<16xi32>
        %and3A_815 = arith.andi %get3A_812, %and3A_814 : vector<16xi32>
        %and3A_816 = arith.constant -16384 : i32
        %and3A_817 = vector.broadcast %and3A_816 : i32 to vector<16xi32>
        %and3A_818 = arith.andi %get3A_812, %and3A_817 : vector<16xi32>
        %shift_right_logical3A_819 = arith.constant 8 : i32
        %shift_right_logical3A_820 = vector.broadcast %shift_right_logical3A_819 : i32 to vector<16xi32>
        %shift_right_logical3A_821 = arith.shrui %and3A_818, %shift_right_logical3A_820 : vector<16xi32>
        %gather3A_822 = arith.constant 16384 : i32
        %gather3A_823 = tpu.memref_slice %arg15[%gather3A_822] : memref<65536xf32, #tpu.memory_space<vmem>> -> memref<16384xf32, #tpu.memory_space<vmem>>
        %gather3A_824 = tpu.vector_load_idx %gather3A_823[%and3A_815] : memref<16384xf32, #tpu.memory_space<vmem>>[vector<16xi32>], vector<16xf32>,
        %add3A_825 = arith.addi %add3A_664, %shift_right_logical3A_821 : vector<16xi32>
        tpu.vector_store_idx %arg13[%add3A_825], %gather3A_824 {add = true} : memref<22528xf32, #tpu.memory_space<vmem>>[vector<16xi32>], vector<16xf32>,
      }
      %while3A_684 = arith.constant 1 : i32
      scf.for %while3A_786 = %while3A_682 to %while3A_678 step %while3A_684  : i32 {
        %mul3A_787 = arith.constant 2 : i32
        %mul3A_788 = arith.muli %while3A_786, %mul3A_787 : i32
        %mul3A_789 = arith.constant 16 : i32
        %mul3A_790 = arith.muli %mul3A_788, %mul3A_789 : i32
        %add3A_791 = arith.constant 0 : i32
        %add3A_792 = arith.addi %mul3A_790, %add3A_791 : i32
        %get3A = arith.index_cast %add3A_792 : i32 to index
        %get3A_793 = tpu.vector_load %arg12[%get3A] {strides = array<i32>} : memref<8224xi32, #tpu.memory_space<vmem>>, vector<16xi32>,
        %and3A_794 = arith.constant 16383 : i32
        %and3A_795 = vector.broadcast %and3A_794 : i32 to vector<16xi32>
        %and3A_796 = arith.andi %get3A_793, %and3A_795 : vector<16xi32>
        %and3A_797 = arith.constant -16384 : i32
        %and3A_798 = vector.broadcast %and3A_797 : i32 to vector<16xi32>
        %and3A_799 = arith.andi %get3A_793, %and3A_798 : vector<16xi32>
        %shift_right_logical3A = arith.constant 8 : i32
        %shift_right_logical3A_800 = vector.broadcast %shift_right_logical3A : i32 to vector<16xi32>
        %shift_right_logical3A_801 = arith.shrui %and3A_799, %shift_right_logical3A_800 : vector<16xi32>
        %gather3A = arith.constant 16384 : i32
        %gather3A_802 = tpu.memref_slice %arg15[%gather3A] : memref<65536xf32, #tpu.memory_space<vmem>> -> memref<16384xf32, #tpu.memory_space<vmem>>
        %gather3A_803 = tpu.vector_load_idx %gather3A_802[%and3A_796] : memref<16384xf32, #tpu.memory_space<vmem>>[vector<16xi32>], vector<16xf32>,
        %add3A_804 = arith.addi %add3A_664, %shift_right_logical3A_801 : vector<16xi32>
        tpu.vector_store_idx %arg13[%add3A_804], %gather3A_803 {add = true} : memref<22528xf32, #tpu.memory_space<vmem>>[vector<16xi32>], vector<16xf32>,
        %mul3A_805 = arith.constant 2 : i32
        %mul3A_806 = arith.muli %while3A_786, %mul3A_805 : i32
        %mul3A_807 = arith.constant 16 : i32
        %mul3A_808 = arith.muli %mul3A_806, %mul3A_807 : i32
        %add3A_809 = arith.constant 16 : i32
        %add3A_810 = arith.addi %mul3A_808, %add3A_809 : i32
        %get3A_811 = arith.index_cast %add3A_810 : i32 to index
        %get3A_812 = tpu.vector_load %arg12[%get3A_811] {strides = array<i32>} : memref<8224xi32, #tpu.memory_space<vmem>>, vector<16xi32>,
        %and3A_813 = arith.constant 16383 : i32
        %and3A_814 = vector.broadcast %and3A_813 : i32 to vector<16xi32>
        %and3A_815 = arith.andi %get3A_812, %and3A_814 : vector<16xi32>
        %and3A_816 = arith.constant -16384 : i32
        %and3A_817 = vector.broadcast %and3A_816 : i32 to vector<16xi32>
        %and3A_818 = arith.andi %get3A_812, %and3A_817 : vector<16xi32>
        %shift_right_logical3A_819 = arith.constant 8 : i32
        %shift_right_logical3A_820 = vector.broadcast %shift_right_logical3A_819 : i32 to vector<16xi32>
        %shift_right_logical3A_821 = arith.shrui %and3A_818, %shift_right_logical3A_820 : vector<16xi32>
        %gather3A_822 = arith.constant 16384 : i32
        %gather3A_823 = tpu.memref_slice %arg15[%gather3A_822] : memref<65536xf32, #tpu.memory_space<vmem>> -> memref<16384xf32, #tpu.memory_space<vmem>>
        %gather3A_824 = tpu.vector_load_idx %gather3A_823[%and3A_815] : memref<16384xf32, #tpu.memory_space<vmem>>[vector<16xi32>], vector<16xf32>,
        %add3A_825 = arith.addi %add3A_664, %shift_right_logical3A_821 : vector<16xi32>
        tpu.vector_store_idx %arg13[%add3A_825], %gather3A_824 {add = true} : memref<22528xf32, #tpu.memory_space<vmem>>[vector<16xi32>], vector<16xf32>,
      }
      %add3A_685 = arith.constant 4 : i32
      %add3A_686 = arith.addi %add3A_648, %add3A_685 : i32
      %lt3A_687 = arith.constant 64 : i32
      %lt3A_688 = arith.cmpi slt, %add3A_686, %lt3A_687 : i32
      %convert_element_type3A_689 = arith.extui %lt3A_688 : i1 to i32
      %cond3A_690 = arith.constant 0 : i32
      %cond3A_691 = arith.cmpi ne, %convert_element_type3A_689, %cond3A_690 : i32
      scf.if %cond3A_691 {
        %add3A_786 = arith.constant 4 : i32
        %add3A_787 = arith.addi %add3A_648, %add3A_786 : i32
        %mul3A_788 = arith.constant 256 : i32
        %mul3A_789 = arith.muli %select_n3A, %mul3A_788 : i32
        %mul3A_790 = arith.constant 64 : i32
        %mul3A_791 = arith.muli %select_n3A_30, %mul3A_790 : i32
        %add3A_792 = arith.addi %mul3A_789, %mul3A_791 : i32
        %add3A_793 = arith.addi %add3A_792, %add3A_787 : i32
        %mul3A_794 = arith.constant 16384 : i32
        %mul3A_795 = arith.muli %add3A_793, %mul3A_794 : i32
        %dma_start3A_796 = arith.constant 16384 : i32
        %dma_start3A_797 = tpu.memref_slice %arg15[%dma_start3A_796] : memref<65536xf32, #tpu.memory_space<vmem>> -> memref<16384xf32, #tpu.memory_space<vmem>>
        %dma_start3A_798 = tpu.memref_slice %arg2[%mul3A_795] : memref<33554432xf32, #tpu.memory_space<hbm>> -> memref<16384xf32, #tpu.memory_space<hbm>>
        %dma_start3A_799 = arith.constant 16384 : i32
        %dma_start3A_800 = tpu.memref_slice %arg15[%dma_start3A_799] : memref<65536xf32, #tpu.memory_space<vmem>> -> memref<16384xf32, #tpu.memory_space<vmem>>
        %dma_start3A_801 = tpu.memref_slice %arg2[%mul3A_795] : memref<33554432xf32, #tpu.memory_space<hbm>> -> memref<16384xf32, #tpu.memory_space<hbm>>
        tpu.enqueue_dma source(%dma_start3A_801 : memref<16384xf32, #tpu.memory_space<hbm>>) target(%dma_start3A_800 : memref<16384xf32, #tpu.memory_space<vmem>>) target_semaphore(%arg17 : memref<!tpu.dma_semaphore, #tpu.memory_space<semaphore_mem>>)
      } else {
      }
      %mul3A_692 = arith.constant 4 : i32
      %mul3A_693 = arith.muli %mul3A_692, %scan3A_598 : i32
      %add3A_694 = arith.constant 2 : i32
      %add3A_695 = arith.addi %mul3A_693, %add3A_694 : i32
      %mul3A_696 = arith.constant 256 : i32
      %mul3A_697 = arith.muli %select_n3A, %mul3A_696 : i32
      %mul3A_698 = arith.constant 64 : i32
      %mul3A_699 = arith.muli %select_n3A_30, %mul3A_698 : i32
      %add3A_700 = arith.addi %mul3A_697, %mul3A_699 : i32
      %add3A_701 = arith.addi %add3A_700, %add3A_695 : i32
      %mul3A_702 = arith.constant 16384 : i32
      %mul3A_703 = arith.muli %add3A_701, %mul3A_702 : i32
      %dma_wait3A_704 = arith.constant 32768 : i32
      %dma_wait3A_705 = tpu.memref_slice %arg15[%dma_wait3A_704] : memref<65536xf32, #tpu.memory_space<vmem>> -> memref<16384xf32, #tpu.memory_space<vmem>>
      %dma_wait3A_706 = tpu.memref_slice %arg2[%mul3A_703] : memref<33554432xf32, #tpu.memory_space<hbm>> -> memref<16384xf32, #tpu.memory_space<hbm>>
      %dma_wait3A_707 = arith.constant 32768 : i32
      %dma_wait3A_708 = tpu.memref_slice %arg15[%dma_wait3A_707] : memref<65536xf32, #tpu.memory_space<vmem>> -> memref<16384xf32, #tpu.memory_space<vmem>>
      %dma_wait3A_709 = tpu.memref_slice %arg2[%mul3A_703] : memref<33554432xf32, #tpu.memory_space<hbm>> -> memref<16384xf32, #tpu.memory_space<hbm>>
      tpu.wait_dma2 semaphore(%arg18 : memref<!tpu.dma_semaphore, #tpu.memory_space<semaphore_mem>>) src(%dma_wait3A_709 : memref<16384xf32, #tpu.memory_space<hbm>>) dst(%dma_wait3A_708 : memref<16384xf32, #tpu.memory_space<vmem>>)
      %add3A_710 = vector.broadcast %add3A_695 : i32 to vector<16xi32>
      %add3A_711 = arith.addi %mul3A_561, %add3A_710 : vector<16xi32>
      %while3A_712 = arith.constant 0 : i32
      %while3A_713 = arith.constant 0 : i32
      %while3A_714 = arith.subi %select_n3A_530, %while3A_713 : i32
      %while3A_715 = arith.addi %while3A_713, %while3A_714 : i32
      %while3A_716 = arith.constant 1 : i32
      %while3A_717 = arith.divsi %while3A_714, %while3A_716 : i32
      %while3A_718 = arith.muli %while3A_717, %while3A_716 : i32
      %while3A_719 = arith.addi %while3A_713, %while3A_718 : i32
      %while3A_720 = arith.constant 1 : i32
      scf.for %while3A_786 = %while3A_713 to %while3A_719 step %while3A_720  : i32 {
        %mul3A_787 = arith.constant 2 : i32
        %mul3A_788 = arith.muli %while3A_786, %mul3A_787 : i32
        %mul3A_789 = arith.constant 16 : i32
        %mul3A_790 = arith.muli %mul3A_788, %mul3A_789 : i32
        %add3A_791 = arith.constant 0 : i32
        %add3A_792 = arith.addi %mul3A_790, %add3A_791 : i32
        %get3A = arith.index_cast %add3A_792 : i32 to index
        %get3A_793 = tpu.vector_load %arg11[%get3A] {strides = array<i32>} : memref<8224xi32, #tpu.memory_space<vmem>>, vector<16xi32>,
        %and3A_794 = arith.constant 16383 : i32
        %and3A_795 = vector.broadcast %and3A_794 : i32 to vector<16xi32>
        %and3A_796 = arith.andi %get3A_793, %and3A_795 : vector<16xi32>
        %and3A_797 = arith.constant -16384 : i32
        %and3A_798 = vector.broadcast %and3A_797 : i32 to vector<16xi32>
        %and3A_799 = arith.andi %get3A_793, %and3A_798 : vector<16xi32>
        %shift_right_logical3A = arith.constant 8 : i32
        %shift_right_logical3A_800 = vector.broadcast %shift_right_logical3A : i32 to vector<16xi32>
        %shift_right_logical3A_801 = arith.shrui %and3A_799, %shift_right_logical3A_800 : vector<16xi32>
        %gather3A = arith.constant 32768 : i32
        %gather3A_802 = tpu.memref_slice %arg15[%gather3A] : memref<65536xf32, #tpu.memory_space<vmem>> -> memref<16384xf32, #tpu.memory_space<vmem>>
        %gather3A_803 = tpu.vector_load_idx %gather3A_802[%and3A_796] : memref<16384xf32, #tpu.memory_space<vmem>>[vector<16xi32>], vector<16xf32>,
        %add3A_804 = arith.addi %add3A_711, %shift_right_logical3A_801 : vector<16xi32>
        tpu.vector_store_idx %arg13[%add3A_804], %gather3A_803 {add = true} : memref<22528xf32, #tpu.memory_space<vmem>>[vector<16xi32>], vector<16xf32>,
        %mul3A_805 = arith.constant 2 : i32
        %mul3A_806 = arith.muli %while3A_786, %mul3A_805 : i32
        %mul3A_807 = arith.constant 16 : i32
        %mul3A_808 = arith.muli %mul3A_806, %mul3A_807 : i32
        %add3A_809 = arith.constant 16 : i32
        %add3A_810 = arith.addi %mul3A_808, %add3A_809 : i32
        %get3A_811 = arith.index_cast %add3A_810 : i32 to index
        %get3A_812 = tpu.vector_load %arg11[%get3A_811] {strides = array<i32>} : memref<8224xi32, #tpu.memory_space<vmem>>, vector<16xi32>,
        %and3A_813 = arith.constant 16383 : i32
        %and3A_814 = vector.broadcast %and3A_813 : i32 to vector<16xi32>
        %and3A_815 = arith.andi %get3A_812, %and3A_814 : vector<16xi32>
        %and3A_816 = arith.constant -16384 : i32
        %and3A_817 = vector.broadcast %and3A_816 : i32 to vector<16xi32>
        %and3A_818 = arith.andi %get3A_812, %and3A_817 : vector<16xi32>
        %shift_right_logical3A_819 = arith.constant 8 : i32
        %shift_right_logical3A_820 = vector.broadcast %shift_right_logical3A_819 : i32 to vector<16xi32>
        %shift_right_logical3A_821 = arith.shrui %and3A_818, %shift_right_logical3A_820 : vector<16xi32>
        %gather3A_822 = arith.constant 32768 : i32
        %gather3A_823 = tpu.memref_slice %arg15[%gather3A_822] : memref<65536xf32, #tpu.memory_space<vmem>> -> memref<16384xf32, #tpu.memory_space<vmem>>
        %gather3A_824 = tpu.vector_load_idx %gather3A_823[%and3A_815] : memref<16384xf32, #tpu.memory_space<vmem>>[vector<16xi32>], vector<16xf32>,
        %add3A_825 = arith.addi %add3A_711, %shift_right_logical3A_821 : vector<16xi32>
        tpu.vector_store_idx %arg13[%add3A_825], %gather3A_824 {add = true} : memref<22528xf32, #tpu.memory_space<vmem>>[vector<16xi32>], vector<16xf32>,
      }
      %while3A_721 = arith.constant 1 : i32
      scf.for %while3A_786 = %while3A_719 to %while3A_715 step %while3A_721  : i32 {
        %mul3A_787 = arith.constant 2 : i32
        %mul3A_788 = arith.muli %while3A_786, %mul3A_787 : i32
        %mul3A_789 = arith.constant 16 : i32
        %mul3A_790 = arith.muli %mul3A_788, %mul3A_789 : i32
        %add3A_791 = arith.constant 0 : i32
        %add3A_792 = arith.addi %mul3A_790, %add3A_791 : i32
        %get3A = arith.index_cast %add3A_792 : i32 to index
        %get3A_793 = tpu.vector_load %arg11[%get3A] {strides = array<i32>} : memref<8224xi32, #tpu.memory_space<vmem>>, vector<16xi32>,
        %and3A_794 = arith.constant 16383 : i32
        %and3A_795 = vector.broadcast %and3A_794 : i32 to vector<16xi32>
        %and3A_796 = arith.andi %get3A_793, %and3A_795 : vector<16xi32>
        %and3A_797 = arith.constant -16384 : i32
        %and3A_798 = vector.broadcast %and3A_797 : i32 to vector<16xi32>
        %and3A_799 = arith.andi %get3A_793, %and3A_798 : vector<16xi32>
        %shift_right_logical3A = arith.constant 8 : i32
        %shift_right_logical3A_800 = vector.broadcast %shift_right_logical3A : i32 to vector<16xi32>
        %shift_right_logical3A_801 = arith.shrui %and3A_799, %shift_right_logical3A_800 : vector<16xi32>
        %gather3A = arith.constant 32768 : i32
        %gather3A_802 = tpu.memref_slice %arg15[%gather3A] : memref<65536xf32, #tpu.memory_space<vmem>> -> memref<16384xf32, #tpu.memory_space<vmem>>
        %gather3A_803 = tpu.vector_load_idx %gather3A_802[%and3A_796] : memref<16384xf32, #tpu.memory_space<vmem>>[vector<16xi32>], vector<16xf32>,
        %add3A_804 = arith.addi %add3A_711, %shift_right_logical3A_801 : vector<16xi32>
        tpu.vector_store_idx %arg13[%add3A_804], %gather3A_803 {add = true} : memref<22528xf32, #tpu.memory_space<vmem>>[vector<16xi32>], vector<16xf32>,
        %mul3A_805 = arith.constant 2 : i32
        %mul3A_806 = arith.muli %while3A_786, %mul3A_805 : i32
        %mul3A_807 = arith.constant 16 : i32
        %mul3A_808 = arith.muli %mul3A_806, %mul3A_807 : i32
        %add3A_809 = arith.constant 16 : i32
        %add3A_810 = arith.addi %mul3A_808, %add3A_809 : i32
        %get3A_811 = arith.index_cast %add3A_810 : i32 to index
        %get3A_812 = tpu.vector_load %arg11[%get3A_811] {strides = array<i32>} : memref<8224xi32, #tpu.memory_space<vmem>>, vector<16xi32>,
        %and3A_813 = arith.constant 16383 : i32
        %and3A_814 = vector.broadcast %and3A_813 : i32 to vector<16xi32>
        %and3A_815 = arith.andi %get3A_812, %and3A_814 : vector<16xi32>
        %and3A_816 = arith.constant -16384 : i32
        %and3A_817 = vector.broadcast %and3A_816 : i32 to vector<16xi32>
        %and3A_818 = arith.andi %get3A_812, %and3A_817 : vector<16xi32>
        %shift_right_logical3A_819 = arith.constant 8 : i32
        %shift_right_logical3A_820 = vector.broadcast %shift_right_logical3A_819 : i32 to vector<16xi32>
        %shift_right_logical3A_821 = arith.shrui %and3A_818, %shift_right_logical3A_820 : vector<16xi32>
        %gather3A_822 = arith.constant 32768 : i32
        %gather3A_823 = tpu.memref_slice %arg15[%gather3A_822] : memref<65536xf32, #tpu.memory_space<vmem>> -> memref<16384xf32, #tpu.memory_space<vmem>>
        %gather3A_824 = tpu.vector_load_idx %gather3A_823[%and3A_815] : memref<16384xf32, #tpu.memory_space<vmem>>[vector<16xi32>], vector<16xf32>,
        %add3A_825 = arith.addi %add3A_711, %shift_right_logical3A_821 : vector<16xi32>
        tpu.vector_store_idx %arg13[%add3A_825], %gather3A_824 {add = true} : memref<22528xf32, #tpu.memory_space<vmem>>[vector<16xi32>], vector<16xf32>,
      }
      %while3A_722 = arith.constant 0 : i32
      %while3A_723 = arith.constant 0 : i32
      %while3A_724 = arith.subi %select_n3A_558, %while3A_723 : i32
      %while3A_725 = arith.addi %while3A_723, %while3A_724 : i32
      %while3A_726 = arith.constant 1 : i32
      %while3A_727 = arith.divsi %while3A_724, %while3A_726 : i32
      %while3A_728 = arith.muli %while3A_727, %while3A_726 : i32
      %while3A_729 = arith.addi %while3A_723, %while3A_728 : i32
      %while3A_730 = arith.constant 1 : i32
      scf.for %while3A_786 = %while3A_723 to %while3A_729 step %while3A_730  : i32 {
        %mul3A_787 = arith.constant 2 : i32
        %mul3A_788 = arith.muli %while3A_786, %mul3A_787 : i32
        %mul3A_789 = arith.constant 16 : i32
        %mul3A_790 = arith.muli %mul3A_788, %mul3A_789 : i32
        %add3A_791 = arith.constant 0 : i32
        %add3A_792 = arith.addi %mul3A_790, %add3A_791 : i32
        %get3A = arith.index_cast %add3A_792 : i32 to index
        %get3A_793 = tpu.vector_load %arg12[%get3A] {strides = array<i32>} : memref<8224xi32, #tpu.memory_space<vmem>>, vector<16xi32>,
        %and3A_794 = arith.constant 16383 : i32
        %and3A_795 = vector.broadcast %and3A_794 : i32 to vector<16xi32>
        %and3A_796 = arith.andi %get3A_793, %and3A_795 : vector<16xi32>
        %and3A_797 = arith.constant -16384 : i32
        %and3A_798 = vector.broadcast %and3A_797 : i32 to vector<16xi32>
        %and3A_799 = arith.andi %get3A_793, %and3A_798 : vector<16xi32>
        %shift_right_logical3A = arith.constant 8 : i32
        %shift_right_logical3A_800 = vector.broadcast %shift_right_logical3A : i32 to vector<16xi32>
        %shift_right_logical3A_801 = arith.shrui %and3A_799, %shift_right_logical3A_800 : vector<16xi32>
        %gather3A = arith.constant 32768 : i32
        %gather3A_802 = tpu.memref_slice %arg15[%gather3A] : memref<65536xf32, #tpu.memory_space<vmem>> -> memref<16384xf32, #tpu.memory_space<vmem>>
        %gather3A_803 = tpu.vector_load_idx %gather3A_802[%and3A_796] : memref<16384xf32, #tpu.memory_space<vmem>>[vector<16xi32>], vector<16xf32>,
        %add3A_804 = arith.addi %add3A_711, %shift_right_logical3A_801 : vector<16xi32>
        tpu.vector_store_idx %arg13[%add3A_804], %gather3A_803 {add = true} : memref<22528xf32, #tpu.memory_space<vmem>>[vector<16xi32>], vector<16xf32>,
        %mul3A_805 = arith.constant 2 : i32
        %mul3A_806 = arith.muli %while3A_786, %mul3A_805 : i32
        %mul3A_807 = arith.constant 16 : i32
        %mul3A_808 = arith.muli %mul3A_806, %mul3A_807 : i32
        %add3A_809 = arith.constant 16 : i32
        %add3A_810 = arith.addi %mul3A_808, %add3A_809 : i32
        %get3A_811 = arith.index_cast %add3A_810 : i32 to index
        %get3A_812 = tpu.vector_load %arg12[%get3A_811] {strides = array<i32>} : memref<8224xi32, #tpu.memory_space<vmem>>, vector<16xi32>,
        %and3A_813 = arith.constant 16383 : i32
        %and3A_814 = vector.broadcast %and3A_813 : i32 to vector<16xi32>
        %and3A_815 = arith.andi %get3A_812, %and3A_814 : vector<16xi32>
        %and3A_816 = arith.constant -16384 : i32
        %and3A_817 = vector.broadcast %and3A_816 : i32 to vector<16xi32>
        %and3A_818 = arith.andi %get3A_812, %and3A_817 : vector<16xi32>
        %shift_right_logical3A_819 = arith.constant 8 : i32
        %shift_right_logical3A_820 = vector.broadcast %shift_right_logical3A_819 : i32 to vector<16xi32>
        %shift_right_logical3A_821 = arith.shrui %and3A_818, %shift_right_logical3A_820 : vector<16xi32>
        %gather3A_822 = arith.constant 32768 : i32
        %gather3A_823 = tpu.memref_slice %arg15[%gather3A_822] : memref<65536xf32, #tpu.memory_space<vmem>> -> memref<16384xf32, #tpu.memory_space<vmem>>
        %gather3A_824 = tpu.vector_load_idx %gather3A_823[%and3A_815] : memref<16384xf32, #tpu.memory_space<vmem>>[vector<16xi32>], vector<16xf32>,
        %add3A_825 = arith.addi %add3A_711, %shift_right_logical3A_821 : vector<16xi32>
        tpu.vector_store_idx %arg13[%add3A_825], %gather3A_824 {add = true} : memref<22528xf32, #tpu.memory_space<vmem>>[vector<16xi32>], vector<16xf32>,
      }
      %while3A_731 = arith.constant 1 : i32
      scf.for %while3A_786 = %while3A_729 to %while3A_725 step %while3A_731  : i32 {
        %mul3A_787 = arith.constant 2 : i32
        %mul3A_788 = arith.muli %while3A_786, %mul3A_787 : i32
        %mul3A_789 = arith.constant 16 : i32
        %mul3A_790 = arith.muli %mul3A_788, %mul3A_789 : i32
        %add3A_791 = arith.constant 0 : i32
        %add3A_792 = arith.addi %mul3A_790, %add3A_791 : i32
        %get3A = arith.index_cast %add3A_792 : i32 to index
        %get3A_793 = tpu.vector_load %arg12[%get3A] {strides = array<i32>} : memref<8224xi32, #tpu.memory_space<vmem>>, vector<16xi32>,
        %and3A_794 = arith.constant 16383 : i32
        %and3A_795 = vector.broadcast %and3A_794 : i32 to vector<16xi32>
        %and3A_796 = arith.andi %get3A_793, %and3A_795 : vector<16xi32>
        %and3A_797 = arith.constant -16384 : i32
        %and3A_798 = vector.broadcast %and3A_797 : i32 to vector<16xi32>
        %and3A_799 = arith.andi %get3A_793, %and3A_798 : vector<16xi32>
        %shift_right_logical3A = arith.constant 8 : i32
        %shift_right_logical3A_800 = vector.broadcast %shift_right_logical3A : i32 to vector<16xi32>
        %shift_right_logical3A_801 = arith.shrui %and3A_799, %shift_right_logical3A_800 : vector<16xi32>
        %gather3A = arith.constant 32768 : i32
        %gather3A_802 = tpu.memref_slice %arg15[%gather3A] : memref<65536xf32, #tpu.memory_space<vmem>> -> memref<16384xf32, #tpu.memory_space<vmem>>
        %gather3A_803 = tpu.vector_load_idx %gather3A_802[%and3A_796] : memref<16384xf32, #tpu.memory_space<vmem>>[vector<16xi32>], vector<16xf32>,
        %add3A_804 = arith.addi %add3A_711, %shift_right_logical3A_801 : vector<16xi32>
        tpu.vector_store_idx %arg13[%add3A_804], %gather3A_803 {add = true} : memref<22528xf32, #tpu.memory_space<vmem>>[vector<16xi32>], vector<16xf32>,
        %mul3A_805 = arith.constant 2 : i32
        %mul3A_806 = arith.muli %while3A_786, %mul3A_805 : i32
        %mul3A_807 = arith.constant 16 : i32
        %mul3A_808 = arith.muli %mul3A_806, %mul3A_807 : i32
        %add3A_809 = arith.constant 16 : i32
        %add3A_810 = arith.addi %mul3A_808, %add3A_809 : i32
        %get3A_811 = arith.index_cast %add3A_810 : i32 to index
        %get3A_812 = tpu.vector_load %arg12[%get3A_811] {strides = array<i32>} : memref<8224xi32, #tpu.memory_space<vmem>>, vector<16xi32>,
        %and3A_813 = arith.constant 16383 : i32
        %and3A_814 = vector.broadcast %and3A_813 : i32 to vector<16xi32>
        %and3A_815 = arith.andi %get3A_812, %and3A_814 : vector<16xi32>
        %and3A_816 = arith.constant -16384 : i32
        %and3A_817 = vector.broadcast %and3A_816 : i32 to vector<16xi32>
        %and3A_818 = arith.andi %get3A_812, %and3A_817 : vector<16xi32>
        %shift_right_logical3A_819 = arith.constant 8 : i32
        %shift_right_logical3A_820 = vector.broadcast %shift_right_logical3A_819 : i32 to vector<16xi32>
        %shift_right_logical3A_821 = arith.shrui %and3A_818, %shift_right_logical3A_820 : vector<16xi32>
        %gather3A_822 = arith.constant 32768 : i32
        %gather3A_823 = tpu.memref_slice %arg15[%gather3A_822] : memref<65536xf32, #tpu.memory_space<vmem>> -> memref<16384xf32, #tpu.memory_space<vmem>>
        %gather3A_824 = tpu.vector_load_idx %gather3A_823[%and3A_815] : memref<16384xf32, #tpu.memory_space<vmem>>[vector<16xi32>], vector<16xf32>,
        %add3A_825 = arith.addi %add3A_711, %shift_right_logical3A_821 : vector<16xi32>
        tpu.vector_store_idx %arg13[%add3A_825], %gather3A_824 {add = true} : memref<22528xf32, #tpu.memory_space<vmem>>[vector<16xi32>], vector<16xf32>,
      }
      %add3A_732 = arith.constant 4 : i32
      %add3A_733 = arith.addi %add3A_695, %add3A_732 : i32
      %lt3A_734 = arith.constant 64 : i32
      %lt3A_735 = arith.cmpi slt, %add3A_733, %lt3A_734 : i32
      %convert_element_type3A_736 = arith.extui %lt3A_735 : i1 to i32
      %cond3A_737 = arith.constant 0 : i32
      %cond3A_738 = arith.cmpi ne, %convert_element_type3A_736, %cond3A_737 : i32
      scf.if %cond3A_738 {
        %add3A_786 = arith.constant 4 : i32
        %add3A_787 = arith.addi %add3A_695, %add3A_786 : i32
        %mul3A_788 = arith.constant 256 : i32
        %mul3A_789 = arith.muli %select_n3A, %mul3A_788 : i32
        %mul3A_790 = arith.constant 64 : i32
        %mul3A_791 = arith.muli %select_n3A_30, %mul3A_790 : i32
        %add3A_792 = arith.addi %mul3A_789, %mul3A_791 : i32
        %add3A_793 = arith.addi %add3A_792, %add3A_787 : i32
        %mul3A_794 = arith.constant 16384 : i32
        %mul3A_795 = arith.muli %add3A_793, %mul3A_794 : i32
        %dma_start3A_796 = arith.constant 32768 : i32
        %dma_start3A_797 = tpu.memref_slice %arg15[%dma_start3A_796] : memref<65536xf32, #tpu.memory_space<vmem>> -> memref<16384xf32, #tpu.memory_space<vmem>>
        %dma_start3A_798 = tpu.memref_slice %arg2[%mul3A_795] : memref<33554432xf32, #tpu.memory_space<hbm>> -> memref<16384xf32, #tpu.memory_space<hbm>>
        %dma_start3A_799 = arith.constant 32768 : i32
        %dma_start3A_800 = tpu.memref_slice %arg15[%dma_start3A_799] : memref<65536xf32, #tpu.memory_space<vmem>> -> memref<16384xf32, #tpu.memory_space<vmem>>
        %dma_start3A_801 = tpu.memref_slice %arg2[%mul3A_795] : memref<33554432xf32, #tpu.memory_space<hbm>> -> memref<16384xf32, #tpu.memory_space<hbm>>
        tpu.enqueue_dma source(%dma_start3A_801 : memref<16384xf32, #tpu.memory_space<hbm>>) target(%dma_start3A_800 : memref<16384xf32, #tpu.memory_space<vmem>>) target_semaphore(%arg18 : memref<!tpu.dma_semaphore, #tpu.memory_space<semaphore_mem>>)
      } else {
      }
      %mul3A_739 = arith.constant 4 : i32
      %mul3A_740 = arith.muli %mul3A_739, %scan3A_598 : i32
      %add3A_741 = arith.constant 3 : i32
      %add3A_742 = arith.addi %mul3A_740, %add3A_741 : i32
      %mul3A_743 = arith.constant 256 : i32
      %mul3A_744 = arith.muli %select_n3A, %mul3A_743 : i32
      %mul3A_745 = arith.constant 64 : i32
      %mul3A_746 = arith.muli %select_n3A_30, %mul3A_745 : i32
      %add3A_747 = arith.addi %mul3A_744, %mul3A_746 : i32
      %add3A_748 = arith.addi %add3A_747, %add3A_742 : i32
      %mul3A_749 = arith.constant 16384 : i32
      %mul3A_750 = arith.muli %add3A_748, %mul3A_749 : i32
      %dma_wait3A_751 = arith.constant 49152 : i32
      %dma_wait3A_752 = tpu.memref_slice %arg15[%dma_wait3A_751] : memref<65536xf32, #tpu.memory_space<vmem>> -> memref<16384xf32, #tpu.memory_space<vmem>>
      %dma_wait3A_753 = tpu.memref_slice %arg2[%mul3A_750] : memref<33554432xf32, #tpu.memory_space<hbm>> -> memref<16384xf32, #tpu.memory_space<hbm>>
      %dma_wait3A_754 = arith.constant 49152 : i32
      %dma_wait3A_755 = tpu.memref_slice %arg15[%dma_wait3A_754] : memref<65536xf32, #tpu.memory_space<vmem>> -> memref<16384xf32, #tpu.memory_space<vmem>>
      %dma_wait3A_756 = tpu.memref_slice %arg2[%mul3A_750] : memref<33554432xf32, #tpu.memory_space<hbm>> -> memref<16384xf32, #tpu.memory_space<hbm>>
      tpu.wait_dma2 semaphore(%arg19 : memref<!tpu.dma_semaphore, #tpu.memory_space<semaphore_mem>>) src(%dma_wait3A_756 : memref<16384xf32, #tpu.memory_space<hbm>>) dst(%dma_wait3A_755 : memref<16384xf32, #tpu.memory_space<vmem>>)
      %add3A_757 = vector.broadcast %add3A_742 : i32 to vector<16xi32>
      %add3A_758 = arith.addi %mul3A_561, %add3A_757 : vector<16xi32>
      %while3A_759 = arith.constant 0 : i32
      %while3A_760 = arith.constant 0 : i32
      %while3A_761 = arith.subi %select_n3A_530, %while3A_760 : i32
      %while3A_762 = arith.addi %while3A_760, %while3A_761 : i32
      %while3A_763 = arith.constant 1 : i32
      %while3A_764 = arith.divsi %while3A_761, %while3A_763 : i32
      %while3A_765 = arith.muli %while3A_764, %while3A_763 : i32
      %while3A_766 = arith.addi %while3A_760, %while3A_765 : i32
      %while3A_767 = arith.constant 1 : i32
      scf.for %while3A_786 = %while3A_760 to %while3A_766 step %while3A_767  : i32 {
        %mul3A_787 = arith.constant 2 : i32
        %mul3A_788 = arith.muli %while3A_786, %mul3A_787 : i32
        %mul3A_789 = arith.constant 16 : i32
        %mul3A_790 = arith.muli %mul3A_788, %mul3A_789 : i32
        %add3A_791 = arith.constant 0 : i32
        %add3A_792 = arith.addi %mul3A_790, %add3A_791 : i32
        %get3A = arith.index_cast %add3A_792 : i32 to index
        %get3A_793 = tpu.vector_load %arg11[%get3A] {strides = array<i32>} : memref<8224xi32, #tpu.memory_space<vmem>>, vector<16xi32>,
        %and3A_794 = arith.constant 16383 : i32
        %and3A_795 = vector.broadcast %and3A_794 : i32 to vector<16xi32>
        %and3A_796 = arith.andi %get3A_793, %and3A_795 : vector<16xi32>
        %and3A_797 = arith.constant -16384 : i32
        %and3A_798 = vector.broadcast %and3A_797 : i32 to vector<16xi32>
        %and3A_799 = arith.andi %get3A_793, %and3A_798 : vector<16xi32>
        %shift_right_logical3A = arith.constant 8 : i32
        %shift_right_logical3A_800 = vector.broadcast %shift_right_logical3A : i32 to vector<16xi32>
        %shift_right_logical3A_801 = arith.shrui %and3A_799, %shift_right_logical3A_800 : vector<16xi32>
        %gather3A = arith.constant 49152 : i32
        %gather3A_802 = tpu.memref_slice %arg15[%gather3A] : memref<65536xf32, #tpu.memory_space<vmem>> -> memref<16384xf32, #tpu.memory_space<vmem>>
        %gather3A_803 = tpu.vector_load_idx %gather3A_802[%and3A_796] : memref<16384xf32, #tpu.memory_space<vmem>>[vector<16xi32>], vector<16xf32>,
        %add3A_804 = arith.addi %add3A_758, %shift_right_logical3A_801 : vector<16xi32>
        tpu.vector_store_idx %arg13[%add3A_804], %gather3A_803 {add = true} : memref<22528xf32, #tpu.memory_space<vmem>>[vector<16xi32>], vector<16xf32>,
        %mul3A_805 = arith.constant 2 : i32
        %mul3A_806 = arith.muli %while3A_786, %mul3A_805 : i32
        %mul3A_807 = arith.constant 16 : i32
        %mul3A_808 = arith.muli %mul3A_806, %mul3A_807 : i32
        %add3A_809 = arith.constant 16 : i32
        %add3A_810 = arith.addi %mul3A_808, %add3A_809 : i32
        %get3A_811 = arith.index_cast %add3A_810 : i32 to index
        %get3A_812 = tpu.vector_load %arg11[%get3A_811] {strides = array<i32>} : memref<8224xi32, #tpu.memory_space<vmem>>, vector<16xi32>,
        %and3A_813 = arith.constant 16383 : i32
        %and3A_814 = vector.broadcast %and3A_813 : i32 to vector<16xi32>
        %and3A_815 = arith.andi %get3A_812, %and3A_814 : vector<16xi32>
        %and3A_816 = arith.constant -16384 : i32
        %and3A_817 = vector.broadcast %and3A_816 : i32 to vector<16xi32>
        %and3A_818 = arith.andi %get3A_812, %and3A_817 : vector<16xi32>
        %shift_right_logical3A_819 = arith.constant 8 : i32
        %shift_right_logical3A_820 = vector.broadcast %shift_right_logical3A_819 : i32 to vector<16xi32>
        %shift_right_logical3A_821 = arith.shrui %and3A_818, %shift_right_logical3A_820 : vector<16xi32>
        %gather3A_822 = arith.constant 49152 : i32
        %gather3A_823 = tpu.memref_slice %arg15[%gather3A_822] : memref<65536xf32, #tpu.memory_space<vmem>> -> memref<16384xf32, #tpu.memory_space<vmem>>
        %gather3A_824 = tpu.vector_load_idx %gather3A_823[%and3A_815] : memref<16384xf32, #tpu.memory_space<vmem>>[vector<16xi32>], vector<16xf32>,
        %add3A_825 = arith.addi %add3A_758, %shift_right_logical3A_821 : vector<16xi32>
        tpu.vector_store_idx %arg13[%add3A_825], %gather3A_824 {add = true} : memref<22528xf32, #tpu.memory_space<vmem>>[vector<16xi32>], vector<16xf32>,
      }
      %while3A_768 = arith.constant 1 : i32
      scf.for %while3A_786 = %while3A_766 to %while3A_762 step %while3A_768  : i32 {
        %mul3A_787 = arith.constant 2 : i32
        %mul3A_788 = arith.muli %while3A_786, %mul3A_787 : i32
        %mul3A_789 = arith.constant 16 : i32
        %mul3A_790 = arith.muli %mul3A_788, %mul3A_789 : i32
        %add3A_791 = arith.constant 0 : i32
        %add3A_792 = arith.addi %mul3A_790, %add3A_791 : i32
        %get3A = arith.index_cast %add3A_792 : i32 to index
        %get3A_793 = tpu.vector_load %arg11[%get3A] {strides = array<i32>} : memref<8224xi32, #tpu.memory_space<vmem>>, vector<16xi32>,
        %and3A_794 = arith.constant 16383 : i32
        %and3A_795 = vector.broadcast %and3A_794 : i32 to vector<16xi32>
        %and3A_796 = arith.andi %get3A_793, %and3A_795 : vector<16xi32>
        %and3A_797 = arith.constant -16384 : i32
        %and3A_798 = vector.broadcast %and3A_797 : i32 to vector<16xi32>
        %and3A_799 = arith.andi %get3A_793, %and3A_798 : vector<16xi32>
        %shift_right_logical3A = arith.constant 8 : i32
        %shift_right_logical3A_800 = vector.broadcast %shift_right_logical3A : i32 to vector<16xi32>
        %shift_right_logical3A_801 = arith.shrui %and3A_799, %shift_right_logical3A_800 : vector<16xi32>
        %gather3A = arith.constant 49152 : i32
        %gather3A_802 = tpu.memref_slice %arg15[%gather3A] : memref<65536xf32, #tpu.memory_space<vmem>> -> memref<16384xf32, #tpu.memory_space<vmem>>
        %gather3A_803 = tpu.vector_load_idx %gather3A_802[%and3A_796] : memref<16384xf32, #tpu.memory_space<vmem>>[vector<16xi32>], vector<16xf32>,
        %add3A_804 = arith.addi %add3A_758, %shift_right_logical3A_801 : vector<16xi32>
        tpu.vector_store_idx %arg13[%add3A_804], %gather3A_803 {add = true} : memref<22528xf32, #tpu.memory_space<vmem>>[vector<16xi32>], vector<16xf32>,
        %mul3A_805 = arith.constant 2 : i32
        %mul3A_806 = arith.muli %while3A_786, %mul3A_805 : i32
        %mul3A_807 = arith.constant 16 : i32
        %mul3A_808 = arith.muli %mul3A_806, %mul3A_807 : i32
        %add3A_809 = arith.constant 16 : i32
        %add3A_810 = arith.addi %mul3A_808, %add3A_809 : i32
        %get3A_811 = arith.index_cast %add3A_810 : i32 to index
        %get3A_812 = tpu.vector_load %arg11[%get3A_811] {strides = array<i32>} : memref<8224xi32, #tpu.memory_space<vmem>>, vector<16xi32>,
        %and3A_813 = arith.constant 16383 : i32
        %and3A_814 = vector.broadcast %and3A_813 : i32 to vector<16xi32>
        %and3A_815 = arith.andi %get3A_812, %and3A_814 : vector<16xi32>
        %and3A_816 = arith.constant -16384 : i32
        %and3A_817 = vector.broadcast %and3A_816 : i32 to vector<16xi32>
        %and3A_818 = arith.andi %get3A_812, %and3A_817 : vector<16xi32>
        %shift_right_logical3A_819 = arith.constant 8 : i32
        %shift_right_logical3A_820 = vector.broadcast %shift_right_logical3A_819 : i32 to vector<16xi32>
        %shift_right_logical3A_821 = arith.shrui %and3A_818, %shift_right_logical3A_820 : vector<16xi32>
        %gather3A_822 = arith.constant 49152 : i32
        %gather3A_823 = tpu.memref_slice %arg15[%gather3A_822] : memref<65536xf32, #tpu.memory_space<vmem>> -> memref<16384xf32, #tpu.memory_space<vmem>>
        %gather3A_824 = tpu.vector_load_idx %gather3A_823[%and3A_815] : memref<16384xf32, #tpu.memory_space<vmem>>[vector<16xi32>], vector<16xf32>,
        %add3A_825 = arith.addi %add3A_758, %shift_right_logical3A_821 : vector<16xi32>
        tpu.vector_store_idx %arg13[%add3A_825], %gather3A_824 {add = true} : memref<22528xf32, #tpu.memory_space<vmem>>[vector<16xi32>], vector<16xf32>,
      }
      %while3A_769 = arith.constant 0 : i32
      %while3A_770 = arith.constant 0 : i32
      %while3A_771 = arith.subi %select_n3A_558, %while3A_770 : i32
      %while3A_772 = arith.addi %while3A_770, %while3A_771 : i32
      %while3A_773 = arith.constant 1 : i32
      %while3A_774 = arith.divsi %while3A_771, %while3A_773 : i32
      %while3A_775 = arith.muli %while3A_774, %while3A_773 : i32
      %while3A_776 = arith.addi %while3A_770, %while3A_775 : i32
      %while3A_777 = arith.constant 1 : i32
      scf.for %while3A_786 = %while3A_770 to %while3A_776 step %while3A_777  : i32 {
        %mul3A_787 = arith.constant 2 : i32
        %mul3A_788 = arith.muli %while3A_786, %mul3A_787 : i32
        %mul3A_789 = arith.constant 16 : i32
        %mul3A_790 = arith.muli %mul3A_788, %mul3A_789 : i32
        %add3A_791 = arith.constant 0 : i32
        %add3A_792 = arith.addi %mul3A_790, %add3A_791 : i32
        %get3A = arith.index_cast %add3A_792 : i32 to index
        %get3A_793 = tpu.vector_load %arg12[%get3A] {strides = array<i32>} : memref<8224xi32, #tpu.memory_space<vmem>>, vector<16xi32>,
        %and3A_794 = arith.constant 16383 : i32
        %and3A_795 = vector.broadcast %and3A_794 : i32 to vector<16xi32>
        %and3A_796 = arith.andi %get3A_793, %and3A_795 : vector<16xi32>
        %and3A_797 = arith.constant -16384 : i32
        %and3A_798 = vector.broadcast %and3A_797 : i32 to vector<16xi32>
        %and3A_799 = arith.andi %get3A_793, %and3A_798 : vector<16xi32>
        %shift_right_logical3A = arith.constant 8 : i32
        %shift_right_logical3A_800 = vector.broadcast %shift_right_logical3A : i32 to vector<16xi32>
        %shift_right_logical3A_801 = arith.shrui %and3A_799, %shift_right_logical3A_800 : vector<16xi32>
        %gather3A = arith.constant 49152 : i32
        %gather3A_802 = tpu.memref_slice %arg15[%gather3A] : memref<65536xf32, #tpu.memory_space<vmem>> -> memref<16384xf32, #tpu.memory_space<vmem>>
        %gather3A_803 = tpu.vector_load_idx %gather3A_802[%and3A_796] : memref<16384xf32, #tpu.memory_space<vmem>>[vector<16xi32>], vector<16xf32>,
        %add3A_804 = arith.addi %add3A_758, %shift_right_logical3A_801 : vector<16xi32>
        tpu.vector_store_idx %arg13[%add3A_804], %gather3A_803 {add = true} : memref<22528xf32, #tpu.memory_space<vmem>>[vector<16xi32>], vector<16xf32>,
        %mul3A_805 = arith.constant 2 : i32
        %mul3A_806 = arith.muli %while3A_786, %mul3A_805 : i32
        %mul3A_807 = arith.constant 16 : i32
        %mul3A_808 = arith.muli %mul3A_806, %mul3A_807 : i32
        %add3A_809 = arith.constant 16 : i32
        %add3A_810 = arith.addi %mul3A_808, %add3A_809 : i32
        %get3A_811 = arith.index_cast %add3A_810 : i32 to index
        %get3A_812 = tpu.vector_load %arg12[%get3A_811] {strides = array<i32>} : memref<8224xi32, #tpu.memory_space<vmem>>, vector<16xi32>,
        %and3A_813 = arith.constant 16383 : i32
        %and3A_814 = vector.broadcast %and3A_813 : i32 to vector<16xi32>
        %and3A_815 = arith.andi %get3A_812, %and3A_814 : vector<16xi32>
        %and3A_816 = arith.constant -16384 : i32
        %and3A_817 = vector.broadcast %and3A_816 : i32 to vector<16xi32>
        %and3A_818 = arith.andi %get3A_812, %and3A_817 : vector<16xi32>
        %shift_right_logical3A_819 = arith.constant 8 : i32
        %shift_right_logical3A_820 = vector.broadcast %shift_right_logical3A_819 : i32 to vector<16xi32>
        %shift_right_logical3A_821 = arith.shrui %and3A_818, %shift_right_logical3A_820 : vector<16xi32>
        %gather3A_822 = arith.constant 49152 : i32
        %gather3A_823 = tpu.memref_slice %arg15[%gather3A_822] : memref<65536xf32, #tpu.memory_space<vmem>> -> memref<16384xf32, #tpu.memory_space<vmem>>
        %gather3A_824 = tpu.vector_load_idx %gather3A_823[%and3A_815] : memref<16384xf32, #tpu.memory_space<vmem>>[vector<16xi32>], vector<16xf32>,
        %add3A_825 = arith.addi %add3A_758, %shift_right_logical3A_821 : vector<16xi32>
        tpu.vector_store_idx %arg13[%add3A_825], %gather3A_824 {add = true} : memref<22528xf32, #tpu.memory_space<vmem>>[vector<16xi32>], vector<16xf32>,
      }
      %while3A_778 = arith.constant 1 : i32
      scf.for %while3A_786 = %while3A_776 to %while3A_772 step %while3A_778  : i32 {
        %mul3A_787 = arith.constant 2 : i32
        %mul3A_788 = arith.muli %while3A_786, %mul3A_787 : i32
        %mul3A_789 = arith.constant 16 : i32
        %mul3A_790 = arith.muli %mul3A_788, %mul3A_789 : i32
        %add3A_791 = arith.constant 0 : i32
        %add3A_792 = arith.addi %mul3A_790, %add3A_791 : i32
        %get3A = arith.index_cast %add3A_792 : i32 to index
        %get3A_793 = tpu.vector_load %arg12[%get3A] {strides = array<i32>} : memref<8224xi32, #tpu.memory_space<vmem>>, vector<16xi32>,
        %and3A_794 = arith.constant 16383 : i32
        %and3A_795 = vector.broadcast %and3A_794 : i32 to vector<16xi32>
        %and3A_796 = arith.andi %get3A_793, %and3A_795 : vector<16xi32>
        %and3A_797 = arith.constant -16384 : i32
        %and3A_798 = vector.broadcast %and3A_797 : i32 to vector<16xi32>
        %and3A_799 = arith.andi %get3A_793, %and3A_798 : vector<16xi32>
        %shift_right_logical3A = arith.constant 8 : i32
        %shift_right_logical3A_800 = vector.broadcast %shift_right_logical3A : i32 to vector<16xi32>
        %shift_right_logical3A_801 = arith.shrui %and3A_799, %shift_right_logical3A_800 : vector<16xi32>
        %gather3A = arith.constant 49152 : i32
        %gather3A_802 = tpu.memref_slice %arg15[%gather3A] : memref<65536xf32, #tpu.memory_space<vmem>> -> memref<16384xf32, #tpu.memory_space<vmem>>
        %gather3A_803 = tpu.vector_load_idx %gather3A_802[%and3A_796] : memref<16384xf32, #tpu.memory_space<vmem>>[vector<16xi32>], vector<16xf32>,
        %add3A_804 = arith.addi %add3A_758, %shift_right_logical3A_801 : vector<16xi32>
        tpu.vector_store_idx %arg13[%add3A_804], %gather3A_803 {add = true} : memref<22528xf32, #tpu.memory_space<vmem>>[vector<16xi32>], vector<16xf32>,
        %mul3A_805 = arith.constant 2 : i32
        %mul3A_806 = arith.muli %while3A_786, %mul3A_805 : i32
        %mul3A_807 = arith.constant 16 : i32
        %mul3A_808 = arith.muli %mul3A_806, %mul3A_807 : i32
        %add3A_809 = arith.constant 16 : i32
        %add3A_810 = arith.addi %mul3A_808, %add3A_809 : i32
        %get3A_811 = arith.index_cast %add3A_810 : i32 to index
        %get3A_812 = tpu.vector_load %arg12[%get3A_811] {strides = array<i32>} : memref<8224xi32, #tpu.memory_space<vmem>>, vector<16xi32>,
        %and3A_813 = arith.constant 16383 : i32
        %and3A_814 = vector.broadcast %and3A_813 : i32 to vector<16xi32>
        %and3A_815 = arith.andi %get3A_812, %and3A_814 : vector<16xi32>
        %and3A_816 = arith.constant -16384 : i32
        %and3A_817 = vector.broadcast %and3A_816 : i32 to vector<16xi32>
        %and3A_818 = arith.andi %get3A_812, %and3A_817 : vector<16xi32>
        %shift_right_logical3A_819 = arith.constant 8 : i32
        %shift_right_logical3A_820 = vector.broadcast %shift_right_logical3A_819 : i32 to vector<16xi32>
        %shift_right_logical3A_821 = arith.shrui %and3A_818, %shift_right_logical3A_820 : vector<16xi32>
        %gather3A_822 = arith.constant 49152 : i32
        %gather3A_823 = tpu.memref_slice %arg15[%gather3A_822] : memref<65536xf32, #tpu.memory_space<vmem>> -> memref<16384xf32, #tpu.memory_space<vmem>>
        %gather3A_824 = tpu.vector_load_idx %gather3A_823[%and3A_815] : memref<16384xf32, #tpu.memory_space<vmem>>[vector<16xi32>], vector<16xf32>,
        %add3A_825 = arith.addi %add3A_758, %shift_right_logical3A_821 : vector<16xi32>
        tpu.vector_store_idx %arg13[%add3A_825], %gather3A_824 {add = true} : memref<22528xf32, #tpu.memory_space<vmem>>[vector<16xi32>], vector<16xf32>,
      }
      %add3A_779 = arith.constant 4 : i32
      %add3A_780 = arith.addi %add3A_742, %add3A_779 : i32
      %lt3A_781 = arith.constant 64 : i32
      %lt3A_782 = arith.cmpi slt, %add3A_780, %lt3A_781 : i32
      %convert_element_type3A_783 = arith.extui %lt3A_782 : i1 to i32
      %cond3A_784 = arith.constant 0 : i32
      %cond3A_785 = arith.cmpi ne, %convert_element_type3A_783, %cond3A_784 : i32
      scf.if %cond3A_785 {
        %add3A_786 = arith.constant 4 : i32
        %add3A_787 = arith.addi %add3A_742, %add3A_786 : i32
        %mul3A_788 = arith.constant 256 : i32
        %mul3A_789 = arith.muli %select_n3A, %mul3A_788 : i32
        %mul3A_790 = arith.constant 64 : i32
        %mul3A_791 = arith.muli %select_n3A_30, %mul3A_790 : i32
        %add3A_792 = arith.addi %mul3A_789, %mul3A_791 : i32
        %add3A_793 = arith.addi %add3A_792, %add3A_787 : i32
        %mul3A_794 = arith.constant 16384 : i32
        %mul3A_795 = arith.muli %add3A_793, %mul3A_794 : i32
        %dma_start3A_796 = arith.constant 49152 : i32
        %dma_start3A_797 = tpu.memref_slice %arg15[%dma_start3A_796] : memref<65536xf32, #tpu.memory_space<vmem>> -> memref<16384xf32, #tpu.memory_space<vmem>>
        %dma_start3A_798 = tpu.memref_slice %arg2[%mul3A_795] : memref<33554432xf32, #tpu.memory_space<hbm>> -> memref<16384xf32, #tpu.memory_space<hbm>>
        %dma_start3A_799 = arith.constant 49152 : i32
        %dma_start3A_800 = tpu.memref_slice %arg15[%dma_start3A_799] : memref<65536xf32, #tpu.memory_space<vmem>> -> memref<16384xf32, #tpu.memory_space<vmem>>
        %dma_start3A_801 = tpu.memref_slice %arg2[%mul3A_795] : memref<33554432xf32, #tpu.memory_space<hbm>> -> memref<16384xf32, #tpu.memory_space<hbm>>
        tpu.enqueue_dma source(%dma_start3A_801 : memref<16384xf32, #tpu.memory_space<hbm>>) target(%dma_start3A_800 : memref<16384xf32, #tpu.memory_space<vmem>>) target_semaphore(%arg19 : memref<!tpu.dma_semaphore, #tpu.memory_space<semaphore_mem>>)
      } else {
      }
    }
    %scan3A_582 = arith.constant 16 : i32
    %scan3A_583 = arith.constant 0 : i32
    %scan3A_584 = arith.constant 0 : i32
    %scan3A_585 = arith.constant 88 : i32
    %scan3A_586 = arith.addi %scan3A_584, %scan3A_585 : i32
    %scan3A_587 = arith.constant 1 : i32
    scf.for %scan3A_598 = %scan3A_584 to %scan3A_586 step %scan3A_587  : i32 {
      %mul3A_599 = arith.constant 16 : i32
      %mul3A_600 = arith.muli %scan3A_598, %mul3A_599 : i32
      %get3A = arith.index_cast %mul3A_600 : i32 to index
      %get3A_601 = tpu.vector_load %arg13[%get3A] {strides = array<i32>} : memref<22528xf32, #tpu.memory_space<vmem>>, vector<16xf32>,
      %mul3A_602 = arith.constant 16 : i32
      %mul3A_603 = arith.muli %scan3A_598, %mul3A_602 : i32
      %add3A_604 = arith.constant 1408 : i32
      %add3A_605 = arith.addi %add3A_604, %mul3A_603 : i32
      %get3A_606 = arith.index_cast %add3A_605 : i32 to index
      %get3A_607 = tpu.vector_load %arg13[%get3A_606] {strides = array<i32>} : memref<22528xf32, #tpu.memory_space<vmem>>, vector<16xf32>,
      %add3A_608 = arith.addf %get3A_601, %get3A_607 : vector<16xf32>
      %mul3A_609 = arith.constant 16 : i32
      %mul3A_610 = arith.muli %scan3A_598, %mul3A_609 : i32
      %add3A_611 = arith.constant 2816 : i32
      %add3A_612 = arith.addi %add3A_611, %mul3A_610 : i32
      %get3A_613 = arith.index_cast %add3A_612 : i32 to index
      %get3A_614 = tpu.vector_load %arg13[%get3A_613] {strides = array<i32>} : memref<22528xf32, #tpu.memory_space<vmem>>, vector<16xf32>,
      %add3A_615 = arith.addf %add3A_608, %get3A_614 : vector<16xf32>
      %mul3A_616 = arith.constant 16 : i32
      %mul3A_617 = arith.muli %scan3A_598, %mul3A_616 : i32
      %add3A_618 = arith.constant 4224 : i32
      %add3A_619 = arith.addi %add3A_618, %mul3A_617 : i32
      %get3A_620 = arith.index_cast %add3A_619 : i32 to index
      %get3A_621 = tpu.vector_load %arg13[%get3A_620] {strides = array<i32>} : memref<22528xf32, #tpu.memory_space<vmem>>, vector<16xf32>,
      %add3A_622 = arith.addf %add3A_615, %get3A_621 : vector<16xf32>
      %mul3A_623 = arith.constant 16 : i32
      %mul3A_624 = arith.muli %scan3A_598, %mul3A_623 : i32
      %add3A_625 = arith.constant 5632 : i32
      %add3A_626 = arith.addi %add3A_625, %mul3A_624 : i32
      %get3A_627 = arith.index_cast %add3A_626 : i32 to index
      %get3A_628 = tpu.vector_load %arg13[%get3A_627] {strides = array<i32>} : memref<22528xf32, #tpu.memory_space<vmem>>, vector<16xf32>,
      %add3A_629 = arith.addf %add3A_622, %get3A_628 : vector<16xf32>
      %mul3A_630 = arith.constant 16 : i32
      %mul3A_631 = arith.muli %scan3A_598, %mul3A_630 : i32
      %add3A_632 = arith.constant 7040 : i32
      %add3A_633 = arith.addi %add3A_632, %mul3A_631 : i32
      %get3A_634 = arith.index_cast %add3A_633 : i32 to index
      %get3A_635 = tpu.vector_load %arg13[%get3A_634] {strides = array<i32>} : memref<22528xf32, #tpu.memory_space<vmem>>, vector<16xf32>,
      %add3A_636 = arith.addf %add3A_629, %get3A_635 : vector<16xf32>
      %mul3A_637 = arith.constant 16 : i32
      %mul3A_638 = arith.muli %scan3A_598, %mul3A_637 : i32
      %add3A_639 = arith.constant 8448 : i32
      %add3A_640 = arith.addi %add3A_639, %mul3A_638 : i32
      %get3A_641 = arith.index_cast %add3A_640 : i32 to index
      %get3A_642 = tpu.vector_load %arg13[%get3A_641] {strides = array<i32>} : memref<22528xf32, #tpu.memory_space<vmem>>, vector<16xf32>,
      %add3A_643 = arith.addf %add3A_636, %get3A_642 : vector<16xf32>
      %mul3A_644 = arith.constant 16 : i32
      %mul3A_645 = arith.muli %scan3A_598, %mul3A_644 : i32
      %add3A_646 = arith.constant 9856 : i32
      %add3A_647 = arith.addi %add3A_646, %mul3A_645 : i32
      %get3A_648 = arith.index_cast %add3A_647 : i32 to index
      %get3A_649 = tpu.vector_load %arg13[%get3A_648] {strides = array<i32>} : memref<22528xf32, #tpu.memory_space<vmem>>, vector<16xf32>,
      %add3A_650 = arith.addf %add3A_643, %get3A_649 : vector<16xf32>
      %mul3A_651 = arith.constant 16 : i32
      %mul3A_652 = arith.muli %scan3A_598, %mul3A_651 : i32
      %add3A_653 = arith.constant 11264 : i32
      %add3A_654 = arith.addi %add3A_653, %mul3A_652 : i32
      %get3A_655 = arith.index_cast %add3A_654 : i32 to index
      %get3A_656 = tpu.vector_load %arg13[%get3A_655] {strides = array<i32>} : memref<22528xf32, #tpu.memory_space<vmem>>, vector<16xf32>,
      %add3A_657 = arith.addf %add3A_650, %get3A_656 : vector<16xf32>
      %mul3A_658 = arith.constant 16 : i32
      %mul3A_659 = arith.muli %scan3A_598, %mul3A_658 : i32
      %add3A_660 = arith.constant 12672 : i32
      %add3A_661 = arith.addi %add3A_660, %mul3A_659 : i32
      %get3A_662 = arith.index_cast %add3A_661 : i32 to index
      %get3A_663 = tpu.vector_load %arg13[%get3A_662] {strides = array<i32>} : memref<22528xf32, #tpu.memory_space<vmem>>, vector<16xf32>,
      %add3A_664 = arith.addf %add3A_657, %get3A_663 : vector<16xf32>
      %mul3A_665 = arith.constant 16 : i32
      %mul3A_666 = arith.muli %scan3A_598, %mul3A_665 : i32
      %add3A_667 = arith.constant 14080 : i32
      %add3A_668 = arith.addi %add3A_667, %mul3A_666 : i32
      %get3A_669 = arith.index_cast %add3A_668 : i32 to index
      %get3A_670 = tpu.vector_load %arg13[%get3A_669] {strides = array<i32>} : memref<22528xf32, #tpu.memory_space<vmem>>, vector<16xf32>,
      %add3A_671 = arith.addf %add3A_664, %get3A_670 : vector<16xf32>
      %mul3A_672 = arith.constant 16 : i32
      %mul3A_673 = arith.muli %scan3A_598, %mul3A_672 : i32
      %add3A_674 = arith.constant 15488 : i32
      %add3A_675 = arith.addi %add3A_674, %mul3A_673 : i32
      %get3A_676 = arith.index_cast %add3A_675 : i32 to index
      %get3A_677 = tpu.vector_load %arg13[%get3A_676] {strides = array<i32>} : memref<22528xf32, #tpu.memory_space<vmem>>, vector<16xf32>,
      %add3A_678 = arith.addf %add3A_671, %get3A_677 : vector<16xf32>
      %mul3A_679 = arith.constant 16 : i32
      %mul3A_680 = arith.muli %scan3A_598, %mul3A_679 : i32
      %add3A_681 = arith.constant 16896 : i32
      %add3A_682 = arith.addi %add3A_681, %mul3A_680 : i32
      %get3A_683 = arith.index_cast %add3A_682 : i32 to index
      %get3A_684 = tpu.vector_load %arg13[%get3A_683] {strides = array<i32>} : memref<22528xf32, #tpu.memory_space<vmem>>, vector<16xf32>,
      %add3A_685 = arith.addf %add3A_678, %get3A_684 : vector<16xf32>
      %mul3A_686 = arith.constant 16 : i32
      %mul3A_687 = arith.muli %scan3A_598, %mul3A_686 : i32
      %add3A_688 = arith.constant 18304 : i32
      %add3A_689 = arith.addi %add3A_688, %mul3A_687 : i32
      %get3A_690 = arith.index_cast %add3A_689 : i32 to index
      %get3A_691 = tpu.vector_load %arg13[%get3A_690] {strides = array<i32>} : memref<22528xf32, #tpu.memory_space<vmem>>, vector<16xf32>,
      %add3A_692 = arith.addf %add3A_685, %get3A_691 : vector<16xf32>
      %mul3A_693 = arith.constant 16 : i32
      %mul3A_694 = arith.muli %scan3A_598, %mul3A_693 : i32
      %add3A_695 = arith.constant 19712 : i32
      %add3A_696 = arith.addi %add3A_695, %mul3A_694 : i32
      %get3A_697 = arith.index_cast %add3A_696 : i32 to index
      %get3A_698 = tpu.vector_load %arg13[%get3A_697] {strides = array<i32>} : memref<22528xf32, #tpu.memory_space<vmem>>, vector<16xf32>,
      %add3A_699 = arith.addf %add3A_692, %get3A_698 : vector<16xf32>
      %mul3A_700 = arith.constant 16 : i32
      %mul3A_701 = arith.muli %scan3A_598, %mul3A_700 : i32
      %add3A_702 = arith.constant 21120 : i32
      %add3A_703 = arith.addi %add3A_702, %mul3A_701 : i32
      %get3A_704 = arith.index_cast %add3A_703 : i32 to index
      %get3A_705 = tpu.vector_load %arg13[%get3A_704] {strides = array<i32>} : memref<22528xf32, #tpu.memory_space<vmem>>, vector<16xf32>,
      %add3A_706 = arith.addf %add3A_699, %get3A_705 : vector<16xf32>
      %mul3A_707 = arith.constant 16 : i32
      %mul3A_708 = arith.muli %scan3A_598, %mul3A_707 : i32
      %swap3A_709 = arith.index_cast %mul3A_708 : i32 to index
      %swap3A_710 = tpu.vector_load %arg13[%swap3A_709] {strides = array<i32>} : memref<22528xf32, #tpu.memory_space<vmem>>, vector<16xf32>,
      tpu.vector_store %arg13[%swap3A_709], %add3A_706 {strides = array<i32>} : memref<22528xf32, #tpu.memory_space<vmem>>, vector<16xf32>,
    }
    %scan3A_588 = arith.constant 88 : i32
    %scan3A_589 = arith.constant 0 : i32
    %scan3A_590 = arith.constant 0 : i32
    %scan3A_591 = arith.constant 8 : i32
    %scan3A_592 = arith.addi %scan3A_590, %scan3A_591 : i32
    %scan3A_593 = arith.constant 1 : i32
    scf.for %scan3A_598 = %scan3A_590 to %scan3A_592 step %scan3A_593  : i32 {
      %mul3A_599 = arith.constant 16 : i32
      %mul3A_600 = arith.muli %scan3A_598, %mul3A_599 : i32
      %get3A = arith.index_cast %mul3A_600 : i32 to index
      %get3A_601 = tpu.vector_load %arg14[%get3A] {strides = array<i32>} : memref<2048xf32, #tpu.memory_space<vmem>>, vector<16xf32>,
      %mul3A_602 = arith.constant 16 : i32
      %mul3A_603 = arith.muli %scan3A_598, %mul3A_602 : i32
      %add3A_604 = arith.constant 128 : i32
      %add3A_605 = arith.addi %add3A_604, %mul3A_603 : i32
      %get3A_606 = arith.index_cast %add3A_605 : i32 to index
      %get3A_607 = tpu.vector_load %arg14[%get3A_606] {strides = array<i32>} : memref<2048xf32, #tpu.memory_space<vmem>>, vector<16xf32>,
      %add3A_608 = arith.addf %get3A_601, %get3A_607 : vector<16xf32>
      %mul3A_609 = arith.constant 16 : i32
      %mul3A_610 = arith.muli %scan3A_598, %mul3A_609 : i32
      %add3A_611 = arith.constant 256 : i32
      %add3A_612 = arith.addi %add3A_611, %mul3A_610 : i32
      %get3A_613 = arith.index_cast %add3A_612 : i32 to index
      %get3A_614 = tpu.vector_load %arg14[%get3A_613] {strides = array<i32>} : memref<2048xf32, #tpu.memory_space<vmem>>, vector<16xf32>,
      %add3A_615 = arith.addf %add3A_608, %get3A_614 : vector<16xf32>
      %mul3A_616 = arith.constant 16 : i32
      %mul3A_617 = arith.muli %scan3A_598, %mul3A_616 : i32
      %add3A_618 = arith.constant 384 : i32
      %add3A_619 = arith.addi %add3A_618, %mul3A_617 : i32
      %get3A_620 = arith.index_cast %add3A_619 : i32 to index
      %get3A_621 = tpu.vector_load %arg14[%get3A_620] {strides = array<i32>} : memref<2048xf32, #tpu.memory_space<vmem>>, vector<16xf32>,
      %add3A_622 = arith.addf %add3A_615, %get3A_621 : vector<16xf32>
      %mul3A_623 = arith.constant 16 : i32
      %mul3A_624 = arith.muli %scan3A_598, %mul3A_623 : i32
      %add3A_625 = arith.constant 512 : i32
      %add3A_626 = arith.addi %add3A_625, %mul3A_624 : i32
      %get3A_627 = arith.index_cast %add3A_626 : i32 to index
      %get3A_628 = tpu.vector_load %arg14[%get3A_627] {strides = array<i32>} : memref<2048xf32, #tpu.memory_space<vmem>>, vector<16xf32>,
      %add3A_629 = arith.addf %add3A_622, %get3A_628 : vector<16xf32>
      %mul3A_630 = arith.constant 16 : i32
      %mul3A_631 = arith.muli %scan3A_598, %mul3A_630 : i32
      %add3A_632 = arith.constant 640 : i32
      %add3A_633 = arith.addi %add3A_632, %mul3A_631 : i32
      %get3A_634 = arith.index_cast %add3A_633 : i32 to index
      %get3A_635 = tpu.vector_load %arg14[%get3A_634] {strides = array<i32>} : memref<2048xf32, #tpu.memory_space<vmem>>, vector<16xf32>,
      %add3A_636 = arith.addf %add3A_629, %get3A_635 : vector<16xf32>
      %mul3A_637 = arith.constant 16 : i32
      %mul3A_638 = arith.muli %scan3A_598, %mul3A_637 : i32
      %add3A_639 = arith.constant 768 : i32
      %add3A_640 = arith.addi %add3A_639, %mul3A_638 : i32
      %get3A_641 = arith.index_cast %add3A_640 : i32 to index
      %get3A_642 = tpu.vector_load %arg14[%get3A_641] {strides = array<i32>} : memref<2048xf32, #tpu.memory_space<vmem>>, vector<16xf32>,
      %add3A_643 = arith.addf %add3A_636, %get3A_642 : vector<16xf32>
      %mul3A_644 = arith.constant 16 : i32
      %mul3A_645 = arith.muli %scan3A_598, %mul3A_644 : i32
      %add3A_646 = arith.constant 896 : i32
      %add3A_647 = arith.addi %add3A_646, %mul3A_645 : i32
      %get3A_648 = arith.index_cast %add3A_647 : i32 to index
      %get3A_649 = tpu.vector_load %arg14[%get3A_648] {strides = array<i32>} : memref<2048xf32, #tpu.memory_space<vmem>>, vector<16xf32>,
      %add3A_650 = arith.addf %add3A_643, %get3A_649 : vector<16xf32>
      %mul3A_651 = arith.constant 16 : i32
      %mul3A_652 = arith.muli %scan3A_598, %mul3A_651 : i32
      %add3A_653 = arith.constant 1024 : i32
      %add3A_654 = arith.addi %add3A_653, %mul3A_652 : i32
      %get3A_655 = arith.index_cast %add3A_654 : i32 to index
      %get3A_656 = tpu.vector_load %arg14[%get3A_655] {strides = array<i32>} : memref<2048xf32, #tpu.memory_space<vmem>>, vector<16xf32>,
      %add3A_657 = arith.addf %add3A_650, %get3A_656 : vector<16xf32>
      %mul3A_658 = arith.constant 16 : i32
      %mul3A_659 = arith.muli %scan3A_598, %mul3A_658 : i32
      %add3A_660 = arith.constant 1152 : i32
      %add3A_661 = arith.addi %add3A_660, %mul3A_659 : i32
      %get3A_662 = arith.index_cast %add3A_661 : i32 to index
      %get3A_663 = tpu.vector_load %arg14[%get3A_662] {strides = array<i32>} : memref<2048xf32, #tpu.memory_space<vmem>>, vector<16xf32>,
      %add3A_664 = arith.addf %add3A_657, %get3A_663 : vector<16xf32>
      %mul3A_665 = arith.constant 16 : i32
      %mul3A_666 = arith.muli %scan3A_598, %mul3A_665 : i32
      %add3A_667 = arith.constant 1280 : i32
      %add3A_668 = arith.addi %add3A_667, %mul3A_666 : i32
      %get3A_669 = arith.index_cast %add3A_668 : i32 to index
      %get3A_670 = tpu.vector_load %arg14[%get3A_669] {strides = array<i32>} : memref<2048xf32, #tpu.memory_space<vmem>>, vector<16xf32>,
      %add3A_671 = arith.addf %add3A_664, %get3A_670 : vector<16xf32>
      %mul3A_672 = arith.constant 16 : i32
      %mul3A_673 = arith.muli %scan3A_598, %mul3A_672 : i32
      %add3A_674 = arith.constant 1408 : i32
      %add3A_675 = arith.addi %add3A_674, %mul3A_673 : i32
      %get3A_676 = arith.index_cast %add3A_675 : i32 to index
      %get3A_677 = tpu.vector_load %arg14[%get3A_676] {strides = array<i32>} : memref<2048xf32, #tpu.memory_space<vmem>>, vector<16xf32>,
      %add3A_678 = arith.addf %add3A_671, %get3A_677 : vector<16xf32>
      %mul3A_679 = arith.constant 16 : i32
      %mul3A_680 = arith.muli %scan3A_598, %mul3A_679 : i32
      %add3A_681 = arith.constant 1536 : i32
      %add3A_682 = arith.addi %add3A_681, %mul3A_680 : i32
      %get3A_683 = arith.index_cast %add3A_682 : i32 to index
      %get3A_684 = tpu.vector_load %arg14[%get3A_683] {strides = array<i32>} : memref<2048xf32, #tpu.memory_space<vmem>>, vector<16xf32>,
      %add3A_685 = arith.addf %add3A_678, %get3A_684 : vector<16xf32>
      %mul3A_686 = arith.constant 16 : i32
      %mul3A_687 = arith.muli %scan3A_598, %mul3A_686 : i32
      %add3A_688 = arith.constant 1664 : i32
      %add3A_689 = arith.addi %add3A_688, %mul3A_687 : i32
      %get3A_690 = arith.index_cast %add3A_689 : i32 to index
      %get3A_691 = tpu.vector_load %arg14[%get3A_690] {strides = array<i32>} : memref<2048xf32, #tpu.memory_space<vmem>>, vector<16xf32>,
      %add3A_692 = arith.addf %add3A_685, %get3A_691 : vector<16xf32>
      %mul3A_693 = arith.constant 16 : i32
      %mul3A_694 = arith.muli %scan3A_598, %mul3A_693 : i32
      %add3A_695 = arith.constant 1792 : i32
      %add3A_696 = arith.addi %add3A_695, %mul3A_694 : i32
      %get3A_697 = arith.index_cast %add3A_696 : i32 to index
      %get3A_698 = tpu.vector_load %arg14[%get3A_697] {strides = array<i32>} : memref<2048xf32, #tpu.memory_space<vmem>>, vector<16xf32>,
      %add3A_699 = arith.addf %add3A_692, %get3A_698 : vector<16xf32>
      %mul3A_700 = arith.constant 16 : i32
      %mul3A_701 = arith.muli %scan3A_598, %mul3A_700 : i32
      %add3A_702 = arith.constant 1920 : i32
      %add3A_703 = arith.addi %add3A_702, %mul3A_701 : i32
      %get3A_704 = arith.index_cast %add3A_703 : i32 to index
      %get3A_705 = tpu.vector_load %arg14[%get3A_704] {strides = array<i32>} : memref<2048xf32, #tpu.memory_space<vmem>>, vector<16xf32>,
      %add3A_706 = arith.addf %add3A_699, %get3A_705 : vector<16xf32>
      %mul3A_707 = arith.constant 16 : i32
      %mul3A_708 = arith.muli %scan3A_598, %mul3A_707 : i32
      %swap3A_709 = arith.index_cast %mul3A_708 : i32 to index
      %swap3A_710 = tpu.vector_load %arg14[%swap3A_709] {strides = array<i32>} : memref<2048xf32, #tpu.memory_space<vmem>>, vector<16xf32>,
      tpu.vector_store %arg14[%swap3A_709], %add3A_706 {strides = array<i32>} : memref<2048xf32, #tpu.memory_space<vmem>>, vector<16xf32>,
    }
    %scan3A_594 = arith.constant 8 : i32
    %ne3A_595 = arith.constant 0 : i32
    %ne3A_596 = arith.cmpi ne, %select_n3A_30, %ne3A_595 : i32
    %convert_element_type3A = arith.extui %ne3A_596 : i1 to i32
    %cond3A = arith.constant 0 : i32
    %cond3A_597 = arith.cmpi ne, %convert_element_type3A, %cond3A : i32
    scf.if %cond3A_597 {
      %scan3A_598 = arith.constant 0 : i32
      %scan3A_599 = arith.constant 0 : i32
      %scan3A_600 = arith.constant 8 : i32
      %scan3A_601 = arith.addi %scan3A_599, %scan3A_600 : i32
      %scan3A_602 = arith.constant 1 : i32
      scf.for %scan3A_604 = %scan3A_599 to %scan3A_601 step %scan3A_602  : i32 {
        %mul3A_605 = arith.constant 16 : i32
        %mul3A_606 = arith.muli %scan3A_604, %mul3A_605 : i32
        %swap3A_607 = arith.index_cast %mul3A_606 : i32 to index
        %swap3A_608 = tpu.vector_load %arg14[%swap3A_607] {strides = array<i32>} : memref<2048xf32, #tpu.memory_space<vmem>>, vector<16xf32>,
        tpu.vector_store %arg14[%swap3A_607], %broadcast_in_dim3A_31 {strides = array<i32>} : memref<2048xf32, #tpu.memory_space<vmem>>, vector<16xf32>,
      }
      %scan3A_603 = arith.constant 8 : i32
    } else {
    }
    "tpu.region"() ({
      %run_scoped3A = tpu.sem_alloc : memref<!tpu.dma_semaphore, #tpu.memory_space<semaphore_mem>>
      %dma_start3A_598 = arith.constant 0 : i32
      %dma_start3A_599 = tpu.memref_slice %arg13[%dma_start3A_598] : memref<22528xf32, #tpu.memory_space<vmem>> -> memref<1408xf32, #tpu.memory_space<vmem>>
      %dma_start3A_600 = arith.constant 0 : i32
      %dma_start3A_601 = tpu.memref_slice %arg6[%add3A, %dma_start3A_600] : memref<32x1408xf32, #tpu.memory_space<hbm>> -> memref<1x1408xf32, #tpu.memory_space<hbm>>
      %dma_start3A_602 = tpu.memref_squeeze %dma_start3A_601 : memref<1x1408xf32, #tpu.memory_space<hbm>> -> memref<1408xf32, #tpu.memory_space<hbm>>
      %dma_start3A_603 = arith.constant 0 : i32
      %dma_start3A_604 = tpu.memref_slice %arg6[%add3A, %dma_start3A_603] : memref<32x1408xf32, #tpu.memory_space<hbm>> -> memref<1x1408xf32, #tpu.memory_space<hbm>>
      %dma_start3A_605 = tpu.memref_squeeze %dma_start3A_604 : memref<1x1408xf32, #tpu.memory_space<hbm>> -> memref<1408xf32, #tpu.memory_space<hbm>>
      %dma_start3A_606 = arith.constant 0 : i32
      %dma_start3A_607 = tpu.memref_slice %arg13[%dma_start3A_606] : memref<22528xf32, #tpu.memory_space<vmem>> -> memref<1408xf32, #tpu.memory_space<vmem>>
      tpu.enqueue_dma source(%dma_start3A_607 : memref<1408xf32, #tpu.memory_space<vmem>>) target(%dma_start3A_605 : memref<1408xf32, #tpu.memory_space<hbm>>) target_semaphore(%run_scoped3A : memref<!tpu.dma_semaphore, #tpu.memory_space<semaphore_mem>>)
      %dma_wait3A_608 = arith.constant 0 : i32
      %dma_wait3A_609 = tpu.memref_slice %arg13[%dma_wait3A_608] : memref<22528xf32, #tpu.memory_space<vmem>> -> memref<1408xf32, #tpu.memory_space<vmem>>
      %dma_wait3A_610 = arith.constant 0 : i32
      %dma_wait3A_611 = tpu.memref_slice %arg6[%add3A, %dma_wait3A_610] : memref<32x1408xf32, #tpu.memory_space<hbm>> -> memref<1x1408xf32, #tpu.memory_space<hbm>>
      %dma_wait3A_612 = tpu.memref_squeeze %dma_wait3A_611 : memref<1x1408xf32, #tpu.memory_space<hbm>> -> memref<1408xf32, #tpu.memory_space<hbm>>
      %dma_wait3A_613 = arith.constant 0 : i32
      %dma_wait3A_614 = tpu.memref_slice %arg6[%add3A, %dma_wait3A_613] : memref<32x1408xf32, #tpu.memory_space<hbm>> -> memref<1x1408xf32, #tpu.memory_space<hbm>>
      %dma_wait3A_615 = tpu.memref_squeeze %dma_wait3A_614 : memref<1x1408xf32, #tpu.memory_space<hbm>> -> memref<1408xf32, #tpu.memory_space<hbm>>
      %dma_wait3A_616 = arith.constant 0 : i32
      %dma_wait3A_617 = tpu.memref_slice %arg13[%dma_wait3A_616] : memref<22528xf32, #tpu.memory_space<vmem>> -> memref<1408xf32, #tpu.memory_space<vmem>>
      tpu.wait_dma2 semaphore(%run_scoped3A : memref<!tpu.dma_semaphore, #tpu.memory_space<semaphore_mem>>) src(%dma_wait3A_617 : memref<1408xf32, #tpu.memory_space<vmem>>) dst(%dma_wait3A_615 : memref<1408xf32, #tpu.memory_space<hbm>>)
      tpu.yield
    }) : () -> ()
    "tpu.region"() ({
      %run_scoped3A = tpu.sem_alloc : memref<!tpu.dma_semaphore, #tpu.memory_space<semaphore_mem>>
      %dma_start3A_598 = arith.constant 0 : i32
      %dma_start3A_599 = tpu.memref_slice %arg14[%dma_start3A_598] : memref<2048xf32, #tpu.memory_space<vmem>> -> memref<128xf32, #tpu.memory_space<vmem>>
      %dma_start3A_600 = arith.constant 0 : i32
      %dma_start3A_601 = tpu.memref_slice %arg7[%add3A, %dma_start3A_600] : memref<32x128xf32, #tpu.memory_space<hbm>> -> memref<1x128xf32, #tpu.memory_space<hbm>>
      %dma_start3A_602 = tpu.memref_squeeze %dma_start3A_601 : memref<1x128xf32, #tpu.memory_space<hbm>> -> memref<128xf32, #tpu.memory_space<hbm>>
      %dma_start3A_603 = arith.constant 0 : i32
      %dma_start3A_604 = tpu.memref_slice %arg7[%add3A, %dma_start3A_603] : memref<32x128xf32, #tpu.memory_space<hbm>> -> memref<1x128xf32, #tpu.memory_space<hbm>>
      %dma_start3A_605 = tpu.memref_squeeze %dma_start3A_604 : memref<1x128xf32, #tpu.memory_space<hbm>> -> memref<128xf32, #tpu.memory_space<hbm>>
      %dma_start3A_606 = arith.constant 0 : i32
      %dma_start3A_607 = tpu.memref_slice %arg14[%dma_start3A_606] : memref<2048xf32, #tpu.memory_space<vmem>> -> memref<128xf32, #tpu.memory_space<vmem>>
      tpu.enqueue_dma source(%dma_start3A_607 : memref<128xf32, #tpu.memory_space<vmem>>) target(%dma_start3A_605 : memref<128xf32, #tpu.memory_space<hbm>>) target_semaphore(%run_scoped3A : memref<!tpu.dma_semaphore, #tpu.memory_space<semaphore_mem>>)
      %dma_wait3A_608 = arith.constant 0 : i32
      %dma_wait3A_609 = tpu.memref_slice %arg14[%dma_wait3A_608] : memref<2048xf32, #tpu.memory_space<vmem>> -> memref<128xf32, #tpu.memory_space<vmem>>
      %dma_wait3A_610 = arith.constant 0 : i32
      %dma_wait3A_611 = tpu.memref_slice %arg7[%add3A, %dma_wait3A_610] : memref<32x128xf32, #tpu.memory_space<hbm>> -> memref<1x128xf32, #tpu.memory_space<hbm>>
      %dma_wait3A_612 = tpu.memref_squeeze %dma_wait3A_611 : memref<1x128xf32, #tpu.memory_space<hbm>> -> memref<128xf32, #tpu.memory_space<hbm>>
      %dma_wait3A_613 = arith.constant 0 : i32
      %dma_wait3A_614 = tpu.memref_slice %arg7[%add3A, %dma_wait3A_613] : memref<32x128xf32, #tpu.memory_space<hbm>> -> memref<1x128xf32, #tpu.memory_space<hbm>>
      %dma_wait3A_615 = tpu.memref_squeeze %dma_wait3A_614 : memref<1x128xf32, #tpu.memory_space<hbm>> -> memref<128xf32, #tpu.memory_space<hbm>>
      %dma_wait3A_616 = arith.constant 0 : i32
      %dma_wait3A_617 = tpu.memref_slice %arg14[%dma_wait3A_616] : memref<2048xf32, #tpu.memory_space<vmem>> -> memref<128xf32, #tpu.memory_space<vmem>>
      tpu.wait_dma2 semaphore(%run_scoped3A : memref<!tpu.dma_semaphore, #tpu.memory_space<semaphore_mem>>) src(%dma_wait3A_617 : memref<128xf32, #tpu.memory_space<vmem>>) dst(%dma_wait3A_615 : memref<128xf32, #tpu.memory_space<hbm>>)
      tpu.yield
    }) : () -> ()
    return
  }
}

module attributes {stable_mosaic.version = 14 : i64} {
  func.func @_combine_body(%arg0: memref<8x22x256xf32, #tpu.memory_space<vmem>>, %arg1: memref<128x32xf32, #tpu.memory_space<vmem>>, %arg2: memref<21x256xf32, #tpu.memory_space<vmem>>, %arg3: memref<21x256xf32, #tpu.memory_space<vmem>>) attributes {dimension_semantics = [], scalar_prefetch = 0 : i64, scratch_operands = 0 : i64, tpu.core_type = #tpu.core_type<tc>} {
    %get3A = arith.constant 0 : index
    %get3A_0 = arith.constant 0 : index
    %get3A_1 = arith.constant 0 : index
    %get3A_2 = vector.load %arg0[%get3A, %get3A_0, %get3A_1] : memref<8x22x256xf32, #tpu.memory_space<vmem>>, vector<8x22x256xf32>
    %reduce_sum3A = arith.constant dense<0.000000e+00> : vector<22x256xf32>
    %reduce_sum3A_3 = vector.multi_reduction <add>, %get3A_2, %reduce_sum3A [0] : vector<8x22x256xf32> to vector<22x256xf32>
    %get3A_4 = arith.constant 0 : index
    %get3A_5 = arith.constant 0 : index
    %get3A_6 = vector.load %arg1[%get3A_4, %get3A_5] : memref<128x32xf32, #tpu.memory_space<vmem>>, vector<128x32xf32>
    %reduce_sum3A_7 = arith.constant dense<0.000000e+00> : vector<128xf32>
    %reduce_sum3A_8 = vector.multi_reduction <add>, %get3A_6, %reduce_sum3A_7 [1] : vector<128x32xf32> to vector<128xf32>
    %broadcast_in_dim3A = vector.shape_cast %reduce_sum3A_8 : vector<128xf32> to vector<128x1xf32>
    %slice3A = vector.extract_strided_slice %reduce_sum3A_3 {offsets = [0, 0], sizes = [21, 256], strides = [1, 1]} : vector<22x256xf32> to vector<21x256xf32>
    %slice3A_9 = vector.extract_strided_slice %broadcast_in_dim3A {offsets = [0, 0], sizes = [21, 1], strides = [1, 1]} : vector<128x1xf32> to vector<21x1xf32>
    %max3A = arith.constant 1.000000e+00 : f32
    %max3A_10 = vector.broadcast %max3A : f32 to vector<21x1xf32>
    %max3A_11 = arith.maximumf %slice3A_9, %max3A_10 : vector<21x1xf32>
    %div3A = vector.broadcast %max3A_11 : vector<21x1xf32> to vector<21x256xf32>
    %div3A_12 = arith.divf %slice3A, %div3A : vector<21x256xf32>
    %gt3A = arith.constant 0.000000e+00 : f32
    %gt3A_13 = vector.broadcast %gt3A : f32 to vector<21x1xf32>
    %gt3A_14 = arith.cmpf ogt, %slice3A_9, %gt3A_13 : vector<21x1xf32>
    %get3A_15 = arith.constant 0 : index
    %get3A_16 = arith.constant 0 : index
    %get3A_17 = vector.load %arg2[%get3A_15, %get3A_16] : memref<21x256xf32, #tpu.memory_space<vmem>>, vector<21x256xf32>
    %eq3A = arith.constant 0.000000e+00 : f32
    %eq3A_18 = vector.broadcast %eq3A : f32 to vector<21x256xf32>
    %eq3A_19 = arith.cmpf oeq, %get3A_17, %eq3A_18 : vector<21x256xf32>
    %convert_element_type3A = arith.extui %eq3A_19 : vector<21x256xi1> to vector<21x256xi32>
    %convert_element_type3A_20 = arith.sitofp %convert_element_type3A : vector<21x256xi32> to vector<21x256xf32>
    %reduce_sum3A_21 = arith.constant dense<0.000000e+00> : vector<21xf32>
    %reduce_sum3A_22 = vector.multi_reduction <add>, %convert_element_type3A_20, %reduce_sum3A_21 [1] : vector<21x256xf32> to vector<21xf32>
    %broadcast_in_dim3A_23 = vector.shape_cast %reduce_sum3A_22 : vector<21xf32> to vector<21x1xf32>
    %eq3A_24 = arith.constant 2.560000e+02 : f32
    %eq3A_25 = vector.broadcast %eq3A_24 : f32 to vector<21x1xf32>
    %eq3A_26 = arith.cmpf oeq, %broadcast_in_dim3A_23, %eq3A_25 : vector<21x1xf32>
    %and3A = arith.andi %gt3A_14, %eq3A_26 : vector<21x1xi1>
    %iota3A = tpu.iota {dimensions = array<i32: 0>} : vector<21x1xi32>
    %jit3A = arith.constant 1073741824 : i32
    %broadcast_in_dim3A_27 = vector.broadcast %jit3A : i32 to vector<21x1xi32>
    %select_n3A = arith.select %and3A, %iota3A, %broadcast_in_dim3A_27 : vector<21x1xi1>, vector<21x1xi32>
    %reduce_min3A = vector.shape_cast %select_n3A : vector<21x1xi32> to vector<1x21x1xi32>
    %reduce_min3A_28 = arith.constant dense<2147483647> : vector<1xi32>
    %reduce_min3A_29 = vector.multi_reduction <minsi>, %reduce_min3A, %reduce_min3A_28 [1, 2] : vector<1x21x1xi32> to vector<1xi32>
    %reduce_min3A_30 = vector.shape_cast %reduce_min3A_29 : vector<1xi32> to vector<1x1x1xi32>
    %reduce_min3A_31 = vector.extract %reduce_min3A_30[0, 0, 0] : i32 from vector<1x1x1xi32>
    %le3A = vector.broadcast %reduce_min3A_31 : i32 to vector<21x1xi32>
    %le3A_32 = arith.cmpi sle, %iota3A, %le3A : vector<21x1xi32>
    %not3A = arith.constant dense<true> : vector<21x1xi1>
    %not3A_33 = arith.xori %eq3A_26, %not3A : vector<21x1xi1>
    %and3A_34 = arith.andi %gt3A_14, %not3A_33 : vector<21x1xi1>
    %and3A_35 = arith.andi %and3A_34, %le3A_32 : vector<21x1xi1>
    %mul3A = arith.constant 9.900000e-01 : f32
    %mul3A_36 = vector.broadcast %mul3A : f32 to vector<21x256xf32>
    %mul3A_37 = arith.mulf %mul3A_36, %get3A_17 : vector<21x256xf32>
    %mul3A_38 = arith.constant 0.00999999977 : f32
    %mul3A_39 = vector.broadcast %mul3A_38 : f32 to vector<21x256xf32>
    %mul3A_40 = arith.mulf %mul3A_39, %div3A_12 : vector<21x256xf32>
    %add3A = arith.addf %mul3A_37, %mul3A_40 : vector<21x256xf32>
    %broadcast_in_dim3A_41 = vector.shape_cast %and3A_35 : vector<21x1xi1> to vector<21x1xi1>
    %broadcast_in_dim3A_42 = vector.broadcast %broadcast_in_dim3A_41 : vector<21x1xi1> to vector<21x256xi1>
    %select_n3A_43 = arith.select %broadcast_in_dim3A_42, %add3A, %get3A_17 : vector<21x256xi1>, vector<21x256xf32>
    %broadcast_in_dim3A_44 = vector.shape_cast %and3A : vector<21x1xi1> to vector<21x1xi1>
    %broadcast_in_dim3A_45 = vector.broadcast %broadcast_in_dim3A_44 : vector<21x1xi1> to vector<21x256xi1>
    %select_n3A_46 = arith.select %broadcast_in_dim3A_45, %div3A_12, %select_n3A_43 : vector<21x256xi1>, vector<21x256xf32>
    %swap3A = arith.constant 0 : index
    %swap3A_47 = arith.constant 0 : index
    %swap3A_48 = vector.load %arg3[%swap3A, %swap3A_47] : memref<21x256xf32, #tpu.memory_space<vmem>>, vector<21x256xf32>
    tpu.vector_store %arg3[%swap3A, %swap3A_47], %select_n3A_46 {strides = array<i32>} : memref<21x256xf32, #tpu.memory_space<vmem>>, vector<21x256xf32>,
    return
  }
}

</mosaic_0001>

<sc_bundles>
// kernel: kernel.4.cloned.1.call-start
scs
__scs_entry_jumppad:
0x0: {  	(pc) =	sbr.rel $0x88, $3  }
0x1: {  	(tag) =	ssettag $0x0;
	lr =	simm.s32 $0x1  }
0x2: {  	[smem:$0x3F9C] =	sst lr;
	_ =	strace $0xD0000000  }
0x3: {  	_ = 	snop  }
0x4: {  	_ = 	snop  }
0x5: {  	_ = 	snop  }
0x6: {  	_ = 	snop  }
0x7: {  	_ = 	snop  }
__scs_overlays_trampoline_lowered:
0x8: {  	[smem:$0x3FAB] =	sst s0  }
0x9: {  	[smem:$0x3FAC] =	sst s1  }
0xa: {  	[smem:$0x3FAD] =	sst s2  }
0xb: {  	[smem:$0x3FAE] =	sst s3  }
0xc: {  	[smem:$0x3FAF] =	sst s4  }
0xd: {  	[smem:$0x3FB0] =	sst s5  }
0xe: {  	[smem:$0x3FB1] =	sst s6  }
0xf: {  	[smem:$0x3FB2] =	sst s7  }
0x10: {  	[smem:$0x3FB3] =	sst s8  }
0x11: {  	[smem:$0x3FB4] =	sst s9;
	s0 =	simm.s32 @!p0 $0x0  }
0x12: {  	s1 =	sld [smem:$0x3F9A];
	s0 =	simm.s32 @p0 $0x1  }
0x13: {  	[smem:$0x3FB5] =	sst s0;
	s0 =	simm.s32 @!p1 $0x0  }
0x14: {  	s2 =	sld [smem:$0x3F99];
	s0 =	simm.s32 @p1 $0x1  }
0x15: {  	[smem:$0x3FB6] =	sst s0;
	s0 =	simm.s32 @!p2 $0x0  }
0x16: {  	s3 =	sld [smem:$0x3FDB];
	s0 =	simm.s32 @p2 $0x1  }
0x17: {  	s4 =	simm.s32 $0x1BF5;
	[smem:$0x3FB8] =	sst s0  }
0x18: {  	s0 =	sld [smem:$0x3F9B];
	_ =	swait.ge [sflag:s4], $0x0  }
0x19: {  	s7 =	sld [smem:$0x3F9C]  }
0x1a: {  	s8 =	sadd.s32 $0xFFFFE003, lr  }
0x1b: {  	s9 =	sadd.s32 $0xFFFFFEF7, lr;
	s5 =	simm.s32 $0xFFFFFFFF;
	p2 =	slt.u32 s8, $0xFFFFF086  }
0x1c: {  	p1 =	slt.u32 s9, $0xF7A;
	s5 =	simm.s32 @!p2 $0x0  }
0x1d: {  	s5 =	simm.s32 @p1 $0x1;
	p0 =	seq.s32 s7, s2  }
0x1e: {  	s7 =	smul.u32 @!p0 $0xF7A, s2;
	p2 =	seq.s32 @!p0 s5, $0x0  }
0x1f: {  	s9 =	smul.u32 $0xF7A, s1;
	s8 =	simm.s32 @!p0 $0x1BF5;
	p2 =	por !p2, p0  }
0x20: {  	[sflag:s8] =	ssyncset.s32 @!p0 $0xFFFFF086;
	s6 =	sadd.s32 @!p0 s3, s7;
	s7 =	simm.s32 @!p0 $0x108  }
0x21: {  	s3 =	sadd.s32 s3, s9;
	s6 =	sadd.s32 @!p0 $0x88, s6;
	s7 =	simm.s32 @p2 $0x1082  }
0x22: {  	[simem:s7], [sflag:s8] =	dma.local @!p0 [hbm:s6], $0xF7A  }
0x23: {  	s9 =	sor.u32 $0xD0000000, s2;
	s6 =	simm.s32 $0x108;
	_ =	swait.ge @!p0 [sflag:s8], $0x0  }
0x24: {  	s3 =	sadd.s32 $0x88, s3;
	s6 =	simm.s32 @!p1 $0x1082;
	[sflag:s4] =	ssyncset.s32 $0xFFFFF086  }
0x25: {  	[simem:s6], [sflag:s4] =	dma.local [hbm:s3], $0xF7A  }
0x26: {  	[smem:$0x3F9C] =	sst s1;
	(tag) =	ssettag s2;
	_ =	strace s9  }
0x27: {  	s1 =	sld [smem:$0x3FAC]  }
0x28: {  	s2 =	sld [smem:$0x3FAD]  }
0x29: {  	s4 =	sld [smem:$0x3FAF]  }
0x2a: {  	p0 =	seq.s32 s5, $0x0;
	s5 =	sld [smem:$0x3FB0]  }
0x2b: {  	s6 =	sld [smem:$0x3FB1]  }
0x2c: {  	s7 =	sld [smem:$0x3FB2]  }
0x2d: {  	s3 =	simm.s32 $0x108;
	s8 =	sld [smem:$0x3FB3]  }
0x2e: {  	s3 =	simm.s32 @!p0 $0x1082;
	s9 =	sld [smem:$0x3FB4]  }
0x2f: {  	lr =	sadd.s32 s0, s3;
	s0 =	sld [smem:$0x3FAB]  }
0x30: {  	s3 =	sld [smem:$0x3FAE]  }
0x31: {  	[smem:$0x3FB7] =	sst s10  }
0x32: {  	s10 =	sld [smem:$0x3FB5];
	_ =	sdelay $0x3  }
0x33: {  	p0 =	seq.s32 s10, $0x1;
	s10 =	sld [smem:$0x3FB7];
	_ =	sdelay $0x3  }
0x34: {  	[smem:$0x3FB7] =	sst s10  }
0x35: {  	s10 =	sld [smem:$0x3FB6];
	_ =	sdelay $0x3  }
0x36: {  	p1 =	seq.s32 s10, $0x1;
	s10 =	sld [smem:$0x3FB7];
	_ =	sdelay $0x3  }
0x37: {  	[smem:$0x3FB7] =	sst s10  }
0x38: {  	s10 =	sld [smem:$0x3FB8]  }
0x39: {  	_ = 	snop;
	(pc) =	sbr.ind lr, $3  }
0x3a: {  	_ = 	snop  }
0x3b: {  	_ = 	snop  }
0x3c: {  	p2 =	seq.s32 s10, $0x1;
	s10 =	sld [smem:$0x3FB7]  }
0x3d: {  	_ =	shalt  }
0x3e: {  	_ =	shalt  }
0x3f: {  	_ =	shalt  }
0x40: {  	_ =	shalt  }
0x41: {  	_ =	shalt  }
0x42: {  	_ =	shalt  }
0x43: {  	_ =	shalt  }
0x44: {  	_ =	shalt  }
0x45: {  	_ =	shalt  }
0x46: {  	_ =	shalt  }
0x47: {  	_ =	shalt  }
0x48: {  	_ =	shalt  }
0x49: {  	_ =	shalt  }
0x4a: {  	_ =	shalt  }
0x4b: {  	_ =	shalt  }
0x4c: {  	_ =	shalt  }
0x4d: {  	_ =	shalt  }
0x4e: {  	_ =	shalt  }
0x4f: {  	_ =	shalt  }
0x50: {  	_ =	shalt  }
0x51: {  	_ =	shalt  }
0x52: {  	_ =	shalt  }
0x53: {  	_ =	shalt  }
0x54: {  	_ =	shalt  }
0x55: {  	_ =	shalt  }
0x56: {  	_ =	shalt  }
0x57: {  	_ =	shalt  }
0x58: {  	_ =	shalt  }
0x59: {  	_ =	shalt  }
0x5a: {  	_ =	shalt  }
0x5b: {  	_ =	shalt  }
0x5c: {  	_ =	shalt  }
0x5d: {  	_ =	shalt  }
0x5e: {  	_ =	shalt  }
0x5f: {  	_ =	shalt  }
0x60: {  	_ =	shalt  }
0x61: {  	_ =	shalt  }
0x62: {  	_ =	shalt  }
0x63: {  	_ =	shalt  }
0x64: {  	_ =	shalt  }
0x65: {  	_ =	shalt  }
0x66: {  	_ =	shalt  }
0x67: {  	_ =	shalt  }
0x68: {  	_ =	shalt  }
0x69: {  	_ =	shalt  }
0x6a: {  	_ =	shalt  }
0x6b: {  	_ =	shalt  }
0x6c: {  	_ =	shalt  }
0x6d: {  	_ =	shalt  }
0x6e: {  	_ =	shalt  }
0x6f: {  	_ =	shalt  }
0x70: {  	_ =	shalt  }
0x71: {  	_ =	shalt  }
0x72: {  	_ =	shalt  }
0x73: {  	_ =	shalt  }
0x74: {  	_ =	shalt  }
0x75: {  	_ =	shalt  }
0x76: {  	_ =	shalt  }
0x77: {  	_ =	shalt  }
0x78: {  	_ =	shalt  }
0x79: {  	_ =	shalt  }
0x7a: {  	_ =	shalt  }
0x7b: {  	_ =	shalt  }
0x7c: {  	_ =	shalt  }
0x7d: {  	_ =	shalt  }
0x7e: {  	_ =	shalt  }
0x7f: {  	_ =	shalt  }
0x80: {  	_ =	shalt  }
0x81: {  	_ =	shalt  }
0x82: {  	_ =	shalt  }
0x83: {  	_ =	shalt  }
0x84: {  	_ =	shalt  }
0x85: {  	_ =	shalt  }
0x86: {  	_ =	shalt  }
0x87: {  	_ =	shalt  }
.Lfunc_end0:
.L_simem_size_0:
called_computation_lowered:
.L_overlay_start_0:
0x88: {  	s2 =	sld [smem:$0x3FD9]  }
0x89: {  	s3 =	sld [smem:$0x3FFE];
	_ =	sdelay $0x1  }
0x8a: {  	s1 =	srdreg.scid  }
0x8b: {  	s0 =	sand.u32 $0x1, s1  }
0x8c: {  	s17 =	sshll.u32 s0, $0xA;
	s2 =	sadd.s32 s3, s2  }
0x8d: {  	s2 =	sadd.s32 s2, s17  }
0x8e: {  	[smem:$0x3FC3] =	sst s2  }
0x8f: {  	_ = 	snop  }
0x90: {  	s2 =	sld [smem:$0x3FC9]  }
0x91: {  	s18 =	sld [smem:$0x3FC8]  }
0x92: {  	s4 =	sld [smem:$0x3FC6]  }
0x93: {  	s5 =	sld [smem:$0x3FC5]  }
0x94: {  	s6 =	sld [smem:$0x3FD0];
	(tm) =	ssettm $0x1  }
0x95: {  	s7 =	sld [smem:$0x3FFB];
	_ =	sdelay $0x3  }
0x96: {  	_ =	strace s7  }
0x97: {  	s7 =	sld [smem:$0x3FFC];
	_ =	sdelay $0x3  }
0x98: {  	_ =	strace s7  }
0x99: {  	s7 =	sld [smem:$0x3FFD];
	_ =	sdelay $0x3  }
0x9a: {  	_ =	strace s7  }
0x9b: {  	_ =	strace $0x8FFFFFFF  }
0x9c: {  	s19 =	sld [smem:$0x3FDB];
	_ =	sdelay $0x1  }
0x9d: {  	s8 =	simm.s32 $_scs_section_size  }
0x9e: {  	s9 =	simm.s32 $_size__tile_overlayer_lowered;
	s10 =	simm.s32 $_tile_overlayer_lowered  }
0x9f: {  	s22 =	simm.s32 $0x1BFF;
	s21 =	sshll.u32 s10, $0x1;
	s7 =	sadd.s32 s8, s19  }
0xa0: {  	s11 =	simm.s32 $0x0;
	s20 =	sshll.u32 s9, $0x1;
	s9 =	sadd.s32 s21, s7  }
0xa1: {  	[timem:s11], [sflag:s22] =	dma.local [hbm:s9], s20  }
0xa2: {  	_ =	swait.ge [sflag:s22], s20  }
0xa3: {  	s8 =	ssub.s32 $0x0, s20;
	[sflag:s22] =	ssyncset.done $0x0  }
0xa4: {  	[sflag:s22] =	ssyncadd.s32 s8;
	_ =	sdelay $0x1  }
0xa5: {  	s23 =	simm.s32 $0x1B8B  }
0xa6: {  	_ =	swait.ge [sflag:s23], $0x1  }
0xa7: {  	[sflag:s23] =	ssyncset.done $0x0  }
0xa8: {  	s25 =	simm.s32 $0x1B8E;
	s24 =	sld [smem:$0x3FFE];
	[sflag:s23] =	ssyncadd.s32 $0xFFFFFFFF  }
0xa9: {  	s26 =	simm.s32 $execute0_lowered;
	[smem:$0x3FD2] =	sst s25  }
0xaa: {  	s9 =	sshll.u32 s26, $0x1;
	_ =	strace $0x80000046;
	[dreg:$0x1] =	wrdreg $0xFFFFFFFF  }
0xab: {  	s28 =	simm.s32 $_size_execute0_lowered;
	s7 =	sadd.s32 s7, s9;
	[dreg:$0x0] =	wrdreg $0x0  }
0xac: {  	s9 =	sshll.u32 s28, $0x1;
	[dreg:$0x2] =	wrdreg s7  }
0xad: {  	[dreg:$0x3] =	wrdreg s9  }
0xae: {  	[dreg:$0x4] =	wrdreg $0xC0  }
0xaf: {  	_ =	task [dreg:s11], $0x5FFFF  }
0xb0: {  	[dreg:$0x1] =	wrdreg $0xFFFFFFFF  }
0xb1: {  	[dreg:$0x0] =	wrdreg $0x60  }
0xb2: {  	[dreg:$0x2] =	wrdreg s2  }
0xb3: {  	[dreg:$0x3] =	wrdreg s4  }
0xb4: {  	[dreg:$0x4] =	wrdreg s18  }
0xb5: {  	[dreg:$0x5] =	wrdreg s5  }
0xb6: {  	[dreg:$0x6] =	wrdreg s24  }
0xb7: {  	[dreg:$0x7] =	wrdreg s6  }
0xb8: {  	[dreg:$0x8] =	wrdreg $0x9  }
0xb9: {  	_ =	task.clear_ibuf [dreg:s11], $0x9FFFF;
	_ =	strace $0x90000046  }
0xba: {  	s29 =	simm.s32 $0x9;
	_ =	strace $0x80000048  }
0xbb: {  	_ =	swait.ge [sflag:s29], $0x1  }
0xbc: {  	[sflag:s29] =	ssyncadd.s32 $0xFFFFFFFF  }
0xbd: {  	_ =	strace $0x90000048  }
0xbe: {  	_ =	sfence  }
0xbf: {  	s30 =	sld [smem:$0x0];
	_ =	sdelay $0x2  }
0xc0: {  	s31 =	sshll.u32 s1, $0xD;
	s1 =	sshrl.u32 s1, $0x2  }
0xc1: {  	s3 =	sand.u32 $0x4000, s31;
	s1 =	sadd.s32 s1, s30  }
0xc2: {  	s0 =	sor.u32 s3, s0;
	s1 =	sshll.u32 s1, $0x11  }
0xc3: {  	s0 =	sor.u32 s1, s0  }
0xc4: {  	s0 =	sadd.s32 $0x8F2B, s0  }
0xc5: {  	[sflag:s0] =	ssyncadd.remote.s32 $0x1  }
0xc6: {  	_ =	sfence.sel $0xFFFF  }
0xc7: {  	[dreg:$0x0] =	wrdreg $0xFFFFFFFF;
	(pc) =	sbr.abs _section_cstart, $3  }
0xc8: {  	[dreg:$0x1] =	wrdreg $0xFFFFFFFF  }
0xc9: {  	_ =	task.clear_ibuf [dreg:s11], $0x2FFFF;
	_ =	strace $0x9FFFFFFF  }
0xca: {  	(tm) =	ssettm $0x7FFFFFFF  }
0xcb: {  	_ =	shalt  }
tec
execute0_lowered:
.L_overlay_start_1:
0x0: {  	(tag) =	ssettag $0x1  }
0x1: {  	s0 =	srdreg.scid;
	s10 =	stileid.u32  }
0x2: {  	s0 =	sand.u32 $0x1, s0;
	s1 =	sshll.u32 s10, $0x1  }
0x3: {  	s4 =	sshrl.u32 s10, $0x2;
	s3 =	sor.u32 s0, s1  }
0x4: {  	s2 =	rddreg [dreg:$0x1];
	s6 =	smul.u32 $0x2C00, s4;
	s1 =	sshll.u32 s3, $0x7  }
0x5: {  	s5 =	rddreg [dreg:$0x2];
	s8 =	sand.u32 $0x380, s1  }
0x6: {  	s7 =	rddreg [dreg:$0x3];
	s6 =	sor.u32 s6, s8  }
0x7: {  	s9 =	rddreg [dreg:$0x4];
	s0 =	ssub.s32 $0x2, s0;
	s6 =	sshrl.u32 s6, $0x3  }
0x8: {  	s10 =	sshrl.u32 s10, $0x1;
	s25 =	sshrl.u32 s0, $0x1;
	s6 =	sadd.s32 s6, s9  }
0x9: {  	s9 =	ssub.s32 s0, s25;
	s0 =	sand.u32 $0x3, s3;
	s3 =	sshll.u32 s10, $0xB  }
0xa: {  	s1 =	simm.s32 $0x0;
	s12 =	sor.u32 $0x100, s3;
	s19 =	sor.u32 $0x400, s3  }
0xb: {  	[smem:$0x7FF] =	sst s1;
	s26 =	sadd.s32 s2, s12;
	s20 =	sadd.s32 s2, s19  }
0xc: {  	s21 =	sadd.s32 s5, s19;
	s22 =	sadd.s32 s7, s19;
	s19 =	rddreg [dreg:$0x5]  }
0xd: {  	s10 =	sshll.u32 s10, $0x8;
	s13 =	sadd.s32 s5, s12;
	[dreg:$0x7] =	wrdreg s26  }
0xe: {  	s30 =	sor.u32 $0x200, s3;
	s12 =	sadd.s32 s7, s12;
	[dreg:$0x8] =	wrdreg s13  }
0xf: {  	s11 =	sshll.u32 s0, $0x6;
	s14 =	sadd.s32 s2, s30;
	[dreg:$0x9] =	wrdreg s12  }
0x10: {  	s16 =	sor.u32 $0x300, s3;
	s15 =	sadd.s32 s5, s30;
	[dreg:$0xa] =	wrdreg s14  }
0x11: {  	s10 =	sor.u32 s10, s11;
	s11 =	sadd.s32 s7, s30;
	[dreg:$0xb] =	wrdreg s15  }
0x12: {  	s17 =	sadd.s32 s2, s16;
	[dreg:$0xc] =	wrdreg s11  }
0x13: {  	s18 =	sadd.s32 s5, s16;
	[dreg:$0xd] =	wrdreg s17  }
0x14: {  	[dreg:$0xe] =	wrdreg s18  }
0x15: {  	[dreg:$0x10] =	wrdreg s20  }
0x16: {  	s28 =	simm.s32 $0x7;
	s23 =	sor.u32 $0x500, s3;
	[dreg:$0x11] =	wrdreg s21  }
0x17: {  	s25 =	sor.u32 $0x600, s3;
	s24 =	sadd.s32 s2, s23;
	[dreg:$0x12] =	wrdreg s22  }
0x18: {  	s4 =	sshll.u32 s4, $0xA;
	s30 =	sadd.s32 s2, s25;
	[dreg:$0x13] =	wrdreg s24  }
0x19: {  	s4 =	sor.u32 s4, s8;
	s8 =	sadd.s32 s7, s25;
	[dreg:$0x16] =	wrdreg s30  }
0x1a: {  	s29 =	simm.s32 $0x0;
	s11 =	sadd.s32 s7, s16;
	[dreg:$0x18] =	wrdreg s8  }
0x1b: {  	p0 =	seq.s32 s0, $0x0;
	s26 =	sadd.s32 s5, s23;
	[dreg:$0xf] =	wrdreg s11  }
0x1c: {  	s12 =	sadd.s32 s5, s25;
	s13 =	sadd.s32 s2, s3;
	[dreg:$0x14] =	wrdreg s26  }
0x1d: {  	s14 =	sadd.s32 s5, s3;
	s15 =	sadd.s32 s7, s3;
	[dreg:$0x17] =	wrdreg s12  }
0x1e: {  	s3 =	sor.u32 $0x700, s3;
	s18 =	sshrl.u32 s4, $0x3;
	[dreg:$0x19] =	wrdreg s13  }
0x1f: {  	s20 =	sshll.u32 s10, $0xB;
	s31 =	sor.u32 $0x4, s10;
	[dreg:$0x1a] =	wrdreg s14  }
0x20: {  	s24 =	sor.u32 $0x5, s10;
	s0 =	sor.u32 $0x6, s10;
	[dreg:$0x1b] =	wrdreg s15  }
0x21: {  	s22 =	sadd.s32 $0xA00, s6;
	s11 =	sadd.s32 s7, s23;
	s26 =	rddreg [dreg:$0x0]  }
0x22: {  	s8 =	simm.s32 $0xD100;
	s2 =	sadd.s32 s2, s3;
	[dreg:$0x15] =	wrdreg s11  }
0x23: {  	s16 =	sadd.s32 s5, s3;
	s17 =	sadd.s32 s7, s3;
	[dreg:$0x1c] =	wrdreg s2  }
0x24: {  	s23 =	smax.u32 s9, $0x1;
	s9 =	simm.s32 $0x11100;
	[dreg:$0x1d] =	wrdreg s16  }
0x25: {  	s14 =	simm.s32 $0x1800;
	[dreg:$0x1e] =	wrdreg s17;
	s2 =	sadd.s32 s19, s18  }
0x26: {  	s15 =	simm.s32 $0x2800;
	s21 =	sadd.s32 s26, s20;
	[dreg:$0x1f] =	wrdreg s2  }
0x27: {  	s16 =	simm.s32 $0x5;
	_ =	strace $0x80000047;
	[smem:$0x7F8] =	sst s22  }
0x28: {  	s17 =	simm.s32 $0xC900;
	s25 =	sadd.s32 $0x800, s21;
	[smem:$0x7F9] =	sst s23  }
0x29: {  	s18 =	simm.s32 $0x6;
	s30 =	sadd.s32 $0x1000, s21;
	[smem:$0x7FA] =	sst s25  }
0x2a: {  	s19 =	simm.s32 $0x1;
	s20 =	simm.s32 $0x19100;
	[smem:$0x7FB] =	sst s30  }
0x2b: {  	v0 =	vlaneseq.u32;
	s2 =	sor.u32 $0x7, s10;
	s3 =	sadd.s32 $0x1800, s21;
	[smem:$0x7FC] =	sst s21  }
0x2c: {  	v1 =	vimm.f32 $0.0e+00;
	v3 =	vimm.f32 $1.000000000e+00;
	v4 =	vimm.s32 $0x0;
	s10 =	simm.s32 $0x15100;
	[smem:$0x7FD] =	sst s3;
	s21 =	simm.s32 $0x7100  }
0x2d: {  	v5 =	vimm.s32 $0x54000;
	v2 =	vmul.u32 $0x80, v0;
	v6 =	vmul.u32 $0x580, v0;
	s22 =	simm.s32 $0x2;
	s23 =	simm.s32 $0x3;
	s25 =	simm.s32 $0x4  }
.LBB2_1:
0x2e: {  	s3 =	sld [smem:$0x7FC];
	_ =	sdelay $0x1  }
0x2f: {  	s13 =	sld [smem:$0x7FA]  }
0x30: {  	[tilespmem:s8], [sflag:$0x1] =	stream.linear.gather [hbm4b:s3+s1], $0x4000, $0x38;
	[tilespmem:$0x1D100] =	vst v63  }
0x31: {  	s30 =	sld [smem:$0x7FB]  }
0x32: {  	[tilespmem:s9], [sflag:$0x2] =	stream.linear.gather [hbm4b:s13+s1], $0x4000, $0x38;
	[tilespmem:$0x1D100] =	vst v63  }
0x33: {  	s3 =	simm.s32 $0x0  }
0x34: {  	[tilespmem:s10], [sflag:$0x3] =	stream.linear.gather [hbm4b:s30+s1], $0x4000, $0x38;
	[tilespmem:$0x1D100] =	vst v63  }
.LBB2_2:
0x35: {  	p1 =	sne.s32 s3, $0x15FC0  }
.Ltmp0:
0x36: {  	_ = 	snop;
	(pc) =	sbr.rel @p1 .LBB2_2-.Ltmp0, $3  }
0x37: {  	_ =	sdelay $0x1  }
0x38: {  	s4 =	sshra.s32 s3, $0x2  }
0x39: {  	s3 =	sadd.s32 $0x40, s3;
	[tilespmem:s4+$0x7100] =	vst v1  }
0x3a: {  	s3 =	simm.s32 $0x40;
	s4 =	simm.s32 $0x0  }
.LBB2_4:
0x3b: {  	p1 =	sne.s32 s3, $0x1FC0;
	[tilespmem:s4+$0xC900] =	vst v1;
	s4 =	smov.u32 s3;
	s3 =	sadd.s32 $0x40, s3  }
.Ltmp1:
0x3c: {  	(pc) =	sbr.rel @p1 .LBB2_4-.Ltmp1, $2  }
0x3d: {  	_ =	sdelay $0x2  }
0x3e: {  	s4 =	sshra.s32 s4, $0x2  }
0x3f: {  	[tilespmem:s4+$0xC900] =	vst v1;
	s3 =	simm.s32 $0x0;
	s5 =	rddreg [dreg:$0x19]  }
0x40: {  	[tilespmem:s3], [sflag:$0x5] =	stream.linear.gather [hbm4b:s5+s3], $0x800, $0x38;
	[tilespmem:$0x1D100] =	vst v63  }
0x41: {  	s6 =	rddreg [dreg:$0x1a];
	s5 =	simm.s32 $0x1000  }
0x42: {  	[tilespmem:s5], [sflag:$0x5] =	stream.linear.gather [hbm4b:s6+s3], $0x800, $0x38;
	[tilespmem:$0x1D100] =	vst v63  }
0x43: {  	s7 =	rddreg [dreg:$0x1b];
	s11 =	simm.s32 $0x2000  }
0x44: {  	[tilespmem:s11], [sflag:$0x5] =	stream.linear.gather [hbm4b:s7+s3], $0x800, $0x38;
	[tilespmem:$0x1D100] =	vst v63  }
0x45: {  	s12 =	rddreg [dreg:$0x7];
	s13 =	simm.s32 $0x800  }
0x46: {  	[tilespmem:s13], [sflag:$0x6] =	stream.linear.gather [hbm4b:s12+s3], $0x800, $0x38;
	[tilespmem:$0x1D100] =	vst v63  }
0x47: {  	s5 =	rddreg [dreg:$0x8]  }
0x48: {  	[tilespmem:s14], [sflag:$0x6] =	stream.linear.gather [hbm4b:s5+s3], $0x800, $0x38;
	[tilespmem:$0x1D100] =	vst v63  }
0x49: {  	s6 =	rddreg [dreg:$0x9]  }
0x4a: {  	[tilespmem:s15], [sflag:$0x6] =	stream.linear.gather [hbm4b:s6+s3], $0x800, $0x38;
	[tilespmem:$0x1D100] =	vst v63  }
0x4b: {  	_ =	swait.ge [sflag:s16], $0x800  }
0x4c: {  	[sflag:s16] =	ssyncset.done $0x0  }
0x4d: {  	[sflag:s16] =	ssyncadd.s32 $0xFFFFF800  }
0x4e: {  	_ =	swait.ge [sflag:s16], $0x800  }
0x4f: {  	[sflag:s16] =	ssyncset.done $0x0  }
0x50: {  	[sflag:s16] =	ssyncadd.s32 $0xFFFFF800  }
0x51: {  	_ =	swait.ge [sflag:s16], $0x800  }
0x52: {  	[sflag:s16] =	ssyncset.done $0x0  }
0x53: {  	s7 =	simm.s32 $0x2010;
	[sflag:s16] =	ssyncadd.s32 $0xFFFFF800  }
0x54: {  	s11 =	simm.s32 $0x1010;
	v7 =	vld [tilespmem:s7+$0xFFFFFFF0]  }
0x55: {  	s6 =	simm.s32 $0x10;
	v8 =	vld [tilespmem:s11+$0xFFFFFFF0]  }
0x56: {  	v9 =	vld [tilespmem:s6+$0xFFFFFFF0];
	_ =	sdelay $0x3  }
0x57: {  	vm0 =	vgt.f32 v8, $9.499999880e-01;
	vm1 =	vne.s32 v7, $0xFF  }
0x58: {  	vm0 =	vmand vm0, vm1;
	vm1 =	vlt.u32 v9, $0x15  }
0x59: {  	vm0 =	vmand vm1, vm0  }
0x5a: {  	v7 =	vnsel vm0, $0x15, v9  }
0x5b: {  	v8 =	vadd.s32 v2, v7;
	_ =	sdelay $0x2  }
0x5c: {  	v7 =	vshll.u32 v7, $0xE  }
0x5d: {  	v7 =	vadd.s32 s3, v7  }
0x5e: {  	v7 =	vadd.s32 v0, v7;
	[tilespmem:v8+s17+$0x0] =	vst.idx.add.f32.msk $0xffff, v3  }
0x5f: {  	[tilespmem:s3+$0x3000] =	vst.msk vm0, v7  }
0x60: {  	v7 =	vld [tilespmem:s11+$0x0]  }
0x61: {  	v8 =	vld [tilespmem:s7+$0x0]  }
0x62: {  	v10 =	vsel vm0, $0x1, v4;
	v9 =	vld [tilespmem:s6+$0x0]  }
0x63: {  	(xrf0) =	vadd.scan.msk.s32 $0xffff, v10;
	_ =	sdelay $0x2  }
0x64: {  	vm0 =	vgt.f32 v7, $9.499999880e-01;
	vm1 =	vne.s32 v8, $0xFF  }
0x65: {  	vm2 =	vlt.u32 v9, $0x15;
	vm0 =	vmand vm0, vm1  }
0x66: {  	vm0 =	vmand vm2, vm0  }
0x67: {  	v7 =	vnsel vm0, $0x15, v9;
	v9, _, _ =	vpop (xrf0)  }
0x68: {  	(v2sf) =	vpush v9, $0xF;
	_ =	sdelay $0x1  }
0x69: {  	v8 =	vadd.s32 v2, v7;
	_ =	sdelay $0x2  }
0x6a: {  	s12 =	simm.s32 $0x10;
	v7 =	vshll.u32 v7, $0xE  }
0x6b: {  	v7 =	vadd.s32 s12, v7  }
0x6c: {  	v10 =	vsel vm0, $0x1, v4;
	v7 =	vadd.s32 v0, v7;
	[tilespmem:v8+s17+$0x0] =	vst.idx.add.f32.msk $0xffff, v3  }
0x6d: {  	s30 =	simm.s32 $0x1030;
	(xrf0) =	vadd.scan.msk.s32 $0xffff, v10;
	[tilespmem:s3+$0x5080] =	vst.msk vm0, v7  }
0x6e: {  	v8 =	vld [tilespmem:s30+$0xFFFFFFF0];
	_ =	sdelay $0x4  }
0x6f: {  	vm0 =	vgt.f32 v8, $9.499999880e-01;
	v8, _, _ =	vpop (xrf0)  }
0x70: {  	s5 =	simm.s32 $0x2030;
	s13 =	spop (v2sf);
	(v2sf) =	vpush v8, $0xF  }
0x71: {  	s7 =	simm.s32 $0x30;
	v7 =	vld [tilespmem:s5+$0xFFFFFFF0]  }
0x72: {  	v9 =	vld [tilespmem:s7+$0xFFFFFFF0];
	_ =	sdelay $0x3  }
0x73: {  	vm1 =	vne.s32 v7, $0xFF  }
0x74: {  	vm0 =	vmand vm0, vm1;
	vm1 =	vlt.u32 v9, $0x15  }
0x75: {  	vm0 =	vmand vm1, vm0  }
0x76: {  	v7 =	vnsel vm0, $0x15, v9;
	v9 =	vsel vm0, $0x1, v4  }
0x77: {  	s6 =	simm.s32 $0x20;
	v10 =	vshll.u32 v7, $0xE;
	v7 =	vadd.s32 v2, v7;
	(xrf0) =	vadd.scan.msk.s32 $0xffff, v9  }
0x78: {  	s11 =	simm.s32 $0x40;
	s4 =	sadd.s32 $0x0, s13;
	v8 =	vadd.s32 s6, v10  }
.LBB2_6:
0x79: {  	_ =	sdelay $0x1  }
0x7a: {  	p1 =	sne.s32 s11, $0x7E0;
	s12 =	smov.u32 s11;
	s11 =	sadd.s32 $0x20, s11  }
0x7b: {  	v8 =	vadd.s32 v0, v8;
	[tilespmem:v7+s17+$0x0] =	vst.idx.add.f32.msk $0xffff, v3;
	s13 =	spop (v2sf)  }
0x7c: {  	[tilespmem:s4+$0x3000] =	vst.msk vm0, v8;
	v7, _, _ =	vpop (xrf0);
	s3 =	sadd.s32 s3, s13  }
0x7d: {  	v8 =	vld [tilespmem:s7+$0x0];
	(v2sf) =	vpush v7, $0xF  }
0x7e: {  	v7 =	vld [tilespmem:s30+$0x0]  }
0x7f: {  	v9 =	vld [tilespmem:s5+$0x0];
	_ =	sdelay $0x3  }
0x80: {  	vm0 =	vgt.f32 v7, $9.499999880e-01  }
0x81: {  	vm2 =	vlt.u32 v8, $0x15;
	vm1 =	vne.s32 v9, $0xFF  }
0x82: {  	vm0 =	vmand vm0, vm1  }
0x83: {  	vm0 =	vmand vm2, vm0  }
0x84: {  	v7 =	vnsel vm0, $0x15, v8;
	v8 =	vsel vm0, $0x1, v4  }
0x85: {  	s13 =	sadd.s32 $0x10, s6;
	s6 =	smov.u32 s12;
	v9 =	vadd.s32 v2, v7;
	v7 =	vshll.u32 v7, $0xE;
	(xrf0) =	vadd.scan.msk.s32 $0xffff, v8  }
0x86: {  	v7 =	vadd.s32 s13, v7;
	_ =	sdelay $0x2  }
0x87: {  	s5 =	sadd.s32 $0x20, s5;
	s12 =	spop (v2sf)  }
0x88: {  	v8 =	vadd.s32 v0, v7;
	s4 =	sadd.s32 s4, s12;
	[tilespmem:v9+s17+$0x0] =	vst.idx.add.f32.msk $0xffff, v3  }
0x89: {  	[tilespmem:s3+$0x5080] =	vst.msk vm0, v8;
	v7, _, _ =	vpop (xrf0)  }
0x8a: {  	s30 =	sadd.s32 $0x20, s30;
	v8 =	vld [tilespmem:s5+$0xFFFFFFF0];
	(v2sf) =	vpush v7, $0xF  }
0x8b: {  	s7 =	sadd.s32 $0x20, s7;
	v7 =	vld [tilespmem:s30+$0xFFFFFFF0]  }
0x8c: {  	v9 =	vld [tilespmem:s7+$0xFFFFFFF0];
	_ =	sdelay $0x3  }
0x8d: {  	vm1 =	vne.s32 v8, $0xFF;
	vm0 =	vgt.f32 v7, $9.499999880e-01  }
.Ltmp2:
0x8e: {  	vm0 =	vmand vm0, vm1;
	vm1 =	vlt.u32 v9, $0x15;
	(pc) =	sbr.rel @p1 .LBB2_6-.Ltmp2, $4  }
0x8f: {  	vm0 =	vmand vm1, vm0  }
0x90: {  	v8 =	vnsel vm0, $0x15, v9;
	v9 =	vsel vm0, $0x1, v4  }
0x91: {  	v7 =	vadd.s32 v2, v8;
	v8 =	vshll.u32 v8, $0xE;
	(xrf0) =	vadd.scan.msk.s32 $0xffff, v9  }
0x92: {  	v8 =	vadd.s32 s6, v8  }
0x93: {  	_ =	sdelay $0x3  }
0x94: {  	[tilespmem:v7+s17+$0x0] =	vst.idx.add.f32.msk $0xffff, v3;
	v7 =	vadd.s32 v0, v8  }
0x95: {  	[tilespmem:s4+$0x3000] =	vst.msk vm0, v7  }
0x96: {  	v7 =	vld [tilespmem:s30+$0x0]  }
0x97: {  	v8 =	vld [tilespmem:s5+$0x0]  }
0x98: {  	v9 =	vld [tilespmem:s7+$0x0];
	_ =	sdelay $0x3  }
0x99: {  	vm0 =	vgt.f32 v7, $9.499999880e-01;
	vm1 =	vne.s32 v8, $0xFF  }
0x9a: {  	vm2 =	vlt.u32 v9, $0x15;
	vm0 =	vmand vm0, vm1  }
0x9b: {  	vm0 =	vmand vm2, vm0  }
0x9c: {  	v7 =	vsel vm0, $0x1, v4  }
0x9d: {  	(xrf0) =	vadd.scan.msk.s32 $0xffff, v7;
	_ =	sdelay $0x3  }
0x9e: {  	v7, _, _ =	vpop (xrf0)  }
0x9f: {  	(v2sf) =	vpush v7, $0xF  }
0xa0: {  	v7, _, _ =	vpop (xrf0)  }
0xa1: {  	(v2sf) =	vpush v7, $0xF;
	_ =	sdelay $0x1  }
0xa2: {  	v7 =	vnsel vm0, $0x15, v9  }
0xa3: {  	v8 =	vadd.s32 v2, v7;
	_ =	sdelay $0x2  }
0xa4: {  	s12 =	sadd.s32 $0x10, s6;
	v7 =	vshll.u32 v7, $0xE  }
0xa5: {  	s13 =	spop (v2sf);
	v7 =	vadd.s32 s12, v7  }
0xa6: {  	s3 =	sadd.s32 s3, s13;
	v7 =	vadd.s32 v0, v7;
	[tilespmem:v8+s17+$0x0] =	vst.idx.add.f32.msk $0xffff, v3  }
0xa7: {  	s7 =	rddreg [dreg:$0xa];
	[tilespmem:s3+$0x5080] =	vst.msk vm0, v7  }
0xa8: {  	[tilespmem:s1], [sflag:$0x5] =	stream.linear.gather [hbm4b:s7+s1], $0x800, $0x38;
	[tilespmem:$0x1D100] =	vst v63  }
0xa9: {  	s11 =	rddreg [dreg:$0xb];
	s12 =	simm.s32 $0x1000  }
0xaa: {  	[tilespmem:s12], [sflag:$0x5] =	stream.linear.gather [hbm4b:s11+s1], $0x800, $0x38;
	[tilespmem:$0x1D100] =	vst v63  }
0xab: {  	s13 =	rddreg [dreg:$0xc];
	s11 =	simm.s32 $0x2000;
	s5 =	spop (v2sf)  }
0xac: {  	[tilespmem:s11], [sflag:$0x5] =	stream.linear.gather [hbm4b:s13+s1], $0x800, $0x38;
	[tilespmem:$0x1D100] =	vst v63  }
0xad: {  	s6 =	spop (v2sf)  }
0xae: {  	_ =	swait.ge [sflag:s18], $0x800  }
0xaf: {  	[sflag:s18] =	ssyncset.done $0x0  }
0xb0: {  	[sflag:s18] =	ssyncadd.s32 $0xFFFFF800  }
0xb1: {  	_ =	swait.ge [sflag:s18], $0x800  }
0xb2: {  	[sflag:s18] =	ssyncset.done $0x0  }
0xb3: {  	[sflag:s18] =	ssyncadd.s32 $0xFFFFF800  }
0xb4: {  	_ =	swait.ge [sflag:s18], $0x800  }
0xb5: {  	[sflag:s18] =	ssyncset.done $0x0  }
0xb6: {  	s7 =	simm.s32 $0x2810;
	[sflag:s18] =	ssyncadd.s32 $0xFFFFF800  }
0xb7: {  	s11 =	simm.s32 $0x1810;
	v7 =	vld [tilespmem:s7+$0xFFFFFFF0]  }
0xb8: {  	s12 =	simm.s32 $0x810;
	v8 =	vld [tilespmem:s11+$0xFFFFFFF0]  }
0xb9: {  	v9 =	vld [tilespmem:s12+$0xFFFFFFF0];
	_ =	sdelay $0x3  }
0xba: {  	vm0 =	vgt.f32 v8, $9.499999880e-01;
	vm1 =	vne.s32 v7, $0xFF  }
0xbb: {  	vm0 =	vmand vm0, vm1;
	vm1 =	vlt.u32 v9, $0x15  }
0xbc: {  	vm0 =	vmand vm1, vm0  }
0xbd: {  	v7 =	vnsel vm0, $0x15, v9  }
0xbe: {  	v8 =	vadd.s32 v2, v7;
	_ =	sdelay $0x2  }
0xbf: {  	s13 =	simm.s32 $0x800;
	v7 =	vshll.u32 v7, $0xE  }
0xc0: {  	v7 =	vadd.s32 s13, v7  }
0xc1: {  	s13 =	sadd.s32 s4, s5;
	v7 =	vadd.s32 v0, v7;
	[tilespmem:v8+s17+$0x0] =	vst.idx.add.f32.msk $0xffff, v3  }
0xc2: {  	[tilespmem:s13+$0x3000] =	vst.msk vm0, v7  }
0xc3: {  	v7 =	vld [tilespmem:s11+$0x0]  }
0xc4: {  	v8 =	vld [tilespmem:s7+$0x0]  }
0xc5: {  	v10 =	vsel vm0, $0x1, v4;
	v9 =	vld [tilespmem:s12+$0x0]  }
0xc6: {  	(xrf0) =	vadd.scan.msk.s32 $0xffff, v10;
	_ =	sdelay $0x2  }
0xc7: {  	vm0 =	vgt.f32 v7, $9.499999880e-01;
	vm1 =	vne.s32 v8, $0xFF  }
0xc8: {  	vm2 =	vlt.u32 v9, $0x15;
	vm0 =	vmand vm0, vm1  }
0xc9: {  	vm0 =	vmand vm2, vm0  }
0xca: {  	v7 =	vnsel vm0, $0x15, v9;
	v9, _, _ =	vpop (xrf0)  }
0xcb: {  	(v2sf) =	vpush v9, $0xF;
	_ =	sdelay $0x1  }
0xcc: {  	v8 =	vadd.s32 v2, v7;
	_ =	sdelay $0x2  }
0xcd: {  	s11 =	simm.s32 $0x810;
	v7 =	vshll.u32 v7, $0xE  }
0xce: {  	v7 =	vadd.s32 s11, v7  }
0xcf: {  	s4 =	sadd.s32 s3, s6;
	v10 =	vsel vm0, $0x1, v4;
	v7 =	vadd.s32 v0, v7;
	[tilespmem:v8+s17+$0x0] =	vst.idx.add.f32.msk $0xffff, v3  }
0xd0: {  	s30 =	simm.s32 $0x1830;
	(xrf0) =	vadd.scan.msk.s32 $0xffff, v10;
	[tilespmem:s4+$0x5080] =	vst.msk vm0, v7  }
0xd1: {  	v8 =	vld [tilespmem:s30+$0xFFFFFFF0];
	_ =	sdelay $0x4  }
0xd2: {  	vm0 =	vgt.f32 v8, $9.499999880e-01;
	v8, _, _ =	vpop (xrf0)  }
0xd3: {  	s5 =	simm.s32 $0x2830;
	s12 =	spop (v2sf);
	(v2sf) =	vpush v8, $0xF  }
0xd4: {  	s7 =	simm.s32 $0x830;
	v7 =	vld [tilespmem:s5+$0xFFFFFFF0]  }
0xd5: {  	v9 =	vld [tilespmem:s7+$0xFFFFFFF0];
	_ =	sdelay $0x3  }
0xd6: {  	vm1 =	vne.s32 v7, $0xFF  }
0xd7: {  	vm0 =	vmand vm0, vm1;
	vm1 =	vlt.u32 v9, $0x15  }
0xd8: {  	vm0 =	vmand vm1, vm0  }
0xd9: {  	v7 =	vnsel vm0, $0x15, v9;
	v9 =	vsel vm0, $0x1, v4  }
0xda: {  	s6 =	simm.s32 $0x820;
	v10 =	vshll.u32 v7, $0xE;
	v7 =	vadd.s32 v2, v7;
	(xrf0) =	vadd.scan.msk.s32 $0xffff, v9  }
0xdb: {  	s11 =	simm.s32 $0x840;
	s3 =	sadd.s32 s13, s12;
	v8 =	vadd.s32 s6, v10  }
.LBB2_8:
0xdc: {  	_ =	sdelay $0x1  }
0xdd: {  	p1 =	sne.s32 s11, $0xFE0;
	s12 =	smov.u32 s11;
	s11 =	sadd.s32 $0x20, s11  }
0xde: {  	v8 =	vadd.s32 v0, v8;
	[tilespmem:v7+s17+$0x0] =	vst.idx.add.f32.msk $0xffff, v3;
	s13 =	spop (v2sf)  }
0xdf: {  	[tilespmem:s3+$0x3000] =	vst.msk vm0, v8;
	v7, _, _ =	vpop (xrf0);
	s4 =	sadd.s32 s4, s13  }
0xe0: {  	v8 =	vld [tilespmem:s7+$0x0];
	(v2sf) =	vpush v7, $0xF  }
0xe1: {  	v7 =	vld [tilespmem:s30+$0x0]  }
0xe2: {  	v9 =	vld [tilespmem:s5+$0x0];
	_ =	sdelay $0x3  }
0xe3: {  	vm0 =	vgt.f32 v7, $9.499999880e-01  }
0xe4: {  	vm2 =	vlt.u32 v8, $0x15;
	vm1 =	vne.s32 v9, $0xFF  }
0xe5: {  	vm0 =	vmand vm0, vm1  }
0xe6: {  	vm0 =	vmand vm2, vm0  }
0xe7: {  	v7 =	vnsel vm0, $0x15, v8;
	v8 =	vsel vm0, $0x1, v4  }
0xe8: {  	s13 =	sadd.s32 $0x10, s6;
	s6 =	smov.u32 s12;
	v9 =	vadd.s32 v2, v7;
	v7 =	vshll.u32 v7, $0xE;
	(xrf0) =	vadd.scan.msk.s32 $0xffff, v8  }
0xe9: {  	v7 =	vadd.s32 s13, v7;
	_ =	sdelay $0x2  }
0xea: {  	s5 =	sadd.s32 $0x20, s5;
	s12 =	spop (v2sf)  }
0xeb: {  	v8 =	vadd.s32 v0, v7;
	s3 =	sadd.s32 s3, s12;
	[tilespmem:v9+s17+$0x0] =	vst.idx.add.f32.msk $0xffff, v3  }
0xec: {  	[tilespmem:s4+$0x5080] =	vst.msk vm0, v8;
	v7, _, _ =	vpop (xrf0)  }
0xed: {  	s30 =	sadd.s32 $0x20, s30;
	v8 =	vld [tilespmem:s5+$0xFFFFFFF0];
	(v2sf) =	vpush v7, $0xF  }
0xee: {  	s7 =	sadd.s32 $0x20, s7;
	v7 =	vld [tilespmem:s30+$0xFFFFFFF0]  }
0xef: {  	v9 =	vld [tilespmem:s7+$0xFFFFFFF0];
	_ =	sdelay $0x3  }
0xf0: {  	vm1 =	vne.s32 v8, $0xFF;
	vm0 =	vgt.f32 v7, $9.499999880e-01  }
.Ltmp3:
0xf1: {  	vm0 =	vmand vm0, vm1;
	vm1 =	vlt.u32 v9, $0x15;
	(pc) =	sbr.rel @p1 .LBB2_8-.Ltmp3, $4  }
0xf2: {  	vm0 =	vmand vm1, vm0  }
0xf3: {  	v8 =	vnsel vm0, $0x15, v9;
	v9 =	vsel vm0, $0x1, v4  }
0xf4: {  	v7 =	vadd.s32 v2, v8;
	v8 =	vshll.u32 v8, $0xE;
	(xrf0) =	vadd.scan.msk.s32 $0xffff, v9  }
0xf5: {  	v8 =	vadd.s32 s6, v8  }
0xf6: {  	_ =	sdelay $0x3  }
0xf7: {  	[tilespmem:v7+s17+$0x0] =	vst.idx.add.f32.msk $0xffff, v3;
	v7 =	vadd.s32 v0, v8  }
0xf8: {  	[tilespmem:s3+$0x3000] =	vst.msk vm0, v7  }
0xf9: {  	v7 =	vld [tilespmem:s30+$0x0]  }
0xfa: {  	v8 =	vld [tilespmem:s5+$0x0]  }
0xfb: {  	v9 =	vld [tilespmem:s7+$0x0];
	_ =	sdelay $0x3  }
0xfc: {  	vm0 =	vgt.f32 v7, $9.499999880e-01;
	vm1 =	vne.s32 v8, $0xFF  }
0xfd: {  	vm2 =	vlt.u32 v9, $0x15;
	vm0 =	vmand vm0, vm1  }
0xfe: {  	vm0 =	vmand vm2, vm0  }
0xff: {  	v7 =	vsel vm0, $0x1, v4  }
0x100: {  	(xrf0) =	vadd.scan.msk.s32 $0xffff, v7;
	_ =	sdelay $0x3  }
0x101: {  	v7, _, _ =	vpop (xrf0)  }
0x102: {  	(v2sf) =	vpush v7, $0xF  }
0x103: {  	v7, _, _ =	vpop (xrf0)  }
0x104: {  	(v2sf) =	vpush v7, $0xF;
	_ =	sdelay $0x1  }
0x105: {  	v7 =	vnsel vm0, $0x15, v9  }
0x106: {  	v8 =	vadd.s32 v2, v7;
	_ =	sdelay $0x2  }
0x107: {  	s7 =	sadd.s32 $0x10, s6;
	v7 =	vshll.u32 v7, $0xE  }
0x108: {  	s11 =	spop (v2sf);
	v7 =	vadd.s32 s7, v7  }
0x109: {  	s4 =	sadd.s32 s4, s11;
	v7 =	vadd.s32 v0, v7;
	[tilespmem:v8+s17+$0x0] =	vst.idx.add.f32.msk $0xffff, v3  }
0x10a: {  	s12 =	rddreg [dreg:$0xd];
	s13 =	simm.s32 $0x800;
	[tilespmem:s4+$0x5080] =	vst.msk vm0, v7  }
0x10b: {  	[tilespmem:s13], [sflag:$0x6] =	stream.linear.gather [hbm4b:s12+s1], $0x800, $0x38;
	[tilespmem:$0x1D100] =	vst v63  }
0x10c: {  	s7 =	rddreg [dreg:$0xe]  }
0x10d: {  	[tilespmem:s14], [sflag:$0x6] =	stream.linear.gather [hbm4b:s7+s1], $0x800, $0x38;
	[tilespmem:$0x1D100] =	vst v63  }
0x10e: {  	s11 =	rddreg [dreg:$0xf];
	s5 =	spop (v2sf)  }
0x10f: {  	[tilespmem:s15], [sflag:$0x6] =	stream.linear.gather [hbm4b:s11+s1], $0x800, $0x38;
	[tilespmem:$0x1D100] =	vst v63  }
0x110: {  	s6 =	spop (v2sf)  }
0x111: {  	_ =	swait.ge [sflag:s16], $0x800  }
0x112: {  	[sflag:s16] =	ssyncset.done $0x0  }
0x113: {  	[sflag:s16] =	ssyncadd.s32 $0xFFFFF800  }
0x114: {  	_ =	swait.ge [sflag:s16], $0x800  }
0x115: {  	[sflag:s16] =	ssyncset.done $0x0  }
0x116: {  	[sflag:s16] =	ssyncadd.s32 $0xFFFFF800  }
0x117: {  	_ =	swait.ge [sflag:s16], $0x800  }
0x118: {  	[sflag:s16] =	ssyncset.done $0x0  }
0x119: {  	s7 =	simm.s32 $0x2010;
	[sflag:s16] =	ssyncadd.s32 $0xFFFFF800  }
0x11a: {  	s11 =	simm.s32 $0x1010;
	v7 =	vld [tilespmem:s7+$0xFFFFFFF0]  }
0x11b: {  	s12 =	simm.s32 $0x10;
	v8 =	vld [tilespmem:s11+$0xFFFFFFF0]  }
0x11c: {  	v9 =	vld [tilespmem:s12+$0xFFFFFFF0];
	_ =	sdelay $0x3  }
0x11d: {  	vm0 =	vgt.f32 v8, $9.499999880e-01;
	vm1 =	vne.s32 v7, $0xFF  }
0x11e: {  	vm0 =	vmand vm0, vm1;
	vm1 =	vlt.u32 v9, $0x15  }
0x11f: {  	vm0 =	vmand vm1, vm0  }
0x120: {  	v7 =	vnsel vm0, $0x15, v9  }
0x121: {  	v8 =	vadd.s32 v2, v7;
	_ =	sdelay $0x2  }
0x122: {  	s13 =	simm.s32 $0x1000;
	v7 =	vshll.u32 v7, $0xE  }
0x123: {  	v7 =	vadd.s32 s13, v7  }
0x124: {  	s3 =	sadd.s32 s3, s5;
	v7 =	vadd.s32 v0, v7;
	[tilespmem:v8+s17+$0x0] =	vst.idx.add.f32.msk $0xffff, v3  }
0x125: {  	[tilespmem:s3+$0x3000] =	vst.msk vm0, v7  }
0x126: {  	v7 =	vld [tilespmem:s11+$0x0]  }
0x127: {  	v8 =	vld [tilespmem:s7+$0x0]  }
0x128: {  	v10 =	vsel vm0, $0x1, v4;
	v9 =	vld [tilespmem:s12+$0x0]  }
0x129: {  	(xrf0) =	vadd.scan.msk.s32 $0xffff, v10;
	_ =	sdelay $0x2  }
0x12a: {  	vm0 =	vgt.f32 v7, $9.499999880e-01;
	vm1 =	vne.s32 v8, $0xFF  }
0x12b: {  	vm2 =	vlt.u32 v9, $0x15;
	vm0 =	vmand vm0, vm1  }
0x12c: {  	vm0 =	vmand vm2, vm0  }
0x12d: {  	v7 =	vnsel vm0, $0x15, v9;
	v9, _, _ =	vpop (xrf0)  }
0x12e: {  	(v2sf) =	vpush v9, $0xF;
	_ =	sdelay $0x1  }
0x12f: {  	v8 =	vadd.s32 v2, v7;
	_ =	sdelay $0x2  }
0x130: {  	s12 =	simm.s32 $0x1010;
	v7 =	vshll.u32 v7, $0xE  }
0x131: {  	v7 =	vadd.s32 s12, v7  }
0x132: {  	s4 =	sadd.s32 s4, s6;
	v10 =	vsel vm0, $0x1, v4;
	v7 =	vadd.s32 v0, v7;
	[tilespmem:v8+s17+$0x0] =	vst.idx.add.f32.msk $0xffff, v3  }
0x133: {  	s30 =	simm.s32 $0x1030;
	(xrf0) =	vadd.scan.msk.s32 $0xffff, v10;
	[tilespmem:s4+$0x5080] =	vst.msk vm0, v7  }
0x134: {  	v8 =	vld [tilespmem:s30+$0xFFFFFFF0];
	_ =	sdelay $0x4  }
0x135: {  	vm0 =	vgt.f32 v8, $9.499999880e-01;
	v8, _, _ =	vpop (xrf0)  }
0x136: {  	s5 =	simm.s32 $0x2030;
	s13 =	spop (v2sf);
	(v2sf) =	vpush v8, $0xF  }
0x137: {  	s7 =	simm.s32 $0x30;
	v7 =	vld [tilespmem:s5+$0xFFFFFFF0]  }
0x138: {  	v9 =	vld [tilespmem:s7+$0xFFFFFFF0];
	_ =	sdelay $0x3  }
0x139: {  	vm1 =	vne.s32 v7, $0xFF  }
0x13a: {  	vm0 =	vmand vm0, vm1;
	vm1 =	vlt.u32 v9, $0x15  }
0x13b: {  	vm0 =	vmand vm1, vm0  }
0x13c: {  	v7 =	vnsel vm0, $0x15, v9;
	v9 =	vsel vm0, $0x1, v4  }
0x13d: {  	s6 =	simm.s32 $0x1020;
	v10 =	vshll.u32 v7, $0xE;
	v7 =	vadd.s32 v2, v7;
	(xrf0) =	vadd.scan.msk.s32 $0xffff, v9  }
0x13e: {  	s11 =	simm.s32 $0x1040;
	s3 =	sadd.s32 s3, s13;
	v8 =	vadd.s32 s6, v10  }
.LBB2_10:
0x13f: {  	_ =	sdelay $0x1  }
0x140: {  	p1 =	sne.s32 s11, $0x17E0;
	s12 =	smov.u32 s11;
	s11 =	sadd.s32 $0x20, s11  }
0x141: {  	v8 =	vadd.s32 v0, v8;
	[tilespmem:v7+s17+$0x0] =	vst.idx.add.f32.msk $0xffff, v3;
	s13 =	spop (v2sf)  }
0x142: {  	[tilespmem:s3+$0x3000] =	vst.msk vm0, v8;
	v7, _, _ =	vpop (xrf0);
	s4 =	sadd.s32 s4, s13  }
0x143: {  	v8 =	vld [tilespmem:s7+$0x0];
	(v2sf) =	vpush v7, $0xF  }
0x144: {  	v7 =	vld [tilespmem:s30+$0x0]  }
0x145: {  	v9 =	vld [tilespmem:s5+$0x0];
	_ =	sdelay $0x3  }
0x146: {  	vm0 =	vgt.f32 v7, $9.499999880e-01  }
0x147: {  	vm2 =	vlt.u32 v8, $0x15;
	vm1 =	vne.s32 v9, $0xFF  }
0x148: {  	vm0 =	vmand vm0, vm1  }
0x149: {  	vm0 =	vmand vm2, vm0  }
0x14a: {  	v7 =	vnsel vm0, $0x15, v8;
	v8 =	vsel vm0, $0x1, v4  }
0x14b: {  	s13 =	sadd.s32 $0x10, s6;
	s6 =	smov.u32 s12;
	v9 =	vadd.s32 v2, v7;
	v7 =	vshll.u32 v7, $0xE;
	(xrf0) =	vadd.scan.msk.s32 $0xffff, v8  }
0x14c: {  	v7 =	vadd.s32 s13, v7;
	_ =	sdelay $0x2  }
0x14d: {  	s5 =	sadd.s32 $0x20, s5;
	s12 =	spop (v2sf)  }
0x14e: {  	v8 =	vadd.s32 v0, v7;
	s3 =	sadd.s32 s3, s12;
	[tilespmem:v9+s17+$0x0] =	vst.idx.add.f32.msk $0xffff, v3  }
0x14f: {  	[tilespmem:s4+$0x5080] =	vst.msk vm0, v8;
	v7, _, _ =	vpop (xrf0)  }
0x150: {  	s30 =	sadd.s32 $0x20, s30;
	v8 =	vld [tilespmem:s5+$0xFFFFFFF0];
	(v2sf) =	vpush v7, $0xF  }
0x151: {  	s7 =	sadd.s32 $0x20, s7;
	v7 =	vld [tilespmem:s30+$0xFFFFFFF0]  }
0x152: {  	v9 =	vld [tilespmem:s7+$0xFFFFFFF0];
	_ =	sdelay $0x3  }
0x153: {  	vm1 =	vne.s32 v8, $0xFF;
	vm0 =	vgt.f32 v7, $9.499999880e-01  }
.Ltmp4:
0x154: {  	vm0 =	vmand vm0, vm1;
	vm1 =	vlt.u32 v9, $0x15;
	(pc) =	sbr.rel @p1 .LBB2_10-.Ltmp4, $4  }
0x155: {  	vm0 =	vmand vm1, vm0  }
0x156: {  	v8 =	vnsel vm0, $0x15, v9;
	v9 =	vsel vm0, $0x1, v4  }
0x157: {  	v7 =	vadd.s32 v2, v8;
	v8 =	vshll.u32 v8, $0xE;
	(xrf0) =	vadd.scan.msk.s32 $0xffff, v9  }
0x158: {  	v8 =	vadd.s32 s6, v8  }
0x159: {  	_ =	sdelay $0x3  }
0x15a: {  	[tilespmem:v7+s17+$0x0] =	vst.idx.add.f32.msk $0xffff, v3;
	v7 =	vadd.s32 v0, v8  }
0x15b: {  	[tilespmem:s3+$0x3000] =	vst.msk vm0, v7  }
0x15c: {  	v7 =	vld [tilespmem:s30+$0x0]  }
0x15d: {  	v8 =	vld [tilespmem:s5+$0x0]  }
0x15e: {  	v9 =	vld [tilespmem:s7+$0x0];
	_ =	sdelay $0x3  }
0x15f: {  	vm0 =	vgt.f32 v7, $9.499999880e-01;
	vm1 =	vne.s32 v8, $0xFF  }
0x160: {  	vm2 =	vlt.u32 v9, $0x15;
	vm0 =	vmand vm0, vm1  }
0x161: {  	vm0 =	vmand vm2, vm0  }
0x162: {  	v7 =	vsel vm0, $0x1, v4  }
0x163: {  	(xrf0) =	vadd.scan.msk.s32 $0xffff, v7;
	_ =	sdelay $0x3  }
0x164: {  	v7, _, _ =	vpop (xrf0)  }
0x165: {  	(v2sf) =	vpush v7, $0xF  }
0x166: {  	v7, _, _ =	vpop (xrf0)  }
0x167: {  	(v2sf) =	vpush v7, $0xF;
	_ =	sdelay $0x1  }
0x168: {  	v7 =	vnsel vm0, $0x15, v9  }
0x169: {  	v8 =	vadd.s32 v2, v7;
	_ =	sdelay $0x2  }
0x16a: {  	s12 =	sadd.s32 $0x10, s6;
	v7 =	vshll.u32 v7, $0xE  }
0x16b: {  	s13 =	spop (v2sf);
	v7 =	vadd.s32 s12, v7  }
0x16c: {  	s4 =	sadd.s32 s4, s13;
	v7 =	vadd.s32 v0, v7;
	[tilespmem:v8+s17+$0x0] =	vst.idx.add.f32.msk $0xffff, v3  }
0x16d: {  	s7 =	rddreg [dreg:$0x10];
	[tilespmem:s4+$0x5080] =	vst.msk vm0, v7  }
0x16e: {  	[tilespmem:s1], [sflag:$0x5] =	stream.linear.gather [hbm4b:s7+s1], $0x800, $0x38;
	[tilespmem:$0x1D100] =	vst v63  }
0x16f: {  	s11 =	rddreg [dreg:$0x11];
	s12 =	simm.s32 $0x1000  }
0x170: {  	[tilespmem:s12], [sflag:$0x5] =	stream.linear.gather [hbm4b:s11+s1], $0x800, $0x38;
	[tilespmem:$0x1D100] =	vst v63  }
0x171: {  	s13 =	rddreg [dreg:$0x12];
	s11 =	simm.s32 $0x2000;
	s5 =	spop (v2sf)  }
0x172: {  	[tilespmem:s11], [sflag:$0x5] =	stream.linear.gather [hbm4b:s13+s1], $0x800, $0x38;
	[tilespmem:$0x1D100] =	vst v63  }
0x173: {  	s6 =	spop (v2sf)  }
0x174: {  	_ =	swait.ge [sflag:s18], $0x800  }
0x175: {  	[sflag:s18] =	ssyncset.done $0x0  }
0x176: {  	[sflag:s18] =	ssyncadd.s32 $0xFFFFF800  }
0x177: {  	_ =	swait.ge [sflag:s18], $0x800  }
0x178: {  	[sflag:s18] =	ssyncset.done $0x0  }
0x179: {  	[sflag:s18] =	ssyncadd.s32 $0xFFFFF800  }
0x17a: {  	_ =	swait.ge [sflag:s18], $0x800  }
0x17b: {  	[sflag:s18] =	ssyncset.done $0x0  }
0x17c: {  	s7 =	simm.s32 $0x2810;
	[sflag:s18] =	ssyncadd.s32 $0xFFFFF800  }
0x17d: {  	s11 =	simm.s32 $0x1810;
	v7 =	vld [tilespmem:s7+$0xFFFFFFF0]  }
0x17e: {  	s12 =	simm.s32 $0x810;
	v8 =	vld [tilespmem:s11+$0xFFFFFFF0]  }
0x17f: {  	v9 =	vld [tilespmem:s12+$0xFFFFFFF0];
	_ =	sdelay $0x3  }
0x180: {  	vm0 =	vgt.f32 v8, $9.499999880e-01;
	vm1 =	vne.s32 v7, $0xFF  }
0x181: {  	vm0 =	vmand vm0, vm1;
	vm1 =	vlt.u32 v9, $0x15  }
0x182: {  	vm0 =	vmand vm1, vm0  }
0x183: {  	v7 =	vnsel vm0, $0x15, v9  }
0x184: {  	v8 =	vadd.s32 v2, v7;
	_ =	sdelay $0x2  }
0x185: {  	s13 =	simm.s32 $0x1800;
	v7 =	vshll.u32 v7, $0xE  }
0x186: {  	v7 =	vadd.s32 s13, v7  }
0x187: {  	s3 =	sadd.s32 s3, s5;
	v7 =	vadd.s32 v0, v7;
	[tilespmem:v8+s17+$0x0] =	vst.idx.add.f32.msk $0xffff, v3  }
0x188: {  	[tilespmem:s3+$0x3000] =	vst.msk vm0, v7  }
0x189: {  	v7 =	vld [tilespmem:s11+$0x0]  }
0x18a: {  	v8 =	vld [tilespmem:s7+$0x0]  }
0x18b: {  	v10 =	vsel vm0, $0x1, v4;
	v9 =	vld [tilespmem:s12+$0x0]  }
0x18c: {  	(xrf0) =	vadd.scan.msk.s32 $0xffff, v10;
	_ =	sdelay $0x2  }
0x18d: {  	vm0 =	vgt.f32 v7, $9.499999880e-01;
	vm1 =	vne.s32 v8, $0xFF  }
0x18e: {  	vm2 =	vlt.u32 v9, $0x15;
	vm0 =	vmand vm0, vm1  }
0x18f: {  	vm0 =	vmand vm2, vm0  }
0x190: {  	v7 =	vnsel vm0, $0x15, v9;
	v9, _, _ =	vpop (xrf0)  }
0x191: {  	(v2sf) =	vpush v9, $0xF;
	_ =	sdelay $0x1  }
0x192: {  	v8 =	vadd.s32 v2, v7;
	_ =	sdelay $0x2  }
0x193: {  	s12 =	simm.s32 $0x1810;
	v7 =	vshll.u32 v7, $0xE  }
0x194: {  	v7 =	vadd.s32 s12, v7  }
0x195: {  	s4 =	sadd.s32 s4, s6;
	v10 =	vsel vm0, $0x1, v4;
	v7 =	vadd.s32 v0, v7;
	[tilespmem:v8+s17+$0x0] =	vst.idx.add.f32.msk $0xffff, v3  }
0x196: {  	s30 =	simm.s32 $0x1830;
	(xrf0) =	vadd.scan.msk.s32 $0xffff, v10;
	[tilespmem:s4+$0x5080] =	vst.msk vm0, v7  }
0x197: {  	v8 =	vld [tilespmem:s30+$0xFFFFFFF0];
	_ =	sdelay $0x4  }
0x198: {  	vm0 =	vgt.f32 v8, $9.499999880e-01;
	v8, _, _ =	vpop (xrf0)  }
0x199: {  	s5 =	simm.s32 $0x2830;
	s13 =	spop (v2sf);
	(v2sf) =	vpush v8, $0xF  }
0x19a: {  	s7 =	simm.s32 $0x830;
	v7 =	vld [tilespmem:s5+$0xFFFFFFF0]  }
0x19b: {  	v9 =	vld [tilespmem:s7+$0xFFFFFFF0];
	_ =	sdelay $0x3  }
0x19c: {  	vm1 =	vne.s32 v7, $0xFF  }
0x19d: {  	vm0 =	vmand vm0, vm1;
	vm1 =	vlt.u32 v9, $0x15  }
0x19e: {  	vm0 =	vmand vm1, vm0  }
0x19f: {  	v7 =	vnsel vm0, $0x15, v9;
	v9 =	vsel vm0, $0x1, v4  }
0x1a0: {  	s6 =	simm.s32 $0x1820;
	v10 =	vshll.u32 v7, $0xE;
	v7 =	vadd.s32 v2, v7;
	(xrf0) =	vadd.scan.msk.s32 $0xffff, v9  }
0x1a1: {  	s11 =	simm.s32 $0x1840;
	s3 =	sadd.s32 s3, s13;
	v8 =	vadd.s32 s6, v10  }
.LBB2_12:
0x1a2: {  	_ =	sdelay $0x1  }
0x1a3: {  	p1 =	sne.s32 s11, $0x1FE0;
	s12 =	smov.u32 s11;
	s11 =	sadd.s32 $0x20, s11  }
0x1a4: {  	v8 =	vadd.s32 v0, v8;
	[tilespmem:v7+s17+$0x0] =	vst.idx.add.f32.msk $0xffff, v3;
	s13 =	spop (v2sf)  }
0x1a5: {  	[tilespmem:s3+$0x3000] =	vst.msk vm0, v8;
	v7, _, _ =	vpop (xrf0);
	s4 =	sadd.s32 s4, s13  }
0x1a6: {  	v8 =	vld [tilespmem:s7+$0x0];
	(v2sf) =	vpush v7, $0xF  }
0x1a7: {  	v7 =	vld [tilespmem:s30+$0x0]  }
0x1a8: {  	v9 =	vld [tilespmem:s5+$0x0];
	_ =	sdelay $0x3  }
0x1a9: {  	vm0 =	vgt.f32 v7, $9.499999880e-01  }
0x1aa: {  	vm2 =	vlt.u32 v8, $0x15;
	vm1 =	vne.s32 v9, $0xFF  }
0x1ab: {  	vm0 =	vmand vm0, vm1  }
0x1ac: {  	vm0 =	vmand vm2, vm0  }
0x1ad: {  	v7 =	vnsel vm0, $0x15, v8;
	v8 =	vsel vm0, $0x1, v4  }
0x1ae: {  	s13 =	sadd.s32 $0x10, s6;
	s6 =	smov.u32 s12;
	v9 =	vadd.s32 v2, v7;
	v7 =	vshll.u32 v7, $0xE;
	(xrf0) =	vadd.scan.msk.s32 $0xffff, v8  }
0x1af: {  	v7 =	vadd.s32 s13, v7;
	_ =	sdelay $0x2  }
0x1b0: {  	s5 =	sadd.s32 $0x20, s5;
	s12 =	spop (v2sf)  }
0x1b1: {  	v8 =	vadd.s32 v0, v7;
	s3 =	sadd.s32 s3, s12;
	[tilespmem:v9+s17+$0x0] =	vst.idx.add.f32.msk $0xffff, v3  }
0x1b2: {  	[tilespmem:s4+$0x5080] =	vst.msk vm0, v8;
	v7, _, _ =	vpop (xrf0)  }
0x1b3: {  	s30 =	sadd.s32 $0x20, s30;
	v8 =	vld [tilespmem:s5+$0xFFFFFFF0];
	(v2sf) =	vpush v7, $0xF  }
0x1b4: {  	s7 =	sadd.s32 $0x20, s7;
	v7 =	vld [tilespmem:s30+$0xFFFFFFF0]  }
0x1b5: {  	v9 =	vld [tilespmem:s7+$0xFFFFFFF0];
	_ =	sdelay $0x3  }
0x1b6: {  	vm1 =	vne.s32 v8, $0xFF;
	vm0 =	vgt.f32 v7, $9.499999880e-01  }
.Ltmp5:
0x1b7: {  	vm0 =	vmand vm0, vm1;
	vm1 =	vlt.u32 v9, $0x15;
	(pc) =	sbr.rel @p1 .LBB2_12-.Ltmp5, $4  }
0x1b8: {  	vm0 =	vmand vm1, vm0  }
0x1b9: {  	v8 =	vnsel vm0, $0x15, v9;
	v9 =	vsel vm0, $0x1, v4  }
0x1ba: {  	v7 =	vadd.s32 v2, v8;
	v8 =	vshll.u32 v8, $0xE;
	(xrf0) =	vadd.scan.msk.s32 $0xffff, v9  }
0x1bb: {  	v8 =	vadd.s32 s6, v8  }
0x1bc: {  	_ =	sdelay $0x3  }
0x1bd: {  	[tilespmem:v7+s17+$0x0] =	vst.idx.add.f32.msk $0xffff, v3;
	v7 =	vadd.s32 v0, v8  }
0x1be: {  	[tilespmem:s3+$0x3000] =	vst.msk vm0, v7  }
0x1bf: {  	v7 =	vld [tilespmem:s30+$0x0]  }
0x1c0: {  	v8 =	vld [tilespmem:s5+$0x0]  }
0x1c1: {  	v9 =	vld [tilespmem:s7+$0x0];
	_ =	sdelay $0x3  }
0x1c2: {  	vm0 =	vgt.f32 v7, $9.499999880e-01;
	vm1 =	vne.s32 v8, $0xFF  }
0x1c3: {  	vm2 =	vlt.u32 v9, $0x15;
	vm0 =	vmand vm0, vm1  }
0x1c4: {  	vm0 =	vmand vm2, vm0  }
0x1c5: {  	v7 =	vsel vm0, $0x1, v4  }
0x1c6: {  	(xrf0) =	vadd.scan.msk.s32 $0xffff, v7;
	_ =	sdelay $0x3  }
0x1c7: {  	v7, _, _ =	vpop (xrf0)  }
0x1c8: {  	(v2sf) =	vpush v7, $0xF  }
0x1c9: {  	v7, _, _ =	vpop (xrf0)  }
0x1ca: {  	(v2sf) =	vpush v7, $0xF;
	_ =	sdelay $0x1  }
0x1cb: {  	v7 =	vnsel vm0, $0x15, v9  }
0x1cc: {  	v8 =	vadd.s32 v2, v7;
	_ =	sdelay $0x2  }
0x1cd: {  	s7 =	sadd.s32 $0x10, s6;
	v7 =	vshll.u32 v7, $0xE  }
0x1ce: {  	s11 =	spop (v2sf);
	v7 =	vadd.s32 s7, v7  }
0x1cf: {  	s4 =	sadd.s32 s4, s11;
	v7 =	vadd.s32 v0, v7;
	[tilespmem:v8+s17+$0x0] =	vst.idx.add.f32.msk $0xffff, v3  }
0x1d0: {  	s12 =	rddreg [dreg:$0x13];
	s13 =	simm.s32 $0x800;
	[tilespmem:s4+$0x5080] =	vst.msk vm0, v7  }
0x1d1: {  	[tilespmem:s13], [sflag:$0x6] =	stream.linear.gather [hbm4b:s12+s1], $0x800, $0x38;
	[tilespmem:$0x1D100] =	vst v63  }
0x1d2: {  	s7 =	rddreg [dreg:$0x14]  }
0x1d3: {  	[tilespmem:s14], [sflag:$0x6] =	stream.linear.gather [hbm4b:s7+s1], $0x800, $0x38;
	[tilespmem:$0x1D100] =	vst v63  }
0x1d4: {  	s11 =	rddreg [dreg:$0x15];
	s5 =	spop (v2sf)  }
0x1d5: {  	[tilespmem:s15], [sflag:$0x6] =	stream.linear.gather [hbm4b:s11+s1], $0x800, $0x38;
	[tilespmem:$0x1D100] =	vst v63  }
0x1d6: {  	s6 =	spop (v2sf)  }
0x1d7: {  	_ =	swait.ge [sflag:s16], $0x800  }
0x1d8: {  	[sflag:s16] =	ssyncset.done $0x0  }
0x1d9: {  	[sflag:s16] =	ssyncadd.s32 $0xFFFFF800  }
0x1da: {  	_ =	swait.ge [sflag:s16], $0x800  }
0x1db: {  	[sflag:s16] =	ssyncset.done $0x0  }
0x1dc: {  	[sflag:s16] =	ssyncadd.s32 $0xFFFFF800  }
0x1dd: {  	_ =	swait.ge [sflag:s16], $0x800  }
0x1de: {  	[sflag:s16] =	ssyncset.done $0x0  }
0x1df: {  	s7 =	simm.s32 $0x2010;
	[sflag:s16] =	ssyncadd.s32 $0xFFFFF800  }
0x1e0: {  	s11 =	simm.s32 $0x1010;
	v7 =	vld [tilespmem:s7+$0xFFFFFFF0]  }
0x1e1: {  	s12 =	simm.s32 $0x10;
	v8 =	vld [tilespmem:s11+$0xFFFFFFF0]  }
0x1e2: {  	v9 =	vld [tilespmem:s12+$0xFFFFFFF0];
	_ =	sdelay $0x3  }
0x1e3: {  	vm0 =	vgt.f32 v8, $9.499999880e-01;
	vm1 =	vne.s32 v7, $0xFF  }
0x1e4: {  	vm0 =	vmand vm0, vm1;
	vm1 =	vlt.u32 v9, $0x15  }
0x1e5: {  	vm0 =	vmand vm1, vm0  }
0x1e6: {  	v7 =	vnsel vm0, $0x15, v9  }
0x1e7: {  	v8 =	vadd.s32 v2, v7;
	_ =	sdelay $0x2  }
0x1e8: {  	s13 =	simm.s32 $0x2000;
	v7 =	vshll.u32 v7, $0xE  }
0x1e9: {  	v7 =	vadd.s32 s13, v7  }
0x1ea: {  	s3 =	sadd.s32 s3, s5;
	v7 =	vadd.s32 v0, v7;
	[tilespmem:v8+s17+$0x0] =	vst.idx.add.f32.msk $0xffff, v3  }
0x1eb: {  	[tilespmem:s3+$0x3000] =	vst.msk vm0, v7  }
0x1ec: {  	v7 =	vld [tilespmem:s11+$0x0]  }
0x1ed: {  	v8 =	vld [tilespmem:s7+$0x0]  }
0x1ee: {  	v10 =	vsel vm0, $0x1, v4;
	v9 =	vld [tilespmem:s12+$0x0]  }
0x1ef: {  	(xrf0) =	vadd.scan.msk.s32 $0xffff, v10;
	_ =	sdelay $0x2  }
0x1f0: {  	vm0 =	vgt.f32 v7, $9.499999880e-01;
	vm1 =	vne.s32 v8, $0xFF  }
0x1f1: {  	vm2 =	vlt.u32 v9, $0x15;
	vm0 =	vmand vm0, vm1  }
0x1f2: {  	vm0 =	vmand vm2, vm0  }
0x1f3: {  	v7 =	vnsel vm0, $0x15, v9;
	v9, _, _ =	vpop (xrf0)  }
0x1f4: {  	(v2sf) =	vpush v9, $0xF;
	_ =	sdelay $0x1  }
0x1f5: {  	v8 =	vadd.s32 v2, v7;
	_ =	sdelay $0x2  }
0x1f6: {  	s12 =	simm.s32 $0x2010;
	v7 =	vshll.u32 v7, $0xE  }
0x1f7: {  	v7 =	vadd.s32 s12, v7  }
0x1f8: {  	s4 =	sadd.s32 s4, s6;
	v10 =	vsel vm0, $0x1, v4;
	v7 =	vadd.s32 v0, v7;
	[tilespmem:v8+s17+$0x0] =	vst.idx.add.f32.msk $0xffff, v3  }
0x1f9: {  	s30 =	simm.s32 $0x1030;
	(xrf0) =	vadd.scan.msk.s32 $0xffff, v10;
	[tilespmem:s4+$0x5080] =	vst.msk vm0, v7  }
0x1fa: {  	v8 =	vld [tilespmem:s30+$0xFFFFFFF0];
	_ =	sdelay $0x4  }
0x1fb: {  	vm0 =	vgt.f32 v8, $9.499999880e-01;
	v8, _, _ =	vpop (xrf0)  }
0x1fc: {  	s5 =	simm.s32 $0x2030;
	s13 =	spop (v2sf);
	(v2sf) =	vpush v8, $0xF  }
0x1fd: {  	s7 =	simm.s32 $0x30;
	v7 =	vld [tilespmem:s5+$0xFFFFFFF0]  }
0x1fe: {  	v9 =	vld [tilespmem:s7+$0xFFFFFFF0];
	_ =	sdelay $0x3  }
0x1ff: {  	vm1 =	vne.s32 v7, $0xFF  }
0x200: {  	vm0 =	vmand vm0, vm1;
	vm1 =	vlt.u32 v9, $0x15  }
0x201: {  	vm0 =	vmand vm1, vm0  }
0x202: {  	v7 =	vnsel vm0, $0x15, v9;
	v9 =	vsel vm0, $0x1, v4  }
0x203: {  	s6 =	simm.s32 $0x2020;
	v10 =	vshll.u32 v7, $0xE;
	v7 =	vadd.s32 v2, v7;
	(xrf0) =	vadd.scan.msk.s32 $0xffff, v9  }
0x204: {  	s11 =	simm.s32 $0x2040;
	s3 =	sadd.s32 s3, s13;
	v8 =	vadd.s32 s6, v10  }
.LBB2_14:
0x205: {  	_ =	sdelay $0x1  }
0x206: {  	p1 =	sne.s32 s11, $0x27E0;
	s12 =	smov.u32 s11;
	s11 =	sadd.s32 $0x20, s11  }
0x207: {  	v8 =	vadd.s32 v0, v8;
	[tilespmem:v7+s17+$0x0] =	vst.idx.add.f32.msk $0xffff, v3;
	s13 =	spop (v2sf)  }
0x208: {  	[tilespmem:s3+$0x3000] =	vst.msk vm0, v8;
	v7, _, _ =	vpop (xrf0);
	s4 =	sadd.s32 s4, s13  }
0x209: {  	v8 =	vld [tilespmem:s7+$0x0];
	(v2sf) =	vpush v7, $0xF  }
0x20a: {  	v7 =	vld [tilespmem:s30+$0x0]  }
0x20b: {  	v9 =	vld [tilespmem:s5+$0x0];
	_ =	sdelay $0x3  }
0x20c: {  	vm0 =	vgt.f32 v7, $9.499999880e-01  }
0x20d: {  	vm2 =	vlt.u32 v8, $0x15;
	vm1 =	vne.s32 v9, $0xFF  }
0x20e: {  	vm0 =	vmand vm0, vm1  }
0x20f: {  	vm0 =	vmand vm2, vm0  }
0x210: {  	v7 =	vnsel vm0, $0x15, v8;
	v8 =	vsel vm0, $0x1, v4  }
0x211: {  	s13 =	sadd.s32 $0x10, s6;
	s6 =	smov.u32 s12;
	v9 =	vadd.s32 v2, v7;
	v7 =	vshll.u32 v7, $0xE;
	(xrf0) =	vadd.scan.msk.s32 $0xffff, v8  }
0x212: {  	v7 =	vadd.s32 s13, v7;
	_ =	sdelay $0x2  }
0x213: {  	s5 =	sadd.s32 $0x20, s5;
	s12 =	spop (v2sf)  }
0x214: {  	v8 =	vadd.s32 v0, v7;
	s3 =	sadd.s32 s3, s12;
	[tilespmem:v9+s17+$0x0] =	vst.idx.add.f32.msk $0xffff, v3  }
0x215: {  	[tilespmem:s4+$0x5080] =	vst.msk vm0, v8;
	v7, _, _ =	vpop (xrf0)  }
0x216: {  	s30 =	sadd.s32 $0x20, s30;
	v8 =	vld [tilespmem:s5+$0xFFFFFFF0];
	(v2sf) =	vpush v7, $0xF  }
0x217: {  	s7 =	sadd.s32 $0x20, s7;
	v7 =	vld [tilespmem:s30+$0xFFFFFFF0]  }
0x218: {  	v9 =	vld [tilespmem:s7+$0xFFFFFFF0];
	_ =	sdelay $0x3  }
0x219: {  	vm1 =	vne.s32 v8, $0xFF;
	vm0 =	vgt.f32 v7, $9.499999880e-01  }
.Ltmp6:
0x21a: {  	vm0 =	vmand vm0, vm1;
	vm1 =	vlt.u32 v9, $0x15;
	(pc) =	sbr.rel @p1 .LBB2_14-.Ltmp6, $4  }
0x21b: {  	vm0 =	vmand vm1, vm0  }
0x21c: {  	v8 =	vnsel vm0, $0x15, v9;
	v9 =	vsel vm0, $0x1, v4  }
0x21d: {  	v7 =	vadd.s32 v2, v8;
	v8 =	vshll.u32 v8, $0xE;
	(xrf0) =	vadd.scan.msk.s32 $0xffff, v9  }
0x21e: {  	v8 =	vadd.s32 s6, v8  }
0x21f: {  	_ =	sdelay $0x3  }
0x220: {  	[tilespmem:v7+s17+$0x0] =	vst.idx.add.f32.msk $0xffff, v3;
	v7 =	vadd.s32 v0, v8  }
0x221: {  	[tilespmem:s3+$0x3000] =	vst.msk vm0, v7  }
0x222: {  	v7 =	vld [tilespmem:s30+$0x0]  }
0x223: {  	v8 =	vld [tilespmem:s5+$0x0]  }
0x224: {  	v9 =	vld [tilespmem:s7+$0x0];
	_ =	sdelay $0x3  }
0x225: {  	vm0 =	vgt.f32 v7, $9.499999880e-01;
	vm1 =	vne.s32 v8, $0xFF  }
0x226: {  	vm2 =	vlt.u32 v9, $0x15;
	vm0 =	vmand vm0, vm1  }
0x227: {  	vm0 =	vmand vm2, vm0  }
0x228: {  	v7 =	vsel vm0, $0x1, v4  }
0x229: {  	(xrf0) =	vadd.scan.msk.s32 $0xffff, v7;
	_ =	sdelay $0x3  }
0x22a: {  	v7, _, _ =	vpop (xrf0)  }
0x22b: {  	(v2sf) =	vpush v7, $0xF  }
0x22c: {  	v7, _, _ =	vpop (xrf0)  }
0x22d: {  	(v2sf) =	vpush v7, $0xF;
	_ =	sdelay $0x1  }
0x22e: {  	v7 =	vnsel vm0, $0x15, v9  }
0x22f: {  	v8 =	vadd.s32 v2, v7;
	_ =	sdelay $0x2  }
0x230: {  	s12 =	sadd.s32 $0x10, s6;
	v7 =	vshll.u32 v7, $0xE  }
0x231: {  	s13 =	spop (v2sf);
	v7 =	vadd.s32 s12, v7  }
0x232: {  	s4 =	sadd.s32 s4, s13;
	v7 =	vadd.s32 v0, v7;
	[tilespmem:v8+s17+$0x0] =	vst.idx.add.f32.msk $0xffff, v3  }
0x233: {  	s7 =	rddreg [dreg:$0x16];
	[tilespmem:s4+$0x5080] =	vst.msk vm0, v7  }
0x234: {  	[tilespmem:s1], [sflag:$0x5] =	stream.linear.gather [hbm4b:s7+s1], $0x800, $0x38;
	[tilespmem:$0x1D100] =	vst v63  }
0x235: {  	s11 =	rddreg [dreg:$0x17];
	s12 =	simm.s32 $0x1000  }
0x236: {  	[tilespmem:s12], [sflag:$0x5] =	stream.linear.gather [hbm4b:s11+s1], $0x800, $0x38;
	[tilespmem:$0x1D100] =	vst v63  }
0x237: {  	s13 =	rddreg [dreg:$0x18];
	s11 =	simm.s32 $0x2000;
	s5 =	spop (v2sf)  }
0x238: {  	[tilespmem:s11], [sflag:$0x5] =	stream.linear.gather [hbm4b:s13+s1], $0x800, $0x38;
	[tilespmem:$0x1D100] =	vst v63  }
0x239: {  	s6 =	spop (v2sf)  }
0x23a: {  	_ =	swait.ge [sflag:s18], $0x800  }
0x23b: {  	[sflag:s18] =	ssyncset.done $0x0  }
0x23c: {  	[sflag:s18] =	ssyncadd.s32 $0xFFFFF800  }
0x23d: {  	_ =	swait.ge [sflag:s18], $0x800  }
0x23e: {  	[sflag:s18] =	ssyncset.done $0x0  }
0x23f: {  	[sflag:s18] =	ssyncadd.s32 $0xFFFFF800  }
0x240: {  	_ =	swait.ge [sflag:s18], $0x800  }
0x241: {  	[sflag:s18] =	ssyncset.done $0x0  }
0x242: {  	s7 =	simm.s32 $0x2810;
	[sflag:s18] =	ssyncadd.s32 $0xFFFFF800  }
0x243: {  	s11 =	simm.s32 $0x1810;
	v7 =	vld [tilespmem:s7+$0xFFFFFFF0]  }
0x244: {  	s12 =	simm.s32 $0x810;
	v8 =	vld [tilespmem:s11+$0xFFFFFFF0]  }
0x245: {  	v9 =	vld [tilespmem:s12+$0xFFFFFFF0];
	_ =	sdelay $0x3  }
0x246: {  	vm0 =	vgt.f32 v8, $9.499999880e-01;
	vm1 =	vne.s32 v7, $0xFF  }
0x247: {  	vm0 =	vmand vm0, vm1;
	vm1 =	vlt.u32 v9, $0x15  }
0x248: {  	vm0 =	vmand vm1, vm0  }
0x249: {  	v7 =	vnsel vm0, $0x15, v9  }
0x24a: {  	v8 =	vadd.s32 v2, v7;
	_ =	sdelay $0x2  }
0x24b: {  	s13 =	simm.s32 $0x2800;
	v7 =	vshll.u32 v7, $0xE  }
0x24c: {  	v7 =	vadd.s32 s13, v7  }
0x24d: {  	s3 =	sadd.s32 s3, s5;
	v7 =	vadd.s32 v0, v7;
	[tilespmem:v8+s17+$0x0] =	vst.idx.add.f32.msk $0xffff, v3  }
0x24e: {  	[tilespmem:s3+$0x3000] =	vst.msk vm0, v7  }
0x24f: {  	v7 =	vld [tilespmem:s11+$0x0]  }
0x250: {  	v8 =	vld [tilespmem:s7+$0x0]  }
0x251: {  	v10 =	vsel vm0, $0x1, v4;
	v9 =	vld [tilespmem:s12+$0x0]  }
0x252: {  	(xrf0) =	vadd.scan.msk.s32 $0xffff, v10;
	_ =	sdelay $0x2  }
0x253: {  	vm0 =	vgt.f32 v7, $9.499999880e-01;
	vm1 =	vne.s32 v8, $0xFF  }
0x254: {  	vm2 =	vlt.u32 v9, $0x15;
	vm0 =	vmand vm0, vm1  }
0x255: {  	vm0 =	vmand vm2, vm0  }
0x256: {  	v7 =	vnsel vm0, $0x15, v9;
	v9, _, _ =	vpop (xrf0)  }
0x257: {  	(v2sf) =	vpush v9, $0xF;
	_ =	sdelay $0x1  }
0x258: {  	v8 =	vadd.s32 v2, v7;
	_ =	sdelay $0x2  }
0x259: {  	s12 =	simm.s32 $0x2810;
	v7 =	vshll.u32 v7, $0xE  }
0x25a: {  	v7 =	vadd.s32 s12, v7  }
0x25b: {  	s4 =	sadd.s32 s4, s6;
	v10 =	vsel vm0, $0x1, v4;
	v7 =	vadd.s32 v0, v7;
	[tilespmem:v8+s17+$0x0] =	vst.idx.add.f32.msk $0xffff, v3  }
0x25c: {  	s30 =	simm.s32 $0x1830;
	(xrf0) =	vadd.scan.msk.s32 $0xffff, v10;
	[tilespmem:s4+$0x5080] =	vst.msk vm0, v7  }
0x25d: {  	v8 =	vld [tilespmem:s30+$0xFFFFFFF0];
	_ =	sdelay $0x4  }
0x25e: {  	vm0 =	vgt.f32 v8, $9.499999880e-01;
	v8, _, _ =	vpop (xrf0)  }
0x25f: {  	s5 =	simm.s32 $0x2830;
	s13 =	spop (v2sf);
	(v2sf) =	vpush v8, $0xF  }
0x260: {  	s7 =	simm.s32 $0x830;
	v7 =	vld [tilespmem:s5+$0xFFFFFFF0]  }
0x261: {  	v9 =	vld [tilespmem:s7+$0xFFFFFFF0];
	_ =	sdelay $0x3  }
0x262: {  	vm1 =	vne.s32 v7, $0xFF  }
0x263: {  	vm0 =	vmand vm0, vm1;
	vm1 =	vlt.u32 v9, $0x15  }
0x264: {  	vm0 =	vmand vm1, vm0  }
0x265: {  	v7 =	vnsel vm0, $0x15, v9;
	v9 =	vsel vm0, $0x1, v4  }
0x266: {  	s6 =	simm.s32 $0x2820;
	v10 =	vshll.u32 v7, $0xE;
	v7 =	vadd.s32 v2, v7;
	(xrf0) =	vadd.scan.msk.s32 $0xffff, v9  }
0x267: {  	s11 =	simm.s32 $0x2840;
	s3 =	sadd.s32 s3, s13;
	v8 =	vadd.s32 s6, v10  }
.LBB2_16:
0x268: {  	_ =	sdelay $0x1  }
0x269: {  	p1 =	sne.s32 s11, $0x2FE0;
	s12 =	smov.u32 s11;
	s11 =	sadd.s32 $0x20, s11  }
0x26a: {  	v8 =	vadd.s32 v0, v8;
	[tilespmem:v7+s17+$0x0] =	vst.idx.add.f32.msk $0xffff, v3;
	s13 =	spop (v2sf)  }
0x26b: {  	[tilespmem:s3+$0x3000] =	vst.msk vm0, v8;
	v7, _, _ =	vpop (xrf0);
	s4 =	sadd.s32 s4, s13  }
0x26c: {  	v8 =	vld [tilespmem:s7+$0x0];
	(v2sf) =	vpush v7, $0xF  }
0x26d: {  	v7 =	vld [tilespmem:s30+$0x0]  }
0x26e: {  	v9 =	vld [tilespmem:s5+$0x0];
	_ =	sdelay $0x3  }
0x26f: {  	vm0 =	vgt.f32 v7, $9.499999880e-01  }
0x270: {  	vm2 =	vlt.u32 v8, $0x15;
	vm1 =	vne.s32 v9, $0xFF  }
0x271: {  	vm0 =	vmand vm0, vm1  }
0x272: {  	vm0 =	vmand vm2, vm0  }
0x273: {  	v7 =	vnsel vm0, $0x15, v8;
	v8 =	vsel vm0, $0x1, v4  }
0x274: {  	s13 =	sadd.s32 $0x10, s6;
	s6 =	smov.u32 s12;
	v9 =	vadd.s32 v2, v7;
	v7 =	vshll.u32 v7, $0xE;
	(xrf0) =	vadd.scan.msk.s32 $0xffff, v8  }
0x275: {  	v7 =	vadd.s32 s13, v7;
	_ =	sdelay $0x2  }
0x276: {  	s5 =	sadd.s32 $0x20, s5;
	s12 =	spop (v2sf)  }
0x277: {  	v8 =	vadd.s32 v0, v7;
	s3 =	sadd.s32 s3, s12;
	[tilespmem:v9+s17+$0x0] =	vst.idx.add.f32.msk $0xffff, v3  }
0x278: {  	[tilespmem:s4+$0x5080] =	vst.msk vm0, v8;
	v7, _, _ =	vpop (xrf0)  }
0x279: {  	s30 =	sadd.s32 $0x20, s30;
	v8 =	vld [tilespmem:s5+$0xFFFFFFF0];
	(v2sf) =	vpush v7, $0xF  }
0x27a: {  	s7 =	sadd.s32 $0x20, s7;
	v7 =	vld [tilespmem:s30+$0xFFFFFFF0]  }
0x27b: {  	v9 =	vld [tilespmem:s7+$0xFFFFFFF0];
	_ =	sdelay $0x3  }
0x27c: {  	vm1 =	vne.s32 v8, $0xFF;
	vm0 =	vgt.f32 v7, $9.499999880e-01  }
.Ltmp7:
0x27d: {  	vm0 =	vmand vm0, vm1;
	vm1 =	vlt.u32 v9, $0x15;
	(pc) =	sbr.rel @p1 .LBB2_16-.Ltmp7, $4  }
0x27e: {  	vm0 =	vmand vm1, vm0  }
0x27f: {  	v8 =	vnsel vm0, $0x15, v9;
	v9 =	vsel vm0, $0x1, v4  }
0x280: {  	v7 =	vadd.s32 v2, v8;
	v8 =	vshll.u32 v8, $0xE;
	(xrf0) =	vadd.scan.msk.s32 $0xffff, v9  }
0x281: {  	v8 =	vadd.s32 s6, v8  }
0x282: {  	_ =	sdelay $0x3  }
0x283: {  	[tilespmem:v7+s17+$0x0] =	vst.idx.add.f32.msk $0xffff, v3;
	v7 =	vadd.s32 v0, v8  }
0x284: {  	[tilespmem:s3+$0x3000] =	vst.msk vm0, v7  }
0x285: {  	v7 =	vld [tilespmem:s30+$0x0]  }
0x286: {  	v8 =	vld [tilespmem:s5+$0x0]  }
0x287: {  	v9 =	vld [tilespmem:s7+$0x0];
	_ =	sdelay $0x3  }
0x288: {  	vm0 =	vgt.f32 v7, $9.499999880e-01;
	vm1 =	vne.s32 v8, $0xFF  }
0x289: {  	vm2 =	vlt.u32 v9, $0x15;
	vm0 =	vmand vm0, vm1  }
0x28a: {  	vm0 =	vmand vm2, vm0  }
0x28b: {  	v7 =	vsel vm0, $0x1, v4  }
0x28c: {  	(xrf0) =	vadd.scan.msk.s32 $0xffff, v7;
	_ =	sdelay $0x3  }
0x28d: {  	v7, _, _ =	vpop (xrf0)  }
0x28e: {  	(v2sf) =	vpush v7, $0xF  }
0x28f: {  	v7, _, _ =	vpop (xrf0)  }
0x290: {  	(v2sf) =	vpush v7, $0xF;
	_ =	sdelay $0x1  }
0x291: {  	v7 =	vnsel vm0, $0x15, v9  }
0x292: {  	v8 =	vadd.s32 v2, v7;
	_ =	sdelay $0x2  }
0x293: {  	s7 =	sadd.s32 $0x10, s6;
	v7 =	vshll.u32 v7, $0xE  }
0x294: {  	s11 =	spop (v2sf);
	v7 =	vadd.s32 s7, v7  }
0x295: {  	s4 =	sadd.s32 s4, s11;
	v7 =	vadd.s32 v0, v7;
	[tilespmem:v8+s17+$0x0] =	vst.idx.add.f32.msk $0xffff, v3  }
0x296: {  	s12 =	rddreg [dreg:$0x1c];
	s13 =	simm.s32 $0x800;
	[tilespmem:s4+$0x5080] =	vst.msk vm0, v7  }
0x297: {  	[tilespmem:s13], [sflag:$0x6] =	stream.linear.gather [hbm4b:s12+s1], $0x800, $0x38;
	[tilespmem:$0x1D100] =	vst v63  }
0x298: {  	s7 =	rddreg [dreg:$0x1d]  }
0x299: {  	[tilespmem:s14], [sflag:$0x6] =	stream.linear.gather [hbm4b:s7+s1], $0x800, $0x38;
	[tilespmem:$0x1D100] =	vst v63  }
0x29a: {  	s11 =	rddreg [dreg:$0x1e];
	s5 =	spop (v2sf)  }
0x29b: {  	[tilespmem:s15], [sflag:$0x6] =	stream.linear.gather [hbm4b:s11+s1], $0x800, $0x38;
	[tilespmem:$0x1D100] =	vst v63  }
0x29c: {  	s6 =	spop (v2sf)  }
0x29d: {  	_ =	swait.ge [sflag:s16], $0x800  }
0x29e: {  	[sflag:s16] =	ssyncset.done $0x0  }
0x29f: {  	[sflag:s16] =	ssyncadd.s32 $0xFFFFF800  }
0x2a0: {  	_ =	swait.ge [sflag:s16], $0x800  }
0x2a1: {  	[sflag:s16] =	ssyncset.done $0x0  }
0x2a2: {  	[sflag:s16] =	ssyncadd.s32 $0xFFFFF800  }
0x2a3: {  	_ =	swait.ge [sflag:s16], $0x800  }
0x2a4: {  	[sflag:s16] =	ssyncset.done $0x0  }
0x2a5: {  	s7 =	simm.s32 $0x2010;
	[sflag:s16] =	ssyncadd.s32 $0xFFFFF800  }
0x2a6: {  	s11 =	simm.s32 $0x1010;
	v7 =	vld [tilespmem:s7+$0xFFFFFFF0]  }
0x2a7: {  	s12 =	simm.s32 $0x10;
	v8 =	vld [tilespmem:s11+$0xFFFFFFF0]  }
0x2a8: {  	v9 =	vld [tilespmem:s12+$0xFFFFFFF0];
	_ =	sdelay $0x3  }
0x2a9: {  	vm0 =	vgt.f32 v8, $9.499999880e-01;
	vm1 =	vne.s32 v7, $0xFF  }
0x2aa: {  	vm0 =	vmand vm0, vm1;
	vm1 =	vlt.u32 v9, $0x15  }
0x2ab: {  	vm0 =	vmand vm1, vm0  }
0x2ac: {  	v7 =	vnsel vm0, $0x15, v9  }
0x2ad: {  	v8 =	vadd.s32 v2, v7;
	_ =	sdelay $0x2  }
0x2ae: {  	s13 =	simm.s32 $0x3000;
	v7 =	vshll.u32 v7, $0xE  }
0x2af: {  	v7 =	vadd.s32 s13, v7  }
0x2b0: {  	s3 =	sadd.s32 s3, s5;
	v7 =	vadd.s32 v0, v7;
	[tilespmem:v8+s17+$0x0] =	vst.idx.add.f32.msk $0xffff, v3  }
0x2b1: {  	[tilespmem:s3+$0x3000] =	vst.msk vm0, v7  }
0x2b2: {  	v7 =	vld [tilespmem:s11+$0x0]  }
0x2b3: {  	v8 =	vld [tilespmem:s7+$0x0]  }
0x2b4: {  	v10 =	vsel vm0, $0x1, v4;
	v9 =	vld [tilespmem:s12+$0x0]  }
0x2b5: {  	(xrf0) =	vadd.scan.msk.s32 $0xffff, v10;
	_ =	sdelay $0x2  }
0x2b6: {  	vm0 =	vgt.f32 v7, $9.499999880e-01;
	vm1 =	vne.s32 v8, $0xFF  }
0x2b7: {  	vm2 =	vlt.u32 v9, $0x15;
	vm0 =	vmand vm0, vm1  }
0x2b8: {  	vm0 =	vmand vm2, vm0  }
0x2b9: {  	v7 =	vnsel vm0, $0x15, v9;
	v9, _, _ =	vpop (xrf0)  }
0x2ba: {  	(v2sf) =	vpush v9, $0xF;
	_ =	sdelay $0x1  }
0x2bb: {  	v8 =	vadd.s32 v2, v7;
	_ =	sdelay $0x2  }
0x2bc: {  	s12 =	simm.s32 $0x3010;
	v7 =	vshll.u32 v7, $0xE  }
0x2bd: {  	v7 =	vadd.s32 s12, v7  }
0x2be: {  	s4 =	sadd.s32 s4, s6;
	v10 =	vsel vm0, $0x1, v4;
	v7 =	vadd.s32 v0, v7;
	[tilespmem:v8+s17+$0x0] =	vst.idx.add.f32.msk $0xffff, v3  }
0x2bf: {  	s30 =	simm.s32 $0x1030;
	(xrf0) =	vadd.scan.msk.s32 $0xffff, v10;
	[tilespmem:s4+$0x5080] =	vst.msk vm0, v7  }
0x2c0: {  	v8 =	vld [tilespmem:s30+$0xFFFFFFF0];
	_ =	sdelay $0x4  }
0x2c1: {  	vm0 =	vgt.f32 v8, $9.499999880e-01;
	v8, _, _ =	vpop (xrf0)  }
0x2c2: {  	s5 =	simm.s32 $0x2030;
	s13 =	spop (v2sf);
	(v2sf) =	vpush v8, $0xF  }
0x2c3: {  	s7 =	simm.s32 $0x30;
	v7 =	vld [tilespmem:s5+$0xFFFFFFF0]  }
0x2c4: {  	v9 =	vld [tilespmem:s7+$0xFFFFFFF0];
	_ =	sdelay $0x3  }
0x2c5: {  	vm1 =	vne.s32 v7, $0xFF  }
0x2c6: {  	vm0 =	vmand vm0, vm1;
	vm1 =	vlt.u32 v9, $0x15  }
0x2c7: {  	vm0 =	vmand vm1, vm0  }
0x2c8: {  	v7 =	vnsel vm0, $0x15, v9;
	v9 =	vsel vm0, $0x1, v4  }
0x2c9: {  	s6 =	simm.s32 $0x3020;
	v10 =	vshll.u32 v7, $0xE;
	v7 =	vadd.s32 v2, v7;
	(xrf0) =	vadd.scan.msk.s32 $0xffff, v9  }
0x2ca: {  	s11 =	simm.s32 $0x3040;
	s3 =	sadd.s32 s3, s13;
	v8 =	vadd.s32 s6, v10  }
.LBB2_18:
0x2cb: {  	_ =	sdelay $0x1  }
0x2cc: {  	p1 =	sne.s32 s11, $0x37E0;
	s12 =	smov.u32 s11;
	s11 =	sadd.s32 $0x20, s11  }
0x2cd: {  	v8 =	vadd.s32 v0, v8;
	[tilespmem:v7+s17+$0x0] =	vst.idx.add.f32.msk $0xffff, v3;
	s13 =	spop (v2sf)  }
0x2ce: {  	[tilespmem:s3+$0x3000] =	vst.msk vm0, v8;
	v7, _, _ =	vpop (xrf0);
	s4 =	sadd.s32 s4, s13  }
0x2cf: {  	v8 =	vld [tilespmem:s7+$0x0];
	(v2sf) =	vpush v7, $0xF  }
0x2d0: {  	v7 =	vld [tilespmem:s30+$0x0]  }
0x2d1: {  	v9 =	vld [tilespmem:s5+$0x0];
	_ =	sdelay $0x3  }
0x2d2: {  	vm0 =	vgt.f32 v7, $9.499999880e-01  }
0x2d3: {  	vm2 =	vlt.u32 v8, $0x15;
	vm1 =	vne.s32 v9, $0xFF  }
0x2d4: {  	vm0 =	vmand vm0, vm1  }
0x2d5: {  	vm0 =	vmand vm2, vm0  }
0x2d6: {  	v7 =	vnsel vm0, $0x15, v8;
	v8 =	vsel vm0, $0x1, v4  }
0x2d7: {  	s13 =	sadd.s32 $0x10, s6;
	s6 =	smov.u32 s12;
	v9 =	vadd.s32 v2, v7;
	v7 =	vshll.u32 v7, $0xE;
	(xrf0) =	vadd.scan.msk.s32 $0xffff, v8  }
0x2d8: {  	v7 =	vadd.s32 s13, v7;
	_ =	sdelay $0x2  }
0x2d9: {  	s5 =	sadd.s32 $0x20, s5;
	s12 =	spop (v2sf)  }
0x2da: {  	v8 =	vadd.s32 v0, v7;
	s3 =	sadd.s32 s3, s12;
	[tilespmem:v9+s17+$0x0] =	vst.idx.add.f32.msk $0xffff, v3  }
0x2db: {  	[tilespmem:s4+$0x5080] =	vst.msk vm0, v8;
	v7, _, _ =	vpop (xrf0)  }
0x2dc: {  	s30 =	sadd.s32 $0x20, s30;
	v8 =	vld [tilespmem:s5+$0xFFFFFFF0];
	(v2sf) =	vpush v7, $0xF  }
0x2dd: {  	s7 =	sadd.s32 $0x20, s7;
	v7 =	vld [tilespmem:s30+$0xFFFFFFF0]  }
0x2de: {  	v9 =	vld [tilespmem:s7+$0xFFFFFFF0];
	_ =	sdelay $0x3  }
0x2df: {  	vm1 =	vne.s32 v8, $0xFF;
	vm0 =	vgt.f32 v7, $9.499999880e-01  }
.Ltmp8:
0x2e0: {  	vm0 =	vmand vm0, vm1;
	vm1 =	vlt.u32 v9, $0x15;
	(pc) =	sbr.rel @p1 .LBB2_18-.Ltmp8, $4  }
0x2e1: {  	vm0 =	vmand vm1, vm0  }
0x2e2: {  	v8 =	vnsel vm0, $0x15, v9;
	v9 =	vsel vm0, $0x1, v4  }
0x2e3: {  	v7 =	vadd.s32 v2, v8;
	v8 =	vshll.u32 v8, $0xE;
	(xrf0) =	vadd.scan.msk.s32 $0xffff, v9  }
0x2e4: {  	v8 =	vadd.s32 s6, v8  }
0x2e5: {  	_ =	sdelay $0x3  }
0x2e6: {  	[tilespmem:v7+s17+$0x0] =	vst.idx.add.f32.msk $0xffff, v3;
	v7 =	vadd.s32 v0, v8  }
0x2e7: {  	[tilespmem:s3+$0x3000] =	vst.msk vm0, v7  }
0x2e8: {  	v7 =	vld [tilespmem:s30+$0x0]  }
0x2e9: {  	v8 =	vld [tilespmem:s5+$0x0]  }
0x2ea: {  	v9 =	vld [tilespmem:s7+$0x0];
	_ =	sdelay $0x3  }
0x2eb: {  	vm0 =	vgt.f32 v7, $9.499999880e-01;
	vm1 =	vne.s32 v8, $0xFF  }
0x2ec: {  	vm2 =	vlt.u32 v9, $0x15;
	vm0 =	vmand vm0, vm1  }
0x2ed: {  	vm0 =	vmand vm2, vm0  }
0x2ee: {  	v7 =	vsel vm0, $0x1, v4  }
0x2ef: {  	(xrf0) =	vadd.scan.msk.s32 $0xffff, v7;
	_ =	sdelay $0x4  }
0x2f0: {  	v7, _, _ =	vpop (xrf0)  }
0x2f1: {  	(v2sf) =	vpush v7, $0xF;
	v7, _, _ =	vpop (xrf0)  }
0x2f2: {  	(v2sf) =	vpush v7, $0xF;
	_ =	sdelay $0x7  }
0x2f3: {  	v7 =	vnsel vm0, $0x15, v9  }
0x2f4: {  	v8 =	vadd.s32 v2, v7;
	_ =	sdelay $0x2  }
0x2f5: {  	s6 =	sadd.s32 $0x10, s6;
	v7 =	vshll.u32 v7, $0xE  }
0x2f6: {  	s7 =	spop (v2sf);
	v7 =	vadd.s32 s6, v7  }
0x2f7: {  	s4 =	sadd.s32 s4, s7;
	v7 =	vadd.s32 v0, v7;
	[tilespmem:v8+s17+$0x0] =	vst.idx.add.f32.msk $0xffff, v3;
	s5 =	spop (v2sf)  }
0x2f8: {  	[tilespmem:s4+$0x5080] =	vst.msk vm0, v7;
	s6 =	spop (v2sf)  }
0x2f9: {  	_ =	swait.ge [sflag:s18], $0x800  }
0x2fa: {  	[sflag:s18] =	ssyncset.done $0x0  }
0x2fb: {  	[sflag:s18] =	ssyncadd.s32 $0xFFFFF800  }
0x2fc: {  	_ =	swait.ge [sflag:s18], $0x800  }
0x2fd: {  	[sflag:s18] =	ssyncset.done $0x0  }
0x2fe: {  	[sflag:s18] =	ssyncadd.s32 $0xFFFFF800  }
0x2ff: {  	_ =	swait.ge [sflag:s18], $0x800  }
0x300: {  	[sflag:s18] =	ssyncset.done $0x0  }
0x301: {  	s7 =	simm.s32 $0x2810;
	[sflag:s18] =	ssyncadd.s32 $0xFFFFF800  }
0x302: {  	s11 =	simm.s32 $0x1810;
	v7 =	vld [tilespmem:s7+$0xFFFFFFF0]  }
0x303: {  	s12 =	simm.s32 $0x810;
	v8 =	vld [tilespmem:s11+$0xFFFFFFF0]  }
0x304: {  	v9 =	vld [tilespmem:s12+$0xFFFFFFF0];
	_ =	sdelay $0x3  }
0x305: {  	vm0 =	vgt.f32 v8, $9.499999880e-01;
	vm1 =	vne.s32 v7, $0xFF  }
0x306: {  	vm0 =	vmand vm0, vm1;
	vm1 =	vlt.u32 v9, $0x15  }
0x307: {  	vm0 =	vmand vm1, vm0  }
0x308: {  	v7 =	vnsel vm0, $0x15, v9  }
0x309: {  	v8 =	vadd.s32 v2, v7;
	_ =	sdelay $0x2  }
0x30a: {  	s13 =	simm.s32 $0x3800;
	v7 =	vshll.u32 v7, $0xE  }
0x30b: {  	v7 =	vadd.s32 s13, v7  }
0x30c: {  	s13 =	sadd.s32 s3, s5;
	v7 =	vadd.s32 v0, v7;
	[tilespmem:v8+s17+$0x0] =	vst.idx.add.f32.msk $0xffff, v3  }
0x30d: {  	[tilespmem:s13+$0x3000] =	vst.msk vm0, v7  }
0x30e: {  	v7 =	vld [tilespmem:s11+$0x0]  }
0x30f: {  	v8 =	vld [tilespmem:s7+$0x0]  }
0x310: {  	v10 =	vsel vm0, $0x1, v4;
	v9 =	vld [tilespmem:s12+$0x0]  }
0x311: {  	(xrf0) =	vadd.scan.msk.s32 $0xffff, v10;
	_ =	sdelay $0x2  }
0x312: {  	vm0 =	vgt.f32 v7, $9.499999880e-01;
	vm1 =	vne.s32 v8, $0xFF  }
0x313: {  	vm2 =	vlt.u32 v9, $0x15;
	vm0 =	vmand vm0, vm1  }
0x314: {  	vm0 =	vmand vm2, vm0  }
0x315: {  	v7 =	vnsel vm0, $0x15, v9;
	v9, _, _ =	vpop (xrf0)  }
0x316: {  	(v2sf) =	vpush v9, $0xF;
	_ =	sdelay $0x1  }
0x317: {  	v8 =	vadd.s32 v2, v7;
	_ =	sdelay $0x2  }
0x318: {  	s11 =	simm.s32 $0x3810;
	v7 =	vshll.u32 v7, $0xE  }
0x319: {  	v7 =	vadd.s32 s11, v7  }
0x31a: {  	s3 =	sadd.s32 s4, s6;
	v10 =	vsel vm0, $0x1, v4;
	v7 =	vadd.s32 v0, v7;
	[tilespmem:v8+s17+$0x0] =	vst.idx.add.f32.msk $0xffff, v3  }
0x31b: {  	s30 =	simm.s32 $0x1830;
	(xrf0) =	vadd.scan.msk.s32 $0xffff, v10;
	[tilespmem:s3+$0x5080] =	vst.msk vm0, v7  }
0x31c: {  	v8 =	vld [tilespmem:s30+$0xFFFFFFF0];
	_ =	sdelay $0x4  }
0x31d: {  	vm0 =	vgt.f32 v8, $9.499999880e-01;
	v8, _, _ =	vpop (xrf0)  }
0x31e: {  	s5 =	simm.s32 $0x2830;
	s12 =	spop (v2sf);
	(v2sf) =	vpush v8, $0xF  }
0x31f: {  	s7 =	simm.s32 $0x830;
	v7 =	vld [tilespmem:s5+$0xFFFFFFF0]  }
0x320: {  	v9 =	vld [tilespmem:s7+$0xFFFFFFF0];
	_ =	sdelay $0x3  }
0x321: {  	vm1 =	vne.s32 v7, $0xFF  }
0x322: {  	vm0 =	vmand vm0, vm1;
	vm1 =	vlt.u32 v9, $0x15  }
0x323: {  	vm0 =	vmand vm1, vm0  }
0x324: {  	v7 =	vnsel vm0, $0x15, v9;
	v9 =	vsel vm0, $0x1, v4  }
0x325: {  	s4 =	simm.s32 $0x3820;
	v10 =	vshll.u32 v7, $0xE;
	v7 =	vadd.s32 v2, v7;
	(xrf0) =	vadd.scan.msk.s32 $0xffff, v9  }
0x326: {  	s11 =	simm.s32 $0x3840;
	s6 =	sadd.s32 s13, s12;
	v8 =	vadd.s32 s4, v10  }
.LBB2_20:
0x327: {  	_ =	sdelay $0x1  }
0x328: {  	p1 =	sne.s32 s11, $0x3FE0;
	s12 =	smov.u32 s11;
	s11 =	sadd.s32 $0x20, s11  }
0x329: {  	v8 =	vadd.s32 v0, v8;
	[tilespmem:v7+s17+$0x0] =	vst.idx.add.f32.msk $0xffff, v3;
	s13 =	spop (v2sf)  }
0x32a: {  	[tilespmem:s6+$0x3000] =	vst.msk vm0, v8;
	v7, _, _ =	vpop (xrf0);
	s3 =	sadd.s32 s3, s13  }
0x32b: {  	v8 =	vld [tilespmem:s7+$0x0];
	(v2sf) =	vpush v7, $0xF  }
0x32c: {  	v7 =	vld [tilespmem:s30+$0x0]  }
0x32d: {  	v9 =	vld [tilespmem:s5+$0x0];
	_ =	sdelay $0x3  }
0x32e: {  	vm0 =	vgt.f32 v7, $9.499999880e-01  }
0x32f: {  	vm2 =	vlt.u32 v8, $0x15;
	vm1 =	vne.s32 v9, $0xFF  }
0x330: {  	vm0 =	vmand vm0, vm1  }
0x331: {  	vm0 =	vmand vm2, vm0  }
0x332: {  	v7 =	vnsel vm0, $0x15, v8;
	v8 =	vsel vm0, $0x1, v4  }
0x333: {  	s13 =	sadd.s32 $0x10, s4;
	s4 =	smov.u32 s12;
	v9 =	vadd.s32 v2, v7;
	v7 =	vshll.u32 v7, $0xE;
	(xrf0) =	vadd.scan.msk.s32 $0xffff, v8  }
0x334: {  	v7 =	vadd.s32 s13, v7;
	_ =	sdelay $0x2  }
0x335: {  	s5 =	sadd.s32 $0x20, s5;
	s12 =	spop (v2sf)  }
0x336: {  	v8 =	vadd.s32 v0, v7;
	s6 =	sadd.s32 s6, s12;
	[tilespmem:v9+s17+$0x0] =	vst.idx.add.f32.msk $0xffff, v3  }
0x337: {  	[tilespmem:s3+$0x5080] =	vst.msk vm0, v8;
	v7, _, _ =	vpop (xrf0)  }
0x338: {  	s30 =	sadd.s32 $0x20, s30;
	v8 =	vld [tilespmem:s5+$0xFFFFFFF0];
	(v2sf) =	vpush v7, $0xF  }
0x339: {  	s7 =	sadd.s32 $0x20, s7;
	v7 =	vld [tilespmem:s30+$0xFFFFFFF0]  }
0x33a: {  	v9 =	vld [tilespmem:s7+$0xFFFFFFF0];
	_ =	sdelay $0x3  }
0x33b: {  	vm1 =	vne.s32 v8, $0xFF;
	vm0 =	vgt.f32 v7, $9.499999880e-01  }
.Ltmp9:
0x33c: {  	vm0 =	vmand vm0, vm1;
	vm1 =	vlt.u32 v9, $0x15;
	(pc) =	sbr.rel @p1 .LBB2_20-.Ltmp9, $4  }
0x33d: {  	vm0 =	vmand vm1, vm0  }
0x33e: {  	v8 =	vnsel vm0, $0x15, v9;
	v9 =	vsel vm0, $0x1, v4  }
0x33f: {  	v7 =	vadd.s32 v2, v8;
	v8 =	vshll.u32 v8, $0xE;
	(xrf0) =	vadd.scan.msk.s32 $0xffff, v9  }
0x340: {  	v8 =	vadd.s32 s4, v8  }
0x341: {  	_ =	sdelay $0x3  }
0x342: {  	[tilespmem:v7+s17+$0x0] =	vst.idx.add.f32.msk $0xffff, v3;
	v7 =	vadd.s32 v0, v8  }
0x343: {  	[tilespmem:s6+$0x3000] =	vst.msk vm0, v7  }
0x344: {  	v7 =	vld [tilespmem:s30+$0x0]  }
0x345: {  	v8 =	vld [tilespmem:s5+$0x0]  }
0x346: {  	v9 =	vld [tilespmem:s7+$0x0];
	_ =	sdelay $0x3  }
0x347: {  	vm15 =	vgt.f32 v7, $9.499999880e-01;
	vm1 =	vne.s32 v8, $0xFF  }
0x348: {  	vm2 =	vlt.u32 v9, $0x15;
	vm0 =	vmand vm15, vm1  }
0x349: {  	vm0 =	vmand vm2, vm0  }
0x34a: {  	v7 =	vsel vm0, $0x1, v4  }
0x34b: {  	(xrf0) =	vadd.scan.msk.s32 $0xffff, v7;
	_ =	sdelay $0x1  }
0x34c: {  	v7, _, _ =	vpop (xrf0)  }
0x34d: {  	(v2sf) =	vpush v7, $0xF;
	_ =	sdelay $0x2  }
0x34e: {  	v7, _, _ =	vpop (xrf0)  }
0x34f: {  	(v2sf) =	vpush v7, $0xF;
	_ =	sdelay $0x9  }
0x350: {  	s11 =	spop (v2sf)  }
0x351: {  	v7 =	vnsel vm0, $0x15, v9;
	s12 =	spop (v2sf)  }
0x352: {  	v8 =	vadd.s32 v2, v7;
	s6 =	sadd.s32 s6, s12  }
0x353: {  	s4 =	sadd.s32 $0x10, s4;
	s3 =	sadd.s32 s3, s11;
	s5 =	sadd.s32 $0x1F, s6  }
0x354: {  	s11 =	sand.u32 $0x1F, s5;
	s12 =	sshra.s32 s5, $0x1F;
	p1 =	slt.s32 s5, $0x1  }
0x355: {  	v7 =	vshll.u32 v7, $0xE;
	s13 =	spop (v2sf);
	p2 =	sne.s32 s11, $0x0;
	s30 =	sshrl.u32 s12, $0x1B  }
0x356: {  	v7 =	vadd.s32 s4, v7;
	s11 =	simm.s32 $0x1;
	s4 =	sadd.s32 s3, s13;
	p1 =	por !p1, !p2  }
0x357: {  	v7 =	vadd.s32 v0, v7;
	[tilespmem:v8+s17+$0x0] =	vst.idx.add.f32.msk $0xffff, v3;
	s7 =	sadd.s32 s30, s5;
	p1 =	por !p1, !p1;
	s12 =	sadd.s32 $0x1F, s4  }
0x358: {  	[tilespmem:s3+$0x5080] =	vst.msk vm0, v7;
	s5 =	sshra.s32 s7, $0x5;
	s11 =	simm.s32 @!p1 $0x0;
	s13 =	sand.u32 $0x1F, s12  }
0x359: {  	[tilespmem:s6+$0x3000] =	vst v5;
	s30 =	sshra.s32 s12, $0x1F;
	p5 =	slt.s32 s12, $0x1;
	p6 =	sne.s32 s13, $0x0  }
0x35a: {  	[tilespmem:s6+$0x3010] =	vst v5;
	s7 =	sshrl.u32 s30, $0x1B;
	s30 =	sld [smem:$0x7FD];
	p1 =	por !p5, !p6  }
0x35b: {  	s6 =	simm.s32 $0x1;
	[tilespmem:s4+$0x5080] =	vst v5;
	s3 =	sadd.s32 s7, s12;
	p1 =	por !p1, !p1  }
0x35c: {  	[tilespmem:s4+$0x5090] =	vst v5;
	s13 =	sshra.s32 s3, $0x5;
	s3 =	simm.s32 $0x0;
	s6 =	simm.s32 @!p1 $0x0  }
0x35d: {  	[tilespmem:s20], [sflag:$0x4] =	stream.linear.gather [hbm4b:s30+s3], $0x4000, $0x38;
	[tilespmem:$0x1D100] =	vst v63  }
0x35e: {  	s4 =	ssub.s32 s5, s11;
	s5 =	ssub.s32 s13, s6  }
0x35f: {  	p1 =	sgt.s32 s4, $0x0;
	p2 =	sgt.s32 s5, $0x0  }
.LBB2_22:
.Ltmp10:
0x360: {  	(pc) =	sbr.rel @!p1 .LBB2_23-.Ltmp10, $4  }
0x361: {  	_ = 	snop  }
0x362: {  	_ =	swait.ge [sflag:s19], $0x4000  }
0x363: {  	s6 =	sshll.u32 s3, $0x2;
	[sflag:s19] =	ssyncset.done $0x0  }
0x364: {  	s7 =	simm.s32 $0x3010;
	s11 =	smov.u32 s4;
	v7 =	vor.u32 s6, v6;
	[sflag:s19] =	ssyncadd.s32 $0xFFFFC000  }
.LBB2_41:
0x365: {  	v8 =	vld [tilespmem:s7+$0xFFFFFFF0];
	_ =	sdelay $0x4  }
0x366: {  	v9 =	vand.u32 $0x3FFF, v8;
	_ =	sdelay $0x2  }
0x367: {  	v8 =	vshrl.u32 v8, $0x8  }
0x368: {  	v8 =	vand.u32 $0xFFFFC0, v8  }
0x369: {  	v8 =	vadd.s32 v7, v8;
	v9 =	vld.idx.msk [tilespmem:v9+s8+$0x0], $0xffff;
	_ =	sdelay $0x4  }
0x36a: {  	[tilespmem:v8+s21+$0x0] =	vst.idx.add.f32.msk $0xffff, v9  }
0x36b: {  	v8 =	vld [tilespmem:s7+$0x0];
	_ =	sdelay $0x4  }
0x36c: {  	v63 =	vand.u32 $0x3FFF, v8;
	_ =	sdelay $0x2  }
0x36d: {  	v8 =	vshrl.u32 v8, $0x8  }
0x36e: {  	v8 =	vand.u32 $0xFFFFC0, v8  }
0x36f: {  	p3 =	seq.s32 s11, $0x1;
	v8 =	vadd.s32 v7, v8;
	v9 =	vld.idx.msk [tilespmem:v63+s8+$0x0], $0xffff  }
.Ltmp11:
0x370: {  	_ = 	snop;
	(pc) =	sbr.rel @!p3 .LBB2_41-.Ltmp11, $2  }
0x371: {  	_ =	sdelay $0x2  }
0x372: {  	s11 =	sadd.s32 $0xFFFFFFFF, s11;
	s7 =	sadd.s32 $0x20, s7;
	[tilespmem:v8+s21+$0x0] =	vst.idx.add.f32.msk $0xffff, v9  }
.LBB2_23:
.Ltmp12:
0x373: {  	(pc) =	sbr.rel @!p2 .LBB2_25-.Ltmp12, $2  }
0x374: {  	_ =	sdelay $0x2  }
0x375: {  	s7 =	simm.s32 $0x5090;
	s11 =	smov.u32 s5  }
.LBB2_24:
0x376: {  	v8 =	vld [tilespmem:s7+$0xFFFFFFF0];
	_ =	sdelay $0x4  }
0x377: {  	v9 =	vand.u32 $0x3FFF, v8;
	_ =	sdelay $0x2  }
0x378: {  	v8 =	vshrl.u32 v8, $0x8  }
0x379: {  	v8 =	vand.u32 $0xFFFFC0, v8  }
0x37a: {  	v8 =	vadd.s32 v7, v8;
	v9 =	vld.idx.msk [tilespmem:v9+s8+$0x0], $0xffff;
	_ =	sdelay $0x4  }
0x37b: {  	[tilespmem:v8+s21+$0x0] =	vst.idx.add.f32.msk $0xffff, v9  }
0x37c: {  	v8 =	vld [tilespmem:s7+$0x0];
	_ =	sdelay $0x4  }
0x37d: {  	v63 =	vand.u32 $0x3FFF, v8;
	_ =	sdelay $0x2  }
0x37e: {  	v8 =	vshrl.u32 v8, $0x8  }
0x37f: {  	v8 =	vand.u32 $0xFFFFC0, v8  }
0x380: {  	p3 =	sne.s32 s11, $0x1;
	v8 =	vadd.s32 v7, v8;
	v9 =	vld.idx.msk [tilespmem:v63+s8+$0x0], $0xffff  }
.Ltmp13:
0x381: {  	_ = 	snop;
	(pc) =	sbr.rel @p3 .LBB2_24-.Ltmp13, $2  }
0x382: {  	_ =	sdelay $0x2  }
0x383: {  	s11 =	sadd.s32 $0xFFFFFFFF, s11;
	s7 =	sadd.s32 $0x20, s7;
	[tilespmem:v8+s21+$0x0] =	vst.idx.add.f32.msk $0xffff, v9  }
.LBB2_25:
0x384: {  	p3 =	seq.s32 s3, $0xF  }
0x385: {  	s7 =	sadd.s32 @!p3 s6, s31  }
0x386: {  	s7 =	sshll.u32 @!p3 s7, $0xB  }
0x387: {  	s11 =	simm.s32 @!p3 $0x0;
	s7 =	sand.u32 @!p3 $0x1FFFE000, s7  }
.Ltmp14:
0x388: {  	s12 =	simm.s32 @!p3 $0xD100;
	s7 =	sadd.s32 @!p3 s26, s7;
	(pc) =	sbr.rel @!p1 .LBB2_26-.Ltmp14, $4  }
0x389: {  	[tilespmem:s12], [sflag:$0x1] =	stream.linear.gather @!p3 [hbm4b:s7+s11], $0x4000, $0x38;
	[tilespmem:$0x1D100] =	vst v63  }
0x38a: {  	_ =	swait.ge [sflag:s22], $0x4000  }
0x38b: {  	s30 =	sor.u32 $0x1, s6;
	[sflag:s22] =	ssyncset.done $0x0  }
0x38c: {  	v7 =	vor.u32 s30, v6;
	s7 =	simm.s32 $0x3010;
	s11 =	smov.u32 s4;
	[sflag:s22] =	ssyncadd.s32 $0xFFFFC000  }
.LBB2_42:
0x38d: {  	v8 =	vld [tilespmem:s7+$0xFFFFFFF0];
	_ =	sdelay $0x4  }
0x38e: {  	v9 =	vand.u32 $0x3FFF, v8;
	_ =	sdelay $0x2  }
0x38f: {  	v8 =	vshrl.u32 v8, $0x8  }
0x390: {  	v8 =	vand.u32 $0xFFFFC0, v8  }
0x391: {  	v8 =	vadd.s32 v7, v8;
	v9 =	vld.idx.msk [tilespmem:v9+s9+$0x0], $0xffff;
	_ =	sdelay $0x4  }
0x392: {  	[tilespmem:v8+s21+$0x0] =	vst.idx.add.f32.msk $0xffff, v9  }
0x393: {  	v8 =	vld [tilespmem:s7+$0x0];
	_ =	sdelay $0x4  }
0x394: {  	v63 =	vand.u32 $0x3FFF, v8;
	_ =	sdelay $0x2  }
0x395: {  	v8 =	vshrl.u32 v8, $0x8  }
0x396: {  	v8 =	vand.u32 $0xFFFFC0, v8  }
0x397: {  	p4 =	seq.s32 s11, $0x1;
	v8 =	vadd.s32 v7, v8;
	v9 =	vld.idx.msk [tilespmem:v63+s9+$0x0], $0xffff  }
.Ltmp15:
0x398: {  	_ = 	snop;
	(pc) =	sbr.rel @!p4 .LBB2_42-.Ltmp15, $2  }
0x399: {  	_ =	sdelay $0x2  }
0x39a: {  	s11 =	sadd.s32 $0xFFFFFFFF, s11;
	s7 =	sadd.s32 $0x20, s7;
	[tilespmem:v8+s21+$0x0] =	vst.idx.add.f32.msk $0xffff, v9  }
.LBB2_26:
.Ltmp16:
0x39b: {  	(pc) =	sbr.rel @!p2 .LBB2_28-.Ltmp16, $2  }
0x39c: {  	_ =	sdelay $0x2  }
0x39d: {  	s7 =	simm.s32 $0x5090;
	s11 =	smov.u32 s5  }
.LBB2_27:
0x39e: {  	v8 =	vld [tilespmem:s7+$0xFFFFFFF0];
	_ =	sdelay $0x4  }
0x39f: {  	v9 =	vand.u32 $0x3FFF, v8;
	_ =	sdelay $0x2  }
0x3a0: {  	v8 =	vshrl.u32 v8, $0x8  }
0x3a1: {  	v8 =	vand.u32 $0xFFFFC0, v8  }
0x3a2: {  	v8 =	vadd.s32 v7, v8;
	v9 =	vld.idx.msk [tilespmem:v9+s9+$0x0], $0xffff;
	_ =	sdelay $0x4  }
0x3a3: {  	[tilespmem:v8+s21+$0x0] =	vst.idx.add.f32.msk $0xffff, v9  }
0x3a4: {  	v8 =	vld [tilespmem:s7+$0x0];
	_ =	sdelay $0x4  }
0x3a5: {  	v63 =	vand.u32 $0x3FFF, v8;
	_ =	sdelay $0x2  }
0x3a6: {  	v8 =	vshrl.u32 v8, $0x8  }
0x3a7: {  	v8 =	vand.u32 $0xFFFFC0, v8  }
0x3a8: {  	p4 =	sne.s32 s11, $0x1;
	v8 =	vadd.s32 v7, v8;
	v9 =	vld.idx.msk [tilespmem:v63+s9+$0x0], $0xffff  }
.Ltmp17:
0x3a9: {  	_ = 	snop;
	(pc) =	sbr.rel @p4 .LBB2_27-.Ltmp17, $2  }
0x3aa: {  	_ =	sdelay $0x2  }
0x3ab: {  	s11 =	sadd.s32 $0xFFFFFFFF, s11;
	s7 =	sadd.s32 $0x20, s7;
	[tilespmem:v8+s21+$0x0] =	vst.idx.add.f32.msk $0xffff, v9  }
.LBB2_28:
0x3ac: {  	s7 =	sadd.s32 @!p3 s6, s24  }
0x3ad: {  	s7 =	sshll.u32 @!p3 s7, $0xB  }
0x3ae: {  	s11 =	simm.s32 @!p3 $0x0;
	s7 =	sand.u32 @!p3 $0x1FFFE800, s7  }
.Ltmp18:
0x3af: {  	s12 =	simm.s32 @!p3 $0x11100;
	s7 =	sadd.s32 @!p3 s26, s7;
	(pc) =	sbr.rel @!p1 .LBB2_29-.Ltmp18, $4  }
0x3b0: {  	[tilespmem:s12], [sflag:$0x2] =	stream.linear.gather @!p3 [hbm4b:s7+s11], $0x4000, $0x38;
	[tilespmem:$0x1D100] =	vst v63  }
0x3b1: {  	_ =	swait.ge [sflag:s23], $0x4000  }
0x3b2: {  	s30 =	sor.u32 $0x2, s6;
	[sflag:s23] =	ssyncset.done $0x0  }
0x3b3: {  	v7 =	vor.u32 s30, v6;
	s7 =	simm.s32 $0x3010;
	s11 =	smov.u32 s4;
	[sflag:s23] =	ssyncadd.s32 $0xFFFFC000  }
.LBB2_43:
0x3b4: {  	v8 =	vld [tilespmem:s7+$0xFFFFFFF0];
	_ =	sdelay $0x4  }
0x3b5: {  	v9 =	vand.u32 $0x3FFF, v8;
	_ =	sdelay $0x2  }
0x3b6: {  	v8 =	vshrl.u32 v8, $0x8  }
0x3b7: {  	v8 =	vand.u32 $0xFFFFC0, v8  }
0x3b8: {  	v8 =	vadd.s32 v7, v8;
	v9 =	vld.idx.msk [tilespmem:v9+s10+$0x0], $0xffff;
	_ =	sdelay $0x4  }
0x3b9: {  	[tilespmem:v8+s21+$0x0] =	vst.idx.add.f32.msk $0xffff, v9  }
0x3ba: {  	v8 =	vld [tilespmem:s7+$0x0];
	_ =	sdelay $0x4  }
0x3bb: {  	v63 =	vand.u32 $0x3FFF, v8;
	_ =	sdelay $0x2  }
0x3bc: {  	v8 =	vshrl.u32 v8, $0x8  }
0x3bd: {  	v8 =	vand.u32 $0xFFFFC0, v8  }
0x3be: {  	p4 =	seq.s32 s11, $0x1;
	v8 =	vadd.s32 v7, v8;
	v9 =	vld.idx.msk [tilespmem:v63+s10+$0x0], $0xffff  }
.Ltmp19:
0x3bf: {  	_ = 	snop;
	(pc) =	sbr.rel @!p4 .LBB2_43-.Ltmp19, $2  }
0x3c0: {  	_ =	sdelay $0x2  }
0x3c1: {  	s11 =	sadd.s32 $0xFFFFFFFF, s11;
	s7 =	sadd.s32 $0x20, s7;
	[tilespmem:v8+s21+$0x0] =	vst.idx.add.f32.msk $0xffff, v9  }
.LBB2_29:
.Ltmp20:
0x3c2: {  	(pc) =	sbr.rel @!p2 .LBB2_31-.Ltmp20, $2  }
0x3c3: {  	_ =	sdelay $0x2  }
0x3c4: {  	s7 =	simm.s32 $0x5090;
	s11 =	smov.u32 s5  }
.LBB2_30:
0x3c5: {  	v8 =	vld [tilespmem:s7+$0xFFFFFFF0];
	_ =	sdelay $0x4  }
0x3c6: {  	v9 =	vand.u32 $0x3FFF, v8;
	_ =	sdelay $0x2  }
0x3c7: {  	v8 =	vshrl.u32 v8, $0x8  }
0x3c8: {  	v8 =	vand.u32 $0xFFFFC0, v8  }
0x3c9: {  	v8 =	vadd.s32 v7, v8;
	v9 =	vld.idx.msk [tilespmem:v9+s10+$0x0], $0xffff;
	_ =	sdelay $0x4  }
0x3ca: {  	[tilespmem:v8+s21+$0x0] =	vst.idx.add.f32.msk $0xffff, v9  }
0x3cb: {  	v8 =	vld [tilespmem:s7+$0x0];
	_ =	sdelay $0x4  }
0x3cc: {  	v63 =	vand.u32 $0x3FFF, v8;
	_ =	sdelay $0x2  }
0x3cd: {  	v8 =	vshrl.u32 v8, $0x8  }
0x3ce: {  	v8 =	vand.u32 $0xFFFFC0, v8  }
0x3cf: {  	p4 =	sne.s32 s11, $0x1;
	v8 =	vadd.s32 v7, v8;
	v9 =	vld.idx.msk [tilespmem:v63+s10+$0x0], $0xffff  }
.Ltmp21:
0x3d0: {  	_ = 	snop;
	(pc) =	sbr.rel @p4 .LBB2_30-.Ltmp21, $2  }
0x3d1: {  	_ =	sdelay $0x2  }
0x3d2: {  	s11 =	sadd.s32 $0xFFFFFFFF, s11;
	s7 =	sadd.s32 $0x20, s7;
	[tilespmem:v8+s21+$0x0] =	vst.idx.add.f32.msk $0xffff, v9  }
.LBB2_31:
0x3d3: {  	s7 =	sadd.s32 @!p3 s6, s0  }
0x3d4: {  	s7 =	sshll.u32 @!p3 s7, $0xB  }
0x3d5: {  	s11 =	simm.s32 @!p3 $0x0;
	s7 =	sand.u32 @!p3 $0x1FFFF000, s7  }
.Ltmp22:
0x3d6: {  	s12 =	simm.s32 @!p3 $0x15100;
	s7 =	sadd.s32 @!p3 s26, s7;
	(pc) =	sbr.rel @!p1 .LBB2_32-.Ltmp22, $4  }
0x3d7: {  	[tilespmem:s12], [sflag:$0x3] =	stream.linear.gather @!p3 [hbm4b:s7+s11], $0x4000, $0x38;
	[tilespmem:$0x1D100] =	vst v63  }
0x3d8: {  	_ =	swait.ge [sflag:s25], $0x4000  }
0x3d9: {  	s30 =	sor.u32 $0x3, s6;
	[sflag:s25] =	ssyncset.done $0x0  }
0x3da: {  	v7 =	vor.u32 s30, v6;
	s7 =	simm.s32 $0x3010;
	s11 =	smov.u32 s4;
	[sflag:s25] =	ssyncadd.s32 $0xFFFFC000  }
.LBB2_44:
0x3db: {  	v8 =	vld [tilespmem:s7+$0xFFFFFFF0];
	_ =	sdelay $0x4  }
0x3dc: {  	v9 =	vand.u32 $0x3FFF, v8;
	_ =	sdelay $0x2  }
0x3dd: {  	v8 =	vshrl.u32 v8, $0x8  }
0x3de: {  	v8 =	vand.u32 $0xFFFFC0, v8  }
0x3df: {  	v8 =	vadd.s32 v7, v8;
	v9 =	vld.idx.msk [tilespmem:v9+s20+$0x0], $0xffff;
	_ =	sdelay $0x4  }
0x3e0: {  	[tilespmem:v8+s21+$0x0] =	vst.idx.add.f32.msk $0xffff, v9  }
0x3e1: {  	v8 =	vld [tilespmem:s7+$0x0];
	_ =	sdelay $0x4  }
0x3e2: {  	v63 =	vand.u32 $0x3FFF, v8;
	_ =	sdelay $0x2  }
0x3e3: {  	v8 =	vshrl.u32 v8, $0x8  }
0x3e4: {  	v8 =	vand.u32 $0xFFFFC0, v8  }
0x3e5: {  	p4 =	seq.s32 s11, $0x1;
	v8 =	vadd.s32 v7, v8;
	v9 =	vld.idx.msk [tilespmem:v63+s20+$0x0], $0xffff  }
.Ltmp23:
0x3e6: {  	_ = 	snop;
	(pc) =	sbr.rel @!p4 .LBB2_44-.Ltmp23, $2  }
0x3e7: {  	_ =	sdelay $0x2  }
0x3e8: {  	s11 =	sadd.s32 $0xFFFFFFFF, s11;
	s7 =	sadd.s32 $0x20, s7;
	[tilespmem:v8+s21+$0x0] =	vst.idx.add.f32.msk $0xffff, v9  }
.LBB2_32:
.Ltmp24:
0x3e9: {  	(pc) =	sbr.rel @!p2 .LBB2_34-.Ltmp24, $2  }
0x3ea: {  	_ =	sdelay $0x2  }
0x3eb: {  	s7 =	simm.s32 $0x5090;
	s11 =	smov.u32 s5  }
.LBB2_33:
0x3ec: {  	v8 =	vld [tilespmem:s7+$0xFFFFFFF0];
	_ =	sdelay $0x4  }
0x3ed: {  	v9 =	vand.u32 $0x3FFF, v8;
	_ =	sdelay $0x2  }
0x3ee: {  	v8 =	vshrl.u32 v8, $0x8  }
0x3ef: {  	v8 =	vand.u32 $0xFFFFC0, v8  }
0x3f0: {  	v8 =	vadd.s32 v7, v8;
	v9 =	vld.idx.msk [tilespmem:v9+s20+$0x0], $0xffff;
	_ =	sdelay $0x4  }
0x3f1: {  	[tilespmem:v8+s21+$0x0] =	vst.idx.add.f32.msk $0xffff, v9  }
0x3f2: {  	v8 =	vld [tilespmem:s7+$0x0];
	_ =	sdelay $0x4  }
0x3f3: {  	v63 =	vand.u32 $0x3FFF, v8;
	_ =	sdelay $0x2  }
0x3f4: {  	v8 =	vshrl.u32 v8, $0x8  }
0x3f5: {  	v8 =	vand.u32 $0xFFFFC0, v8  }
0x3f6: {  	p4 =	sne.s32 s11, $0x1;
	v8 =	vadd.s32 v7, v8;
	v9 =	vld.idx.msk [tilespmem:v63+s20+$0x0], $0xffff  }
.Ltmp25:
0x3f7: {  	_ = 	snop;
	(pc) =	sbr.rel @p4 .LBB2_33-.Ltmp25, $2  }
0x3f8: {  	_ =	sdelay $0x2  }
0x3f9: {  	s11 =	sadd.s32 $0xFFFFFFFF, s11;
	s7 =	sadd.s32 $0x20, s7;
	[tilespmem:v8+s21+$0x0] =	vst.idx.add.f32.msk $0xffff, v9  }
.LBB2_34:
.Ltmp26:
0x3fa: {  	(pc) =	sbr.rel @p3 .LBB2_35-.Ltmp26, $1  }
0x3fb: {  	_ =	sdelay $0x3  }
.Ltmp27:
0x3fc: {  	s6 =	sadd.s32 s6, s2;
	(pc) =	sbr.rel .LBB2_22-.Ltmp27, $4  }
0x3fd: {  	s6 =	sshll.u32 s6, $0xB  }
0x3fe: {  	s6 =	sand.u32 $0x1FFFF800, s6  }
0x3ff: {  	s3 =	sadd.s32 $0x1, s3;
	s6 =	sadd.s32 s26, s6  }
0x400: {  	[tilespmem:s20], [sflag:$0x4] =	stream.linear.gather [hbm4b:s6+s1], $0x4000, $0x38;
	[tilespmem:$0x1D100] =	vst v63  }
.LBB2_35:
0x401: {  	s4 =	simm.s32 $0x0  }
0x402: {  	s4 =	sand.u32 $0x7F0, s4  }
0x403: {  	s3 =	simm.s32 $0x7100;
	s5 =	simm.s32 $0x10;
	v7 =	vld [tilespmem:s4+$0x7680]  }
.LBB2_36:
0x404: {  	p1 =	sne.s32 s5, $0x570;
	v8 =	vld [tilespmem:s3+$0x0];
	_ =	sdelay $0x1  }
0x405: {  	v9 =	vld [tilespmem:s4+$0x7C00];
	_ =	sdelay $0x1  }
0x406: {  	v10 =	vld [tilespmem:s4+$0x8180]  }
0x407: {  	v7 =	vadd.f32 v7, v8  }
0x408: {  	v8 =	vld [tilespmem:s4+$0x8700]  }
0x409: {  	v7 =	vadd.f32 v9, v7  }
0x40a: {  	v9 =	vld [tilespmem:s4+$0x8C80]  }
0x40b: {  	v7 =	vadd.f32 v10, v7  }
0x40c: {  	v10 =	vld [tilespmem:s4+$0x9200]  }
0x40d: {  	v7 =	vadd.f32 v8, v7  }
0x40e: {  	v8 =	vld [tilespmem:s4+$0x9780]  }
0x40f: {  	v7 =	vadd.f32 v9, v7  }
0x410: {  	v9 =	vld [tilespmem:s4+$0x9D00]  }
0x411: {  	v7 =	vadd.f32 v10, v7  }
0x412: {  	v10 =	vld [tilespmem:s4+$0xA280]  }
0x413: {  	v7 =	vadd.f32 v8, v7  }
0x414: {  	v8 =	vld [tilespmem:s4+$0xA800]  }
0x415: {  	v7 =	vadd.f32 v9, v7  }
0x416: {  	v9 =	vld [tilespmem:s4+$0xAD80]  }
0x417: {  	v7 =	vadd.f32 v10, v7  }
0x418: {  	v10 =	vld [tilespmem:s4+$0xB300]  }
0x419: {  	v7 =	vadd.f32 v8, v7  }
0x41a: {  	v8 =	vld [tilespmem:s4+$0xB880]  }
0x41b: {  	v7 =	vadd.f32 v9, v7  }
0x41c: {  	v9 =	vld [tilespmem:s4+$0xBE00]  }
0x41d: {  	v7 =	vadd.f32 v10, v7  }
0x41e: {  	v10 =	vld [tilespmem:s4+$0xC380]  }
0x41f: {  	v7 =	vadd.f32 v8, v7;
	_ =	sdelay $0x1  }
0x420: {  	v7 =	vadd.f32 v9, v7  }
.Ltmp28:
0x421: {  	(pc) =	sbr.rel @p1 .LBB2_36-.Ltmp28, $3  }
0x422: {  	v7 =	vadd.f32 v10, v7;
	_ =	sdelay $0x1  }
0x423: {  	s4 =	sand.u32 $0x7F0, s5;
	[tilespmem:s3+$0x0] =	vst v7  }
0x424: {  	s5 =	sadd.s32 $0x10, s5;
	s3 =	sadd.s32 $0x10, s3;
	v7 =	vld [tilespmem:s4+$0x7680]  }
0x425: {  	v8 =	vld [tilespmem:s3+$0x0];
	_ =	sdelay $0x1  }
0x426: {  	v9 =	vld [tilespmem:s4+$0x7C00];
	_ =	sdelay $0x1  }
0x427: {  	v10 =	vld [tilespmem:s4+$0x8180]  }
0x428: {  	v7 =	vadd.f32 v7, v8  }
0x429: {  	v8 =	vld [tilespmem:s4+$0x8700]  }
0x42a: {  	v7 =	vadd.f32 v9, v7  }
0x42b: {  	v56 =	vld [tilespmem:s4+$0x8C80]  }
0x42c: {  	v7 =	vadd.f32 v10, v7  }
0x42d: {  	v57 =	vld [tilespmem:s4+$0x9200]  }
0x42e: {  	v7 =	vadd.f32 v8, v7  }
0x42f: {  	v8 =	vld [tilespmem:s4+$0x9780]  }
0x430: {  	v7 =	vadd.f32 v56, v7  }
0x431: {  	v58 =	vld [tilespmem:s4+$0x9D00]  }
0x432: {  	v7 =	vadd.f32 v57, v7  }
0x433: {  	v59 =	vld [tilespmem:s4+$0xA280]  }
0x434: {  	v7 =	vadd.f32 v8, v7  }
0x435: {  	v8 =	vld [tilespmem:s4+$0xA800]  }
0x436: {  	v7 =	vadd.f32 v58, v7  }
0x437: {  	v60 =	vld [tilespmem:s4+$0xAD80]  }
0x438: {  	v7 =	vadd.f32 v59, v7  }
0x439: {  	v61 =	vld [tilespmem:s4+$0xB300]  }
0x43a: {  	v7 =	vadd.f32 v8, v7  }
0x43b: {  	v8 =	vld [tilespmem:s4+$0xB880]  }
0x43c: {  	v7 =	vadd.f32 v60, v7  }
0x43d: {  	v62 =	vld [tilespmem:s4+$0xBE00]  }
0x43e: {  	v7 =	vadd.f32 v61, v7  }
0x43f: {  	v63 =	vld [tilespmem:s4+$0xC380]  }
0x440: {  	v7 =	vadd.f32 v8, v7;
	_ =	sdelay $0x1  }
0x441: {  	v7 =	vadd.f32 v62, v7;
	_ =	sdelay $0x1  }
0x442: {  	v7 =	vadd.f32 v63, v7;
	_ =	sdelay $0x1  }
0x443: {  	[tilespmem:s3+$0x0] =	vst v7;
	s3 =	simm.s32 $0xFFFFFF80  }
0x444: {  	s4 =	simm.s32 $0xFFFFFE40;
	v7 =	vld [tilespmem:s3+$0xCA00]  }
.LBB2_38:
0x445: {  	p1 =	sne.s32 s4, $0xFFFFFFC0;
	v8 =	vld [tilespmem:s3+$0xC980];
	_ =	sdelay $0x1  }
0x446: {  	v9 =	vld [tilespmem:s3+$0xCA80];
	_ =	sdelay $0x1  }
0x447: {  	v10 =	vld [tilespmem:s3+$0xCB00]  }
0x448: {  	v7 =	vadd.f32 v7, v8  }
0x449: {  	v8 =	vld [tilespmem:s3+$0xCB80]  }
0x44a: {  	v7 =	vadd.f32 v9, v7  }
0x44b: {  	v9 =	vld [tilespmem:s3+$0xCC00]  }
0x44c: {  	v7 =	vadd.f32 v10, v7  }
0x44d: {  	v10 =	vld [tilespmem:s3+$0xCC80]  }
0x44e: {  	v7 =	vadd.f32 v8, v7  }
0x44f: {  	v8 =	vld [tilespmem:s3+$0xCD00]  }
0x450: {  	v7 =	vadd.f32 v9, v7  }
0x451: {  	v9 =	vld [tilespmem:s3+$0xCD80]  }
0x452: {  	v7 =	vadd.f32 v10, v7  }
0x453: {  	v10 =	vld [tilespmem:s3+$0xCE00]  }
0x454: {  	v7 =	vadd.f32 v8, v7  }
0x455: {  	v8 =	vld [tilespmem:s3+$0xCE80]  }
0x456: {  	v7 =	vadd.f32 v9, v7  }
0x457: {  	v9 =	vld [tilespmem:s3+$0xCF00]  }
0x458: {  	v7 =	vadd.f32 v10, v7  }
0x459: {  	v10 =	vld [tilespmem:s3+$0xCF80]  }
0x45a: {  	v7 =	vadd.f32 v8, v7  }
0x45b: {  	v8 =	vld [tilespmem:s3+$0xD000]  }
0x45c: {  	v7 =	vadd.f32 v9, v7  }
0x45d: {  	v9 =	vld [tilespmem:s3+$0xD080]  }
0x45e: {  	v7 =	vadd.f32 v10, v7  }
0x45f: {  	v10 =	vld [tilespmem:s3+$0xD100]  }
0x460: {  	v7 =	vadd.f32 v8, v7;
	_ =	sdelay $0x1  }
.Ltmp29:
0x461: {  	v7 =	vadd.f32 v9, v7;
	(pc) =	sbr.rel @p1 .LBB2_38-.Ltmp29, $4  }
0x462: {  	_ = 	snop  }
0x463: {  	v8 =	vadd.f32 v10, v7  }
0x464: {  	s5 =	sshra.s32 s4, $0x2  }
0x465: {  	s4 =	sadd.s32 $0x40, s4;
	v7 =	vld [tilespmem:s5+$0xCA00];
	[tilespmem:s3+$0xC980] =	vst v8;
	s3 =	smov.u32 s5  }
0x466: {  	v8 =	vld [tilespmem:s3+$0xC980];
	_ =	sdelay $0x1  }
0x467: {  	v9 =	vld [tilespmem:s3+$0xCA80];
	_ =	sdelay $0x1  }
0x468: {  	v10 =	vld [tilespmem:s3+$0xCB00]  }
0x469: {  	v7 =	vadd.f32 v7, v8  }
0x46a: {  	v8 =	vld [tilespmem:s3+$0xCB80]  }
0x46b: {  	v7 =	vadd.f32 v9, v7  }
0x46c: {  	v56 =	vld [tilespmem:s3+$0xCC00]  }
0x46d: {  	v7 =	vadd.f32 v10, v7  }
0x46e: {  	v57 =	vld [tilespmem:s3+$0xCC80]  }
0x46f: {  	v7 =	vadd.f32 v8, v7  }
0x470: {  	v8 =	vld [tilespmem:s3+$0xCD00]  }
0x471: {  	v7 =	vadd.f32 v56, v7  }
0x472: {  	v58 =	vld [tilespmem:s3+$0xCD80]  }
0x473: {  	v7 =	vadd.f32 v57, v7  }
0x474: {  	v59 =	vld [tilespmem:s3+$0xCE00]  }
0x475: {  	v7 =	vadd.f32 v8, v7  }
0x476: {  	v8 =	vld [tilespmem:s3+$0xCE80]  }
0x477: {  	v7 =	vadd.f32 v58, v7  }
0x478: {  	v60 =	vld [tilespmem:s3+$0xCF00]  }
0x479: {  	v7 =	vadd.f32 v59, v7  }
0x47a: {  	v61 =	vld [tilespmem:s3+$0xCF80]  }
0x47b: {  	v7 =	vadd.f32 v8, v7  }
0x47c: {  	v8 =	vld [tilespmem:s3+$0xD000]  }
0x47d: {  	v7 =	vadd.f32 v60, v7  }
0x47e: {  	v62 =	vld [tilespmem:s3+$0xD080]  }
0x47f: {  	v7 =	vadd.f32 v61, v7  }
0x480: {  	v63 =	vld [tilespmem:s3+$0xD100]  }
0x481: {  	v7 =	vadd.f32 v8, v7;
	_ =	sdelay $0x1  }
0x482: {  	v7 =	vadd.f32 v62, v7;
	_ =	sdelay $0x1  }
0x483: {  	v7 =	vadd.f32 v63, v7;
	_ =	sdelay $0x1  }
0x484: {  	[tilespmem:s3+$0xC980] =	vst v7;
	v7 =	vimm.f32 @!p0 $0.0e+00  }
0x485: {  	[tilespmem:$0xC900] =	vst @!p0 v7  }
0x486: {  	[tilespmem:$0xC910] =	vst @!p0 v7  }
0x487: {  	[tilespmem:$0xC920] =	vst @!p0 v7  }
0x488: {  	[tilespmem:$0xC930] =	vst @!p0 v7  }
0x489: {  	[tilespmem:$0xC940] =	vst @!p0 v7  }
0x48a: {  	s12 =	sld [smem:$0x7F8];
	[tilespmem:$0xC950] =	vst @!p0 v7  }
0x48b: {  	[tilespmem:$0xC960] =	vst @!p0 v7  }
0x48c: {  	s4 =	simm.s32 $0x80;
	s5 =	simm.s32 $0x400;
	[tilespmem:$0xC970] =	vst @!p0 v7  }
0x48d: {  	[hbm4b:s12+s4] =	stream.strided.scatter [tilespmem:s21], [sflag:$0x7], $0x580, s5, s4, $0x38;
	[tilespmem:$0x1D100] =	vst v63  }
0x48e: {  	_ =	swait.ge [sflag:s28], $0x580  }
0x48f: {  	[sflag:s28] =	ssyncset.done $0x0  }
0x490: {  	s13 =	rddreg [dreg:$0x1f];
	[sflag:s28] =	ssyncadd.s32 $0xFFFFFA80  }
0x491: {  	[hbm4b:s13+s1] =	stream.linear.scatter [tilespmem:s17], [sflag:$0x7], $0x80, $0x38;
	[tilespmem:$0x1D100] =	vst v63  }
0x492: {  	_ =	swait.ge [sflag:s28], $0x80  }
0x493: {  	s30 =	sld [smem:$0x7F9];
	_ =	sdelay $0x1  }
0x494: {  	s29 =	sadd.s32 $0x1, s29  }
0x495: {  	p1 =	sne.s32 s29, s30  }
.Ltmp30:
0x496: {  	_ = 	snop;
	(pc) =	sbr.rel @p1 .LBB2_1-.Ltmp30, $3  }
0x497: {  	_ =	sdelay $0x1  }
0x498: {  	[sflag:s28] =	ssyncset.done $0x0  }
0x499: {  	[sflag:s28] =	ssyncadd.s32 $0xFFFFFF80  }
0x49a: {  	_ =	sfence.sel $0x180000  }
0x49b: {  	[bflag:$0x0] =	sbarrier.arrive $0xFFFF  }
0x49c: {  	_ =	strace $0x90000047  }
0x49d: {  	s0 =	stileid.u32;
	[bflag:$0x2] =	sbarrier.arrive $0xFFFF  }
0x49e: {  	p0 =	sne.s32 s0, $0x0;
	s0 =	rddreg [dreg:$0x6]  }
0x49f: {  	s0 =	sadd.s32 @!p0 $0x100000, s0  }
0x4a0: {  	[sflag:s0] =	ssyncadd.tile.s32 @!p0 $0x1;
	_ =	shalt  }
.Lfunc_end2:
_tile_overlayer_lowered:
.L_overlay_start_2:
0x4a1: {  	(tag) =	ssettag $0x2  }
0x4a2: {  	s0 =	rddreg [dreg:$0x0];
	s2 =	stileid.u32  }
0x4a3: {  	s1 =	rddreg [dreg:$0x1];
	p0 =	sne.s32 s2, $0x0  }
0x4a4: {  	s3 =	rddreg [dreg:$0x2];
	[bflag:$0x3] =	sbarrier.arrive $0xFFFF;
	s2 =	simm.s32 @!p0 $0x1C07  }
0x4a5: {  	[timem:s3], [sflag:s2] =	dma.local @!p0 [hbm:s0], s1  }
0x4a6: {  	s0 =	simm.s32 @!p0 $0x7  }
0x4a7: {  	_ =	swait.ge @!p0 [sflag:s0], s1  }
0x4a8: {  	s1 =	ssub.s32 @!p0 $0x0, s1;
	[sflag:s0] =	ssyncset.done @!p0 $0x0  }
0x4a9: {  	[sflag:s0] =	ssyncadd.s32 @!p0 s1  }
0x4aa: {  	[bflag:$0x3] =	sbarrier.arrive $0xFFFF  }
0x4ab: {  	_ =	shalt  }

</sc_bundles>
